<compile_context>
chip_gen: v7x
topology: tpu7x:2x2x1
jax: 0.10.2.dev20260603
libtpu: 0.0.44.dev20260713+nightly
codegen_flags: <defaults>
</compile_context>

<pallas_src>
import jax
import jax.numpy as jnp
from jax.experimental import pallas as pl
from jax.experimental.pallas import tpu as pltpu
import jax.experimental.pallas.tpu_sc as plsc

N = 100000
B = 2000
L = 3
D = 32
NPER = N // B
PSD = L * D
NB = 5000
GB = NB // NPER
GRID = N // NB


def _mm(a, b, prec=jax.lax.Precision.DEFAULT):
    return jax.lax.dot_general(
        a, b, (((a.ndim - 1,), (0,)), ((), ())),
        preferred_element_type=jnp.float32, precision=prec)


def _sc_body(relT_hbm, wr_hbm, rl_hbm, out_hbm,
             relv, wrv, rlv, rvv, outv, sem):
    gid = jax.lax.axis_index("c") * 16 + jax.lax.axis_index("s")
    cp1 = pltpu.make_async_copy(relT_hbm, relv, sem)
    cp1.start()
    cp2 = pltpu.make_async_copy(wr_hbm, wrv, sem)
    cp2.start()
    cp3 = pltpu.make_async_copy(rl_hbm.at[pl.ds(gid * 64, 64)], rlv, sem)
    cp3.start()
    cp1.wait()
    cp2.wait()
    cp3.wait()
    wv = [wrv[pl.ds(0, 16)], wrv[pl.ds(16, 16)]]
    for rc in range(13):
        acc = jnp.zeros((16,), jnp.float32)
        for d in range(D):
            acc = acc + relv[d, pl.ds(rc * 16, 16)] * wv[d // 16][d % 16]
        rvv[pl.ds(rc * 16, 16)] = acc
    for j in range(4):
        idx = rlv[pl.ds(j * 16, 16)]
        outv[pl.ds(j * 16, 16)] = plsc.load_gather(rvv, [idx])
    cp4 = pltpu.make_async_copy(outv, out_hbm.at[pl.ds(gid * 64, 64)], sem)
    cp4.start()
    cp4.wait()


def _body(flat_ref, cmb_ref, rel_ref,
          wall_ref, walld_ref, pmat_ref, wa2_ref, ba_ref, wb20_ref,
          bb20_ref, c20_ref, lm_ref, agg_ref, bfc_ref, out_ref):
    x = flat_ref[...]
    cmb = cmb_ref[...]
    tl = cmb[:, 6:7]
    rel = rel_ref[...]

    xb = x.astype(jnp.bfloat16)
    XW = _mm(xb, wall_ref[...])
    XW2 = _mm(xb, walld_ref[...])

    oh = (tl.astype(jnp.int32) ==
          jax.lax.broadcasted_iota(jnp.int32, (NB, 200), 1)
          ).astype(jnp.bfloat16)
    ta = _mm(rel, wa2_ref[...], jax.lax.Precision.HIGHEST)
    h = jnp.maximum(XW + _mm(oh, ta.astype(jnp.bfloat16)) + ba_ref[...], 0.0)
    sig = jax.nn.sigmoid(_mm(h.astype(jnp.bfloat16), wb20_ref[...])
                         + bb20_ref[...])

    cmbp = _mm(cmb.astype(jnp.bfloat16), pmat_ref[...])
    G = jnp.where(lm_ref[...] > 0.5, cmbp, sig)
    S = XW2 + c20_ref[...]
    Dm = (G * S).astype(jnp.bfloat16)

    sums = _mm(agg_ref[...], Dm)

    t_attn = jnp.sum(sums[:, 0:3] / sums[:, 3:6], axis=1, keepdims=True)
    t_hs = jnp.sum(sums[:, 6:9] / sums[:, 9:12], axis=1, keepdims=True)
    t_ts = jnp.sum(sums[:, 12:15] / sums[:, 15:18], axis=1, keepdims=True)
    ht = sums[:, 18:19] + sums[:, 19:20]

    out_ref[0] = t_attn + t_hs + t_ts + ht + bfc_ref[...]


def kernel(node_repr, t_label, node_id, graph_ids, rel_labels,
           head_sister, tail_sister, rel_emb, W_A, b_A, W_B, b_B, W_fc, b_fc):
    flat = node_repr.reshape(N, PSD)
    ba2 = b_A.reshape(1, D)
    bfc2 = b_fc.reshape(1, 1)

    w1 = W_fc[0:PSD, :]
    w2 = W_fc[PSD:2 * PSD, :]
    w3 = W_fc[2 * PSD:3 * PSD, :]
    w4 = W_fc[3 * PSD:4 * PSD, :]
    w5 = W_fc[4 * PSD:5 * PSD, :]
    wr = W_fc[5 * PSD:, :]
    lane = jnp.arange(PSD)
    m = (lane[:, None] // D == jnp.arange(L)[None, :]).astype(jnp.float32)
    wall = W_A[:PSD, :].astype(jnp.bfloat16)
    z3 = jnp.zeros((PSD, L), jnp.float32)
    walld = jnp.concatenate(
        [w1 * m, z3, w4 * m, z3, w5 * m, z3, w2, w3],
        axis=1).astype(jnp.bfloat16)
    wb20 = jnp.zeros((D, 20), jnp.float32
                     ).at[:, 0:3].set(W_B).at[:, 3:6].set(W_B
                     ).astype(jnp.bfloat16)
    bb20 = jnp.zeros((1, 20), jnp.float32
                     ).at[0, 0:3].set(b_B).at[0, 3:6].set(b_B)
    colid = jnp.arange(20)
    c20 = (((colid >= 3) & (colid < 6)) | ((colid >= 9) & (colid < 12))
           | ((colid >= 15) & (colid < 18))).astype(jnp.float32).reshape(1, 20)
    lm = (colid >= 6).astype(jnp.float32).reshape(1, 20)
    pm = jnp.zeros((9, 20), jnp.float32)
    for k in range(3):
        pm = pm.at[k, 6 + k].set(1.0).at[k, 9 + k].set(1.0)
        pm = pm.at[3 + k, 12 + k].set(1.0).at[3 + k, 15 + k].set(1.0)
    pm = pm.at[7, 18].set(1.0).at[8, 19].set(1.0)
    pm = pm.astype(jnp.bfloat16)
    nmod = jnp.arange(N) % NPER
    ym0 = (nmod == 0).astype(jnp.float32).reshape(N, 1)
    ym1 = (nmod == 1).astype(jnp.float32).reshape(N, 1)
    cmb = jnp.concatenate(
        [head_sister, tail_sister,
         t_label.astype(jnp.float32).reshape(N, 1), ym0, ym1],
        axis=1)
    agg = (jnp.arange(GB)[:, None] == (jnp.arange(NB)[None, :] // NPER)
           ).astype(jnp.bfloat16)

    relT = jnp.zeros((D, 208), jnp.float32).at[:, :200].set(rel_emb.T)
    rlp = jnp.zeros((2048,), jnp.int32).at[:B].set(
        rel_labels.astype(jnp.int32))
    t_rel = pl.kernel(
        _sc_body,
        out_type=jax.ShapeDtypeStruct((2048,), jnp.float32),
        mesh=plsc.VectorSubcoreMesh(core_axis_name="c", subcore_axis_name="s"),
        compiler_params=pltpu.CompilerParams(needs_layout_passes=False),
        scratch_types=[
            pltpu.VMEM((D, 208), jnp.float32),
            pltpu.VMEM((D,), jnp.float32),
            pltpu.VMEM((64,), jnp.int32),
            pltpu.VMEM((208,), jnp.float32),
            pltpu.VMEM((64,), jnp.float32),
            pltpu.SemaphoreType.DMA,
        ],
    )(relT, wr.reshape(D), rlp)

    out = pl.pallas_call(
        _body,
        grid=(GRID,),
        in_specs=[
            pl.BlockSpec((NB, PSD), lambda i: (i, 0)),
            pl.BlockSpec((NB, 9), lambda i: (i, 0)),
            pl.BlockSpec((200, D), lambda i: (0, 0)),
            pl.BlockSpec((PSD, D), lambda i: (0, 0)),
            pl.BlockSpec((PSD, 20), lambda i: (0, 0)),
            pl.BlockSpec((9, 20), lambda i: (0, 0)),
            pl.BlockSpec((D, D), lambda i: (0, 0)),
            pl.BlockSpec((1, D), lambda i: (0, 0)),
            pl.BlockSpec((D, 20), lambda i: (0, 0)),
            pl.BlockSpec((1, 20), lambda i: (0, 0)),
            pl.BlockSpec((1, 20), lambda i: (0, 0)),
            pl.BlockSpec((1, 20), lambda i: (0, 0)),
            pl.BlockSpec((GB, NB), lambda i: (0, 0)),
            pl.BlockSpec((1, 1), lambda i: (0, 0)),
        ],
        out_specs=pl.BlockSpec((1, GB, 1), lambda i: (i, 0, 0)),
        out_shape=jax.ShapeDtypeStruct((GRID, GB, 1), jnp.float32),
        compiler_params=pltpu.CompilerParams(
            dimension_semantics=("parallel",)),
    )(flat, cmb, rel_emb,
      wall, walld, pm, W_A[PSD:, :], ba2, wb20, bb20, c20, lm, agg, bfc2)
    return out.reshape(B, 1) + t_rel[:B].reshape(B, 1)

# --- scband reference (transcript-rebuilt; emitter-appended) ---
"""Pipeline reference for scband-graph-classifier-59803124629988 (READ-ONLY COPY).

The authoritative reference and input builder live on the scoring server;
editing this copy changes nothing except your own understanding.
"""

import jax, jax.numpy as jnp
import numpy as np

N = 100000
B = 2000
L = 3
D = 32
RELD = 32
NUM_RELS = 200
N_PER = N // B


def setup_inputs(seed: int = 0) -> dict:
    key = jax.random.key(seed)
    ks = jax.random.split(key, 12)
    node_repr = jax.random.normal(ks[0], (N, L, D), dtype=jnp.float32)
    t_label = jax.random.randint(ks[1], (N,), 0, NUM_RELS)
    graph_ids = jnp.repeat(jnp.arange(B), N_PER)
    base = jnp.zeros((N_PER,), dtype=jnp.int32).at[0].set(1).at[1].set(2)
    node_id = jnp.tile(base, B)
    rel_labels = jax.random.randint(ks[2], (B,), 0, NUM_RELS)
    head_sister = jax.random.uniform(ks[3], (N, L), dtype=jnp.float32)
    tail_sister = jax.random.uniform(ks[4], (N, L), dtype=jnp.float32)
    rel_emb = jax.random.normal(ks[5], (NUM_RELS, RELD), dtype=jnp.float32) * 0.02
    W_A = jax.random.normal(ks[6], (L * D + RELD, D), dtype=jnp.float32) * 0.05
    b_A = jnp.zeros((D,), dtype=jnp.float32)
    W_B = jax.random.normal(ks[7], (D, L), dtype=jnp.float32) * 0.05
    b_B = jnp.zeros((L,), dtype=jnp.float32)
    fc_in = 5 * L * D + RELD
    W_fc = jax.random.normal(ks[8], (fc_in, 1), dtype=jnp.float32) * 0.05
    b_fc = jnp.zeros((1,), dtype=jnp.float32)
    return {
        'node_repr': node_repr, 't_label': t_label, 'node_id': node_id,
        'graph_ids': graph_ids, 'rel_labels': rel_labels,
        'head_sister': head_sister, 'tail_sister': tail_sister,
        'rel_emb': rel_emb, 'W_A': W_A, 'b_A': b_A, 'W_B': W_B, 'b_B': b_B,
        'W_fc': W_fc, 'b_fc': b_fc,
    }


def _weighted_mean_nodes(feat, w, graph_ids, num_graphs):
    # dgl.mean_nodes(g, feat, weight): weighted average per graph
    num = jax.ops.segment_sum(w * feat, graph_ids, num_segments=num_graphs)
    den = jax.ops.segment_sum(w, graph_ids, num_segments=num_graphs)
    return num / den


def reference(node_repr, t_label, node_id, graph_ids, rel_labels,
              head_sister, tail_sister, rel_emb, W_A, b_A, W_B, b_B, W_fc, b_fc):
    n, l, d = node_repr.shape
    param_set_dim = l * d
    flat = node_repr.reshape(n, param_set_dim)
    # node attention: beta = sigmoid(B(relu(A([repr, rel_emb(t_label)]))))
    t_emb = jnp.take(rel_emb, t_label, axis=0)
    attn_in = jnp.concatenate([flat, t_emb], axis=1)
    h = jax.nn.relu(attn_in @ W_A + b_A)
    beta = jax.nn.sigmoid(h @ W_B + b_B)[:, :, None]  # [N, L, 1]
    g_out = _weighted_mean_nodes(node_repr, beta, graph_ids, B)  # [B, L, D]
    g_rep = g_out.reshape(-1, param_set_dim)
    # add_ht_emb: gather head/tail node representations
    head_ids = jnp.nonzero(node_id == 1, size=B)[0]
    tail_ids = jnp.nonzero(node_id == 2, size=B)[0]
    head_embs = jnp.take(node_repr, head_ids, axis=0).reshape(-1, param_set_dim)
    tail_embs = jnp.take(node_repr, tail_ids, axis=0).reshape(-1, param_set_dim)
    g_rep = jnp.concatenate([g_rep, head_embs, tail_embs], axis=1)
    # sister_node_focus: weighted means with sister masks
    hs = head_sister[:, :, None]
    ts = tail_sister[:, :, None]
    g_hs = _weighted_mean_nodes(node_repr, hs, graph_ids, B).reshape(-1, param_set_dim)
    g_ts = _weighted_mean_nodes(node_repr, ts, graph_ids, B).reshape(-1, param_set_dim)
    g_rep = jnp.concatenate([g_rep, g_hs, g_ts], axis=1)
    g_rep = jnp.concatenate([g_rep, jnp.take(rel_emb, rel_labels, axis=0)], axis=1)
    output = g_rep @ W_fc + b_fc
    return output

if __name__ == "__main__":
    import jax
    _d = setup_inputs()
    print(jax.jit(kernel)(*tuple(_d.values())))

</pallas_src>

<mosaic_0001>
#map = affine_map<(d0, d1) -> (0, 0)>
#map1 = affine_map<(d0, d1) -> (0)>
module attributes {stable_mosaic.version = 14 : i64} {
  func.func @_sc_body(%arg0: i32, %arg1: i32, %arg2: memref<32x208xf32, #tpu.memory_space<hbm>>, %arg3: memref<32xf32, #tpu.memory_space<hbm>>, %arg4: memref<2048xi32, #tpu.memory_space<hbm>>, %arg5: memref<2048xf32, #tpu.memory_space<hbm>>, %arg6: memref<32x208xf32, #tpu.memory_space<vmem>>, %arg7: memref<32xf32, #tpu.memory_space<vmem>>, %arg8: memref<64xi32, #tpu.memory_space<vmem>>, %arg9: memref<208xf32, #tpu.memory_space<vmem>>, %arg10: memref<64xf32, #tpu.memory_space<vmem>>, %arg11: memref<!tpu.dma_semaphore, #tpu.memory_space<semaphore_mem>>) attributes {dimension_semantics = [#tpu.dimension_semantics<core_parallel>, #tpu.dimension_semantics<subcore_parallel>], iteration_bounds = array<i64: 2, 16>, scalar_prefetch = 0 : i64, scratch_operands = 6 : i64, tpu.core_type = #tpu.core_type<sc_vector_subcore>, window_params = [{transform_indices = #map}, {transform_indices = #map1}, {transform_indices = #map1}, {transform_indices = #map1}]} {
    %mul3A = arith.constant 16 : i32
    %mul3A_0 = arith.muli %arg0, %mul3A : i32
    %add3A = arith.addi %mul3A_0, %arg1 : i32
    tpu.enqueue_dma source(%arg2 : memref<32x208xf32, #tpu.memory_space<hbm>>) target(%arg6 : memref<32x208xf32, #tpu.memory_space<vmem>>) target_semaphore(%arg11 : memref<!tpu.dma_semaphore, #tpu.memory_space<semaphore_mem>>)
    tpu.enqueue_dma source(%arg3 : memref<32xf32, #tpu.memory_space<hbm>>) target(%arg7 : memref<32xf32, #tpu.memory_space<vmem>>) target_semaphore(%arg11 : memref<!tpu.dma_semaphore, #tpu.memory_space<semaphore_mem>>)
    %mul3A_1 = arith.constant 64 : i32
    %mul3A_2 = arith.muli %add3A, %mul3A_1 : i32
    %dma_start3A = tpu.memref_slice %arg4[%mul3A_2] : memref<2048xi32, #tpu.memory_space<hbm>> -> memref<64xi32, #tpu.memory_space<hbm>>
    %dma_start3A_3 = tpu.memref_slice %arg4[%mul3A_2] : memref<2048xi32, #tpu.memory_space<hbm>> -> memref<64xi32, #tpu.memory_space<hbm>>
    tpu.enqueue_dma source(%dma_start3A_3 : memref<64xi32, #tpu.memory_space<hbm>>) target(%arg8 : memref<64xi32, #tpu.memory_space<vmem>>) target_semaphore(%arg11 : memref<!tpu.dma_semaphore, #tpu.memory_space<semaphore_mem>>)
    tpu.wait_dma2 semaphore(%arg11 : memref<!tpu.dma_semaphore, #tpu.memory_space<semaphore_mem>>) src(%arg2 : memref<32x208xf32, #tpu.memory_space<hbm>>) dst(%arg6 : memref<32x208xf32, #tpu.memory_space<vmem>>)
    tpu.wait_dma2 semaphore(%arg11 : memref<!tpu.dma_semaphore, #tpu.memory_space<semaphore_mem>>) src(%arg3 : memref<32xf32, #tpu.memory_space<hbm>>) dst(%arg7 : memref<32xf32, #tpu.memory_space<vmem>>)
    %dma_wait3A = tpu.memref_slice %arg4[%mul3A_2] : memref<2048xi32, #tpu.memory_space<hbm>> -> memref<64xi32, #tpu.memory_space<hbm>>
    %dma_wait3A_4 = tpu.memref_slice %arg4[%mul3A_2] : memref<2048xi32, #tpu.memory_space<hbm>> -> memref<64xi32, #tpu.memory_space<hbm>>
    tpu.wait_dma2 semaphore(%arg11 : memref<!tpu.dma_semaphore, #tpu.memory_space<semaphore_mem>>) src(%dma_wait3A_4 : memref<64xi32, #tpu.memory_space<hbm>>) dst(%arg8 : memref<64xi32, #tpu.memory_space<vmem>>)
    %get3A = arith.constant 0 : index
    %get3A_5 = tpu.vector_load %arg7[%get3A] {strides = array<i32>} : memref<32xf32, #tpu.memory_space<vmem>>, vector<16xf32>,
    %get3A_6 = arith.constant 16 : index
    %get3A_7 = tpu.vector_load %arg7[%get3A_6] {strides = array<i32>} : memref<32xf32, #tpu.memory_space<vmem>>, vector<16xf32>,
    %broadcast_in_dim3A = arith.constant 0.000000e+00 : f32
    %broadcast_in_dim3A_8 = vector.broadcast %broadcast_in_dim3A : f32 to vector<16xf32>
    %get3A_9 = arith.constant 0 : i32
    %get3A_10 = arith.index_cast %get3A_9 : i32 to index
    %get3A_11 = arith.constant 0 : index
    %get3A_12 = tpu.vector_load %arg6[%get3A_10, %get3A_11] {strides = array<i32>} : memref<32x208xf32, #tpu.memory_space<vmem>>, vector<16xf32>,
    %slice3A = vector.extract_strided_slice %get3A_5 {offsets = [0], sizes = [1], strides = [1]} : vector<16xf32> to vector<1xf32>
    %squeeze3A = vector.extract %slice3A[0] : f32 from vector<1xf32>
    %mul3A_13 = vector.broadcast %squeeze3A : f32 to vector<16xf32>
    %mul3A_14 = arith.mulf %get3A_12, %mul3A_13 : vector<16xf32>
    %add3A_15 = arith.addf %broadcast_in_dim3A_8, %mul3A_14 : vector<16xf32>
    %get3A_16 = arith.constant 1 : i32
    %get3A_17 = arith.index_cast %get3A_16 : i32 to index
    %get3A_18 = arith.constant 0 : index
    %get3A_19 = tpu.vector_load %arg6[%get3A_17, %get3A_18] {strides = array<i32>} : memref<32x208xf32, #tpu.memory_space<vmem>>, vector<16xf32>,
    %slice3A_20 = vector.extract_strided_slice %get3A_5 {offsets = [1], sizes = [1], strides = [1]} : vector<16xf32> to vector<1xf32>
    %squeeze3A_21 = vector.extract %slice3A_20[0] : f32 from vector<1xf32>
    %mul3A_22 = vector.broadcast %squeeze3A_21 : f32 to vector<16xf32>
    %mul3A_23 = arith.mulf %get3A_19, %mul3A_22 : vector<16xf32>
    %add3A_24 = arith.addf %add3A_15, %mul3A_23 : vector<16xf32>
    %get3A_25 = arith.constant 2 : i32
    %get3A_26 = arith.index_cast %get3A_25 : i32 to index
    %get3A_27 = arith.constant 0 : index
    %get3A_28 = tpu.vector_load %arg6[%get3A_26, %get3A_27] {strides = array<i32>} : memref<32x208xf32, #tpu.memory_space<vmem>>, vector<16xf32>,
    %slice3A_29 = vector.extract_strided_slice %get3A_5 {offsets = [2], sizes = [1], strides = [1]} : vector<16xf32> to vector<1xf32>
    %squeeze3A_30 = vector.extract %slice3A_29[0] : f32 from vector<1xf32>
    %mul3A_31 = vector.broadcast %squeeze3A_30 : f32 to vector<16xf32>
    %mul3A_32 = arith.mulf %get3A_28, %mul3A_31 : vector<16xf32>
    %add3A_33 = arith.addf %add3A_24, %mul3A_32 : vector<16xf32>
    %get3A_34 = arith.constant 3 : i32
    %get3A_35 = arith.index_cast %get3A_34 : i32 to index
    %get3A_36 = arith.constant 0 : index
    %get3A_37 = tpu.vector_load %arg6[%get3A_35, %get3A_36] {strides = array<i32>} : memref<32x208xf32, #tpu.memory_space<vmem>>, vector<16xf32>,
    %slice3A_38 = vector.extract_strided_slice %get3A_5 {offsets = [3], sizes = [1], strides = [1]} : vector<16xf32> to vector<1xf32>
    %squeeze3A_39 = vector.extract %slice3A_38[0] : f32 from vector<1xf32>
    %mul3A_40 = vector.broadcast %squeeze3A_39 : f32 to vector<16xf32>
    %mul3A_41 = arith.mulf %get3A_37, %mul3A_40 : vector<16xf32>
    %add3A_42 = arith.addf %add3A_33, %mul3A_41 : vector<16xf32>
    %get3A_43 = arith.constant 4 : i32
    %get3A_44 = arith.index_cast %get3A_43 : i32 to index
    %get3A_45 = arith.constant 0 : index
    %get3A_46 = tpu.vector_load %arg6[%get3A_44, %get3A_45] {strides = array<i32>} : memref<32x208xf32, #tpu.memory_space<vmem>>, vector<16xf32>,
    %slice3A_47 = vector.extract_strided_slice %get3A_5 {offsets = [4], sizes = [1], strides = [1]} : vector<16xf32> to vector<1xf32>
    %squeeze3A_48 = vector.extract %slice3A_47[0] : f32 from vector<1xf32>
    %mul3A_49 = vector.broadcast %squeeze3A_48 : f32 to vector<16xf32>
    %mul3A_50 = arith.mulf %get3A_46, %mul3A_49 : vector<16xf32>
    %add3A_51 = arith.addf %add3A_42, %mul3A_50 : vector<16xf32>
    %get3A_52 = arith.constant 5 : i32
    %get3A_53 = arith.index_cast %get3A_52 : i32 to index
    %get3A_54 = arith.constant 0 : index
    %get3A_55 = tpu.vector_load %arg6[%get3A_53, %get3A_54] {strides = array<i32>} : memref<32x208xf32, #tpu.memory_space<vmem>>, vector<16xf32>,
    %slice3A_56 = vector.extract_strided_slice %get3A_5 {offsets = [5], sizes = [1], strides = [1]} : vector<16xf32> to vector<1xf32>
    %squeeze3A_57 = vector.extract %slice3A_56[0] : f32 from vector<1xf32>
    %mul3A_58 = vector.broadcast %squeeze3A_57 : f32 to vector<16xf32>
    %mul3A_59 = arith.mulf %get3A_55, %mul3A_58 : vector<16xf32>
    %add3A_60 = arith.addf %add3A_51, %mul3A_59 : vector<16xf32>
    %get3A_61 = arith.constant 6 : i32
    %get3A_62 = arith.index_cast %get3A_61 : i32 to index
    %get3A_63 = arith.constant 0 : index
    %get3A_64 = tpu.vector_load %arg6[%get3A_62, %get3A_63] {strides = array<i32>} : memref<32x208xf32, #tpu.memory_space<vmem>>, vector<16xf32>,
    %slice3A_65 = vector.extract_strided_slice %get3A_5 {offsets = [6], sizes = [1], strides = [1]} : vector<16xf32> to vector<1xf32>
    %squeeze3A_66 = vector.extract %slice3A_65[0] : f32 from vector<1xf32>
    %mul3A_67 = vector.broadcast %squeeze3A_66 : f32 to vector<16xf32>
    %mul3A_68 = arith.mulf %get3A_64, %mul3A_67 : vector<16xf32>
    %add3A_69 = arith.addf %add3A_60, %mul3A_68 : vector<16xf32>
    %get3A_70 = arith.constant 7 : i32
    %get3A_71 = arith.index_cast %get3A_70 : i32 to index
    %get3A_72 = arith.constant 0 : index
    %get3A_73 = tpu.vector_load %arg6[%get3A_71, %get3A_72] {strides = array<i32>} : memref<32x208xf32, #tpu.memory_space<vmem>>, vector<16xf32>,
    %slice3A_74 = vector.extract_strided_slice %get3A_5 {offsets = [7], sizes = [1], strides = [1]} : vector<16xf32> to vector<1xf32>
    %squeeze3A_75 = vector.extract %slice3A_74[0] : f32 from vector<1xf32>
    %mul3A_76 = vector.broadcast %squeeze3A_75 : f32 to vector<16xf32>
    %mul3A_77 = arith.mulf %get3A_73, %mul3A_76 : vector<16xf32>
    %add3A_78 = arith.addf %add3A_69, %mul3A_77 : vector<16xf32>
    %get3A_79 = arith.constant 8 : i32
    %get3A_80 = arith.index_cast %get3A_79 : i32 to index
    %get3A_81 = arith.constant 0 : index
    %get3A_82 = tpu.vector_load %arg6[%get3A_80, %get3A_81] {strides = array<i32>} : memref<32x208xf32, #tpu.memory_space<vmem>>, vector<16xf32>,
    %slice3A_83 = vector.extract_strided_slice %get3A_5 {offsets = [8], sizes = [1], strides = [1]} : vector<16xf32> to vector<1xf32>
    %squeeze3A_84 = vector.extract %slice3A_83[0] : f32 from vector<1xf32>
    %mul3A_85 = vector.broadcast %squeeze3A_84 : f32 to vector<16xf32>
    %mul3A_86 = arith.mulf %get3A_82, %mul3A_85 : vector<16xf32>
    %add3A_87 = arith.addf %add3A_78, %mul3A_86 : vector<16xf32>
    %get3A_88 = arith.constant 9 : i32
    %get3A_89 = arith.index_cast %get3A_88 : i32 to index
    %get3A_90 = arith.constant 0 : index
    %get3A_91 = tpu.vector_load %arg6[%get3A_89, %get3A_90] {strides = array<i32>} : memref<32x208xf32, #tpu.memory_space<vmem>>, vector<16xf32>,
    %slice3A_92 = vector.extract_strided_slice %get3A_5 {offsets = [9], sizes = [1], strides = [1]} : vector<16xf32> to vector<1xf32>
    %squeeze3A_93 = vector.extract %slice3A_92[0] : f32 from vector<1xf32>
    %mul3A_94 = vector.broadcast %squeeze3A_93 : f32 to vector<16xf32>
    %mul3A_95 = arith.mulf %get3A_91, %mul3A_94 : vector<16xf32>
    %add3A_96 = arith.addf %add3A_87, %mul3A_95 : vector<16xf32>
    %get3A_97 = arith.constant 10 : i32
    %get3A_98 = arith.index_cast %get3A_97 : i32 to index
    %get3A_99 = arith.constant 0 : index
    %get3A_100 = tpu.vector_load %arg6[%get3A_98, %get3A_99] {strides = array<i32>} : memref<32x208xf32, #tpu.memory_space<vmem>>, vector<16xf32>,
    %slice3A_101 = vector.extract_strided_slice %get3A_5 {offsets = [10], sizes = [1], strides = [1]} : vector<16xf32> to vector<1xf32>
    %squeeze3A_102 = vector.extract %slice3A_101[0] : f32 from vector<1xf32>
    %mul3A_103 = vector.broadcast %squeeze3A_102 : f32 to vector<16xf32>
    %mul3A_104 = arith.mulf %get3A_100, %mul3A_103 : vector<16xf32>
    %add3A_105 = arith.addf %add3A_96, %mul3A_104 : vector<16xf32>
    %get3A_106 = arith.constant 11 : i32
    %get3A_107 = arith.index_cast %get3A_106 : i32 to index
    %get3A_108 = arith.constant 0 : index
    %get3A_109 = tpu.vector_load %arg6[%get3A_107, %get3A_108] {strides = array<i32>} : memref<32x208xf32, #tpu.memory_space<vmem>>, vector<16xf32>,
    %slice3A_110 = vector.extract_strided_slice %get3A_5 {offsets = [11], sizes = [1], strides = [1]} : vector<16xf32> to vector<1xf32>
    %squeeze3A_111 = vector.extract %slice3A_110[0] : f32 from vector<1xf32>
    %mul3A_112 = vector.broadcast %squeeze3A_111 : f32 to vector<16xf32>
    %mul3A_113 = arith.mulf %get3A_109, %mul3A_112 : vector<16xf32>
    %add3A_114 = arith.addf %add3A_105, %mul3A_113 : vector<16xf32>
    %get3A_115 = arith.constant 12 : i32
    %get3A_116 = arith.index_cast %get3A_115 : i32 to index
    %get3A_117 = arith.constant 0 : index
    %get3A_118 = tpu.vector_load %arg6[%get3A_116, %get3A_117] {strides = array<i32>} : memref<32x208xf32, #tpu.memory_space<vmem>>, vector<16xf32>,
    %slice3A_119 = vector.extract_strided_slice %get3A_5 {offsets = [12], sizes = [1], strides = [1]} : vector<16xf32> to vector<1xf32>
    %squeeze3A_120 = vector.extract %slice3A_119[0] : f32 from vector<1xf32>
    %mul3A_121 = vector.broadcast %squeeze3A_120 : f32 to vector<16xf32>
    %mul3A_122 = arith.mulf %get3A_118, %mul3A_121 : vector<16xf32>
    %add3A_123 = arith.addf %add3A_114, %mul3A_122 : vector<16xf32>
    %get3A_124 = arith.constant 13 : i32
    %get3A_125 = arith.index_cast %get3A_124 : i32 to index
    %get3A_126 = arith.constant 0 : index
    %get3A_127 = tpu.vector_load %arg6[%get3A_125, %get3A_126] {strides = array<i32>} : memref<32x208xf32, #tpu.memory_space<vmem>>, vector<16xf32>,
    %slice3A_128 = vector.extract_strided_slice %get3A_5 {offsets = [13], sizes = [1], strides = [1]} : vector<16xf32> to vector<1xf32>
    %squeeze3A_129 = vector.extract %slice3A_128[0] : f32 from vector<1xf32>
    %mul3A_130 = vector.broadcast %squeeze3A_129 : f32 to vector<16xf32>
    %mul3A_131 = arith.mulf %get3A_127, %mul3A_130 : vector<16xf32>
    %add3A_132 = arith.addf %add3A_123, %mul3A_131 : vector<16xf32>
    %get3A_133 = arith.constant 14 : i32
    %get3A_134 = arith.index_cast %get3A_133 : i32 to index
    %get3A_135 = arith.constant 0 : index
    %get3A_136 = tpu.vector_load %arg6[%get3A_134, %get3A_135] {strides = array<i32>} : memref<32x208xf32, #tpu.memory_space<vmem>>, vector<16xf32>,
    %slice3A_137 = vector.extract_strided_slice %get3A_5 {offsets = [14], sizes = [1], strides = [1]} : vector<16xf32> to vector<1xf32>
    %squeeze3A_138 = vector.extract %slice3A_137[0] : f32 from vector<1xf32>
    %mul3A_139 = vector.broadcast %squeeze3A_138 : f32 to vector<16xf32>
    %mul3A_140 = arith.mulf %get3A_136, %mul3A_139 : vector<16xf32>
    %add3A_141 = arith.addf %add3A_132, %mul3A_140 : vector<16xf32>
    %get3A_142 = arith.constant 15 : i32
    %get3A_143 = arith.index_cast %get3A_142 : i32 to index
    %get3A_144 = arith.constant 0 : index
    %get3A_145 = tpu.vector_load %arg6[%get3A_143, %get3A_144] {strides = array<i32>} : memref<32x208xf32, #tpu.memory_space<vmem>>, vector<16xf32>,
    %slice3A_146 = vector.extract_strided_slice %get3A_5 {offsets = [15], sizes = [1], strides = [1]} : vector<16xf32> to vector<1xf32>
    %squeeze3A_147 = vector.extract %slice3A_146[0] : f32 from vector<1xf32>
    %mul3A_148 = vector.broadcast %squeeze3A_147 : f32 to vector<16xf32>
    %mul3A_149 = arith.mulf %get3A_145, %mul3A_148 : vector<16xf32>
    %add3A_150 = arith.addf %add3A_141, %mul3A_149 : vector<16xf32>
    %get3A_151 = arith.constant 16 : i32
    %get3A_152 = arith.index_cast %get3A_151 : i32 to index
    %get3A_153 = arith.constant 0 : index
    %get3A_154 = tpu.vector_load %arg6[%get3A_152, %get3A_153] {strides = array<i32>} : memref<32x208xf32, #tpu.memory_space<vmem>>, vector<16xf32>,
    %slice3A_155 = vector.extract_strided_slice %get3A_7 {offsets = [0], sizes = [1], strides = [1]} : vector<16xf32> to vector<1xf32>
    %squeeze3A_156 = vector.extract %slice3A_155[0] : f32 from vector<1xf32>
    %mul3A_157 = vector.broadcast %squeeze3A_156 : f32 to vector<16xf32>
    %mul3A_158 = arith.mulf %get3A_154, %mul3A_157 : vector<16xf32>
    %add3A_159 = arith.addf %add3A_150, %mul3A_158 : vector<16xf32>
    %get3A_160 = arith.constant 17 : i32
    %get3A_161 = arith.index_cast %get3A_160 : i32 to index
    %get3A_162 = arith.constant 0 : index
    %get3A_163 = tpu.vector_load %arg6[%get3A_161, %get3A_162] {strides = array<i32>} : memref<32x208xf32, #tpu.memory_space<vmem>>, vector<16xf32>,
    %slice3A_164 = vector.extract_strided_slice %get3A_7 {offsets = [1], sizes = [1], strides = [1]} : vector<16xf32> to vector<1xf32>
    %squeeze3A_165 = vector.extract %slice3A_164[0] : f32 from vector<1xf32>
    %mul3A_166 = vector.broadcast %squeeze3A_165 : f32 to vector<16xf32>
    %mul3A_167 = arith.mulf %get3A_163, %mul3A_166 : vector<16xf32>
    %add3A_168 = arith.addf %add3A_159, %mul3A_167 : vector<16xf32>
    %get3A_169 = arith.constant 18 : i32
    %get3A_170 = arith.index_cast %get3A_169 : i32 to index
    %get3A_171 = arith.constant 0 : index
    %get3A_172 = tpu.vector_load %arg6[%get3A_170, %get3A_171] {strides = array<i32>} : memref<32x208xf32, #tpu.memory_space<vmem>>, vector<16xf32>,
    %slice3A_173 = vector.extract_strided_slice %get3A_7 {offsets = [2], sizes = [1], strides = [1]} : vector<16xf32> to vector<1xf32>
    %squeeze3A_174 = vector.extract %slice3A_173[0] : f32 from vector<1xf32>
    %mul3A_175 = vector.broadcast %squeeze3A_174 : f32 to vector<16xf32>
    %mul3A_176 = arith.mulf %get3A_172, %mul3A_175 : vector<16xf32>
    %add3A_177 = arith.addf %add3A_168, %mul3A_176 : vector<16xf32>
    %get3A_178 = arith.constant 19 : i32
    %get3A_179 = arith.index_cast %get3A_178 : i32 to index
    %get3A_180 = arith.constant 0 : index
    %get3A_181 = tpu.vector_load %arg6[%get3A_179, %get3A_180] {strides = array<i32>} : memref<32x208xf32, #tpu.memory_space<vmem>>, vector<16xf32>,
    %slice3A_182 = vector.extract_strided_slice %get3A_7 {offsets = [3], sizes = [1], strides = [1]} : vector<16xf32> to vector<1xf32>
    %squeeze3A_183 = vector.extract %slice3A_182[0] : f32 from vector<1xf32>
    %mul3A_184 = vector.broadcast %squeeze3A_183 : f32 to vector<16xf32>
    %mul3A_185 = arith.mulf %get3A_181, %mul3A_184 : vector<16xf32>
    %add3A_186 = arith.addf %add3A_177, %mul3A_185 : vector<16xf32>
    %get3A_187 = arith.constant 20 : i32
    %get3A_188 = arith.index_cast %get3A_187 : i32 to index
    %get3A_189 = arith.constant 0 : index
    %get3A_190 = tpu.vector_load %arg6[%get3A_188, %get3A_189] {strides = array<i32>} : memref<32x208xf32, #tpu.memory_space<vmem>>, vector<16xf32>,
    %slice3A_191 = vector.extract_strided_slice %get3A_7 {offsets = [4], sizes = [1], strides = [1]} : vector<16xf32> to vector<1xf32>
    %squeeze3A_192 = vector.extract %slice3A_191[0] : f32 from vector<1xf32>
    %mul3A_193 = vector.broadcast %squeeze3A_192 : f32 to vector<16xf32>
    %mul3A_194 = arith.mulf %get3A_190, %mul3A_193 : vector<16xf32>
    %add3A_195 = arith.addf %add3A_186, %mul3A_194 : vector<16xf32>
    %get3A_196 = arith.constant 21 : i32
    %get3A_197 = arith.index_cast %get3A_196 : i32 to index
    %get3A_198 = arith.constant 0 : index
    %get3A_199 = tpu.vector_load %arg6[%get3A_197, %get3A_198] {strides = array<i32>} : memref<32x208xf32, #tpu.memory_space<vmem>>, vector<16xf32>,
    %slice3A_200 = vector.extract_strided_slice %get3A_7 {offsets = [5], sizes = [1], strides = [1]} : vector<16xf32> to vector<1xf32>
    %squeeze3A_201 = vector.extract %slice3A_200[0] : f32 from vector<1xf32>
    %mul3A_202 = vector.broadcast %squeeze3A_201 : f32 to vector<16xf32>
    %mul3A_203 = arith.mulf %get3A_199, %mul3A_202 : vector<16xf32>
    %add3A_204 = arith.addf %add3A_195, %mul3A_203 : vector<16xf32>
    %get3A_205 = arith.constant 22 : i32
    %get3A_206 = arith.index_cast %get3A_205 : i32 to index
    %get3A_207 = arith.constant 0 : index
    %get3A_208 = tpu.vector_load %arg6[%get3A_206, %get3A_207] {strides = array<i32>} : memref<32x208xf32, #tpu.memory_space<vmem>>, vector<16xf32>,
    %slice3A_209 = vector.extract_strided_slice %get3A_7 {offsets = [6], sizes = [1], strides = [1]} : vector<16xf32> to vector<1xf32>
    %squeeze3A_210 = vector.extract %slice3A_209[0] : f32 from vector<1xf32>
    %mul3A_211 = vector.broadcast %squeeze3A_210 : f32 to vector<16xf32>
    %mul3A_212 = arith.mulf %get3A_208, %mul3A_211 : vector<16xf32>
    %add3A_213 = arith.addf %add3A_204, %mul3A_212 : vector<16xf32>
    %get3A_214 = arith.constant 23 : i32
    %get3A_215 = arith.index_cast %get3A_214 : i32 to index
    %get3A_216 = arith.constant 0 : index
    %get3A_217 = tpu.vector_load %arg6[%get3A_215, %get3A_216] {strides = array<i32>} : memref<32x208xf32, #tpu.memory_space<vmem>>, vector<16xf32>,
    %slice3A_218 = vector.extract_strided_slice %get3A_7 {offsets = [7], sizes = [1], strides = [1]} : vector<16xf32> to vector<1xf32>
    %squeeze3A_219 = vector.extract %slice3A_218[0] : f32 from vector<1xf32>
    %mul3A_220 = vector.broadcast %squeeze3A_219 : f32 to vector<16xf32>
    %mul3A_221 = arith.mulf %get3A_217, %mul3A_220 : vector<16xf32>
    %add3A_222 = arith.addf %add3A_213, %mul3A_221 : vector<16xf32>
    %get3A_223 = arith.constant 24 : i32
    %get3A_224 = arith.index_cast %get3A_223 : i32 to index
    %get3A_225 = arith.constant 0 : index
    %get3A_226 = tpu.vector_load %arg6[%get3A_224, %get3A_225] {strides = array<i32>} : memref<32x208xf32, #tpu.memory_space<vmem>>, vector<16xf32>,
    %slice3A_227 = vector.extract_strided_slice %get3A_7 {offsets = [8], sizes = [1], strides = [1]} : vector<16xf32> to vector<1xf32>
    %squeeze3A_228 = vector.extract %slice3A_227[0] : f32 from vector<1xf32>
    %mul3A_229 = vector.broadcast %squeeze3A_228 : f32 to vector<16xf32>
    %mul3A_230 = arith.mulf %get3A_226, %mul3A_229 : vector<16xf32>
    %add3A_231 = arith.addf %add3A_222, %mul3A_230 : vector<16xf32>
    %get3A_232 = arith.constant 25 : i32
    %get3A_233 = arith.index_cast %get3A_232 : i32 to index
    %get3A_234 = arith.constant 0 : index
    %get3A_235 = tpu.vector_load %arg6[%get3A_233, %get3A_234] {strides = array<i32>} : memref<32x208xf32, #tpu.memory_space<vmem>>, vector<16xf32>,
    %slice3A_236 = vector.extract_strided_slice %get3A_7 {offsets = [9], sizes = [1], strides = [1]} : vector<16xf32> to vector<1xf32>
    %squeeze3A_237 = vector.extract %slice3A_236[0] : f32 from vector<1xf32>
    %mul3A_238 = vector.broadcast %squeeze3A_237 : f32 to vector<16xf32>
    %mul3A_239 = arith.mulf %get3A_235, %mul3A_238 : vector<16xf32>
    %add3A_240 = arith.addf %add3A_231, %mul3A_239 : vector<16xf32>
    %get3A_241 = arith.constant 26 : i32
    %get3A_242 = arith.index_cast %get3A_241 : i32 to index
    %get3A_243 = arith.constant 0 : index
    %get3A_244 = tpu.vector_load %arg6[%get3A_242, %get3A_243] {strides = array<i32>} : memref<32x208xf32, #tpu.memory_space<vmem>>, vector<16xf32>,
    %slice3A_245 = vector.extract_strided_slice %get3A_7 {offsets = [10], sizes = [1], strides = [1]} : vector<16xf32> to vector<1xf32>
    %squeeze3A_246 = vector.extract %slice3A_245[0] : f32 from vector<1xf32>
    %mul3A_247 = vector.broadcast %squeeze3A_246 : f32 to vector<16xf32>
    %mul3A_248 = arith.mulf %get3A_244, %mul3A_247 : vector<16xf32>
    %add3A_249 = arith.addf %add3A_240, %mul3A_248 : vector<16xf32>
    %get3A_250 = arith.constant 27 : i32
    %get3A_251 = arith.index_cast %get3A_250 : i32 to index
    %get3A_252 = arith.constant 0 : index
    %get3A_253 = tpu.vector_load %arg6[%get3A_251, %get3A_252] {strides = array<i32>} : memref<32x208xf32, #tpu.memory_space<vmem>>, vector<16xf32>,
    %slice3A_254 = vector.extract_strided_slice %get3A_7 {offsets = [11], sizes = [1], strides = [1]} : vector<16xf32> to vector<1xf32>
    %squeeze3A_255 = vector.extract %slice3A_254[0] : f32 from vector<1xf32>
    %mul3A_256 = vector.broadcast %squeeze3A_255 : f32 to vector<16xf32>
    %mul3A_257 = arith.mulf %get3A_253, %mul3A_256 : vector<16xf32>
    %add3A_258 = arith.addf %add3A_249, %mul3A_257 : vector<16xf32>
    %get3A_259 = arith.constant 28 : i32
    %get3A_260 = arith.index_cast %get3A_259 : i32 to index
    %get3A_261 = arith.constant 0 : index
    %get3A_262 = tpu.vector_load %arg6[%get3A_260, %get3A_261] {strides = array<i32>} : memref<32x208xf32, #tpu.memory_space<vmem>>, vector<16xf32>,
    %slice3A_263 = vector.extract_strided_slice %get3A_7 {offsets = [12], sizes = [1], strides = [1]} : vector<16xf32> to vector<1xf32>
    %squeeze3A_264 = vector.extract %slice3A_263[0] : f32 from vector<1xf32>
    %mul3A_265 = vector.broadcast %squeeze3A_264 : f32 to vector<16xf32>
    %mul3A_266 = arith.mulf %get3A_262, %mul3A_265 : vector<16xf32>
    %add3A_267 = arith.addf %add3A_258, %mul3A_266 : vector<16xf32>
    %get3A_268 = arith.constant 29 : i32
    %get3A_269 = arith.index_cast %get3A_268 : i32 to index
    %get3A_270 = arith.constant 0 : index
    %get3A_271 = tpu.vector_load %arg6[%get3A_269, %get3A_270] {strides = array<i32>} : memref<32x208xf32, #tpu.memory_space<vmem>>, vector<16xf32>,
    %slice3A_272 = vector.extract_strided_slice %get3A_7 {offsets = [13], sizes = [1], strides = [1]} : vector<16xf32> to vector<1xf32>
    %squeeze3A_273 = vector.extract %slice3A_272[0] : f32 from vector<1xf32>
    %mul3A_274 = vector.broadcast %squeeze3A_273 : f32 to vector<16xf32>
    %mul3A_275 = arith.mulf %get3A_271, %mul3A_274 : vector<16xf32>
    %add3A_276 = arith.addf %add3A_267, %mul3A_275 : vector<16xf32>
    %get3A_277 = arith.constant 30 : i32
    %get3A_278 = arith.index_cast %get3A_277 : i32 to index
    %get3A_279 = arith.constant 0 : index
    %get3A_280 = tpu.vector_load %arg6[%get3A_278, %get3A_279] {strides = array<i32>} : memref<32x208xf32, #tpu.memory_space<vmem>>, vector<16xf32>,
    %slice3A_281 = vector.extract_strided_slice %get3A_7 {offsets = [14], sizes = [1], strides = [1]} : vector<16xf32> to vector<1xf32>
    %squeeze3A_282 = vector.extract %slice3A_281[0] : f32 from vector<1xf32>
    %mul3A_283 = vector.broadcast %squeeze3A_282 : f32 to vector<16xf32>
    %mul3A_284 = arith.mulf %get3A_280, %mul3A_283 : vector<16xf32>
    %add3A_285 = arith.addf %add3A_276, %mul3A_284 : vector<16xf32>
    %get3A_286 = arith.constant 31 : i32
    %get3A_287 = arith.index_cast %get3A_286 : i32 to index
    %get3A_288 = arith.constant 0 : index
    %get3A_289 = tpu.vector_load %arg6[%get3A_287, %get3A_288] {strides = array<i32>} : memref<32x208xf32, #tpu.memory_space<vmem>>, vector<16xf32>,
    %slice3A_290 = vector.extract_strided_slice %get3A_7 {offsets = [15], sizes = [1], strides = [1]} : vector<16xf32> to vector<1xf32>
    %squeeze3A_291 = vector.extract %slice3A_290[0] : f32 from vector<1xf32>
    %mul3A_292 = vector.broadcast %squeeze3A_291 : f32 to vector<16xf32>
    %mul3A_293 = arith.mulf %get3A_289, %mul3A_292 : vector<16xf32>
    %add3A_294 = arith.addf %add3A_285, %mul3A_293 : vector<16xf32>
    %swap3A = arith.constant 0 : index
    %swap3A_295 = tpu.vector_load %arg9[%swap3A] {strides = array<i32>} : memref<208xf32, #tpu.memory_space<vmem>>, vector<16xf32>,
    tpu.vector_store %arg9[%swap3A], %add3A_294 {strides = array<i32>} : memref<208xf32, #tpu.memory_space<vmem>>, vector<16xf32>,
    %broadcast_in_dim3A_296 = arith.constant 0.000000e+00 : f32
    %broadcast_in_dim3A_297 = vector.broadcast %broadcast_in_dim3A_296 : f32 to vector<16xf32>
    %get3A_298 = arith.constant 0 : i32
    %get3A_299 = arith.index_cast %get3A_298 : i32 to index
    %get3A_300 = arith.constant 16 : index
    %get3A_301 = tpu.vector_load %arg6[%get3A_299, %get3A_300] {strides = array<i32>} : memref<32x208xf32, #tpu.memory_space<vmem>>, vector<16xf32>,
    %slice3A_302 = vector.extract_strided_slice %get3A_5 {offsets = [0], sizes = [1], strides = [1]} : vector<16xf32> to vector<1xf32>
    %squeeze3A_303 = vector.extract %slice3A_302[0] : f32 from vector<1xf32>
    %mul3A_304 = vector.broadcast %squeeze3A_303 : f32 to vector<16xf32>
    %mul3A_305 = arith.mulf %get3A_301, %mul3A_304 : vector<16xf32>
    %add3A_306 = arith.addf %broadcast_in_dim3A_297, %mul3A_305 : vector<16xf32>
    %get3A_307 = arith.constant 1 : i32
    %get3A_308 = arith.index_cast %get3A_307 : i32 to index
    %get3A_309 = arith.constant 16 : index
    %get3A_310 = tpu.vector_load %arg6[%get3A_308, %get3A_309] {strides = array<i32>} : memref<32x208xf32, #tpu.memory_space<vmem>>, vector<16xf32>,
    %slice3A_311 = vector.extract_strided_slice %get3A_5 {offsets = [1], sizes = [1], strides = [1]} : vector<16xf32> to vector<1xf32>
    %squeeze3A_312 = vector.extract %slice3A_311[0] : f32 from vector<1xf32>
    %mul3A_313 = vector.broadcast %squeeze3A_312 : f32 to vector<16xf32>
    %mul3A_314 = arith.mulf %get3A_310, %mul3A_313 : vector<16xf32>
    %add3A_315 = arith.addf %add3A_306, %mul3A_314 : vector<16xf32>
    %get3A_316 = arith.constant 2 : i32
    %get3A_317 = arith.index_cast %get3A_316 : i32 to index
    %get3A_318 = arith.constant 16 : index
    %get3A_319 = tpu.vector_load %arg6[%get3A_317, %get3A_318] {strides = array<i32>} : memref<32x208xf32, #tpu.memory_space<vmem>>, vector<16xf32>,
    %slice3A_320 = vector.extract_strided_slice %get3A_5 {offsets = [2], sizes = [1], strides = [1]} : vector<16xf32> to vector<1xf32>
    %squeeze3A_321 = vector.extract %slice3A_320[0] : f32 from vector<1xf32>
    %mul3A_322 = vector.broadcast %squeeze3A_321 : f32 to vector<16xf32>
    %mul3A_323 = arith.mulf %get3A_319, %mul3A_322 : vector<16xf32>
    %add3A_324 = arith.addf %add3A_315, %mul3A_323 : vector<16xf32>
    %get3A_325 = arith.constant 3 : i32
    %get3A_326 = arith.index_cast %get3A_325 : i32 to index
    %get3A_327 = arith.constant 16 : index
    %get3A_328 = tpu.vector_load %arg6[%get3A_326, %get3A_327] {strides = array<i32>} : memref<32x208xf32, #tpu.memory_space<vmem>>, vector<16xf32>,
    %slice3A_329 = vector.extract_strided_slice %get3A_5 {offsets = [3], sizes = [1], strides = [1]} : vector<16xf32> to vector<1xf32>
    %squeeze3A_330 = vector.extract %slice3A_329[0] : f32 from vector<1xf32>
    %mul3A_331 = vector.broadcast %squeeze3A_330 : f32 to vector<16xf32>
    %mul3A_332 = arith.mulf %get3A_328, %mul3A_331 : vector<16xf32>
    %add3A_333 = arith.addf %add3A_324, %mul3A_332 : vector<16xf32>
    %get3A_334 = arith.constant 4 : i32
    %get3A_335 = arith.index_cast %get3A_334 : i32 to index
    %get3A_336 = arith.constant 16 : index
    %get3A_337 = tpu.vector_load %arg6[%get3A_335, %get3A_336] {strides = array<i32>} : memref<32x208xf32, #tpu.memory_space<vmem>>, vector<16xf32>,
    %slice3A_338 = vector.extract_strided_slice %get3A_5 {offsets = [4], sizes = [1], strides = [1]} : vector<16xf32> to vector<1xf32>
    %squeeze3A_339 = vector.extract %slice3A_338[0] : f32 from vector<1xf32>
    %mul3A_340 = vector.broadcast %squeeze3A_339 : f32 to vector<16xf32>
    %mul3A_341 = arith.mulf %get3A_337, %mul3A_340 : vector<16xf32>
    %add3A_342 = arith.addf %add3A_333, %mul3A_341 : vector<16xf32>
    %get3A_343 = arith.constant 5 : i32
    %get3A_344 = arith.index_cast %get3A_343 : i32 to index
    %get3A_345 = arith.constant 16 : index
    %get3A_346 = tpu.vector_load %arg6[%get3A_344, %get3A_345] {strides = array<i32>} : memref<32x208xf32, #tpu.memory_space<vmem>>, vector<16xf32>,
    %slice3A_347 = vector.extract_strided_slice %get3A_5 {offsets = [5], sizes = [1], strides = [1]} : vector<16xf32> to vector<1xf32>
    %squeeze3A_348 = vector.extract %slice3A_347[0] : f32 from vector<1xf32>
    %mul3A_349 = vector.broadcast %squeeze3A_348 : f32 to vector<16xf32>
    %mul3A_350 = arith.mulf %get3A_346, %mul3A_349 : vector<16xf32>
    %add3A_351 = arith.addf %add3A_342, %mul3A_350 : vector<16xf32>
    %get3A_352 = arith.constant 6 : i32
    %get3A_353 = arith.index_cast %get3A_352 : i32 to index
    %get3A_354 = arith.constant 16 : index
    %get3A_355 = tpu.vector_load %arg6[%get3A_353, %get3A_354] {strides = array<i32>} : memref<32x208xf32, #tpu.memory_space<vmem>>, vector<16xf32>,
    %slice3A_356 = vector.extract_strided_slice %get3A_5 {offsets = [6], sizes = [1], strides = [1]} : vector<16xf32> to vector<1xf32>
    %squeeze3A_357 = vector.extract %slice3A_356[0] : f32 from vector<1xf32>
    %mul3A_358 = vector.broadcast %squeeze3A_357 : f32 to vector<16xf32>
    %mul3A_359 = arith.mulf %get3A_355, %mul3A_358 : vector<16xf32>
    %add3A_360 = arith.addf %add3A_351, %mul3A_359 : vector<16xf32>
    %get3A_361 = arith.constant 7 : i32
    %get3A_362 = arith.index_cast %get3A_361 : i32 to index
    %get3A_363 = arith.constant 16 : index
    %get3A_364 = tpu.vector_load %arg6[%get3A_362, %get3A_363] {strides = array<i32>} : memref<32x208xf32, #tpu.memory_space<vmem>>, vector<16xf32>,
    %slice3A_365 = vector.extract_strided_slice %get3A_5 {offsets = [7], sizes = [1], strides = [1]} : vector<16xf32> to vector<1xf32>
    %squeeze3A_366 = vector.extract %slice3A_365[0] : f32 from vector<1xf32>
    %mul3A_367 = vector.broadcast %squeeze3A_366 : f32 to vector<16xf32>
    %mul3A_368 = arith.mulf %get3A_364, %mul3A_367 : vector<16xf32>
    %add3A_369 = arith.addf %add3A_360, %mul3A_368 : vector<16xf32>
    %get3A_370 = arith.constant 8 : i32
    %get3A_371 = arith.index_cast %get3A_370 : i32 to index
    %get3A_372 = arith.constant 16 : index
    %get3A_373 = tpu.vector_load %arg6[%get3A_371, %get3A_372] {strides = array<i32>} : memref<32x208xf32, #tpu.memory_space<vmem>>, vector<16xf32>,
    %slice3A_374 = vector.extract_strided_slice %get3A_5 {offsets = [8], sizes = [1], strides = [1]} : vector<16xf32> to vector<1xf32>
    %squeeze3A_375 = vector.extract %slice3A_374[0] : f32 from vector<1xf32>
    %mul3A_376 = vector.broadcast %squeeze3A_375 : f32 to vector<16xf32>
    %mul3A_377 = arith.mulf %get3A_373, %mul3A_376 : vector<16xf32>
    %add3A_378 = arith.addf %add3A_369, %mul3A_377 : vector<16xf32>
    %get3A_379 = arith.constant 9 : i32
    %get3A_380 = arith.index_cast %get3A_379 : i32 to index
    %get3A_381 = arith.constant 16 : index
    %get3A_382 = tpu.vector_load %arg6[%get3A_380, %get3A_381] {strides = array<i32>} : memref<32x208xf32, #tpu.memory_space<vmem>>, vector<16xf32>,
    %slice3A_383 = vector.extract_strided_slice %get3A_5 {offsets = [9], sizes = [1], strides = [1]} : vector<16xf32> to vector<1xf32>
    %squeeze3A_384 = vector.extract %slice3A_383[0] : f32 from vector<1xf32>
    %mul3A_385 = vector.broadcast %squeeze3A_384 : f32 to vector<16xf32>
    %mul3A_386 = arith.mulf %get3A_382, %mul3A_385 : vector<16xf32>
    %add3A_387 = arith.addf %add3A_378, %mul3A_386 : vector<16xf32>
    %get3A_388 = arith.constant 10 : i32
    %get3A_389 = arith.index_cast %get3A_388 : i32 to index
    %get3A_390 = arith.constant 16 : index
    %get3A_391 = tpu.vector_load %arg6[%get3A_389, %get3A_390] {strides = array<i32>} : memref<32x208xf32, #tpu.memory_space<vmem>>, vector<16xf32>,
    %slice3A_392 = vector.extract_strided_slice %get3A_5 {offsets = [10], sizes = [1], strides = [1]} : vector<16xf32> to vector<1xf32>
    %squeeze3A_393 = vector.extract %slice3A_392[0] : f32 from vector<1xf32>
    %mul3A_394 = vector.broadcast %squeeze3A_393 : f32 to vector<16xf32>
    %mul3A_395 = arith.mulf %get3A_391, %mul3A_394 : vector<16xf32>
    %add3A_396 = arith.addf %add3A_387, %mul3A_395 : vector<16xf32>
    %get3A_397 = arith.constant 11 : i32
    %get3A_398 = arith.index_cast %get3A_397 : i32 to index
    %get3A_399 = arith.constant 16 : index
    %get3A_400 = tpu.vector_load %arg6[%get3A_398, %get3A_399] {strides = array<i32>} : memref<32x208xf32, #tpu.memory_space<vmem>>, vector<16xf32>,
    %slice3A_401 = vector.extract_strided_slice %get3A_5 {offsets = [11], sizes = [1], strides = [1]} : vector<16xf32> to vector<1xf32>
    %squeeze3A_402 = vector.extract %slice3A_401[0] : f32 from vector<1xf32>
    %mul3A_403 = vector.broadcast %squeeze3A_402 : f32 to vector<16xf32>
    %mul3A_404 = arith.mulf %get3A_400, %mul3A_403 : vector<16xf32>
    %add3A_405 = arith.addf %add3A_396, %mul3A_404 : vector<16xf32>
    %get3A_406 = arith.constant 12 : i32
    %get3A_407 = arith.index_cast %get3A_406 : i32 to index
    %get3A_408 = arith.constant 16 : index
    %get3A_409 = tpu.vector_load %arg6[%get3A_407, %get3A_408] {strides = array<i32>} : memref<32x208xf32, #tpu.memory_space<vmem>>, vector<16xf32>,
    %slice3A_410 = vector.extract_strided_slice %get3A_5 {offsets = [12], sizes = [1], strides = [1]} : vector<16xf32> to vector<1xf32>
    %squeeze3A_411 = vector.extract %slice3A_410[0] : f32 from vector<1xf32>
    %mul3A_412 = vector.broadcast %squeeze3A_411 : f32 to vector<16xf32>
    %mul3A_413 = arith.mulf %get3A_409, %mul3A_412 : vector<16xf32>
    %add3A_414 = arith.addf %add3A_405, %mul3A_413 : vector<16xf32>
    %get3A_415 = arith.constant 13 : i32
    %get3A_416 = arith.index_cast %get3A_415 : i32 to index
    %get3A_417 = arith.constant 16 : index
    %get3A_418 = tpu.vector_load %arg6[%get3A_416, %get3A_417] {strides = array<i32>} : memref<32x208xf32, #tpu.memory_space<vmem>>, vector<16xf32>,
    %slice3A_419 = vector.extract_strided_slice %get3A_5 {offsets = [13], sizes = [1], strides = [1]} : vector<16xf32> to vector<1xf32>
    %squeeze3A_420 = vector.extract %slice3A_419[0] : f32 from vector<1xf32>
    %mul3A_421 = vector.broadcast %squeeze3A_420 : f32 to vector<16xf32>
    %mul3A_422 = arith.mulf %get3A_418, %mul3A_421 : vector<16xf32>
    %add3A_423 = arith.addf %add3A_414, %mul3A_422 : vector<16xf32>
    %get3A_424 = arith.constant 14 : i32
    %get3A_425 = arith.index_cast %get3A_424 : i32 to index
    %get3A_426 = arith.constant 16 : index
    %get3A_427 = tpu.vector_load %arg6[%get3A_425, %get3A_426] {strides = array<i32>} : memref<32x208xf32, #tpu.memory_space<vmem>>, vector<16xf32>,
    %slice3A_428 = vector.extract_strided_slice %get3A_5 {offsets = [14], sizes = [1], strides = [1]} : vector<16xf32> to vector<1xf32>
    %squeeze3A_429 = vector.extract %slice3A_428[0] : f32 from vector<1xf32>
    %mul3A_430 = vector.broadcast %squeeze3A_429 : f32 to vector<16xf32>
    %mul3A_431 = arith.mulf %get3A_427, %mul3A_430 : vector<16xf32>
    %add3A_432 = arith.addf %add3A_423, %mul3A_431 : vector<16xf32>
    %get3A_433 = arith.constant 15 : i32
    %get3A_434 = arith.index_cast %get3A_433 : i32 to index
    %get3A_435 = arith.constant 16 : index
    %get3A_436 = tpu.vector_load %arg6[%get3A_434, %get3A_435] {strides = array<i32>} : memref<32x208xf32, #tpu.memory_space<vmem>>, vector<16xf32>,
    %slice3A_437 = vector.extract_strided_slice %get3A_5 {offsets = [15], sizes = [1], strides = [1]} : vector<16xf32> to vector<1xf32>
    %squeeze3A_438 = vector.extract %slice3A_437[0] : f32 from vector<1xf32>
    %mul3A_439 = vector.broadcast %squeeze3A_438 : f32 to vector<16xf32>
    %mul3A_440 = arith.mulf %get3A_436, %mul3A_439 : vector<16xf32>
    %add3A_441 = arith.addf %add3A_432, %mul3A_440 : vector<16xf32>
    %get3A_442 = arith.constant 16 : i32
    %get3A_443 = arith.index_cast %get3A_442 : i32 to index
    %get3A_444 = arith.constant 16 : index
    %get3A_445 = tpu.vector_load %arg6[%get3A_443, %get3A_444] {strides = array<i32>} : memref<32x208xf32, #tpu.memory_space<vmem>>, vector<16xf32>,
    %slice3A_446 = vector.extract_strided_slice %get3A_7 {offsets = [0], sizes = [1], strides = [1]} : vector<16xf32> to vector<1xf32>
    %squeeze3A_447 = vector.extract %slice3A_446[0] : f32 from vector<1xf32>
    %mul3A_448 = vector.broadcast %squeeze3A_447 : f32 to vector<16xf32>
    %mul3A_449 = arith.mulf %get3A_445, %mul3A_448 : vector<16xf32>
    %add3A_450 = arith.addf %add3A_441, %mul3A_449 : vector<16xf32>
    %get3A_451 = arith.constant 17 : i32
    %get3A_452 = arith.index_cast %get3A_451 : i32 to index
    %get3A_453 = arith.constant 16 : index
    %get3A_454 = tpu.vector_load %arg6[%get3A_452, %get3A_453] {strides = array<i32>} : memref<32x208xf32, #tpu.memory_space<vmem>>, vector<16xf32>,
    %slice3A_455 = vector.extract_strided_slice %get3A_7 {offsets = [1], sizes = [1], strides = [1]} : vector<16xf32> to vector<1xf32>
    %squeeze3A_456 = vector.extract %slice3A_455[0] : f32 from vector<1xf32>
    %mul3A_457 = vector.broadcast %squeeze3A_456 : f32 to vector<16xf32>
    %mul3A_458 = arith.mulf %get3A_454, %mul3A_457 : vector<16xf32>
    %add3A_459 = arith.addf %add3A_450, %mul3A_458 : vector<16xf32>
    %get3A_460 = arith.constant 18 : i32
    %get3A_461 = arith.index_cast %get3A_460 : i32 to index
    %get3A_462 = arith.constant 16 : index
    %get3A_463 = tpu.vector_load %arg6[%get3A_461, %get3A_462] {strides = array<i32>} : memref<32x208xf32, #tpu.memory_space<vmem>>, vector<16xf32>,
    %slice3A_464 = vector.extract_strided_slice %get3A_7 {offsets = [2], sizes = [1], strides = [1]} : vector<16xf32> to vector<1xf32>
    %squeeze3A_465 = vector.extract %slice3A_464[0] : f32 from vector<1xf32>
    %mul3A_466 = vector.broadcast %squeeze3A_465 : f32 to vector<16xf32>
    %mul3A_467 = arith.mulf %get3A_463, %mul3A_466 : vector<16xf32>
    %add3A_468 = arith.addf %add3A_459, %mul3A_467 : vector<16xf32>
    %get3A_469 = arith.constant 19 : i32
    %get3A_470 = arith.index_cast %get3A_469 : i32 to index
    %get3A_471 = arith.constant 16 : index
    %get3A_472 = tpu.vector_load %arg6[%get3A_470, %get3A_471] {strides = array<i32>} : memref<32x208xf32, #tpu.memory_space<vmem>>, vector<16xf32>,
    %slice3A_473 = vector.extract_strided_slice %get3A_7 {offsets = [3], sizes = [1], strides = [1]} : vector<16xf32> to vector<1xf32>
    %squeeze3A_474 = vector.extract %slice3A_473[0] : f32 from vector<1xf32>
    %mul3A_475 = vector.broadcast %squeeze3A_474 : f32 to vector<16xf32>
    %mul3A_476 = arith.mulf %get3A_472, %mul3A_475 : vector<16xf32>
    %add3A_477 = arith.addf %add3A_468, %mul3A_476 : vector<16xf32>
    %get3A_478 = arith.constant 20 : i32
    %get3A_479 = arith.index_cast %get3A_478 : i32 to index
    %get3A_480 = arith.constant 16 : index
    %get3A_481 = tpu.vector_load %arg6[%get3A_479, %get3A_480] {strides = array<i32>} : memref<32x208xf32, #tpu.memory_space<vmem>>, vector<16xf32>,
    %slice3A_482 = vector.extract_strided_slice %get3A_7 {offsets = [4], sizes = [1], strides = [1]} : vector<16xf32> to vector<1xf32>
    %squeeze3A_483 = vector.extract %slice3A_482[0] : f32 from vector<1xf32>
    %mul3A_484 = vector.broadcast %squeeze3A_483 : f32 to vector<16xf32>
    %mul3A_485 = arith.mulf %get3A_481, %mul3A_484 : vector<16xf32>
    %add3A_486 = arith.addf %add3A_477, %mul3A_485 : vector<16xf32>
    %get3A_487 = arith.constant 21 : i32
    %get3A_488 = arith.index_cast %get3A_487 : i32 to index
    %get3A_489 = arith.constant 16 : index
    %get3A_490 = tpu.vector_load %arg6[%get3A_488, %get3A_489] {strides = array<i32>} : memref<32x208xf32, #tpu.memory_space<vmem>>, vector<16xf32>,
    %slice3A_491 = vector.extract_strided_slice %get3A_7 {offsets = [5], sizes = [1], strides = [1]} : vector<16xf32> to vector<1xf32>
    %squeeze3A_492 = vector.extract %slice3A_491[0] : f32 from vector<1xf32>
    %mul3A_493 = vector.broadcast %squeeze3A_492 : f32 to vector<16xf32>
    %mul3A_494 = arith.mulf %get3A_490, %mul3A_493 : vector<16xf32>
    %add3A_495 = arith.addf %add3A_486, %mul3A_494 : vector<16xf32>
    %get3A_496 = arith.constant 22 : i32
    %get3A_497 = arith.index_cast %get3A_496 : i32 to index
    %get3A_498 = arith.constant 16 : index
    %get3A_499 = tpu.vector_load %arg6[%get3A_497, %get3A_498] {strides = array<i32>} : memref<32x208xf32, #tpu.memory_space<vmem>>, vector<16xf32>,
    %slice3A_500 = vector.extract_strided_slice %get3A_7 {offsets = [6], sizes = [1], strides = [1]} : vector<16xf32> to vector<1xf32>
    %squeeze3A_501 = vector.extract %slice3A_500[0] : f32 from vector<1xf32>
    %mul3A_502 = vector.broadcast %squeeze3A_501 : f32 to vector<16xf32>
    %mul3A_503 = arith.mulf %get3A_499, %mul3A_502 : vector<16xf32>
    %add3A_504 = arith.addf %add3A_495, %mul3A_503 : vector<16xf32>
    %get3A_505 = arith.constant 23 : i32
    %get3A_506 = arith.index_cast %get3A_505 : i32 to index
    %get3A_507 = arith.constant 16 : index
    %get3A_508 = tpu.vector_load %arg6[%get3A_506, %get3A_507] {strides = array<i32>} : memref<32x208xf32, #tpu.memory_space<vmem>>, vector<16xf32>,
    %slice3A_509 = vector.extract_strided_slice %get3A_7 {offsets = [7], sizes = [1], strides = [1]} : vector<16xf32> to vector<1xf32>
    %squeeze3A_510 = vector.extract %slice3A_509[0] : f32 from vector<1xf32>
    %mul3A_511 = vector.broadcast %squeeze3A_510 : f32 to vector<16xf32>
    %mul3A_512 = arith.mulf %get3A_508, %mul3A_511 : vector<16xf32>
    %add3A_513 = arith.addf %add3A_504, %mul3A_512 : vector<16xf32>
    %get3A_514 = arith.constant 24 : i32
    %get3A_515 = arith.index_cast %get3A_514 : i32 to index
    %get3A_516 = arith.constant 16 : index
    %get3A_517 = tpu.vector_load %arg6[%get3A_515, %get3A_516] {strides = array<i32>} : memref<32x208xf32, #tpu.memory_space<vmem>>, vector<16xf32>,
    %slice3A_518 = vector.extract_strided_slice %get3A_7 {offsets = [8], sizes = [1], strides = [1]} : vector<16xf32> to vector<1xf32>
    %squeeze3A_519 = vector.extract %slice3A_518[0] : f32 from vector<1xf32>
    %mul3A_520 = vector.broadcast %squeeze3A_519 : f32 to vector<16xf32>
    %mul3A_521 = arith.mulf %get3A_517, %mul3A_520 : vector<16xf32>
    %add3A_522 = arith.addf %add3A_513, %mul3A_521 : vector<16xf32>
    %get3A_523 = arith.constant 25 : i32
    %get3A_524 = arith.index_cast %get3A_523 : i32 to index
    %get3A_525 = arith.constant 16 : index
    %get3A_526 = tpu.vector_load %arg6[%get3A_524, %get3A_525] {strides = array<i32>} : memref<32x208xf32, #tpu.memory_space<vmem>>, vector<16xf32>,
    %slice3A_527 = vector.extract_strided_slice %get3A_7 {offsets = [9], sizes = [1], strides = [1]} : vector<16xf32> to vector<1xf32>
    %squeeze3A_528 = vector.extract %slice3A_527[0] : f32 from vector<1xf32>
    %mul3A_529 = vector.broadcast %squeeze3A_528 : f32 to vector<16xf32>
    %mul3A_530 = arith.mulf %get3A_526, %mul3A_529 : vector<16xf32>
    %add3A_531 = arith.addf %add3A_522, %mul3A_530 : vector<16xf32>
    %get3A_532 = arith.constant 26 : i32
    %get3A_533 = arith.index_cast %get3A_532 : i32 to index
    %get3A_534 = arith.constant 16 : index
    %get3A_535 = tpu.vector_load %arg6[%get3A_533, %get3A_534] {strides = array<i32>} : memref<32x208xf32, #tpu.memory_space<vmem>>, vector<16xf32>,
    %slice3A_536 = vector.extract_strided_slice %get3A_7 {offsets = [10], sizes = [1], strides = [1]} : vector<16xf32> to vector<1xf32>
    %squeeze3A_537 = vector.extract %slice3A_536[0] : f32 from vector<1xf32>
    %mul3A_538 = vector.broadcast %squeeze3A_537 : f32 to vector<16xf32>
    %mul3A_539 = arith.mulf %get3A_535, %mul3A_538 : vector<16xf32>
    %add3A_540 = arith.addf %add3A_531, %mul3A_539 : vector<16xf32>
    %get3A_541 = arith.constant 27 : i32
    %get3A_542 = arith.index_cast %get3A_541 : i32 to index
    %get3A_543 = arith.constant 16 : index
    %get3A_544 = tpu.vector_load %arg6[%get3A_542, %get3A_543] {strides = array<i32>} : memref<32x208xf32, #tpu.memory_space<vmem>>, vector<16xf32>,
    %slice3A_545 = vector.extract_strided_slice %get3A_7 {offsets = [11], sizes = [1], strides = [1]} : vector<16xf32> to vector<1xf32>
    %squeeze3A_546 = vector.extract %slice3A_545[0] : f32 from vector<1xf32>
    %mul3A_547 = vector.broadcast %squeeze3A_546 : f32 to vector<16xf32>
    %mul3A_548 = arith.mulf %get3A_544, %mul3A_547 : vector<16xf32>
    %add3A_549 = arith.addf %add3A_540, %mul3A_548 : vector<16xf32>
    %get3A_550 = arith.constant 28 : i32
    %get3A_551 = arith.index_cast %get3A_550 : i32 to index
    %get3A_552 = arith.constant 16 : index
    %get3A_553 = tpu.vector_load %arg6[%get3A_551, %get3A_552] {strides = array<i32>} : memref<32x208xf32, #tpu.memory_space<vmem>>, vector<16xf32>,
    %slice3A_554 = vector.extract_strided_slice %get3A_7 {offsets = [12], sizes = [1], strides = [1]} : vector<16xf32> to vector<1xf32>
    %squeeze3A_555 = vector.extract %slice3A_554[0] : f32 from vector<1xf32>
    %mul3A_556 = vector.broadcast %squeeze3A_555 : f32 to vector<16xf32>
    %mul3A_557 = arith.mulf %get3A_553, %mul3A_556 : vector<16xf32>
    %add3A_558 = arith.addf %add3A_549, %mul3A_557 : vector<16xf32>
    %get3A_559 = arith.constant 29 : i32
    %get3A_560 = arith.index_cast %get3A_559 : i32 to index
    %get3A_561 = arith.constant 16 : index
    %get3A_562 = tpu.vector_load %arg6[%get3A_560, %get3A_561] {strides = array<i32>} : memref<32x208xf32, #tpu.memory_space<vmem>>, vector<16xf32>,
    %slice3A_563 = vector.extract_strided_slice %get3A_7 {offsets = [13], sizes = [1], strides = [1]} : vector<16xf32> to vector<1xf32>
    %squeeze3A_564 = vector.extract %slice3A_563[0] : f32 from vector<1xf32>
    %mul3A_565 = vector.broadcast %squeeze3A_564 : f32 to vector<16xf32>
    %mul3A_566 = arith.mulf %get3A_562, %mul3A_565 : vector<16xf32>
    %add3A_567 = arith.addf %add3A_558, %mul3A_566 : vector<16xf32>
    %get3A_568 = arith.constant 30 : i32
    %get3A_569 = arith.index_cast %get3A_568 : i32 to index
    %get3A_570 = arith.constant 16 : index
    %get3A_571 = tpu.vector_load %arg6[%get3A_569, %get3A_570] {strides = array<i32>} : memref<32x208xf32, #tpu.memory_space<vmem>>, vector<16xf32>,
    %slice3A_572 = vector.extract_strided_slice %get3A_7 {offsets = [14], sizes = [1], strides = [1]} : vector<16xf32> to vector<1xf32>
    %squeeze3A_573 = vector.extract %slice3A_572[0] : f32 from vector<1xf32>
    %mul3A_574 = vector.broadcast %squeeze3A_573 : f32 to vector<16xf32>
    %mul3A_575 = arith.mulf %get3A_571, %mul3A_574 : vector<16xf32>
    %add3A_576 = arith.addf %add3A_567, %mul3A_575 : vector<16xf32>
    %get3A_577 = arith.constant 31 : i32
    %get3A_578 = arith.index_cast %get3A_577 : i32 to index
    %get3A_579 = arith.constant 16 : index
    %get3A_580 = tpu.vector_load %arg6[%get3A_578, %get3A_579] {strides = array<i32>} : memref<32x208xf32, #tpu.memory_space<vmem>>, vector<16xf32>,
    %slice3A_581 = vector.extract_strided_slice %get3A_7 {offsets = [15], sizes = [1], strides = [1]} : vector<16xf32> to vector<1xf32>
    %squeeze3A_582 = vector.extract %slice3A_581[0] : f32 from vector<1xf32>
    %mul3A_583 = vector.broadcast %squeeze3A_582 : f32 to vector<16xf32>
    %mul3A_584 = arith.mulf %get3A_580, %mul3A_583 : vector<16xf32>
    %add3A_585 = arith.addf %add3A_576, %mul3A_584 : vector<16xf32>
    %swap3A_586 = arith.constant 16 : index
    %swap3A_587 = tpu.vector_load %arg9[%swap3A_586] {strides = array<i32>} : memref<208xf32, #tpu.memory_space<vmem>>, vector<16xf32>,
    tpu.vector_store %arg9[%swap3A_586], %add3A_585 {strides = array<i32>} : memref<208xf32, #tpu.memory_space<vmem>>, vector<16xf32>,
    %broadcast_in_dim3A_588 = arith.constant 0.000000e+00 : f32
    %broadcast_in_dim3A_589 = vector.broadcast %broadcast_in_dim3A_588 : f32 to vector<16xf32>
    %get3A_590 = arith.constant 0 : i32
    %get3A_591 = arith.index_cast %get3A_590 : i32 to index
    %get3A_592 = arith.constant 32 : index
    %get3A_593 = tpu.vector_load %arg6[%get3A_591, %get3A_592] {strides = array<i32>} : memref<32x208xf32, #tpu.memory_space<vmem>>, vector<16xf32>,
    %slice3A_594 = vector.extract_strided_slice %get3A_5 {offsets = [0], sizes = [1], strides = [1]} : vector<16xf32> to vector<1xf32>
    %squeeze3A_595 = vector.extract %slice3A_594[0] : f32 from vector<1xf32>
    %mul3A_596 = vector.broadcast %squeeze3A_595 : f32 to vector<16xf32>
    %mul3A_597 = arith.mulf %get3A_593, %mul3A_596 : vector<16xf32>
    %add3A_598 = arith.addf %broadcast_in_dim3A_589, %mul3A_597 : vector<16xf32>
    %get3A_599 = arith.constant 1 : i32
    %get3A_600 = arith.index_cast %get3A_599 : i32 to index
    %get3A_601 = arith.constant 32 : index
    %get3A_602 = tpu.vector_load %arg6[%get3A_600, %get3A_601] {strides = array<i32>} : memref<32x208xf32, #tpu.memory_space<vmem>>, vector<16xf32>,
    %slice3A_603 = vector.extract_strided_slice %get3A_5 {offsets = [1], sizes = [1], strides = [1]} : vector<16xf32> to vector<1xf32>
    %squeeze3A_604 = vector.extract %slice3A_603[0] : f32 from vector<1xf32>
    %mul3A_605 = vector.broadcast %squeeze3A_604 : f32 to vector<16xf32>
    %mul3A_606 = arith.mulf %get3A_602, %mul3A_605 : vector<16xf32>
    %add3A_607 = arith.addf %add3A_598, %mul3A_606 : vector<16xf32>
    %get3A_608 = arith.constant 2 : i32
    %get3A_609 = arith.index_cast %get3A_608 : i32 to index
    %get3A_610 = arith.constant 32 : index
    %get3A_611 = tpu.vector_load %arg6[%get3A_609, %get3A_610] {strides = array<i32>} : memref<32x208xf32, #tpu.memory_space<vmem>>, vector<16xf32>,
    %slice3A_612 = vector.extract_strided_slice %get3A_5 {offsets = [2], sizes = [1], strides = [1]} : vector<16xf32> to vector<1xf32>
    %squeeze3A_613 = vector.extract %slice3A_612[0] : f32 from vector<1xf32>
    %mul3A_614 = vector.broadcast %squeeze3A_613 : f32 to vector<16xf32>
    %mul3A_615 = arith.mulf %get3A_611, %mul3A_614 : vector<16xf32>
    %add3A_616 = arith.addf %add3A_607, %mul3A_615 : vector<16xf32>
    %get3A_617 = arith.constant 3 : i32
    %get3A_618 = arith.index_cast %get3A_617 : i32 to index
    %get3A_619 = arith.constant 32 : index
    %get3A_620 = tpu.vector_load %arg6[%get3A_618, %get3A_619] {strides = array<i32>} : memref<32x208xf32, #tpu.memory_space<vmem>>, vector<16xf32>,
    %slice3A_621 = vector.extract_strided_slice %get3A_5 {offsets = [3], sizes = [1], strides = [1]} : vector<16xf32> to vector<1xf32>
    %squeeze3A_622 = vector.extract %slice3A_621[0] : f32 from vector<1xf32>
    %mul3A_623 = vector.broadcast %squeeze3A_622 : f32 to vector<16xf32>
    %mul3A_624 = arith.mulf %get3A_620, %mul3A_623 : vector<16xf32>
    %add3A_625 = arith.addf %add3A_616, %mul3A_624 : vector<16xf32>
    %get3A_626 = arith.constant 4 : i32
    %get3A_627 = arith.index_cast %get3A_626 : i32 to index
    %get3A_628 = arith.constant 32 : index
    %get3A_629 = tpu.vector_load %arg6[%get3A_627, %get3A_628] {strides = array<i32>} : memref<32x208xf32, #tpu.memory_space<vmem>>, vector<16xf32>,
    %slice3A_630 = vector.extract_strided_slice %get3A_5 {offsets = [4], sizes = [1], strides = [1]} : vector<16xf32> to vector<1xf32>
    %squeeze3A_631 = vector.extract %slice3A_630[0] : f32 from vector<1xf32>
    %mul3A_632 = vector.broadcast %squeeze3A_631 : f32 to vector<16xf32>
    %mul3A_633 = arith.mulf %get3A_629, %mul3A_632 : vector<16xf32>
    %add3A_634 = arith.addf %add3A_625, %mul3A_633 : vector<16xf32>
    %get3A_635 = arith.constant 5 : i32
    %get3A_636 = arith.index_cast %get3A_635 : i32 to index
    %get3A_637 = arith.constant 32 : index
    %get3A_638 = tpu.vector_load %arg6[%get3A_636, %get3A_637] {strides = array<i32>} : memref<32x208xf32, #tpu.memory_space<vmem>>, vector<16xf32>,
    %slice3A_639 = vector.extract_strided_slice %get3A_5 {offsets = [5], sizes = [1], strides = [1]} : vector<16xf32> to vector<1xf32>
    %squeeze3A_640 = vector.extract %slice3A_639[0] : f32 from vector<1xf32>
    %mul3A_641 = vector.broadcast %squeeze3A_640 : f32 to vector<16xf32>
    %mul3A_642 = arith.mulf %get3A_638, %mul3A_641 : vector<16xf32>
    %add3A_643 = arith.addf %add3A_634, %mul3A_642 : vector<16xf32>
    %get3A_644 = arith.constant 6 : i32
    %get3A_645 = arith.index_cast %get3A_644 : i32 to index
    %get3A_646 = arith.constant 32 : index
    %get3A_647 = tpu.vector_load %arg6[%get3A_645, %get3A_646] {strides = array<i32>} : memref<32x208xf32, #tpu.memory_space<vmem>>, vector<16xf32>,
    %slice3A_648 = vector.extract_strided_slice %get3A_5 {offsets = [6], sizes = [1], strides = [1]} : vector<16xf32> to vector<1xf32>
    %squeeze3A_649 = vector.extract %slice3A_648[0] : f32 from vector<1xf32>
    %mul3A_650 = vector.broadcast %squeeze3A_649 : f32 to vector<16xf32>
    %mul3A_651 = arith.mulf %get3A_647, %mul3A_650 : vector<16xf32>
    %add3A_652 = arith.addf %add3A_643, %mul3A_651 : vector<16xf32>
    %get3A_653 = arith.constant 7 : i32
    %get3A_654 = arith.index_cast %get3A_653 : i32 to index
    %get3A_655 = arith.constant 32 : index
    %get3A_656 = tpu.vector_load %arg6[%get3A_654, %get3A_655] {strides = array<i32>} : memref<32x208xf32, #tpu.memory_space<vmem>>, vector<16xf32>,
    %slice3A_657 = vector.extract_strided_slice %get3A_5 {offsets = [7], sizes = [1], strides = [1]} : vector<16xf32> to vector<1xf32>
    %squeeze3A_658 = vector.extract %slice3A_657[0] : f32 from vector<1xf32>
    %mul3A_659 = vector.broadcast %squeeze3A_658 : f32 to vector<16xf32>
    %mul3A_660 = arith.mulf %get3A_656, %mul3A_659 : vector<16xf32>
    %add3A_661 = arith.addf %add3A_652, %mul3A_660 : vector<16xf32>
    %get3A_662 = arith.constant 8 : i32
    %get3A_663 = arith.index_cast %get3A_662 : i32 to index
    %get3A_664 = arith.constant 32 : index
    %get3A_665 = tpu.vector_load %arg6[%get3A_663, %get3A_664] {strides = array<i32>} : memref<32x208xf32, #tpu.memory_space<vmem>>, vector<16xf32>,
    %slice3A_666 = vector.extract_strided_slice %get3A_5 {offsets = [8], sizes = [1], strides = [1]} : vector<16xf32> to vector<1xf32>
    %squeeze3A_667 = vector.extract %slice3A_666[0] : f32 from vector<1xf32>
    %mul3A_668 = vector.broadcast %squeeze3A_667 : f32 to vector<16xf32>
    %mul3A_669 = arith.mulf %get3A_665, %mul3A_668 : vector<16xf32>
    %add3A_670 = arith.addf %add3A_661, %mul3A_669 : vector<16xf32>
    %get3A_671 = arith.constant 9 : i32
    %get3A_672 = arith.index_cast %get3A_671 : i32 to index
    %get3A_673 = arith.constant 32 : index
    %get3A_674 = tpu.vector_load %arg6[%get3A_672, %get3A_673] {strides = array<i32>} : memref<32x208xf32, #tpu.memory_space<vmem>>, vector<16xf32>,
    %slice3A_675 = vector.extract_strided_slice %get3A_5 {offsets = [9], sizes = [1], strides = [1]} : vector<16xf32> to vector<1xf32>
    %squeeze3A_676 = vector.extract %slice3A_675[0] : f32 from vector<1xf32>
    %mul3A_677 = vector.broadcast %squeeze3A_676 : f32 to vector<16xf32>
    %mul3A_678 = arith.mulf %get3A_674, %mul3A_677 : vector<16xf32>
    %add3A_679 = arith.addf %add3A_670, %mul3A_678 : vector<16xf32>
    %get3A_680 = arith.constant 10 : i32
    %get3A_681 = arith.index_cast %get3A_680 : i32 to index
    %get3A_682 = arith.constant 32 : index
    %get3A_683 = tpu.vector_load %arg6[%get3A_681, %get3A_682] {strides = array<i32>} : memref<32x208xf32, #tpu.memory_space<vmem>>, vector<16xf32>,
    %slice3A_684 = vector.extract_strided_slice %get3A_5 {offsets = [10], sizes = [1], strides = [1]} : vector<16xf32> to vector<1xf32>
    %squeeze3A_685 = vector.extract %slice3A_684[0] : f32 from vector<1xf32>
    %mul3A_686 = vector.broadcast %squeeze3A_685 : f32 to vector<16xf32>
    %mul3A_687 = arith.mulf %get3A_683, %mul3A_686 : vector<16xf32>
    %add3A_688 = arith.addf %add3A_679, %mul3A_687 : vector<16xf32>
    %get3A_689 = arith.constant 11 : i32
    %get3A_690 = arith.index_cast %get3A_689 : i32 to index
    %get3A_691 = arith.constant 32 : index
    %get3A_692 = tpu.vector_load %arg6[%get3A_690, %get3A_691] {strides = array<i32>} : memref<32x208xf32, #tpu.memory_space<vmem>>, vector<16xf32>,
    %slice3A_693 = vector.extract_strided_slice %get3A_5 {offsets = [11], sizes = [1], strides = [1]} : vector<16xf32> to vector<1xf32>
    %squeeze3A_694 = vector.extract %slice3A_693[0] : f32 from vector<1xf32>
    %mul3A_695 = vector.broadcast %squeeze3A_694 : f32 to vector<16xf32>
    %mul3A_696 = arith.mulf %get3A_692, %mul3A_695 : vector<16xf32>
    %add3A_697 = arith.addf %add3A_688, %mul3A_696 : vector<16xf32>
    %get3A_698 = arith.constant 12 : i32
    %get3A_699 = arith.index_cast %get3A_698 : i32 to index
    %get3A_700 = arith.constant 32 : index
    %get3A_701 = tpu.vector_load %arg6[%get3A_699, %get3A_700] {strides = array<i32>} : memref<32x208xf32, #tpu.memory_space<vmem>>, vector<16xf32>,
    %slice3A_702 = vector.extract_strided_slice %get3A_5 {offsets = [12], sizes = [1], strides = [1]} : vector<16xf32> to vector<1xf32>
    %squeeze3A_703 = vector.extract %slice3A_702[0] : f32 from vector<1xf32>
    %mul3A_704 = vector.broadcast %squeeze3A_703 : f32 to vector<16xf32>
    %mul3A_705 = arith.mulf %get3A_701, %mul3A_704 : vector<16xf32>
    %add3A_706 = arith.addf %add3A_697, %mul3A_705 : vector<16xf32>
    %get3A_707 = arith.constant 13 : i32
    %get3A_708 = arith.index_cast %get3A_707 : i32 to index
    %get3A_709 = arith.constant 32 : index
    %get3A_710 = tpu.vector_load %arg6[%get3A_708, %get3A_709] {strides = array<i32>} : memref<32x208xf32, #tpu.memory_space<vmem>>, vector<16xf32>,
    %slice3A_711 = vector.extract_strided_slice %get3A_5 {offsets = [13], sizes = [1], strides = [1]} : vector<16xf32> to vector<1xf32>
    %squeeze3A_712 = vector.extract %slice3A_711[0] : f32 from vector<1xf32>
    %mul3A_713 = vector.broadcast %squeeze3A_712 : f32 to vector<16xf32>
    %mul3A_714 = arith.mulf %get3A_710, %mul3A_713 : vector<16xf32>
    %add3A_715 = arith.addf %add3A_706, %mul3A_714 : vector<16xf32>
    %get3A_716 = arith.constant 14 : i32
    %get3A_717 = arith.index_cast %get3A_716 : i32 to index
    %get3A_718 = arith.constant 32 : index
    %get3A_719 = tpu.vector_load %arg6[%get3A_717, %get3A_718] {strides = array<i32>} : memref<32x208xf32, #tpu.memory_space<vmem>>, vector<16xf32>,
    %slice3A_720 = vector.extract_strided_slice %get3A_5 {offsets = [14], sizes = [1], strides = [1]} : vector<16xf32> to vector<1xf32>
    %squeeze3A_721 = vector.extract %slice3A_720[0] : f32 from vector<1xf32>
    %mul3A_722 = vector.broadcast %squeeze3A_721 : f32 to vector<16xf32>
    %mul3A_723 = arith.mulf %get3A_719, %mul3A_722 : vector<16xf32>
    %add3A_724 = arith.addf %add3A_715, %mul3A_723 : vector<16xf32>
    %get3A_725 = arith.constant 15 : i32
    %get3A_726 = arith.index_cast %get3A_725 : i32 to index
    %get3A_727 = arith.constant 32 : index
    %get3A_728 = tpu.vector_load %arg6[%get3A_726, %get3A_727] {strides = array<i32>} : memref<32x208xf32, #tpu.memory_space<vmem>>, vector<16xf32>,
    %slice3A_729 = vector.extract_strided_slice %get3A_5 {offsets = [15], sizes = [1], strides = [1]} : vector<16xf32> to vector<1xf32>
    %squeeze3A_730 = vector.extract %slice3A_729[0] : f32 from vector<1xf32>
    %mul3A_731 = vector.broadcast %squeeze3A_730 : f32 to vector<16xf32>
    %mul3A_732 = arith.mulf %get3A_728, %mul3A_731 : vector<16xf32>
    %add3A_733 = arith.addf %add3A_724, %mul3A_732 : vector<16xf32>
    %get3A_734 = arith.constant 16 : i32
    %get3A_735 = arith.index_cast %get3A_734 : i32 to index
    %get3A_736 = arith.constant 32 : index
    %get3A_737 = tpu.vector_load %arg6[%get3A_735, %get3A_736] {strides = array<i32>} : memref<32x208xf32, #tpu.memory_space<vmem>>, vector<16xf32>,
    %slice3A_738 = vector.extract_strided_slice %get3A_7 {offsets = [0], sizes = [1], strides = [1]} : vector<16xf32> to vector<1xf32>
    %squeeze3A_739 = vector.extract %slice3A_738[0] : f32 from vector<1xf32>
    %mul3A_740 = vector.broadcast %squeeze3A_739 : f32 to vector<16xf32>
    %mul3A_741 = arith.mulf %get3A_737, %mul3A_740 : vector<16xf32>
    %add3A_742 = arith.addf %add3A_733, %mul3A_741 : vector<16xf32>
    %get3A_743 = arith.constant 17 : i32
    %get3A_744 = arith.index_cast %get3A_743 : i32 to index
    %get3A_745 = arith.constant 32 : index
    %get3A_746 = tpu.vector_load %arg6[%get3A_744, %get3A_745] {strides = array<i32>} : memref<32x208xf32, #tpu.memory_space<vmem>>, vector<16xf32>,
    %slice3A_747 = vector.extract_strided_slice %get3A_7 {offsets = [1], sizes = [1], strides = [1]} : vector<16xf32> to vector<1xf32>
    %squeeze3A_748 = vector.extract %slice3A_747[0] : f32 from vector<1xf32>
    %mul3A_749 = vector.broadcast %squeeze3A_748 : f32 to vector<16xf32>
    %mul3A_750 = arith.mulf %get3A_746, %mul3A_749 : vector<16xf32>
    %add3A_751 = arith.addf %add3A_742, %mul3A_750 : vector<16xf32>
    %get3A_752 = arith.constant 18 : i32
    %get3A_753 = arith.index_cast %get3A_752 : i32 to index
    %get3A_754 = arith.constant 32 : index
    %get3A_755 = tpu.vector_load %arg6[%get3A_753, %get3A_754] {strides = array<i32>} : memref<32x208xf32, #tpu.memory_space<vmem>>, vector<16xf32>,
    %slice3A_756 = vector.extract_strided_slice %get3A_7 {offsets = [2], sizes = [1], strides = [1]} : vector<16xf32> to vector<1xf32>
    %squeeze3A_757 = vector.extract %slice3A_756[0] : f32 from vector<1xf32>
    %mul3A_758 = vector.broadcast %squeeze3A_757 : f32 to vector<16xf32>
    %mul3A_759 = arith.mulf %get3A_755, %mul3A_758 : vector<16xf32>
    %add3A_760 = arith.addf %add3A_751, %mul3A_759 : vector<16xf32>
    %get3A_761 = arith.constant 19 : i32
    %get3A_762 = arith.index_cast %get3A_761 : i32 to index
    %get3A_763 = arith.constant 32 : index
    %get3A_764 = tpu.vector_load %arg6[%get3A_762, %get3A_763] {strides = array<i32>} : memref<32x208xf32, #tpu.memory_space<vmem>>, vector<16xf32>,
    %slice3A_765 = vector.extract_strided_slice %get3A_7 {offsets = [3], sizes = [1], strides = [1]} : vector<16xf32> to vector<1xf32>
    %squeeze3A_766 = vector.extract %slice3A_765[0] : f32 from vector<1xf32>
    %mul3A_767 = vector.broadcast %squeeze3A_766 : f32 to vector<16xf32>
    %mul3A_768 = arith.mulf %get3A_764, %mul3A_767 : vector<16xf32>
    %add3A_769 = arith.addf %add3A_760, %mul3A_768 : vector<16xf32>
    %get3A_770 = arith.constant 20 : i32
    %get3A_771 = arith.index_cast %get3A_770 : i32 to index
    %get3A_772 = arith.constant 32 : index
    %get3A_773 = tpu.vector_load %arg6[%get3A_771, %get3A_772] {strides = array<i32>} : memref<32x208xf32, #tpu.memory_space<vmem>>, vector<16xf32>,
    %slice3A_774 = vector.extract_strided_slice %get3A_7 {offsets = [4], sizes = [1], strides = [1]} : vector<16xf32> to vector<1xf32>
    %squeeze3A_775 = vector.extract %slice3A_774[0] : f32 from vector<1xf32>
    %mul3A_776 = vector.broadcast %squeeze3A_775 : f32 to vector<16xf32>
    %mul3A_777 = arith.mulf %get3A_773, %mul3A_776 : vector<16xf32>
    %add3A_778 = arith.addf %add3A_769, %mul3A_777 : vector<16xf32>
    %get3A_779 = arith.constant 21 : i32
    %get3A_780 = arith.index_cast %get3A_779 : i32 to index
    %get3A_781 = arith.constant 32 : index
    %get3A_782 = tpu.vector_load %arg6[%get3A_780, %get3A_781] {strides = array<i32>} : memref<32x208xf32, #tpu.memory_space<vmem>>, vector<16xf32>,
    %slice3A_783 = vector.extract_strided_slice %get3A_7 {offsets = [5], sizes = [1], strides = [1]} : vector<16xf32> to vector<1xf32>
    %squeeze3A_784 = vector.extract %slice3A_783[0] : f32 from vector<1xf32>
    %mul3A_785 = vector.broadcast %squeeze3A_784 : f32 to vector<16xf32>
    %mul3A_786 = arith.mulf %get3A_782, %mul3A_785 : vector<16xf32>
    %add3A_787 = arith.addf %add3A_778, %mul3A_786 : vector<16xf32>
    %get3A_788 = arith.constant 22 : i32
    %get3A_789 = arith.index_cast %get3A_788 : i32 to index
    %get3A_790 = arith.constant 32 : index
    %get3A_791 = tpu.vector_load %arg6[%get3A_789, %get3A_790] {strides = array<i32>} : memref<32x208xf32, #tpu.memory_space<vmem>>, vector<16xf32>,
    %slice3A_792 = vector.extract_strided_slice %get3A_7 {offsets = [6], sizes = [1], strides = [1]} : vector<16xf32> to vector<1xf32>
    %squeeze3A_793 = vector.extract %slice3A_792[0] : f32 from vector<1xf32>
    %mul3A_794 = vector.broadcast %squeeze3A_793 : f32 to vector<16xf32>
    %mul3A_795 = arith.mulf %get3A_791, %mul3A_794 : vector<16xf32>
    %add3A_796 = arith.addf %add3A_787, %mul3A_795 : vector<16xf32>
    %get3A_797 = arith.constant 23 : i32
    %get3A_798 = arith.index_cast %get3A_797 : i32 to index
    %get3A_799 = arith.constant 32 : index
    %get3A_800 = tpu.vector_load %arg6[%get3A_798, %get3A_799] {strides = array<i32>} : memref<32x208xf32, #tpu.memory_space<vmem>>, vector<16xf32>,
    %slice3A_801 = vector.extract_strided_slice %get3A_7 {offsets = [7], sizes = [1], strides = [1]} : vector<16xf32> to vector<1xf32>
    %squeeze3A_802 = vector.extract %slice3A_801[0] : f32 from vector<1xf32>
    %mul3A_803 = vector.broadcast %squeeze3A_802 : f32 to vector<16xf32>
    %mul3A_804 = arith.mulf %get3A_800, %mul3A_803 : vector<16xf32>
    %add3A_805 = arith.addf %add3A_796, %mul3A_804 : vector<16xf32>
    %get3A_806 = arith.constant 24 : i32
    %get3A_807 = arith.index_cast %get3A_806 : i32 to index
    %get3A_808 = arith.constant 32 : index
    %get3A_809 = tpu.vector_load %arg6[%get3A_807, %get3A_808] {strides = array<i32>} : memref<32x208xf32, #tpu.memory_space<vmem>>, vector<16xf32>,
    %slice3A_810 = vector.extract_strided_slice %get3A_7 {offsets = [8], sizes = [1], strides = [1]} : vector<16xf32> to vector<1xf32>
    %squeeze3A_811 = vector.extract %slice3A_810[0] : f32 from vector<1xf32>
    %mul3A_812 = vector.broadcast %squeeze3A_811 : f32 to vector<16xf32>
    %mul3A_813 = arith.mulf %get3A_809, %mul3A_812 : vector<16xf32>
    %add3A_814 = arith.addf %add3A_805, %mul3A_813 : vector<16xf32>
    %get3A_815 = arith.constant 25 : i32
    %get3A_816 = arith.index_cast %get3A_815 : i32 to index
    %get3A_817 = arith.constant 32 : index
    %get3A_818 = tpu.vector_load %arg6[%get3A_816, %get3A_817] {strides = array<i32>} : memref<32x208xf32, #tpu.memory_space<vmem>>, vector<16xf32>,
    %slice3A_819 = vector.extract_strided_slice %get3A_7 {offsets = [9], sizes = [1], strides = [1]} : vector<16xf32> to vector<1xf32>
    %squeeze3A_820 = vector.extract %slice3A_819[0] : f32 from vector<1xf32>
    %mul3A_821 = vector.broadcast %squeeze3A_820 : f32 to vector<16xf32>
    %mul3A_822 = arith.mulf %get3A_818, %mul3A_821 : vector<16xf32>
    %add3A_823 = arith.addf %add3A_814, %mul3A_822 : vector<16xf32>
    %get3A_824 = arith.constant 26 : i32
    %get3A_825 = arith.index_cast %get3A_824 : i32 to index
    %get3A_826 = arith.constant 32 : index
    %get3A_827 = tpu.vector_load %arg6[%get3A_825, %get3A_826] {strides = array<i32>} : memref<32x208xf32, #tpu.memory_space<vmem>>, vector<16xf32>,
    %slice3A_828 = vector.extract_strided_slice %get3A_7 {offsets = [10], sizes = [1], strides = [1]} : vector<16xf32> to vector<1xf32>
    %squeeze3A_829 = vector.extract %slice3A_828[0] : f32 from vector<1xf32>
    %mul3A_830 = vector.broadcast %squeeze3A_829 : f32 to vector<16xf32>
    %mul3A_831 = arith.mulf %get3A_827, %mul3A_830 : vector<16xf32>
    %add3A_832 = arith.addf %add3A_823, %mul3A_831 : vector<16xf32>
    %get3A_833 = arith.constant 27 : i32
    %get3A_834 = arith.index_cast %get3A_833 : i32 to index
    %get3A_835 = arith.constant 32 : index
    %get3A_836 = tpu.vector_load %arg6[%get3A_834, %get3A_835] {strides = array<i32>} : memref<32x208xf32, #tpu.memory_space<vmem>>, vector<16xf32>,
    %slice3A_837 = vector.extract_strided_slice %get3A_7 {offsets = [11], sizes = [1], strides = [1]} : vector<16xf32> to vector<1xf32>
    %squeeze3A_838 = vector.extract %slice3A_837[0] : f32 from vector<1xf32>
    %mul3A_839 = vector.broadcast %squeeze3A_838 : f32 to vector<16xf32>
    %mul3A_840 = arith.mulf %get3A_836, %mul3A_839 : vector<16xf32>
    %add3A_841 = arith.addf %add3A_832, %mul3A_840 : vector<16xf32>
    %get3A_842 = arith.constant 28 : i32
    %get3A_843 = arith.index_cast %get3A_842 : i32 to index
    %get3A_844 = arith.constant 32 : index
    %get3A_845 = tpu.vector_load %arg6[%get3A_843, %get3A_844] {strides = array<i32>} : memref<32x208xf32, #tpu.memory_space<vmem>>, vector<16xf32>,
    %slice3A_846 = vector.extract_strided_slice %get3A_7 {offsets = [12], sizes = [1], strides = [1]} : vector<16xf32> to vector<1xf32>
    %squeeze3A_847 = vector.extract %slice3A_846[0] : f32 from vector<1xf32>
    %mul3A_848 = vector.broadcast %squeeze3A_847 : f32 to vector<16xf32>
    %mul3A_849 = arith.mulf %get3A_845, %mul3A_848 : vector<16xf32>
    %add3A_850 = arith.addf %add3A_841, %mul3A_849 : vector<16xf32>
    %get3A_851 = arith.constant 29 : i32
    %get3A_852 = arith.index_cast %get3A_851 : i32 to index
    %get3A_853 = arith.constant 32 : index
    %get3A_854 = tpu.vector_load %arg6[%get3A_852, %get3A_853] {strides = array<i32>} : memref<32x208xf32, #tpu.memory_space<vmem>>, vector<16xf32>,
    %slice3A_855 = vector.extract_strided_slice %get3A_7 {offsets = [13], sizes = [1], strides = [1]} : vector<16xf32> to vector<1xf32>
    %squeeze3A_856 = vector.extract %slice3A_855[0] : f32 from vector<1xf32>
    %mul3A_857 = vector.broadcast %squeeze3A_856 : f32 to vector<16xf32>
    %mul3A_858 = arith.mulf %get3A_854, %mul3A_857 : vector<16xf32>
    %add3A_859 = arith.addf %add3A_850, %mul3A_858 : vector<16xf32>
    %get3A_860 = arith.constant 30 : i32
    %get3A_861 = arith.index_cast %get3A_860 : i32 to index
    %get3A_862 = arith.constant 32 : index
    %get3A_863 = tpu.vector_load %arg6[%get3A_861, %get3A_862] {strides = array<i32>} : memref<32x208xf32, #tpu.memory_space<vmem>>, vector<16xf32>,
    %slice3A_864 = vector.extract_strided_slice %get3A_7 {offsets = [14], sizes = [1], strides = [1]} : vector<16xf32> to vector<1xf32>
    %squeeze3A_865 = vector.extract %slice3A_864[0] : f32 from vector<1xf32>
    %mul3A_866 = vector.broadcast %squeeze3A_865 : f32 to vector<16xf32>
    %mul3A_867 = arith.mulf %get3A_863, %mul3A_866 : vector<16xf32>
    %add3A_868 = arith.addf %add3A_859, %mul3A_867 : vector<16xf32>
    %get3A_869 = arith.constant 31 : i32
    %get3A_870 = arith.index_cast %get3A_869 : i32 to index
    %get3A_871 = arith.constant 32 : index
    %get3A_872 = tpu.vector_load %arg6[%get3A_870, %get3A_871] {strides = array<i32>} : memref<32x208xf32, #tpu.memory_space<vmem>>, vector<16xf32>,
    %slice3A_873 = vector.extract_strided_slice %get3A_7 {offsets = [15], sizes = [1], strides = [1]} : vector<16xf32> to vector<1xf32>
    %squeeze3A_874 = vector.extract %slice3A_873[0] : f32 from vector<1xf32>
    %mul3A_875 = vector.broadcast %squeeze3A_874 : f32 to vector<16xf32>
    %mul3A_876 = arith.mulf %get3A_872, %mul3A_875 : vector<16xf32>
    %add3A_877 = arith.addf %add3A_868, %mul3A_876 : vector<16xf32>
    %swap3A_878 = arith.constant 32 : index
    %swap3A_879 = tpu.vector_load %arg9[%swap3A_878] {strides = array<i32>} : memref<208xf32, #tpu.memory_space<vmem>>, vector<16xf32>,
    tpu.vector_store %arg9[%swap3A_878], %add3A_877 {strides = array<i32>} : memref<208xf32, #tpu.memory_space<vmem>>, vector<16xf32>,
    %broadcast_in_dim3A_880 = arith.constant 0.000000e+00 : f32
    %broadcast_in_dim3A_881 = vector.broadcast %broadcast_in_dim3A_880 : f32 to vector<16xf32>
    %get3A_882 = arith.constant 0 : i32
    %get3A_883 = arith.index_cast %get3A_882 : i32 to index
    %get3A_884 = arith.constant 48 : index
    %get3A_885 = tpu.vector_load %arg6[%get3A_883, %get3A_884] {strides = array<i32>} : memref<32x208xf32, #tpu.memory_space<vmem>>, vector<16xf32>,
    %slice3A_886 = vector.extract_strided_slice %get3A_5 {offsets = [0], sizes = [1], strides = [1]} : vector<16xf32> to vector<1xf32>
    %squeeze3A_887 = vector.extract %slice3A_886[0] : f32 from vector<1xf32>
    %mul3A_888 = vector.broadcast %squeeze3A_887 : f32 to vector<16xf32>
    %mul3A_889 = arith.mulf %get3A_885, %mul3A_888 : vector<16xf32>
    %add3A_890 = arith.addf %broadcast_in_dim3A_881, %mul3A_889 : vector<16xf32>
    %get3A_891 = arith.constant 1 : i32
    %get3A_892 = arith.index_cast %get3A_891 : i32 to index
    %get3A_893 = arith.constant 48 : index
    %get3A_894 = tpu.vector_load %arg6[%get3A_892, %get3A_893] {strides = array<i32>} : memref<32x208xf32, #tpu.memory_space<vmem>>, vector<16xf32>,
    %slice3A_895 = vector.extract_strided_slice %get3A_5 {offsets = [1], sizes = [1], strides = [1]} : vector<16xf32> to vector<1xf32>
    %squeeze3A_896 = vector.extract %slice3A_895[0] : f32 from vector<1xf32>
    %mul3A_897 = vector.broadcast %squeeze3A_896 : f32 to vector<16xf32>
    %mul3A_898 = arith.mulf %get3A_894, %mul3A_897 : vector<16xf32>
    %add3A_899 = arith.addf %add3A_890, %mul3A_898 : vector<16xf32>
    %get3A_900 = arith.constant 2 : i32
    %get3A_901 = arith.index_cast %get3A_900 : i32 to index
    %get3A_902 = arith.constant 48 : index
    %get3A_903 = tpu.vector_load %arg6[%get3A_901, %get3A_902] {strides = array<i32>} : memref<32x208xf32, #tpu.memory_space<vmem>>, vector<16xf32>,
    %slice3A_904 = vector.extract_strided_slice %get3A_5 {offsets = [2], sizes = [1], strides = [1]} : vector<16xf32> to vector<1xf32>
    %squeeze3A_905 = vector.extract %slice3A_904[0] : f32 from vector<1xf32>
    %mul3A_906 = vector.broadcast %squeeze3A_905 : f32 to vector<16xf32>
    %mul3A_907 = arith.mulf %get3A_903, %mul3A_906 : vector<16xf32>
    %add3A_908 = arith.addf %add3A_899, %mul3A_907 : vector<16xf32>
    %get3A_909 = arith.constant 3 : i32
    %get3A_910 = arith.index_cast %get3A_909 : i32 to index
    %get3A_911 = arith.constant 48 : index
    %get3A_912 = tpu.vector_load %arg6[%get3A_910, %get3A_911] {strides = array<i32>} : memref<32x208xf32, #tpu.memory_space<vmem>>, vector<16xf32>,
    %slice3A_913 = vector.extract_strided_slice %get3A_5 {offsets = [3], sizes = [1], strides = [1]} : vector<16xf32> to vector<1xf32>
    %squeeze3A_914 = vector.extract %slice3A_913[0] : f32 from vector<1xf32>
    %mul3A_915 = vector.broadcast %squeeze3A_914 : f32 to vector<16xf32>
    %mul3A_916 = arith.mulf %get3A_912, %mul3A_915 : vector<16xf32>
    %add3A_917 = arith.addf %add3A_908, %mul3A_916 : vector<16xf32>
    %get3A_918 = arith.constant 4 : i32
    %get3A_919 = arith.index_cast %get3A_918 : i32 to index
    %get3A_920 = arith.constant 48 : index
    %get3A_921 = tpu.vector_load %arg6[%get3A_919, %get3A_920] {strides = array<i32>} : memref<32x208xf32, #tpu.memory_space<vmem>>, vector<16xf32>,
    %slice3A_922 = vector.extract_strided_slice %get3A_5 {offsets = [4], sizes = [1], strides = [1]} : vector<16xf32> to vector<1xf32>
    %squeeze3A_923 = vector.extract %slice3A_922[0] : f32 from vector<1xf32>
    %mul3A_924 = vector.broadcast %squeeze3A_923 : f32 to vector<16xf32>
    %mul3A_925 = arith.mulf %get3A_921, %mul3A_924 : vector<16xf32>
    %add3A_926 = arith.addf %add3A_917, %mul3A_925 : vector<16xf32>
    %get3A_927 = arith.constant 5 : i32
    %get3A_928 = arith.index_cast %get3A_927 : i32 to index
    %get3A_929 = arith.constant 48 : index
    %get3A_930 = tpu.vector_load %arg6[%get3A_928, %get3A_929] {strides = array<i32>} : memref<32x208xf32, #tpu.memory_space<vmem>>, vector<16xf32>,
    %slice3A_931 = vector.extract_strided_slice %get3A_5 {offsets = [5], sizes = [1], strides = [1]} : vector<16xf32> to vector<1xf32>
    %squeeze3A_932 = vector.extract %slice3A_931[0] : f32 from vector<1xf32>
    %mul3A_933 = vector.broadcast %squeeze3A_932 : f32 to vector<16xf32>
    %mul3A_934 = arith.mulf %get3A_930, %mul3A_933 : vector<16xf32>
    %add3A_935 = arith.addf %add3A_926, %mul3A_934 : vector<16xf32>
    %get3A_936 = arith.constant 6 : i32
    %get3A_937 = arith.index_cast %get3A_936 : i32 to index
    %get3A_938 = arith.constant 48 : index
    %get3A_939 = tpu.vector_load %arg6[%get3A_937, %get3A_938] {strides = array<i32>} : memref<32x208xf32, #tpu.memory_space<vmem>>, vector<16xf32>,
    %slice3A_940 = vector.extract_strided_slice %get3A_5 {offsets = [6], sizes = [1], strides = [1]} : vector<16xf32> to vector<1xf32>
    %squeeze3A_941 = vector.extract %slice3A_940[0] : f32 from vector<1xf32>
    %mul3A_942 = vector.broadcast %squeeze3A_941 : f32 to vector<16xf32>
    %mul3A_943 = arith.mulf %get3A_939, %mul3A_942 : vector<16xf32>
    %add3A_944 = arith.addf %add3A_935, %mul3A_943 : vector<16xf32>
    %get3A_945 = arith.constant 7 : i32
    %get3A_946 = arith.index_cast %get3A_945 : i32 to index
    %get3A_947 = arith.constant 48 : index
    %get3A_948 = tpu.vector_load %arg6[%get3A_946, %get3A_947] {strides = array<i32>} : memref<32x208xf32, #tpu.memory_space<vmem>>, vector<16xf32>,
    %slice3A_949 = vector.extract_strided_slice %get3A_5 {offsets = [7], sizes = [1], strides = [1]} : vector<16xf32> to vector<1xf32>
    %squeeze3A_950 = vector.extract %slice3A_949[0] : f32 from vector<1xf32>
    %mul3A_951 = vector.broadcast %squeeze3A_950 : f32 to vector<16xf32>
    %mul3A_952 = arith.mulf %get3A_948, %mul3A_951 : vector<16xf32>
    %add3A_953 = arith.addf %add3A_944, %mul3A_952 : vector<16xf32>
    %get3A_954 = arith.constant 8 : i32
    %get3A_955 = arith.index_cast %get3A_954 : i32 to index
    %get3A_956 = arith.constant 48 : index
    %get3A_957 = tpu.vector_load %arg6[%get3A_955, %get3A_956] {strides = array<i32>} : memref<32x208xf32, #tpu.memory_space<vmem>>, vector<16xf32>,
    %slice3A_958 = vector.extract_strided_slice %get3A_5 {offsets = [8], sizes = [1], strides = [1]} : vector<16xf32> to vector<1xf32>
    %squeeze3A_959 = vector.extract %slice3A_958[0] : f32 from vector<1xf32>
    %mul3A_960 = vector.broadcast %squeeze3A_959 : f32 to vector<16xf32>
    %mul3A_961 = arith.mulf %get3A_957, %mul3A_960 : vector<16xf32>
    %add3A_962 = arith.addf %add3A_953, %mul3A_961 : vector<16xf32>
    %get3A_963 = arith.constant 9 : i32
    %get3A_964 = arith.index_cast %get3A_963 : i32 to index
    %get3A_965 = arith.constant 48 : index
    %get3A_966 = tpu.vector_load %arg6[%get3A_964, %get3A_965] {strides = array<i32>} : memref<32x208xf32, #tpu.memory_space<vmem>>, vector<16xf32>,
    %slice3A_967 = vector.extract_strided_slice %get3A_5 {offsets = [9], sizes = [1], strides = [1]} : vector<16xf32> to vector<1xf32>
    %squeeze3A_968 = vector.extract %slice3A_967[0] : f32 from vector<1xf32>
    %mul3A_969 = vector.broadcast %squeeze3A_968 : f32 to vector<16xf32>
    %mul3A_970 = arith.mulf %get3A_966, %mul3A_969 : vector<16xf32>
    %add3A_971 = arith.addf %add3A_962, %mul3A_970 : vector<16xf32>
    %get3A_972 = arith.constant 10 : i32
    %get3A_973 = arith.index_cast %get3A_972 : i32 to index
    %get3A_974 = arith.constant 48 : index
    %get3A_975 = tpu.vector_load %arg6[%get3A_973, %get3A_974] {strides = array<i32>} : memref<32x208xf32, #tpu.memory_space<vmem>>, vector<16xf32>,
    %slice3A_976 = vector.extract_strided_slice %get3A_5 {offsets = [10], sizes = [1], strides = [1]} : vector<16xf32> to vector<1xf32>
    %squeeze3A_977 = vector.extract %slice3A_976[0] : f32 from vector<1xf32>
    %mul3A_978 = vector.broadcast %squeeze3A_977 : f32 to vector<16xf32>
    %mul3A_979 = arith.mulf %get3A_975, %mul3A_978 : vector<16xf32>
    %add3A_980 = arith.addf %add3A_971, %mul3A_979 : vector<16xf32>
    %get3A_981 = arith.constant 11 : i32
    %get3A_982 = arith.index_cast %get3A_981 : i32 to index
    %get3A_983 = arith.constant 48 : index
    %get3A_984 = tpu.vector_load %arg6[%get3A_982, %get3A_983] {strides = array<i32>} : memref<32x208xf32, #tpu.memory_space<vmem>>, vector<16xf32>,
    %slice3A_985 = vector.extract_strided_slice %get3A_5 {offsets = [11], sizes = [1], strides = [1]} : vector<16xf32> to vector<1xf32>
    %squeeze3A_986 = vector.extract %slice3A_985[0] : f32 from vector<1xf32>
    %mul3A_987 = vector.broadcast %squeeze3A_986 : f32 to vector<16xf32>
    %mul3A_988 = arith.mulf %get3A_984, %mul3A_987 : vector<16xf32>
    %add3A_989 = arith.addf %add3A_980, %mul3A_988 : vector<16xf32>
    %get3A_990 = arith.constant 12 : i32
    %get3A_991 = arith.index_cast %get3A_990 : i32 to index
    %get3A_992 = arith.constant 48 : index
    %get3A_993 = tpu.vector_load %arg6[%get3A_991, %get3A_992] {strides = array<i32>} : memref<32x208xf32, #tpu.memory_space<vmem>>, vector<16xf32>,
    %slice3A_994 = vector.extract_strided_slice %get3A_5 {offsets = [12], sizes = [1], strides = [1]} : vector<16xf32> to vector<1xf32>
    %squeeze3A_995 = vector.extract %slice3A_994[0] : f32 from vector<1xf32>
    %mul3A_996 = vector.broadcast %squeeze3A_995 : f32 to vector<16xf32>
    %mul3A_997 = arith.mulf %get3A_993, %mul3A_996 : vector<16xf32>
    %add3A_998 = arith.addf %add3A_989, %mul3A_997 : vector<16xf32>
    %get3A_999 = arith.constant 13 : i32
    %get3A_1000 = arith.index_cast %get3A_999 : i32 to index
    %get3A_1001 = arith.constant 48 : index
    %get3A_1002 = tpu.vector_load %arg6[%get3A_1000, %get3A_1001] {strides = array<i32>} : memref<32x208xf32, #tpu.memory_space<vmem>>, vector<16xf32>,
    %slice3A_1003 = vector.extract_strided_slice %get3A_5 {offsets = [13], sizes = [1], strides = [1]} : vector<16xf32> to vector<1xf32>
    %squeeze3A_1004 = vector.extract %slice3A_1003[0] : f32 from vector<1xf32>
    %mul3A_1005 = vector.broadcast %squeeze3A_1004 : f32 to vector<16xf32>
    %mul3A_1006 = arith.mulf %get3A_1002, %mul3A_1005 : vector<16xf32>
    %add3A_1007 = arith.addf %add3A_998, %mul3A_1006 : vector<16xf32>
    %get3A_1008 = arith.constant 14 : i32
    %get3A_1009 = arith.index_cast %get3A_1008 : i32 to index
    %get3A_1010 = arith.constant 48 : index
    %get3A_1011 = tpu.vector_load %arg6[%get3A_1009, %get3A_1010] {strides = array<i32>} : memref<32x208xf32, #tpu.memory_space<vmem>>, vector<16xf32>,
    %slice3A_1012 = vector.extract_strided_slice %get3A_5 {offsets = [14], sizes = [1], strides = [1]} : vector<16xf32> to vector<1xf32>
    %squeeze3A_1013 = vector.extract %slice3A_1012[0] : f32 from vector<1xf32>
    %mul3A_1014 = vector.broadcast %squeeze3A_1013 : f32 to vector<16xf32>
    %mul3A_1015 = arith.mulf %get3A_1011, %mul3A_1014 : vector<16xf32>
    %add3A_1016 = arith.addf %add3A_1007, %mul3A_1015 : vector<16xf32>
    %get3A_1017 = arith.constant 15 : i32
    %get3A_1018 = arith.index_cast %get3A_1017 : i32 to index
    %get3A_1019 = arith.constant 48 : index
    %get3A_1020 = tpu.vector_load %arg6[%get3A_1018, %get3A_1019] {strides = array<i32>} : memref<32x208xf32, #tpu.memory_space<vmem>>, vector<16xf32>,
    %slice3A_1021 = vector.extract_strided_slice %get3A_5 {offsets = [15], sizes = [1], strides = [1]} : vector<16xf32> to vector<1xf32>
    %squeeze3A_1022 = vector.extract %slice3A_1021[0] : f32 from vector<1xf32>
    %mul3A_1023 = vector.broadcast %squeeze3A_1022 : f32 to vector<16xf32>
    %mul3A_1024 = arith.mulf %get3A_1020, %mul3A_1023 : vector<16xf32>
    %add3A_1025 = arith.addf %add3A_1016, %mul3A_1024 : vector<16xf32>
    %get3A_1026 = arith.constant 16 : i32
    %get3A_1027 = arith.index_cast %get3A_1026 : i32 to index
    %get3A_1028 = arith.constant 48 : index
    %get3A_1029 = tpu.vector_load %arg6[%get3A_1027, %get3A_1028] {strides = array<i32>} : memref<32x208xf32, #tpu.memory_space<vmem>>, vector<16xf32>,
    %slice3A_1030 = vector.extract_strided_slice %get3A_7 {offsets = [0], sizes = [1], strides = [1]} : vector<16xf32> to vector<1xf32>
    %squeeze3A_1031 = vector.extract %slice3A_1030[0] : f32 from vector<1xf32>
    %mul3A_1032 = vector.broadcast %squeeze3A_1031 : f32 to vector<16xf32>
    %mul3A_1033 = arith.mulf %get3A_1029, %mul3A_1032 : vector<16xf32>
    %add3A_1034 = arith.addf %add3A_1025, %mul3A_1033 : vector<16xf32>
    %get3A_1035 = arith.constant 17 : i32
    %get3A_1036 = arith.index_cast %get3A_1035 : i32 to index
    %get3A_1037 = arith.constant 48 : index
    %get3A_1038 = tpu.vector_load %arg6[%get3A_1036, %get3A_1037] {strides = array<i32>} : memref<32x208xf32, #tpu.memory_space<vmem>>, vector<16xf32>,
    %slice3A_1039 = vector.extract_strided_slice %get3A_7 {offsets = [1], sizes = [1], strides = [1]} : vector<16xf32> to vector<1xf32>
    %squeeze3A_1040 = vector.extract %slice3A_1039[0] : f32 from vector<1xf32>
    %mul3A_1041 = vector.broadcast %squeeze3A_1040 : f32 to vector<16xf32>
    %mul3A_1042 = arith.mulf %get3A_1038, %mul3A_1041 : vector<16xf32>
    %add3A_1043 = arith.addf %add3A_1034, %mul3A_1042 : vector<16xf32>
    %get3A_1044 = arith.constant 18 : i32
    %get3A_1045 = arith.index_cast %get3A_1044 : i32 to index
    %get3A_1046 = arith.constant 48 : index
    %get3A_1047 = tpu.vector_load %arg6[%get3A_1045, %get3A_1046] {strides = array<i32>} : memref<32x208xf32, #tpu.memory_space<vmem>>, vector<16xf32>,
    %slice3A_1048 = vector.extract_strided_slice %get3A_7 {offsets = [2], sizes = [1], strides = [1]} : vector<16xf32> to vector<1xf32>
    %squeeze3A_1049 = vector.extract %slice3A_1048[0] : f32 from vector<1xf32>
    %mul3A_1050 = vector.broadcast %squeeze3A_1049 : f32 to vector<16xf32>
    %mul3A_1051 = arith.mulf %get3A_1047, %mul3A_1050 : vector<16xf32>
    %add3A_1052 = arith.addf %add3A_1043, %mul3A_1051 : vector<16xf32>
    %get3A_1053 = arith.constant 19 : i32
    %get3A_1054 = arith.index_cast %get3A_1053 : i32 to index
    %get3A_1055 = arith.constant 48 : index
    %get3A_1056 = tpu.vector_load %arg6[%get3A_1054, %get3A_1055] {strides = array<i32>} : memref<32x208xf32, #tpu.memory_space<vmem>>, vector<16xf32>,
    %slice3A_1057 = vector.extract_strided_slice %get3A_7 {offsets = [3], sizes = [1], strides = [1]} : vector<16xf32> to vector<1xf32>
    %squeeze3A_1058 = vector.extract %slice3A_1057[0] : f32 from vector<1xf32>
    %mul3A_1059 = vector.broadcast %squeeze3A_1058 : f32 to vector<16xf32>
    %mul3A_1060 = arith.mulf %get3A_1056, %mul3A_1059 : vector<16xf32>
    %add3A_1061 = arith.addf %add3A_1052, %mul3A_1060 : vector<16xf32>
    %get3A_1062 = arith.constant 20 : i32
    %get3A_1063 = arith.index_cast %get3A_1062 : i32 to index
    %get3A_1064 = arith.constant 48 : index
    %get3A_1065 = tpu.vector_load %arg6[%get3A_1063, %get3A_1064] {strides = array<i32>} : memref<32x208xf32, #tpu.memory_space<vmem>>, vector<16xf32>,
    %slice3A_1066 = vector.extract_strided_slice %get3A_7 {offsets = [4], sizes = [1], strides = [1]} : vector<16xf32> to vector<1xf32>
    %squeeze3A_1067 = vector.extract %slice3A_1066[0] : f32 from vector<1xf32>
    %mul3A_1068 = vector.broadcast %squeeze3A_1067 : f32 to vector<16xf32>
    %mul3A_1069 = arith.mulf %get3A_1065, %mul3A_1068 : vector<16xf32>
    %add3A_1070 = arith.addf %add3A_1061, %mul3A_1069 : vector<16xf32>
    %get3A_1071 = arith.constant 21 : i32
    %get3A_1072 = arith.index_cast %get3A_1071 : i32 to index
    %get3A_1073 = arith.constant 48 : index
    %get3A_1074 = tpu.vector_load %arg6[%get3A_1072, %get3A_1073] {strides = array<i32>} : memref<32x208xf32, #tpu.memory_space<vmem>>, vector<16xf32>,
    %slice3A_1075 = vector.extract_strided_slice %get3A_7 {offsets = [5], sizes = [1], strides = [1]} : vector<16xf32> to vector<1xf32>
    %squeeze3A_1076 = vector.extract %slice3A_1075[0] : f32 from vector<1xf32>
    %mul3A_1077 = vector.broadcast %squeeze3A_1076 : f32 to vector<16xf32>
    %mul3A_1078 = arith.mulf %get3A_1074, %mul3A_1077 : vector<16xf32>
    %add3A_1079 = arith.addf %add3A_1070, %mul3A_1078 : vector<16xf32>
    %get3A_1080 = arith.constant 22 : i32
    %get3A_1081 = arith.index_cast %get3A_1080 : i32 to index
    %get3A_1082 = arith.constant 48 : index
    %get3A_1083 = tpu.vector_load %arg6[%get3A_1081, %get3A_1082] {strides = array<i32>} : memref<32x208xf32, #tpu.memory_space<vmem>>, vector<16xf32>,
    %slice3A_1084 = vector.extract_strided_slice %get3A_7 {offsets = [6], sizes = [1], strides = [1]} : vector<16xf32> to vector<1xf32>
    %squeeze3A_1085 = vector.extract %slice3A_1084[0] : f32 from vector<1xf32>
    %mul3A_1086 = vector.broadcast %squeeze3A_1085 : f32 to vector<16xf32>
    %mul3A_1087 = arith.mulf %get3A_1083, %mul3A_1086 : vector<16xf32>
    %add3A_1088 = arith.addf %add3A_1079, %mul3A_1087 : vector<16xf32>
    %get3A_1089 = arith.constant 23 : i32
    %get3A_1090 = arith.index_cast %get3A_1089 : i32 to index
    %get3A_1091 = arith.constant 48 : index
    %get3A_1092 = tpu.vector_load %arg6[%get3A_1090, %get3A_1091] {strides = array<i32>} : memref<32x208xf32, #tpu.memory_space<vmem>>, vector<16xf32>,
    %slice3A_1093 = vector.extract_strided_slice %get3A_7 {offsets = [7], sizes = [1], strides = [1]} : vector<16xf32> to vector<1xf32>
    %squeeze3A_1094 = vector.extract %slice3A_1093[0] : f32 from vector<1xf32>
    %mul3A_1095 = vector.broadcast %squeeze3A_1094 : f32 to vector<16xf32>
    %mul3A_1096 = arith.mulf %get3A_1092, %mul3A_1095 : vector<16xf32>
    %add3A_1097 = arith.addf %add3A_1088, %mul3A_1096 : vector<16xf32>
    %get3A_1098 = arith.constant 24 : i32
    %get3A_1099 = arith.index_cast %get3A_1098 : i32 to index
    %get3A_1100 = arith.constant 48 : index
    %get3A_1101 = tpu.vector_load %arg6[%get3A_1099, %get3A_1100] {strides = array<i32>} : memref<32x208xf32, #tpu.memory_space<vmem>>, vector<16xf32>,
    %slice3A_1102 = vector.extract_strided_slice %get3A_7 {offsets = [8], sizes = [1], strides = [1]} : vector<16xf32> to vector<1xf32>
    %squeeze3A_1103 = vector.extract %slice3A_1102[0] : f32 from vector<1xf32>
    %mul3A_1104 = vector.broadcast %squeeze3A_1103 : f32 to vector<16xf32>
    %mul3A_1105 = arith.mulf %get3A_1101, %mul3A_1104 : vector<16xf32>
    %add3A_1106 = arith.addf %add3A_1097, %mul3A_1105 : vector<16xf32>
    %get3A_1107 = arith.constant 25 : i32
    %get3A_1108 = arith.index_cast %get3A_1107 : i32 to index
    %get3A_1109 = arith.constant 48 : index
    %get3A_1110 = tpu.vector_load %arg6[%get3A_1108, %get3A_1109] {strides = array<i32>} : memref<32x208xf32, #tpu.memory_space<vmem>>, vector<16xf32>,
    %slice3A_1111 = vector.extract_strided_slice %get3A_7 {offsets = [9], sizes = [1], strides = [1]} : vector<16xf32> to vector<1xf32>
    %squeeze3A_1112 = vector.extract %slice3A_1111[0] : f32 from vector<1xf32>
    %mul3A_1113 = vector.broadcast %squeeze3A_1112 : f32 to vector<16xf32>
    %mul3A_1114 = arith.mulf %get3A_1110, %mul3A_1113 : vector<16xf32>
    %add3A_1115 = arith.addf %add3A_1106, %mul3A_1114 : vector<16xf32>
    %get3A_1116 = arith.constant 26 : i32
    %get3A_1117 = arith.index_cast %get3A_1116 : i32 to index
    %get3A_1118 = arith.constant 48 : index
    %get3A_1119 = tpu.vector_load %arg6[%get3A_1117, %get3A_1118] {strides = array<i32>} : memref<32x208xf32, #tpu.memory_space<vmem>>, vector<16xf32>,
    %slice3A_1120 = vector.extract_strided_slice %get3A_7 {offsets = [10], sizes = [1], strides = [1]} : vector<16xf32> to vector<1xf32>
    %squeeze3A_1121 = vector.extract %slice3A_1120[0] : f32 from vector<1xf32>
    %mul3A_1122 = vector.broadcast %squeeze3A_1121 : f32 to vector<16xf32>
    %mul3A_1123 = arith.mulf %get3A_1119, %mul3A_1122 : vector<16xf32>
    %add3A_1124 = arith.addf %add3A_1115, %mul3A_1123 : vector<16xf32>
    %get3A_1125 = arith.constant 27 : i32
    %get3A_1126 = arith.index_cast %get3A_1125 : i32 to index
    %get3A_1127 = arith.constant 48 : index
    %get3A_1128 = tpu.vector_load %arg6[%get3A_1126, %get3A_1127] {strides = array<i32>} : memref<32x208xf32, #tpu.memory_space<vmem>>, vector<16xf32>,
    %slice3A_1129 = vector.extract_strided_slice %get3A_7 {offsets = [11], sizes = [1], strides = [1]} : vector<16xf32> to vector<1xf32>
    %squeeze3A_1130 = vector.extract %slice3A_1129[0] : f32 from vector<1xf32>
    %mul3A_1131 = vector.broadcast %squeeze3A_1130 : f32 to vector<16xf32>
    %mul3A_1132 = arith.mulf %get3A_1128, %mul3A_1131 : vector<16xf32>
    %add3A_1133 = arith.addf %add3A_1124, %mul3A_1132 : vector<16xf32>
    %get3A_1134 = arith.constant 28 : i32
    %get3A_1135 = arith.index_cast %get3A_1134 : i32 to index
    %get3A_1136 = arith.constant 48 : index
    %get3A_1137 = tpu.vector_load %arg6[%get3A_1135, %get3A_1136] {strides = array<i32>} : memref<32x208xf32, #tpu.memory_space<vmem>>, vector<16xf32>,
    %slice3A_1138 = vector.extract_strided_slice %get3A_7 {offsets = [12], sizes = [1], strides = [1]} : vector<16xf32> to vector<1xf32>
    %squeeze3A_1139 = vector.extract %slice3A_1138[0] : f32 from vector<1xf32>
    %mul3A_1140 = vector.broadcast %squeeze3A_1139 : f32 to vector<16xf32>
    %mul3A_1141 = arith.mulf %get3A_1137, %mul3A_1140 : vector<16xf32>
    %add3A_1142 = arith.addf %add3A_1133, %mul3A_1141 : vector<16xf32>
    %get3A_1143 = arith.constant 29 : i32
    %get3A_1144 = arith.index_cast %get3A_1143 : i32 to index
    %get3A_1145 = arith.constant 48 : index
    %get3A_1146 = tpu.vector_load %arg6[%get3A_1144, %get3A_1145] {strides = array<i32>} : memref<32x208xf32, #tpu.memory_space<vmem>>, vector<16xf32>,
    %slice3A_1147 = vector.extract_strided_slice %get3A_7 {offsets = [13], sizes = [1], strides = [1]} : vector<16xf32> to vector<1xf32>
    %squeeze3A_1148 = vector.extract %slice3A_1147[0] : f32 from vector<1xf32>
    %mul3A_1149 = vector.broadcast %squeeze3A_1148 : f32 to vector<16xf32>
    %mul3A_1150 = arith.mulf %get3A_1146, %mul3A_1149 : vector<16xf32>
    %add3A_1151 = arith.addf %add3A_1142, %mul3A_1150 : vector<16xf32>
    %get3A_1152 = arith.constant 30 : i32
    %get3A_1153 = arith.index_cast %get3A_1152 : i32 to index
    %get3A_1154 = arith.constant 48 : index
    %get3A_1155 = tpu.vector_load %arg6[%get3A_1153, %get3A_1154] {strides = array<i32>} : memref<32x208xf32, #tpu.memory_space<vmem>>, vector<16xf32>,
    %slice3A_1156 = vector.extract_strided_slice %get3A_7 {offsets = [14], sizes = [1], strides = [1]} : vector<16xf32> to vector<1xf32>
    %squeeze3A_1157 = vector.extract %slice3A_1156[0] : f32 from vector<1xf32>
    %mul3A_1158 = vector.broadcast %squeeze3A_1157 : f32 to vector<16xf32>
    %mul3A_1159 = arith.mulf %get3A_1155, %mul3A_1158 : vector<16xf32>
    %add3A_1160 = arith.addf %add3A_1151, %mul3A_1159 : vector<16xf32>
    %get3A_1161 = arith.constant 31 : i32
    %get3A_1162 = arith.index_cast %get3A_1161 : i32 to index
    %get3A_1163 = arith.constant 48 : index
    %get3A_1164 = tpu.vector_load %arg6[%get3A_1162, %get3A_1163] {strides = array<i32>} : memref<32x208xf32, #tpu.memory_space<vmem>>, vector<16xf32>,
    %slice3A_1165 = vector.extract_strided_slice %get3A_7 {offsets = [15], sizes = [1], strides = [1]} : vector<16xf32> to vector<1xf32>
    %squeeze3A_1166 = vector.extract %slice3A_1165[0] : f32 from vector<1xf32>
    %mul3A_1167 = vector.broadcast %squeeze3A_1166 : f32 to vector<16xf32>
    %mul3A_1168 = arith.mulf %get3A_1164, %mul3A_1167 : vector<16xf32>
    %add3A_1169 = arith.addf %add3A_1160, %mul3A_1168 : vector<16xf32>
    %swap3A_1170 = arith.constant 48 : index
    %swap3A_1171 = tpu.vector_load %arg9[%swap3A_1170] {strides = array<i32>} : memref<208xf32, #tpu.memory_space<vmem>>, vector<16xf32>,
    tpu.vector_store %arg9[%swap3A_1170], %add3A_1169 {strides = array<i32>} : memref<208xf32, #tpu.memory_space<vmem>>, vector<16xf32>,
    %broadcast_in_dim3A_1172 = arith.constant 0.000000e+00 : f32
    %broadcast_in_dim3A_1173 = vector.broadcast %broadcast_in_dim3A_1172 : f32 to vector<16xf32>
    %get3A_1174 = arith.constant 0 : i32
    %get3A_1175 = arith.index_cast %get3A_1174 : i32 to index
    %get3A_1176 = arith.constant 64 : index
    %get3A_1177 = tpu.vector_load %arg6[%get3A_1175, %get3A_1176] {strides = array<i32>} : memref<32x208xf32, #tpu.memory_space<vmem>>, vector<16xf32>,
    %slice3A_1178 = vector.extract_strided_slice %get3A_5 {offsets = [0], sizes = [1], strides = [1]} : vector<16xf32> to vector<1xf32>
    %squeeze3A_1179 = vector.extract %slice3A_1178[0] : f32 from vector<1xf32>
    %mul3A_1180 = vector.broadcast %squeeze3A_1179 : f32 to vector<16xf32>
    %mul3A_1181 = arith.mulf %get3A_1177, %mul3A_1180 : vector<16xf32>
    %add3A_1182 = arith.addf %broadcast_in_dim3A_1173, %mul3A_1181 : vector<16xf32>
    %get3A_1183 = arith.constant 1 : i32
    %get3A_1184 = arith.index_cast %get3A_1183 : i32 to index
    %get3A_1185 = arith.constant 64 : index
    %get3A_1186 = tpu.vector_load %arg6[%get3A_1184, %get3A_1185] {strides = array<i32>} : memref<32x208xf32, #tpu.memory_space<vmem>>, vector<16xf32>,
    %slice3A_1187 = vector.extract_strided_slice %get3A_5 {offsets = [1], sizes = [1], strides = [1]} : vector<16xf32> to vector<1xf32>
    %squeeze3A_1188 = vector.extract %slice3A_1187[0] : f32 from vector<1xf32>
    %mul3A_1189 = vector.broadcast %squeeze3A_1188 : f32 to vector<16xf32>
    %mul3A_1190 = arith.mulf %get3A_1186, %mul3A_1189 : vector<16xf32>
    %add3A_1191 = arith.addf %add3A_1182, %mul3A_1190 : vector<16xf32>
    %get3A_1192 = arith.constant 2 : i32
    %get3A_1193 = arith.index_cast %get3A_1192 : i32 to index
    %get3A_1194 = arith.constant 64 : index
    %get3A_1195 = tpu.vector_load %arg6[%get3A_1193, %get3A_1194] {strides = array<i32>} : memref<32x208xf32, #tpu.memory_space<vmem>>, vector<16xf32>,
    %slice3A_1196 = vector.extract_strided_slice %get3A_5 {offsets = [2], sizes = [1], strides = [1]} : vector<16xf32> to vector<1xf32>
    %squeeze3A_1197 = vector.extract %slice3A_1196[0] : f32 from vector<1xf32>
    %mul3A_1198 = vector.broadcast %squeeze3A_1197 : f32 to vector<16xf32>
    %mul3A_1199 = arith.mulf %get3A_1195, %mul3A_1198 : vector<16xf32>
    %add3A_1200 = arith.addf %add3A_1191, %mul3A_1199 : vector<16xf32>
    %get3A_1201 = arith.constant 3 : i32
    %get3A_1202 = arith.index_cast %get3A_1201 : i32 to index
    %get3A_1203 = arith.constant 64 : index
    %get3A_1204 = tpu.vector_load %arg6[%get3A_1202, %get3A_1203] {strides = array<i32>} : memref<32x208xf32, #tpu.memory_space<vmem>>, vector<16xf32>,
    %slice3A_1205 = vector.extract_strided_slice %get3A_5 {offsets = [3], sizes = [1], strides = [1]} : vector<16xf32> to vector<1xf32>
    %squeeze3A_1206 = vector.extract %slice3A_1205[0] : f32 from vector<1xf32>
    %mul3A_1207 = vector.broadcast %squeeze3A_1206 : f32 to vector<16xf32>
    %mul3A_1208 = arith.mulf %get3A_1204, %mul3A_1207 : vector<16xf32>
    %add3A_1209 = arith.addf %add3A_1200, %mul3A_1208 : vector<16xf32>
    %get3A_1210 = arith.constant 4 : i32
    %get3A_1211 = arith.index_cast %get3A_1210 : i32 to index
    %get3A_1212 = arith.constant 64 : index
    %get3A_1213 = tpu.vector_load %arg6[%get3A_1211, %get3A_1212] {strides = array<i32>} : memref<32x208xf32, #tpu.memory_space<vmem>>, vector<16xf32>,
    %slice3A_1214 = vector.extract_strided_slice %get3A_5 {offsets = [4], sizes = [1], strides = [1]} : vector<16xf32> to vector<1xf32>
    %squeeze3A_1215 = vector.extract %slice3A_1214[0] : f32 from vector<1xf32>
    %mul3A_1216 = vector.broadcast %squeeze3A_1215 : f32 to vector<16xf32>
    %mul3A_1217 = arith.mulf %get3A_1213, %mul3A_1216 : vector<16xf32>
    %add3A_1218 = arith.addf %add3A_1209, %mul3A_1217 : vector<16xf32>
    %get3A_1219 = arith.constant 5 : i32
    %get3A_1220 = arith.index_cast %get3A_1219 : i32 to index
    %get3A_1221 = arith.constant 64 : index
    %get3A_1222 = tpu.vector_load %arg6[%get3A_1220, %get3A_1221] {strides = array<i32>} : memref<32x208xf32, #tpu.memory_space<vmem>>, vector<16xf32>,
    %slice3A_1223 = vector.extract_strided_slice %get3A_5 {offsets = [5], sizes = [1], strides = [1]} : vector<16xf32> to vector<1xf32>
    %squeeze3A_1224 = vector.extract %slice3A_1223[0] : f32 from vector<1xf32>
    %mul3A_1225 = vector.broadcast %squeeze3A_1224 : f32 to vector<16xf32>
    %mul3A_1226 = arith.mulf %get3A_1222, %mul3A_1225 : vector<16xf32>
    %add3A_1227 = arith.addf %add3A_1218, %mul3A_1226 : vector<16xf32>
    %get3A_1228 = arith.constant 6 : i32
    %get3A_1229 = arith.index_cast %get3A_1228 : i32 to index
    %get3A_1230 = arith.constant 64 : index
    %get3A_1231 = tpu.vector_load %arg6[%get3A_1229, %get3A_1230] {strides = array<i32>} : memref<32x208xf32, #tpu.memory_space<vmem>>, vector<16xf32>,
    %slice3A_1232 = vector.extract_strided_slice %get3A_5 {offsets = [6], sizes = [1], strides = [1]} : vector<16xf32> to vector<1xf32>
    %squeeze3A_1233 = vector.extract %slice3A_1232[0] : f32 from vector<1xf32>
    %mul3A_1234 = vector.broadcast %squeeze3A_1233 : f32 to vector<16xf32>
    %mul3A_1235 = arith.mulf %get3A_1231, %mul3A_1234 : vector<16xf32>
    %add3A_1236 = arith.addf %add3A_1227, %mul3A_1235 : vector<16xf32>
    %get3A_1237 = arith.constant 7 : i32
    %get3A_1238 = arith.index_cast %get3A_1237 : i32 to index
    %get3A_1239 = arith.constant 64 : index
    %get3A_1240 = tpu.vector_load %arg6[%get3A_1238, %get3A_1239] {strides = array<i32>} : memref<32x208xf32, #tpu.memory_space<vmem>>, vector<16xf32>,
    %slice3A_1241 = vector.extract_strided_slice %get3A_5 {offsets = [7], sizes = [1], strides = [1]} : vector<16xf32> to vector<1xf32>
    %squeeze3A_1242 = vector.extract %slice3A_1241[0] : f32 from vector<1xf32>
    %mul3A_1243 = vector.broadcast %squeeze3A_1242 : f32 to vector<16xf32>
    %mul3A_1244 = arith.mulf %get3A_1240, %mul3A_1243 : vector<16xf32>
    %add3A_1245 = arith.addf %add3A_1236, %mul3A_1244 : vector<16xf32>
    %get3A_1246 = arith.constant 8 : i32
    %get3A_1247 = arith.index_cast %get3A_1246 : i32 to index
    %get3A_1248 = arith.constant 64 : index
    %get3A_1249 = tpu.vector_load %arg6[%get3A_1247, %get3A_1248] {strides = array<i32>} : memref<32x208xf32, #tpu.memory_space<vmem>>, vector<16xf32>,
    %slice3A_1250 = vector.extract_strided_slice %get3A_5 {offsets = [8], sizes = [1], strides = [1]} : vector<16xf32> to vector<1xf32>
    %squeeze3A_1251 = vector.extract %slice3A_1250[0] : f32 from vector<1xf32>
    %mul3A_1252 = vector.broadcast %squeeze3A_1251 : f32 to vector<16xf32>
    %mul3A_1253 = arith.mulf %get3A_1249, %mul3A_1252 : vector<16xf32>
    %add3A_1254 = arith.addf %add3A_1245, %mul3A_1253 : vector<16xf32>
    %get3A_1255 = arith.constant 9 : i32
    %get3A_1256 = arith.index_cast %get3A_1255 : i32 to index
    %get3A_1257 = arith.constant 64 : index
    %get3A_1258 = tpu.vector_load %arg6[%get3A_1256, %get3A_1257] {strides = array<i32>} : memref<32x208xf32, #tpu.memory_space<vmem>>, vector<16xf32>,
    %slice3A_1259 = vector.extract_strided_slice %get3A_5 {offsets = [9], sizes = [1], strides = [1]} : vector<16xf32> to vector<1xf32>
    %squeeze3A_1260 = vector.extract %slice3A_1259[0] : f32 from vector<1xf32>
    %mul3A_1261 = vector.broadcast %squeeze3A_1260 : f32 to vector<16xf32>
    %mul3A_1262 = arith.mulf %get3A_1258, %mul3A_1261 : vector<16xf32>
    %add3A_1263 = arith.addf %add3A_1254, %mul3A_1262 : vector<16xf32>
    %get3A_1264 = arith.constant 10 : i32
    %get3A_1265 = arith.index_cast %get3A_1264 : i32 to index
    %get3A_1266 = arith.constant 64 : index
    %get3A_1267 = tpu.vector_load %arg6[%get3A_1265, %get3A_1266] {strides = array<i32>} : memref<32x208xf32, #tpu.memory_space<vmem>>, vector<16xf32>,
    %slice3A_1268 = vector.extract_strided_slice %get3A_5 {offsets = [10], sizes = [1], strides = [1]} : vector<16xf32> to vector<1xf32>
    %squeeze3A_1269 = vector.extract %slice3A_1268[0] : f32 from vector<1xf32>
    %mul3A_1270 = vector.broadcast %squeeze3A_1269 : f32 to vector<16xf32>
    %mul3A_1271 = arith.mulf %get3A_1267, %mul3A_1270 : vector<16xf32>
    %add3A_1272 = arith.addf %add3A_1263, %mul3A_1271 : vector<16xf32>
    %get3A_1273 = arith.constant 11 : i32
    %get3A_1274 = arith.index_cast %get3A_1273 : i32 to index
    %get3A_1275 = arith.constant 64 : index
    %get3A_1276 = tpu.vector_load %arg6[%get3A_1274, %get3A_1275] {strides = array<i32>} : memref<32x208xf32, #tpu.memory_space<vmem>>, vector<16xf32>,
    %slice3A_1277 = vector.extract_strided_slice %get3A_5 {offsets = [11], sizes = [1], strides = [1]} : vector<16xf32> to vector<1xf32>
    %squeeze3A_1278 = vector.extract %slice3A_1277[0] : f32 from vector<1xf32>
    %mul3A_1279 = vector.broadcast %squeeze3A_1278 : f32 to vector<16xf32>
    %mul3A_1280 = arith.mulf %get3A_1276, %mul3A_1279 : vector<16xf32>
    %add3A_1281 = arith.addf %add3A_1272, %mul3A_1280 : vector<16xf32>
    %get3A_1282 = arith.constant 12 : i32
    %get3A_1283 = arith.index_cast %get3A_1282 : i32 to index
    %get3A_1284 = arith.constant 64 : index
    %get3A_1285 = tpu.vector_load %arg6[%get3A_1283, %get3A_1284] {strides = array<i32>} : memref<32x208xf32, #tpu.memory_space<vmem>>, vector<16xf32>,
    %slice3A_1286 = vector.extract_strided_slice %get3A_5 {offsets = [12], sizes = [1], strides = [1]} : vector<16xf32> to vector<1xf32>
    %squeeze3A_1287 = vector.extract %slice3A_1286[0] : f32 from vector<1xf32>
    %mul3A_1288 = vector.broadcast %squeeze3A_1287 : f32 to vector<16xf32>
    %mul3A_1289 = arith.mulf %get3A_1285, %mul3A_1288 : vector<16xf32>
    %add3A_1290 = arith.addf %add3A_1281, %mul3A_1289 : vector<16xf32>
    %get3A_1291 = arith.constant 13 : i32
    %get3A_1292 = arith.index_cast %get3A_1291 : i32 to index
    %get3A_1293 = arith.constant 64 : index
    %get3A_1294 = tpu.vector_load %arg6[%get3A_1292, %get3A_1293] {strides = array<i32>} : memref<32x208xf32, #tpu.memory_space<vmem>>, vector<16xf32>,
    %slice3A_1295 = vector.extract_strided_slice %get3A_5 {offsets = [13], sizes = [1], strides = [1]} : vector<16xf32> to vector<1xf32>
    %squeeze3A_1296 = vector.extract %slice3A_1295[0] : f32 from vector<1xf32>
    %mul3A_1297 = vector.broadcast %squeeze3A_1296 : f32 to vector<16xf32>
    %mul3A_1298 = arith.mulf %get3A_1294, %mul3A_1297 : vector<16xf32>
    %add3A_1299 = arith.addf %add3A_1290, %mul3A_1298 : vector<16xf32>
    %get3A_1300 = arith.constant 14 : i32
    %get3A_1301 = arith.index_cast %get3A_1300 : i32 to index
    %get3A_1302 = arith.constant 64 : index
    %get3A_1303 = tpu.vector_load %arg6[%get3A_1301, %get3A_1302] {strides = array<i32>} : memref<32x208xf32, #tpu.memory_space<vmem>>, vector<16xf32>,
    %slice3A_1304 = vector.extract_strided_slice %get3A_5 {offsets = [14], sizes = [1], strides = [1]} : vector<16xf32> to vector<1xf32>
    %squeeze3A_1305 = vector.extract %slice3A_1304[0] : f32 from vector<1xf32>
    %mul3A_1306 = vector.broadcast %squeeze3A_1305 : f32 to vector<16xf32>
    %mul3A_1307 = arith.mulf %get3A_1303, %mul3A_1306 : vector<16xf32>
    %add3A_1308 = arith.addf %add3A_1299, %mul3A_1307 : vector<16xf32>
    %get3A_1309 = arith.constant 15 : i32
    %get3A_1310 = arith.index_cast %get3A_1309 : i32 to index
    %get3A_1311 = arith.constant 64 : index
    %get3A_1312 = tpu.vector_load %arg6[%get3A_1310, %get3A_1311] {strides = array<i32>} : memref<32x208xf32, #tpu.memory_space<vmem>>, vector<16xf32>,
    %slice3A_1313 = vector.extract_strided_slice %get3A_5 {offsets = [15], sizes = [1], strides = [1]} : vector<16xf32> to vector<1xf32>
    %squeeze3A_1314 = vector.extract %slice3A_1313[0] : f32 from vector<1xf32>
    %mul3A_1315 = vector.broadcast %squeeze3A_1314 : f32 to vector<16xf32>
    %mul3A_1316 = arith.mulf %get3A_1312, %mul3A_1315 : vector<16xf32>
    %add3A_1317 = arith.addf %add3A_1308, %mul3A_1316 : vector<16xf32>
    %get3A_1318 = arith.constant 16 : i32
    %get3A_1319 = arith.index_cast %get3A_1318 : i32 to index
    %get3A_1320 = arith.constant 64 : index
    %get3A_1321 = tpu.vector_load %arg6[%get3A_1319, %get3A_1320] {strides = array<i32>} : memref<32x208xf32, #tpu.memory_space<vmem>>, vector<16xf32>,
    %slice3A_1322 = vector.extract_strided_slice %get3A_7 {offsets = [0], sizes = [1], strides = [1]} : vector<16xf32> to vector<1xf32>
    %squeeze3A_1323 = vector.extract %slice3A_1322[0] : f32 from vector<1xf32>
    %mul3A_1324 = vector.broadcast %squeeze3A_1323 : f32 to vector<16xf32>
    %mul3A_1325 = arith.mulf %get3A_1321, %mul3A_1324 : vector<16xf32>
    %add3A_1326 = arith.addf %add3A_1317, %mul3A_1325 : vector<16xf32>
    %get3A_1327 = arith.constant 17 : i32
    %get3A_1328 = arith.index_cast %get3A_1327 : i32 to index
    %get3A_1329 = arith.constant 64 : index
    %get3A_1330 = tpu.vector_load %arg6[%get3A_1328, %get3A_1329] {strides = array<i32>} : memref<32x208xf32, #tpu.memory_space<vmem>>, vector<16xf32>,
    %slice3A_1331 = vector.extract_strided_slice %get3A_7 {offsets = [1], sizes = [1], strides = [1]} : vector<16xf32> to vector<1xf32>
    %squeeze3A_1332 = vector.extract %slice3A_1331[0] : f32 from vector<1xf32>
    %mul3A_1333 = vector.broadcast %squeeze3A_1332 : f32 to vector<16xf32>
    %mul3A_1334 = arith.mulf %get3A_1330, %mul3A_1333 : vector<16xf32>
    %add3A_1335 = arith.addf %add3A_1326, %mul3A_1334 : vector<16xf32>
    %get3A_1336 = arith.constant 18 : i32
    %get3A_1337 = arith.index_cast %get3A_1336 : i32 to index
    %get3A_1338 = arith.constant 64 : index
    %get3A_1339 = tpu.vector_load %arg6[%get3A_1337, %get3A_1338] {strides = array<i32>} : memref<32x208xf32, #tpu.memory_space<vmem>>, vector<16xf32>,
    %slice3A_1340 = vector.extract_strided_slice %get3A_7 {offsets = [2], sizes = [1], strides = [1]} : vector<16xf32> to vector<1xf32>
    %squeeze3A_1341 = vector.extract %slice3A_1340[0] : f32 from vector<1xf32>
    %mul3A_1342 = vector.broadcast %squeeze3A_1341 : f32 to vector<16xf32>
    %mul3A_1343 = arith.mulf %get3A_1339, %mul3A_1342 : vector<16xf32>
    %add3A_1344 = arith.addf %add3A_1335, %mul3A_1343 : vector<16xf32>
    %get3A_1345 = arith.constant 19 : i32
    %get3A_1346 = arith.index_cast %get3A_1345 : i32 to index
    %get3A_1347 = arith.constant 64 : index
    %get3A_1348 = tpu.vector_load %arg6[%get3A_1346, %get3A_1347] {strides = array<i32>} : memref<32x208xf32, #tpu.memory_space<vmem>>, vector<16xf32>,
    %slice3A_1349 = vector.extract_strided_slice %get3A_7 {offsets = [3], sizes = [1], strides = [1]} : vector<16xf32> to vector<1xf32>
    %squeeze3A_1350 = vector.extract %slice3A_1349[0] : f32 from vector<1xf32>
    %mul3A_1351 = vector.broadcast %squeeze3A_1350 : f32 to vector<16xf32>
    %mul3A_1352 = arith.mulf %get3A_1348, %mul3A_1351 : vector<16xf32>
    %add3A_1353 = arith.addf %add3A_1344, %mul3A_1352 : vector<16xf32>
    %get3A_1354 = arith.constant 20 : i32
    %get3A_1355 = arith.index_cast %get3A_1354 : i32 to index
    %get3A_1356 = arith.constant 64 : index
    %get3A_1357 = tpu.vector_load %arg6[%get3A_1355, %get3A_1356] {strides = array<i32>} : memref<32x208xf32, #tpu.memory_space<vmem>>, vector<16xf32>,
    %slice3A_1358 = vector.extract_strided_slice %get3A_7 {offsets = [4], sizes = [1], strides = [1]} : vector<16xf32> to vector<1xf32>
    %squeeze3A_1359 = vector.extract %slice3A_1358[0] : f32 from vector<1xf32>
    %mul3A_1360 = vector.broadcast %squeeze3A_1359 : f32 to vector<16xf32>
    %mul3A_1361 = arith.mulf %get3A_1357, %mul3A_1360 : vector<16xf32>
    %add3A_1362 = arith.addf %add3A_1353, %mul3A_1361 : vector<16xf32>
    %get3A_1363 = arith.constant 21 : i32
    %get3A_1364 = arith.index_cast %get3A_1363 : i32 to index
    %get3A_1365 = arith.constant 64 : index
    %get3A_1366 = tpu.vector_load %arg6[%get3A_1364, %get3A_1365] {strides = array<i32>} : memref<32x208xf32, #tpu.memory_space<vmem>>, vector<16xf32>,
    %slice3A_1367 = vector.extract_strided_slice %get3A_7 {offsets = [5], sizes = [1], strides = [1]} : vector<16xf32> to vector<1xf32>
    %squeeze3A_1368 = vector.extract %slice3A_1367[0] : f32 from vector<1xf32>
    %mul3A_1369 = vector.broadcast %squeeze3A_1368 : f32 to vector<16xf32>
    %mul3A_1370 = arith.mulf %get3A_1366, %mul3A_1369 : vector<16xf32>
    %add3A_1371 = arith.addf %add3A_1362, %mul3A_1370 : vector<16xf32>
    %get3A_1372 = arith.constant 22 : i32
    %get3A_1373 = arith.index_cast %get3A_1372 : i32 to index
    %get3A_1374 = arith.constant 64 : index
    %get3A_1375 = tpu.vector_load %arg6[%get3A_1373, %get3A_1374] {strides = array<i32>} : memref<32x208xf32, #tpu.memory_space<vmem>>, vector<16xf32>,
    %slice3A_1376 = vector.extract_strided_slice %get3A_7 {offsets = [6], sizes = [1], strides = [1]} : vector<16xf32> to vector<1xf32>
    %squeeze3A_1377 = vector.extract %slice3A_1376[0] : f32 from vector<1xf32>
    %mul3A_1378 = vector.broadcast %squeeze3A_1377 : f32 to vector<16xf32>
    %mul3A_1379 = arith.mulf %get3A_1375, %mul3A_1378 : vector<16xf32>
    %add3A_1380 = arith.addf %add3A_1371, %mul3A_1379 : vector<16xf32>
    %get3A_1381 = arith.constant 23 : i32
    %get3A_1382 = arith.index_cast %get3A_1381 : i32 to index
    %get3A_1383 = arith.constant 64 : index
    %get3A_1384 = tpu.vector_load %arg6[%get3A_1382, %get3A_1383] {strides = array<i32>} : memref<32x208xf32, #tpu.memory_space<vmem>>, vector<16xf32>,
    %slice3A_1385 = vector.extract_strided_slice %get3A_7 {offsets = [7], sizes = [1], strides = [1]} : vector<16xf32> to vector<1xf32>
    %squeeze3A_1386 = vector.extract %slice3A_1385[0] : f32 from vector<1xf32>
    %mul3A_1387 = vector.broadcast %squeeze3A_1386 : f32 to vector<16xf32>
    %mul3A_1388 = arith.mulf %get3A_1384, %mul3A_1387 : vector<16xf32>
    %add3A_1389 = arith.addf %add3A_1380, %mul3A_1388 : vector<16xf32>
    %get3A_1390 = arith.constant 24 : i32
    %get3A_1391 = arith.index_cast %get3A_1390 : i32 to index
    %get3A_1392 = arith.constant 64 : index
    %get3A_1393 = tpu.vector_load %arg6[%get3A_1391, %get3A_1392] {strides = array<i32>} : memref<32x208xf32, #tpu.memory_space<vmem>>, vector<16xf32>,
    %slice3A_1394 = vector.extract_strided_slice %get3A_7 {offsets = [8], sizes = [1], strides = [1]} : vector<16xf32> to vector<1xf32>
    %squeeze3A_1395 = vector.extract %slice3A_1394[0] : f32 from vector<1xf32>
    %mul3A_1396 = vector.broadcast %squeeze3A_1395 : f32 to vector<16xf32>
    %mul3A_1397 = arith.mulf %get3A_1393, %mul3A_1396 : vector<16xf32>
    %add3A_1398 = arith.addf %add3A_1389, %mul3A_1397 : vector<16xf32>
    %get3A_1399 = arith.constant 25 : i32
    %get3A_1400 = arith.index_cast %get3A_1399 : i32 to index
    %get3A_1401 = arith.constant 64 : index
    %get3A_1402 = tpu.vector_load %arg6[%get3A_1400, %get3A_1401] {strides = array<i32>} : memref<32x208xf32, #tpu.memory_space<vmem>>, vector<16xf32>,
    %slice3A_1403 = vector.extract_strided_slice %get3A_7 {offsets = [9], sizes = [1], strides = [1]} : vector<16xf32> to vector<1xf32>
    %squeeze3A_1404 = vector.extract %slice3A_1403[0] : f32 from vector<1xf32>
    %mul3A_1405 = vector.broadcast %squeeze3A_1404 : f32 to vector<16xf32>
    %mul3A_1406 = arith.mulf %get3A_1402, %mul3A_1405 : vector<16xf32>
    %add3A_1407 = arith.addf %add3A_1398, %mul3A_1406 : vector<16xf32>
    %get3A_1408 = arith.constant 26 : i32
    %get3A_1409 = arith.index_cast %get3A_1408 : i32 to index
    %get3A_1410 = arith.constant 64 : index
    %get3A_1411 = tpu.vector_load %arg6[%get3A_1409, %get3A_1410] {strides = array<i32>} : memref<32x208xf32, #tpu.memory_space<vmem>>, vector<16xf32>,
    %slice3A_1412 = vector.extract_strided_slice %get3A_7 {offsets = [10], sizes = [1], strides = [1]} : vector<16xf32> to vector<1xf32>
    %squeeze3A_1413 = vector.extract %slice3A_1412[0] : f32 from vector<1xf32>
    %mul3A_1414 = vector.broadcast %squeeze3A_1413 : f32 to vector<16xf32>
    %mul3A_1415 = arith.mulf %get3A_1411, %mul3A_1414 : vector<16xf32>
    %add3A_1416 = arith.addf %add3A_1407, %mul3A_1415 : vector<16xf32>
    %get3A_1417 = arith.constant 27 : i32
    %get3A_1418 = arith.index_cast %get3A_1417 : i32 to index
    %get3A_1419 = arith.constant 64 : index
    %get3A_1420 = tpu.vector_load %arg6[%get3A_1418, %get3A_1419] {strides = array<i32>} : memref<32x208xf32, #tpu.memory_space<vmem>>, vector<16xf32>,
    %slice3A_1421 = vector.extract_strided_slice %get3A_7 {offsets = [11], sizes = [1], strides = [1]} : vector<16xf32> to vector<1xf32>
    %squeeze3A_1422 = vector.extract %slice3A_1421[0] : f32 from vector<1xf32>
    %mul3A_1423 = vector.broadcast %squeeze3A_1422 : f32 to vector<16xf32>
    %mul3A_1424 = arith.mulf %get3A_1420, %mul3A_1423 : vector<16xf32>
    %add3A_1425 = arith.addf %add3A_1416, %mul3A_1424 : vector<16xf32>
    %get3A_1426 = arith.constant 28 : i32
    %get3A_1427 = arith.index_cast %get3A_1426 : i32 to index
    %get3A_1428 = arith.constant 64 : index
    %get3A_1429 = tpu.vector_load %arg6[%get3A_1427, %get3A_1428] {strides = array<i32>} : memref<32x208xf32, #tpu.memory_space<vmem>>, vector<16xf32>,
    %slice3A_1430 = vector.extract_strided_slice %get3A_7 {offsets = [12], sizes = [1], strides = [1]} : vector<16xf32> to vector<1xf32>
    %squeeze3A_1431 = vector.extract %slice3A_1430[0] : f32 from vector<1xf32>
    %mul3A_1432 = vector.broadcast %squeeze3A_1431 : f32 to vector<16xf32>
    %mul3A_1433 = arith.mulf %get3A_1429, %mul3A_1432 : vector<16xf32>
    %add3A_1434 = arith.addf %add3A_1425, %mul3A_1433 : vector<16xf32>
    %get3A_1435 = arith.constant 29 : i32
    %get3A_1436 = arith.index_cast %get3A_1435 : i32 to index
    %get3A_1437 = arith.constant 64 : index
    %get3A_1438 = tpu.vector_load %arg6[%get3A_1436, %get3A_1437] {strides = array<i32>} : memref<32x208xf32, #tpu.memory_space<vmem>>, vector<16xf32>,
    %slice3A_1439 = vector.extract_strided_slice %get3A_7 {offsets = [13], sizes = [1], strides = [1]} : vector<16xf32> to vector<1xf32>
    %squeeze3A_1440 = vector.extract %slice3A_1439[0] : f32 from vector<1xf32>
    %mul3A_1441 = vector.broadcast %squeeze3A_1440 : f32 to vector<16xf32>
    %mul3A_1442 = arith.mulf %get3A_1438, %mul3A_1441 : vector<16xf32>
    %add3A_1443 = arith.addf %add3A_1434, %mul3A_1442 : vector<16xf32>
    %get3A_1444 = arith.constant 30 : i32
    %get3A_1445 = arith.index_cast %get3A_1444 : i32 to index
    %get3A_1446 = arith.constant 64 : index
    %get3A_1447 = tpu.vector_load %arg6[%get3A_1445, %get3A_1446] {strides = array<i32>} : memref<32x208xf32, #tpu.memory_space<vmem>>, vector<16xf32>,
    %slice3A_1448 = vector.extract_strided_slice %get3A_7 {offsets = [14], sizes = [1], strides = [1]} : vector<16xf32> to vector<1xf32>
    %squeeze3A_1449 = vector.extract %slice3A_1448[0] : f32 from vector<1xf32>
    %mul3A_1450 = vector.broadcast %squeeze3A_1449 : f32 to vector<16xf32>
    %mul3A_1451 = arith.mulf %get3A_1447, %mul3A_1450 : vector<16xf32>
    %add3A_1452 = arith.addf %add3A_1443, %mul3A_1451 : vector<16xf32>
    %get3A_1453 = arith.constant 31 : i32
    %get3A_1454 = arith.index_cast %get3A_1453 : i32 to index
    %get3A_1455 = arith.constant 64 : index
    %get3A_1456 = tpu.vector_load %arg6[%get3A_1454, %get3A_1455] {strides = array<i32>} : memref<32x208xf32, #tpu.memory_space<vmem>>, vector<16xf32>,
    %slice3A_1457 = vector.extract_strided_slice %get3A_7 {offsets = [15], sizes = [1], strides = [1]} : vector<16xf32> to vector<1xf32>
    %squeeze3A_1458 = vector.extract %slice3A_1457[0] : f32 from vector<1xf32>
    %mul3A_1459 = vector.broadcast %squeeze3A_1458 : f32 to vector<16xf32>
    %mul3A_1460 = arith.mulf %get3A_1456, %mul3A_1459 : vector<16xf32>
    %add3A_1461 = arith.addf %add3A_1452, %mul3A_1460 : vector<16xf32>
    %swap3A_1462 = arith.constant 64 : index
    %swap3A_1463 = tpu.vector_load %arg9[%swap3A_1462] {strides = array<i32>} : memref<208xf32, #tpu.memory_space<vmem>>, vector<16xf32>,
    tpu.vector_store %arg9[%swap3A_1462], %add3A_1461 {strides = array<i32>} : memref<208xf32, #tpu.memory_space<vmem>>, vector<16xf32>,
    %broadcast_in_dim3A_1464 = arith.constant 0.000000e+00 : f32
    %broadcast_in_dim3A_1465 = vector.broadcast %broadcast_in_dim3A_1464 : f32 to vector<16xf32>
    %get3A_1466 = arith.constant 0 : i32
    %get3A_1467 = arith.index_cast %get3A_1466 : i32 to index
    %get3A_1468 = arith.constant 80 : index
    %get3A_1469 = tpu.vector_load %arg6[%get3A_1467, %get3A_1468] {strides = array<i32>} : memref<32x208xf32, #tpu.memory_space<vmem>>, vector<16xf32>,
    %slice3A_1470 = vector.extract_strided_slice %get3A_5 {offsets = [0], sizes = [1], strides = [1]} : vector<16xf32> to vector<1xf32>
    %squeeze3A_1471 = vector.extract %slice3A_1470[0] : f32 from vector<1xf32>
    %mul3A_1472 = vector.broadcast %squeeze3A_1471 : f32 to vector<16xf32>
    %mul3A_1473 = arith.mulf %get3A_1469, %mul3A_1472 : vector<16xf32>
    %add3A_1474 = arith.addf %broadcast_in_dim3A_1465, %mul3A_1473 : vector<16xf32>
    %get3A_1475 = arith.constant 1 : i32
    %get3A_1476 = arith.index_cast %get3A_1475 : i32 to index
    %get3A_1477 = arith.constant 80 : index
    %get3A_1478 = tpu.vector_load %arg6[%get3A_1476, %get3A_1477] {strides = array<i32>} : memref<32x208xf32, #tpu.memory_space<vmem>>, vector<16xf32>,
    %slice3A_1479 = vector.extract_strided_slice %get3A_5 {offsets = [1], sizes = [1], strides = [1]} : vector<16xf32> to vector<1xf32>
    %squeeze3A_1480 = vector.extract %slice3A_1479[0] : f32 from vector<1xf32>
    %mul3A_1481 = vector.broadcast %squeeze3A_1480 : f32 to vector<16xf32>
    %mul3A_1482 = arith.mulf %get3A_1478, %mul3A_1481 : vector<16xf32>
    %add3A_1483 = arith.addf %add3A_1474, %mul3A_1482 : vector<16xf32>
    %get3A_1484 = arith.constant 2 : i32
    %get3A_1485 = arith.index_cast %get3A_1484 : i32 to index
    %get3A_1486 = arith.constant 80 : index
    %get3A_1487 = tpu.vector_load %arg6[%get3A_1485, %get3A_1486] {strides = array<i32>} : memref<32x208xf32, #tpu.memory_space<vmem>>, vector<16xf32>,
    %slice3A_1488 = vector.extract_strided_slice %get3A_5 {offsets = [2], sizes = [1], strides = [1]} : vector<16xf32> to vector<1xf32>
    %squeeze3A_1489 = vector.extract %slice3A_1488[0] : f32 from vector<1xf32>
    %mul3A_1490 = vector.broadcast %squeeze3A_1489 : f32 to vector<16xf32>
    %mul3A_1491 = arith.mulf %get3A_1487, %mul3A_1490 : vector<16xf32>
    %add3A_1492 = arith.addf %add3A_1483, %mul3A_1491 : vector<16xf32>
    %get3A_1493 = arith.constant 3 : i32
    %get3A_1494 = arith.index_cast %get3A_1493 : i32 to index
    %get3A_1495 = arith.constant 80 : index
    %get3A_1496 = tpu.vector_load %arg6[%get3A_1494, %get3A_1495] {strides = array<i32>} : memref<32x208xf32, #tpu.memory_space<vmem>>, vector<16xf32>,
    %slice3A_1497 = vector.extract_strided_slice %get3A_5 {offsets = [3], sizes = [1], strides = [1]} : vector<16xf32> to vector<1xf32>
    %squeeze3A_1498 = vector.extract %slice3A_1497[0] : f32 from vector<1xf32>
    %mul3A_1499 = vector.broadcast %squeeze3A_1498 : f32 to vector<16xf32>
    %mul3A_1500 = arith.mulf %get3A_1496, %mul3A_1499 : vector<16xf32>
    %add3A_1501 = arith.addf %add3A_1492, %mul3A_1500 : vector<16xf32>
    %get3A_1502 = arith.constant 4 : i32
    %get3A_1503 = arith.index_cast %get3A_1502 : i32 to index
    %get3A_1504 = arith.constant 80 : index
    %get3A_1505 = tpu.vector_load %arg6[%get3A_1503, %get3A_1504] {strides = array<i32>} : memref<32x208xf32, #tpu.memory_space<vmem>>, vector<16xf32>,
    %slice3A_1506 = vector.extract_strided_slice %get3A_5 {offsets = [4], sizes = [1], strides = [1]} : vector<16xf32> to vector<1xf32>
    %squeeze3A_1507 = vector.extract %slice3A_1506[0] : f32 from vector<1xf32>
    %mul3A_1508 = vector.broadcast %squeeze3A_1507 : f32 to vector<16xf32>
    %mul3A_1509 = arith.mulf %get3A_1505, %mul3A_1508 : vector<16xf32>
    %add3A_1510 = arith.addf %add3A_1501, %mul3A_1509 : vector<16xf32>
    %get3A_1511 = arith.constant 5 : i32
    %get3A_1512 = arith.index_cast %get3A_1511 : i32 to index
    %get3A_1513 = arith.constant 80 : index
    %get3A_1514 = tpu.vector_load %arg6[%get3A_1512, %get3A_1513] {strides = array<i32>} : memref<32x208xf32, #tpu.memory_space<vmem>>, vector<16xf32>,
    %slice3A_1515 = vector.extract_strided_slice %get3A_5 {offsets = [5], sizes = [1], strides = [1]} : vector<16xf32> to vector<1xf32>
    %squeeze3A_1516 = vector.extract %slice3A_1515[0] : f32 from vector<1xf32>
    %mul3A_1517 = vector.broadcast %squeeze3A_1516 : f32 to vector<16xf32>
    %mul3A_1518 = arith.mulf %get3A_1514, %mul3A_1517 : vector<16xf32>
    %add3A_1519 = arith.addf %add3A_1510, %mul3A_1518 : vector<16xf32>
    %get3A_1520 = arith.constant 6 : i32
    %get3A_1521 = arith.index_cast %get3A_1520 : i32 to index
    %get3A_1522 = arith.constant 80 : index
    %get3A_1523 = tpu.vector_load %arg6[%get3A_1521, %get3A_1522] {strides = array<i32>} : memref<32x208xf32, #tpu.memory_space<vmem>>, vector<16xf32>,
    %slice3A_1524 = vector.extract_strided_slice %get3A_5 {offsets = [6], sizes = [1], strides = [1]} : vector<16xf32> to vector<1xf32>
    %squeeze3A_1525 = vector.extract %slice3A_1524[0] : f32 from vector<1xf32>
    %mul3A_1526 = vector.broadcast %squeeze3A_1525 : f32 to vector<16xf32>
    %mul3A_1527 = arith.mulf %get3A_1523, %mul3A_1526 : vector<16xf32>
    %add3A_1528 = arith.addf %add3A_1519, %mul3A_1527 : vector<16xf32>
    %get3A_1529 = arith.constant 7 : i32
    %get3A_1530 = arith.index_cast %get3A_1529 : i32 to index
    %get3A_1531 = arith.constant 80 : index
    %get3A_1532 = tpu.vector_load %arg6[%get3A_1530, %get3A_1531] {strides = array<i32>} : memref<32x208xf32, #tpu.memory_space<vmem>>, vector<16xf32>,
    %slice3A_1533 = vector.extract_strided_slice %get3A_5 {offsets = [7], sizes = [1], strides = [1]} : vector<16xf32> to vector<1xf32>
    %squeeze3A_1534 = vector.extract %slice3A_1533[0] : f32 from vector<1xf32>
    %mul3A_1535 = vector.broadcast %squeeze3A_1534 : f32 to vector<16xf32>
    %mul3A_1536 = arith.mulf %get3A_1532, %mul3A_1535 : vector<16xf32>
    %add3A_1537 = arith.addf %add3A_1528, %mul3A_1536 : vector<16xf32>
    %get3A_1538 = arith.constant 8 : i32
    %get3A_1539 = arith.index_cast %get3A_1538 : i32 to index
    %get3A_1540 = arith.constant 80 : index
    %get3A_1541 = tpu.vector_load %arg6[%get3A_1539, %get3A_1540] {strides = array<i32>} : memref<32x208xf32, #tpu.memory_space<vmem>>, vector<16xf32>,
    %slice3A_1542 = vector.extract_strided_slice %get3A_5 {offsets = [8], sizes = [1], strides = [1]} : vector<16xf32> to vector<1xf32>
    %squeeze3A_1543 = vector.extract %slice3A_1542[0] : f32 from vector<1xf32>
    %mul3A_1544 = vector.broadcast %squeeze3A_1543 : f32 to vector<16xf32>
    %mul3A_1545 = arith.mulf %get3A_1541, %mul3A_1544 : vector<16xf32>
    %add3A_1546 = arith.addf %add3A_1537, %mul3A_1545 : vector<16xf32>
    %get3A_1547 = arith.constant 9 : i32
    %get3A_1548 = arith.index_cast %get3A_1547 : i32 to index
    %get3A_1549 = arith.constant 80 : index
    %get3A_1550 = tpu.vector_load %arg6[%get3A_1548, %get3A_1549] {strides = array<i32>} : memref<32x208xf32, #tpu.memory_space<vmem>>, vector<16xf32>,
    %slice3A_1551 = vector.extract_strided_slice %get3A_5 {offsets = [9], sizes = [1], strides = [1]} : vector<16xf32> to vector<1xf32>
    %squeeze3A_1552 = vector.extract %slice3A_1551[0] : f32 from vector<1xf32>
    %mul3A_1553 = vector.broadcast %squeeze3A_1552 : f32 to vector<16xf32>
    %mul3A_1554 = arith.mulf %get3A_1550, %mul3A_1553 : vector<16xf32>
    %add3A_1555 = arith.addf %add3A_1546, %mul3A_1554 : vector<16xf32>
    %get3A_1556 = arith.constant 10 : i32
    %get3A_1557 = arith.index_cast %get3A_1556 : i32 to index
    %get3A_1558 = arith.constant 80 : index
    %get3A_1559 = tpu.vector_load %arg6[%get3A_1557, %get3A_1558] {strides = array<i32>} : memref<32x208xf32, #tpu.memory_space<vmem>>, vector<16xf32>,
    %slice3A_1560 = vector.extract_strided_slice %get3A_5 {offsets = [10], sizes = [1], strides = [1]} : vector<16xf32> to vector<1xf32>
    %squeeze3A_1561 = vector.extract %slice3A_1560[0] : f32 from vector<1xf32>
    %mul3A_1562 = vector.broadcast %squeeze3A_1561 : f32 to vector<16xf32>
    %mul3A_1563 = arith.mulf %get3A_1559, %mul3A_1562 : vector<16xf32>
    %add3A_1564 = arith.addf %add3A_1555, %mul3A_1563 : vector<16xf32>
    %get3A_1565 = arith.constant 11 : i32
    %get3A_1566 = arith.index_cast %get3A_1565 : i32 to index
    %get3A_1567 = arith.constant 80 : index
    %get3A_1568 = tpu.vector_load %arg6[%get3A_1566, %get3A_1567] {strides = array<i32>} : memref<32x208xf32, #tpu.memory_space<vmem>>, vector<16xf32>,
    %slice3A_1569 = vector.extract_strided_slice %get3A_5 {offsets = [11], sizes = [1], strides = [1]} : vector<16xf32> to vector<1xf32>
    %squeeze3A_1570 = vector.extract %slice3A_1569[0] : f32 from vector<1xf32>
    %mul3A_1571 = vector.broadcast %squeeze3A_1570 : f32 to vector<16xf32>
    %mul3A_1572 = arith.mulf %get3A_1568, %mul3A_1571 : vector<16xf32>
    %add3A_1573 = arith.addf %add3A_1564, %mul3A_1572 : vector<16xf32>
    %get3A_1574 = arith.constant 12 : i32
    %get3A_1575 = arith.index_cast %get3A_1574 : i32 to index
    %get3A_1576 = arith.constant 80 : index
    %get3A_1577 = tpu.vector_load %arg6[%get3A_1575, %get3A_1576] {strides = array<i32>} : memref<32x208xf32, #tpu.memory_space<vmem>>, vector<16xf32>,
    %slice3A_1578 = vector.extract_strided_slice %get3A_5 {offsets = [12], sizes = [1], strides = [1]} : vector<16xf32> to vector<1xf32>
    %squeeze3A_1579 = vector.extract %slice3A_1578[0] : f32 from vector<1xf32>
    %mul3A_1580 = vector.broadcast %squeeze3A_1579 : f32 to vector<16xf32>
    %mul3A_1581 = arith.mulf %get3A_1577, %mul3A_1580 : vector<16xf32>
    %add3A_1582 = arith.addf %add3A_1573, %mul3A_1581 : vector<16xf32>
    %get3A_1583 = arith.constant 13 : i32
    %get3A_1584 = arith.index_cast %get3A_1583 : i32 to index
    %get3A_1585 = arith.constant 80 : index
    %get3A_1586 = tpu.vector_load %arg6[%get3A_1584, %get3A_1585] {strides = array<i32>} : memref<32x208xf32, #tpu.memory_space<vmem>>, vector<16xf32>,
    %slice3A_1587 = vector.extract_strided_slice %get3A_5 {offsets = [13], sizes = [1], strides = [1]} : vector<16xf32> to vector<1xf32>
    %squeeze3A_1588 = vector.extract %slice3A_1587[0] : f32 from vector<1xf32>
    %mul3A_1589 = vector.broadcast %squeeze3A_1588 : f32 to vector<16xf32>
    %mul3A_1590 = arith.mulf %get3A_1586, %mul3A_1589 : vector<16xf32>
    %add3A_1591 = arith.addf %add3A_1582, %mul3A_1590 : vector<16xf32>
    %get3A_1592 = arith.constant 14 : i32
    %get3A_1593 = arith.index_cast %get3A_1592 : i32 to index
    %get3A_1594 = arith.constant 80 : index
    %get3A_1595 = tpu.vector_load %arg6[%get3A_1593, %get3A_1594] {strides = array<i32>} : memref<32x208xf32, #tpu.memory_space<vmem>>, vector<16xf32>,
    %slice3A_1596 = vector.extract_strided_slice %get3A_5 {offsets = [14], sizes = [1], strides = [1]} : vector<16xf32> to vector<1xf32>
    %squeeze3A_1597 = vector.extract %slice3A_1596[0] : f32 from vector<1xf32>
    %mul3A_1598 = vector.broadcast %squeeze3A_1597 : f32 to vector<16xf32>
    %mul3A_1599 = arith.mulf %get3A_1595, %mul3A_1598 : vector<16xf32>
    %add3A_1600 = arith.addf %add3A_1591, %mul3A_1599 : vector<16xf32>
    %get3A_1601 = arith.constant 15 : i32
    %get3A_1602 = arith.index_cast %get3A_1601 : i32 to index
    %get3A_1603 = arith.constant 80 : index
    %get3A_1604 = tpu.vector_load %arg6[%get3A_1602, %get3A_1603] {strides = array<i32>} : memref<32x208xf32, #tpu.memory_space<vmem>>, vector<16xf32>,
    %slice3A_1605 = vector.extract_strided_slice %get3A_5 {offsets = [15], sizes = [1], strides = [1]} : vector<16xf32> to vector<1xf32>
    %squeeze3A_1606 = vector.extract %slice3A_1605[0] : f32 from vector<1xf32>
    %mul3A_1607 = vector.broadcast %squeeze3A_1606 : f32 to vector<16xf32>
    %mul3A_1608 = arith.mulf %get3A_1604, %mul3A_1607 : vector<16xf32>
    %add3A_1609 = arith.addf %add3A_1600, %mul3A_1608 : vector<16xf32>
    %get3A_1610 = arith.constant 16 : i32
    %get3A_1611 = arith.index_cast %get3A_1610 : i32 to index
    %get3A_1612 = arith.constant 80 : index
    %get3A_1613 = tpu.vector_load %arg6[%get3A_1611, %get3A_1612] {strides = array<i32>} : memref<32x208xf32, #tpu.memory_space<vmem>>, vector<16xf32>,
    %slice3A_1614 = vector.extract_strided_slice %get3A_7 {offsets = [0], sizes = [1], strides = [1]} : vector<16xf32> to vector<1xf32>
    %squeeze3A_1615 = vector.extract %slice3A_1614[0] : f32 from vector<1xf32>
    %mul3A_1616 = vector.broadcast %squeeze3A_1615 : f32 to vector<16xf32>
    %mul3A_1617 = arith.mulf %get3A_1613, %mul3A_1616 : vector<16xf32>
    %add3A_1618 = arith.addf %add3A_1609, %mul3A_1617 : vector<16xf32>
    %get3A_1619 = arith.constant 17 : i32
    %get3A_1620 = arith.index_cast %get3A_1619 : i32 to index
    %get3A_1621 = arith.constant 80 : index
    %get3A_1622 = tpu.vector_load %arg6[%get3A_1620, %get3A_1621] {strides = array<i32>} : memref<32x208xf32, #tpu.memory_space<vmem>>, vector<16xf32>,
    %slice3A_1623 = vector.extract_strided_slice %get3A_7 {offsets = [1], sizes = [1], strides = [1]} : vector<16xf32> to vector<1xf32>
    %squeeze3A_1624 = vector.extract %slice3A_1623[0] : f32 from vector<1xf32>
    %mul3A_1625 = vector.broadcast %squeeze3A_1624 : f32 to vector<16xf32>
    %mul3A_1626 = arith.mulf %get3A_1622, %mul3A_1625 : vector<16xf32>
    %add3A_1627 = arith.addf %add3A_1618, %mul3A_1626 : vector<16xf32>
    %get3A_1628 = arith.constant 18 : i32
    %get3A_1629 = arith.index_cast %get3A_1628 : i32 to index
    %get3A_1630 = arith.constant 80 : index
    %get3A_1631 = tpu.vector_load %arg6[%get3A_1629, %get3A_1630] {strides = array<i32>} : memref<32x208xf32, #tpu.memory_space<vmem>>, vector<16xf32>,
    %slice3A_1632 = vector.extract_strided_slice %get3A_7 {offsets = [2], sizes = [1], strides = [1]} : vector<16xf32> to vector<1xf32>
    %squeeze3A_1633 = vector.extract %slice3A_1632[0] : f32 from vector<1xf32>
    %mul3A_1634 = vector.broadcast %squeeze3A_1633 : f32 to vector<16xf32>
    %mul3A_1635 = arith.mulf %get3A_1631, %mul3A_1634 : vector<16xf32>
    %add3A_1636 = arith.addf %add3A_1627, %mul3A_1635 : vector<16xf32>
    %get3A_1637 = arith.constant 19 : i32
    %get3A_1638 = arith.index_cast %get3A_1637 : i32 to index
    %get3A_1639 = arith.constant 80 : index
    %get3A_1640 = tpu.vector_load %arg6[%get3A_1638, %get3A_1639] {strides = array<i32>} : memref<32x208xf32, #tpu.memory_space<vmem>>, vector<16xf32>,
    %slice3A_1641 = vector.extract_strided_slice %get3A_7 {offsets = [3], sizes = [1], strides = [1]} : vector<16xf32> to vector<1xf32>
    %squeeze3A_1642 = vector.extract %slice3A_1641[0] : f32 from vector<1xf32>
    %mul3A_1643 = vector.broadcast %squeeze3A_1642 : f32 to vector<16xf32>
    %mul3A_1644 = arith.mulf %get3A_1640, %mul3A_1643 : vector<16xf32>
    %add3A_1645 = arith.addf %add3A_1636, %mul3A_1644 : vector<16xf32>
    %get3A_1646 = arith.constant 20 : i32
    %get3A_1647 = arith.index_cast %get3A_1646 : i32 to index
    %get3A_1648 = arith.constant 80 : index
    %get3A_1649 = tpu.vector_load %arg6[%get3A_1647, %get3A_1648] {strides = array<i32>} : memref<32x208xf32, #tpu.memory_space<vmem>>, vector<16xf32>,
    %slice3A_1650 = vector.extract_strided_slice %get3A_7 {offsets = [4], sizes = [1], strides = [1]} : vector<16xf32> to vector<1xf32>
    %squeeze3A_1651 = vector.extract %slice3A_1650[0] : f32 from vector<1xf32>
    %mul3A_1652 = vector.broadcast %squeeze3A_1651 : f32 to vector<16xf32>
    %mul3A_1653 = arith.mulf %get3A_1649, %mul3A_1652 : vector<16xf32>
    %add3A_1654 = arith.addf %add3A_1645, %mul3A_1653 : vector<16xf32>
    %get3A_1655 = arith.constant 21 : i32
    %get3A_1656 = arith.index_cast %get3A_1655 : i32 to index
    %get3A_1657 = arith.constant 80 : index
    %get3A_1658 = tpu.vector_load %arg6[%get3A_1656, %get3A_1657] {strides = array<i32>} : memref<32x208xf32, #tpu.memory_space<vmem>>, vector<16xf32>,
    %slice3A_1659 = vector.extract_strided_slice %get3A_7 {offsets = [5], sizes = [1], strides = [1]} : vector<16xf32> to vector<1xf32>
    %squeeze3A_1660 = vector.extract %slice3A_1659[0] : f32 from vector<1xf32>
    %mul3A_1661 = vector.broadcast %squeeze3A_1660 : f32 to vector<16xf32>
    %mul3A_1662 = arith.mulf %get3A_1658, %mul3A_1661 : vector<16xf32>
    %add3A_1663 = arith.addf %add3A_1654, %mul3A_1662 : vector<16xf32>
    %get3A_1664 = arith.constant 22 : i32
    %get3A_1665 = arith.index_cast %get3A_1664 : i32 to index
    %get3A_1666 = arith.constant 80 : index
    %get3A_1667 = tpu.vector_load %arg6[%get3A_1665, %get3A_1666] {strides = array<i32>} : memref<32x208xf32, #tpu.memory_space<vmem>>, vector<16xf32>,
    %slice3A_1668 = vector.extract_strided_slice %get3A_7 {offsets = [6], sizes = [1], strides = [1]} : vector<16xf32> to vector<1xf32>
    %squeeze3A_1669 = vector.extract %slice3A_1668[0] : f32 from vector<1xf32>
    %mul3A_1670 = vector.broadcast %squeeze3A_1669 : f32 to vector<16xf32>
    %mul3A_1671 = arith.mulf %get3A_1667, %mul3A_1670 : vector<16xf32>
    %add3A_1672 = arith.addf %add3A_1663, %mul3A_1671 : vector<16xf32>
    %get3A_1673 = arith.constant 23 : i32
    %get3A_1674 = arith.index_cast %get3A_1673 : i32 to index
    %get3A_1675 = arith.constant 80 : index
    %get3A_1676 = tpu.vector_load %arg6[%get3A_1674, %get3A_1675] {strides = array<i32>} : memref<32x208xf32, #tpu.memory_space<vmem>>, vector<16xf32>,
    %slice3A_1677 = vector.extract_strided_slice %get3A_7 {offsets = [7], sizes = [1], strides = [1]} : vector<16xf32> to vector<1xf32>
    %squeeze3A_1678 = vector.extract %slice3A_1677[0] : f32 from vector<1xf32>
    %mul3A_1679 = vector.broadcast %squeeze3A_1678 : f32 to vector<16xf32>
    %mul3A_1680 = arith.mulf %get3A_1676, %mul3A_1679 : vector<16xf32>
    %add3A_1681 = arith.addf %add3A_1672, %mul3A_1680 : vector<16xf32>
    %get3A_1682 = arith.constant 24 : i32
    %get3A_1683 = arith.index_cast %get3A_1682 : i32 to index
    %get3A_1684 = arith.constant 80 : index
    %get3A_1685 = tpu.vector_load %arg6[%get3A_1683, %get3A_1684] {strides = array<i32>} : memref<32x208xf32, #tpu.memory_space<vmem>>, vector<16xf32>,
    %slice3A_1686 = vector.extract_strided_slice %get3A_7 {offsets = [8], sizes = [1], strides = [1]} : vector<16xf32> to vector<1xf32>
    %squeeze3A_1687 = vector.extract %slice3A_1686[0] : f32 from vector<1xf32>
    %mul3A_1688 = vector.broadcast %squeeze3A_1687 : f32 to vector<16xf32>
    %mul3A_1689 = arith.mulf %get3A_1685, %mul3A_1688 : vector<16xf32>
    %add3A_1690 = arith.addf %add3A_1681, %mul3A_1689 : vector<16xf32>
    %get3A_1691 = arith.constant 25 : i32
    %get3A_1692 = arith.index_cast %get3A_1691 : i32 to index
    %get3A_1693 = arith.constant 80 : index
    %get3A_1694 = tpu.vector_load %arg6[%get3A_1692, %get3A_1693] {strides = array<i32>} : memref<32x208xf32, #tpu.memory_space<vmem>>, vector<16xf32>,
    %slice3A_1695 = vector.extract_strided_slice %get3A_7 {offsets = [9], sizes = [1], strides = [1]} : vector<16xf32> to vector<1xf32>
    %squeeze3A_1696 = vector.extract %slice3A_1695[0] : f32 from vector<1xf32>
    %mul3A_1697 = vector.broadcast %squeeze3A_1696 : f32 to vector<16xf32>
    %mul3A_1698 = arith.mulf %get3A_1694, %mul3A_1697 : vector<16xf32>
    %add3A_1699 = arith.addf %add3A_1690, %mul3A_1698 : vector<16xf32>
    %get3A_1700 = arith.constant 26 : i32
    %get3A_1701 = arith.index_cast %get3A_1700 : i32 to index
    %get3A_1702 = arith.constant 80 : index
    %get3A_1703 = tpu.vector_load %arg6[%get3A_1701, %get3A_1702] {strides = array<i32>} : memref<32x208xf32, #tpu.memory_space<vmem>>, vector<16xf32>,
    %slice3A_1704 = vector.extract_strided_slice %get3A_7 {offsets = [10], sizes = [1], strides = [1]} : vector<16xf32> to vector<1xf32>
    %squeeze3A_1705 = vector.extract %slice3A_1704[0] : f32 from vector<1xf32>
    %mul3A_1706 = vector.broadcast %squeeze3A_1705 : f32 to vector<16xf32>
    %mul3A_1707 = arith.mulf %get3A_1703, %mul3A_1706 : vector<16xf32>
    %add3A_1708 = arith.addf %add3A_1699, %mul3A_1707 : vector<16xf32>
    %get3A_1709 = arith.constant 27 : i32
    %get3A_1710 = arith.index_cast %get3A_1709 : i32 to index
    %get3A_1711 = arith.constant 80 : index
    %get3A_1712 = tpu.vector_load %arg6[%get3A_1710, %get3A_1711] {strides = array<i32>} : memref<32x208xf32, #tpu.memory_space<vmem>>, vector<16xf32>,
    %slice3A_1713 = vector.extract_strided_slice %get3A_7 {offsets = [11], sizes = [1], strides = [1]} : vector<16xf32> to vector<1xf32>
    %squeeze3A_1714 = vector.extract %slice3A_1713[0] : f32 from vector<1xf32>
    %mul3A_1715 = vector.broadcast %squeeze3A_1714 : f32 to vector<16xf32>
    %mul3A_1716 = arith.mulf %get3A_1712, %mul3A_1715 : vector<16xf32>
    %add3A_1717 = arith.addf %add3A_1708, %mul3A_1716 : vector<16xf32>
    %get3A_1718 = arith.constant 28 : i32
    %get3A_1719 = arith.index_cast %get3A_1718 : i32 to index
    %get3A_1720 = arith.constant 80 : index
    %get3A_1721 = tpu.vector_load %arg6[%get3A_1719, %get3A_1720] {strides = array<i32>} : memref<32x208xf32, #tpu.memory_space<vmem>>, vector<16xf32>,
    %slice3A_1722 = vector.extract_strided_slice %get3A_7 {offsets = [12], sizes = [1], strides = [1]} : vector<16xf32> to vector<1xf32>
    %squeeze3A_1723 = vector.extract %slice3A_1722[0] : f32 from vector<1xf32>
    %mul3A_1724 = vector.broadcast %squeeze3A_1723 : f32 to vector<16xf32>
    %mul3A_1725 = arith.mulf %get3A_1721, %mul3A_1724 : vector<16xf32>
    %add3A_1726 = arith.addf %add3A_1717, %mul3A_1725 : vector<16xf32>
    %get3A_1727 = arith.constant 29 : i32
    %get3A_1728 = arith.index_cast %get3A_1727 : i32 to index
    %get3A_1729 = arith.constant 80 : index
    %get3A_1730 = tpu.vector_load %arg6[%get3A_1728, %get3A_1729] {strides = array<i32>} : memref<32x208xf32, #tpu.memory_space<vmem>>, vector<16xf32>,
    %slice3A_1731 = vector.extract_strided_slice %get3A_7 {offsets = [13], sizes = [1], strides = [1]} : vector<16xf32> to vector<1xf32>
    %squeeze3A_1732 = vector.extract %slice3A_1731[0] : f32 from vector<1xf32>
    %mul3A_1733 = vector.broadcast %squeeze3A_1732 : f32 to vector<16xf32>
    %mul3A_1734 = arith.mulf %get3A_1730, %mul3A_1733 : vector<16xf32>
    %add3A_1735 = arith.addf %add3A_1726, %mul3A_1734 : vector<16xf32>
    %get3A_1736 = arith.constant 30 : i32
    %get3A_1737 = arith.index_cast %get3A_1736 : i32 to index
    %get3A_1738 = arith.constant 80 : index
    %get3A_1739 = tpu.vector_load %arg6[%get3A_1737, %get3A_1738] {strides = array<i32>} : memref<32x208xf32, #tpu.memory_space<vmem>>, vector<16xf32>,
    %slice3A_1740 = vector.extract_strided_slice %get3A_7 {offsets = [14], sizes = [1], strides = [1]} : vector<16xf32> to vector<1xf32>
    %squeeze3A_1741 = vector.extract %slice3A_1740[0] : f32 from vector<1xf32>
    %mul3A_1742 = vector.broadcast %squeeze3A_1741 : f32 to vector<16xf32>
    %mul3A_1743 = arith.mulf %get3A_1739, %mul3A_1742 : vector<16xf32>
    %add3A_1744 = arith.addf %add3A_1735, %mul3A_1743 : vector<16xf32>
    %get3A_1745 = arith.constant 31 : i32
    %get3A_1746 = arith.index_cast %get3A_1745 : i32 to index
    %get3A_1747 = arith.constant 80 : index
    %get3A_1748 = tpu.vector_load %arg6[%get3A_1746, %get3A_1747] {strides = array<i32>} : memref<32x208xf32, #tpu.memory_space<vmem>>, vector<16xf32>,
    %slice3A_1749 = vector.extract_strided_slice %get3A_7 {offsets = [15], sizes = [1], strides = [1]} : vector<16xf32> to vector<1xf32>
    %squeeze3A_1750 = vector.extract %slice3A_1749[0] : f32 from vector<1xf32>
    %mul3A_1751 = vector.broadcast %squeeze3A_1750 : f32 to vector<16xf32>
    %mul3A_1752 = arith.mulf %get3A_1748, %mul3A_1751 : vector<16xf32>
    %add3A_1753 = arith.addf %add3A_1744, %mul3A_1752 : vector<16xf32>
    %swap3A_1754 = arith.constant 80 : index
    %swap3A_1755 = tpu.vector_load %arg9[%swap3A_1754] {strides = array<i32>} : memref<208xf32, #tpu.memory_space<vmem>>, vector<16xf32>,
    tpu.vector_store %arg9[%swap3A_1754], %add3A_1753 {strides = array<i32>} : memref<208xf32, #tpu.memory_space<vmem>>, vector<16xf32>,
    %broadcast_in_dim3A_1756 = arith.constant 0.000000e+00 : f32
    %broadcast_in_dim3A_1757 = vector.broadcast %broadcast_in_dim3A_1756 : f32 to vector<16xf32>
    %get3A_1758 = arith.constant 0 : i32
    %get3A_1759 = arith.index_cast %get3A_1758 : i32 to index
    %get3A_1760 = arith.constant 96 : index
    %get3A_1761 = tpu.vector_load %arg6[%get3A_1759, %get3A_1760] {strides = array<i32>} : memref<32x208xf32, #tpu.memory_space<vmem>>, vector<16xf32>,
    %slice3A_1762 = vector.extract_strided_slice %get3A_5 {offsets = [0], sizes = [1], strides = [1]} : vector<16xf32> to vector<1xf32>
    %squeeze3A_1763 = vector.extract %slice3A_1762[0] : f32 from vector<1xf32>
    %mul3A_1764 = vector.broadcast %squeeze3A_1763 : f32 to vector<16xf32>
    %mul3A_1765 = arith.mulf %get3A_1761, %mul3A_1764 : vector<16xf32>
    %add3A_1766 = arith.addf %broadcast_in_dim3A_1757, %mul3A_1765 : vector<16xf32>
    %get3A_1767 = arith.constant 1 : i32
    %get3A_1768 = arith.index_cast %get3A_1767 : i32 to index
    %get3A_1769 = arith.constant 96 : index
    %get3A_1770 = tpu.vector_load %arg6[%get3A_1768, %get3A_1769] {strides = array<i32>} : memref<32x208xf32, #tpu.memory_space<vmem>>, vector<16xf32>,
    %slice3A_1771 = vector.extract_strided_slice %get3A_5 {offsets = [1], sizes = [1], strides = [1]} : vector<16xf32> to vector<1xf32>
    %squeeze3A_1772 = vector.extract %slice3A_1771[0] : f32 from vector<1xf32>
    %mul3A_1773 = vector.broadcast %squeeze3A_1772 : f32 to vector<16xf32>
    %mul3A_1774 = arith.mulf %get3A_1770, %mul3A_1773 : vector<16xf32>
    %add3A_1775 = arith.addf %add3A_1766, %mul3A_1774 : vector<16xf32>
    %get3A_1776 = arith.constant 2 : i32
    %get3A_1777 = arith.index_cast %get3A_1776 : i32 to index
    %get3A_1778 = arith.constant 96 : index
    %get3A_1779 = tpu.vector_load %arg6[%get3A_1777, %get3A_1778] {strides = array<i32>} : memref<32x208xf32, #tpu.memory_space<vmem>>, vector<16xf32>,
    %slice3A_1780 = vector.extract_strided_slice %get3A_5 {offsets = [2], sizes = [1], strides = [1]} : vector<16xf32> to vector<1xf32>
    %squeeze3A_1781 = vector.extract %slice3A_1780[0] : f32 from vector<1xf32>
    %mul3A_1782 = vector.broadcast %squeeze3A_1781 : f32 to vector<16xf32>
    %mul3A_1783 = arith.mulf %get3A_1779, %mul3A_1782 : vector<16xf32>
    %add3A_1784 = arith.addf %add3A_1775, %mul3A_1783 : vector<16xf32>
    %get3A_1785 = arith.constant 3 : i32
    %get3A_1786 = arith.index_cast %get3A_1785 : i32 to index
    %get3A_1787 = arith.constant 96 : index
    %get3A_1788 = tpu.vector_load %arg6[%get3A_1786, %get3A_1787] {strides = array<i32>} : memref<32x208xf32, #tpu.memory_space<vmem>>, vector<16xf32>,
    %slice3A_1789 = vector.extract_strided_slice %get3A_5 {offsets = [3], sizes = [1], strides = [1]} : vector<16xf32> to vector<1xf32>
    %squeeze3A_1790 = vector.extract %slice3A_1789[0] : f32 from vector<1xf32>
    %mul3A_1791 = vector.broadcast %squeeze3A_1790 : f32 to vector<16xf32>
    %mul3A_1792 = arith.mulf %get3A_1788, %mul3A_1791 : vector<16xf32>
    %add3A_1793 = arith.addf %add3A_1784, %mul3A_1792 : vector<16xf32>
    %get3A_1794 = arith.constant 4 : i32
    %get3A_1795 = arith.index_cast %get3A_1794 : i32 to index
    %get3A_1796 = arith.constant 96 : index
    %get3A_1797 = tpu.vector_load %arg6[%get3A_1795, %get3A_1796] {strides = array<i32>} : memref<32x208xf32, #tpu.memory_space<vmem>>, vector<16xf32>,
    %slice3A_1798 = vector.extract_strided_slice %get3A_5 {offsets = [4], sizes = [1], strides = [1]} : vector<16xf32> to vector<1xf32>
    %squeeze3A_1799 = vector.extract %slice3A_1798[0] : f32 from vector<1xf32>
    %mul3A_1800 = vector.broadcast %squeeze3A_1799 : f32 to vector<16xf32>
    %mul3A_1801 = arith.mulf %get3A_1797, %mul3A_1800 : vector<16xf32>
    %add3A_1802 = arith.addf %add3A_1793, %mul3A_1801 : vector<16xf32>
    %get3A_1803 = arith.constant 5 : i32
    %get3A_1804 = arith.index_cast %get3A_1803 : i32 to index
    %get3A_1805 = arith.constant 96 : index
    %get3A_1806 = tpu.vector_load %arg6[%get3A_1804, %get3A_1805] {strides = array<i32>} : memref<32x208xf32, #tpu.memory_space<vmem>>, vector<16xf32>,
    %slice3A_1807 = vector.extract_strided_slice %get3A_5 {offsets = [5], sizes = [1], strides = [1]} : vector<16xf32> to vector<1xf32>
    %squeeze3A_1808 = vector.extract %slice3A_1807[0] : f32 from vector<1xf32>
    %mul3A_1809 = vector.broadcast %squeeze3A_1808 : f32 to vector<16xf32>
    %mul3A_1810 = arith.mulf %get3A_1806, %mul3A_1809 : vector<16xf32>
    %add3A_1811 = arith.addf %add3A_1802, %mul3A_1810 : vector<16xf32>
    %get3A_1812 = arith.constant 6 : i32
    %get3A_1813 = arith.index_cast %get3A_1812 : i32 to index
    %get3A_1814 = arith.constant 96 : index
    %get3A_1815 = tpu.vector_load %arg6[%get3A_1813, %get3A_1814] {strides = array<i32>} : memref<32x208xf32, #tpu.memory_space<vmem>>, vector<16xf32>,
    %slice3A_1816 = vector.extract_strided_slice %get3A_5 {offsets = [6], sizes = [1], strides = [1]} : vector<16xf32> to vector<1xf32>
    %squeeze3A_1817 = vector.extract %slice3A_1816[0] : f32 from vector<1xf32>
    %mul3A_1818 = vector.broadcast %squeeze3A_1817 : f32 to vector<16xf32>
    %mul3A_1819 = arith.mulf %get3A_1815, %mul3A_1818 : vector<16xf32>
    %add3A_1820 = arith.addf %add3A_1811, %mul3A_1819 : vector<16xf32>
    %get3A_1821 = arith.constant 7 : i32
    %get3A_1822 = arith.index_cast %get3A_1821 : i32 to index
    %get3A_1823 = arith.constant 96 : index
    %get3A_1824 = tpu.vector_load %arg6[%get3A_1822, %get3A_1823] {strides = array<i32>} : memref<32x208xf32, #tpu.memory_space<vmem>>, vector<16xf32>,
    %slice3A_1825 = vector.extract_strided_slice %get3A_5 {offsets = [7], sizes = [1], strides = [1]} : vector<16xf32> to vector<1xf32>
    %squeeze3A_1826 = vector.extract %slice3A_1825[0] : f32 from vector<1xf32>
    %mul3A_1827 = vector.broadcast %squeeze3A_1826 : f32 to vector<16xf32>
    %mul3A_1828 = arith.mulf %get3A_1824, %mul3A_1827 : vector<16xf32>
    %add3A_1829 = arith.addf %add3A_1820, %mul3A_1828 : vector<16xf32>
    %get3A_1830 = arith.constant 8 : i32
    %get3A_1831 = arith.index_cast %get3A_1830 : i32 to index
    %get3A_1832 = arith.constant 96 : index
    %get3A_1833 = tpu.vector_load %arg6[%get3A_1831, %get3A_1832] {strides = array<i32>} : memref<32x208xf32, #tpu.memory_space<vmem>>, vector<16xf32>,
    %slice3A_1834 = vector.extract_strided_slice %get3A_5 {offsets = [8], sizes = [1], strides = [1]} : vector<16xf32> to vector<1xf32>
    %squeeze3A_1835 = vector.extract %slice3A_1834[0] : f32 from vector<1xf32>
    %mul3A_1836 = vector.broadcast %squeeze3A_1835 : f32 to vector<16xf32>
    %mul3A_1837 = arith.mulf %get3A_1833, %mul3A_1836 : vector<16xf32>
    %add3A_1838 = arith.addf %add3A_1829, %mul3A_1837 : vector<16xf32>
    %get3A_1839 = arith.constant 9 : i32
    %get3A_1840 = arith.index_cast %get3A_1839 : i32 to index
    %get3A_1841 = arith.constant 96 : index
    %get3A_1842 = tpu.vector_load %arg6[%get3A_1840, %get3A_1841] {strides = array<i32>} : memref<32x208xf32, #tpu.memory_space<vmem>>, vector<16xf32>,
    %slice3A_1843 = vector.extract_strided_slice %get3A_5 {offsets = [9], sizes = [1], strides = [1]} : vector<16xf32> to vector<1xf32>
    %squeeze3A_1844 = vector.extract %slice3A_1843[0] : f32 from vector<1xf32>
    %mul3A_1845 = vector.broadcast %squeeze3A_1844 : f32 to vector<16xf32>
    %mul3A_1846 = arith.mulf %get3A_1842, %mul3A_1845 : vector<16xf32>
    %add3A_1847 = arith.addf %add3A_1838, %mul3A_1846 : vector<16xf32>
    %get3A_1848 = arith.constant 10 : i32
    %get3A_1849 = arith.index_cast %get3A_1848 : i32 to index
    %get3A_1850 = arith.constant 96 : index
    %get3A_1851 = tpu.vector_load %arg6[%get3A_1849, %get3A_1850] {strides = array<i32>} : memref<32x208xf32, #tpu.memory_space<vmem>>, vector<16xf32>,
    %slice3A_1852 = vector.extract_strided_slice %get3A_5 {offsets = [10], sizes = [1], strides = [1]} : vector<16xf32> to vector<1xf32>
    %squeeze3A_1853 = vector.extract %slice3A_1852[0] : f32 from vector<1xf32>
    %mul3A_1854 = vector.broadcast %squeeze3A_1853 : f32 to vector<16xf32>
    %mul3A_1855 = arith.mulf %get3A_1851, %mul3A_1854 : vector<16xf32>
    %add3A_1856 = arith.addf %add3A_1847, %mul3A_1855 : vector<16xf32>
    %get3A_1857 = arith.constant 11 : i32
    %get3A_1858 = arith.index_cast %get3A_1857 : i32 to index
    %get3A_1859 = arith.constant 96 : index
    %get3A_1860 = tpu.vector_load %arg6[%get3A_1858, %get3A_1859] {strides = array<i32>} : memref<32x208xf32, #tpu.memory_space<vmem>>, vector<16xf32>,
    %slice3A_1861 = vector.extract_strided_slice %get3A_5 {offsets = [11], sizes = [1], strides = [1]} : vector<16xf32> to vector<1xf32>
    %squeeze3A_1862 = vector.extract %slice3A_1861[0] : f32 from vector<1xf32>
    %mul3A_1863 = vector.broadcast %squeeze3A_1862 : f32 to vector<16xf32>
    %mul3A_1864 = arith.mulf %get3A_1860, %mul3A_1863 : vector<16xf32>
    %add3A_1865 = arith.addf %add3A_1856, %mul3A_1864 : vector<16xf32>
    %get3A_1866 = arith.constant 12 : i32
    %get3A_1867 = arith.index_cast %get3A_1866 : i32 to index
    %get3A_1868 = arith.constant 96 : index
    %get3A_1869 = tpu.vector_load %arg6[%get3A_1867, %get3A_1868] {strides = array<i32>} : memref<32x208xf32, #tpu.memory_space<vmem>>, vector<16xf32>,
    %slice3A_1870 = vector.extract_strided_slice %get3A_5 {offsets = [12], sizes = [1], strides = [1]} : vector<16xf32> to vector<1xf32>
    %squeeze3A_1871 = vector.extract %slice3A_1870[0] : f32 from vector<1xf32>
    %mul3A_1872 = vector.broadcast %squeeze3A_1871 : f32 to vector<16xf32>
    %mul3A_1873 = arith.mulf %get3A_1869, %mul3A_1872 : vector<16xf32>
    %add3A_1874 = arith.addf %add3A_1865, %mul3A_1873 : vector<16xf32>
    %get3A_1875 = arith.constant 13 : i32
    %get3A_1876 = arith.index_cast %get3A_1875 : i32 to index
    %get3A_1877 = arith.constant 96 : index
    %get3A_1878 = tpu.vector_load %arg6[%get3A_1876, %get3A_1877] {strides = array<i32>} : memref<32x208xf32, #tpu.memory_space<vmem>>, vector<16xf32>,
    %slice3A_1879 = vector.extract_strided_slice %get3A_5 {offsets = [13], sizes = [1], strides = [1]} : vector<16xf32> to vector<1xf32>
    %squeeze3A_1880 = vector.extract %slice3A_1879[0] : f32 from vector<1xf32>
    %mul3A_1881 = vector.broadcast %squeeze3A_1880 : f32 to vector<16xf32>
    %mul3A_1882 = arith.mulf %get3A_1878, %mul3A_1881 : vector<16xf32>
    %add3A_1883 = arith.addf %add3A_1874, %mul3A_1882 : vector<16xf32>
    %get3A_1884 = arith.constant 14 : i32
    %get3A_1885 = arith.index_cast %get3A_1884 : i32 to index
    %get3A_1886 = arith.constant 96 : index
    %get3A_1887 = tpu.vector_load %arg6[%get3A_1885, %get3A_1886] {strides = array<i32>} : memref<32x208xf32, #tpu.memory_space<vmem>>, vector<16xf32>,
    %slice3A_1888 = vector.extract_strided_slice %get3A_5 {offsets = [14], sizes = [1], strides = [1]} : vector<16xf32> to vector<1xf32>
    %squeeze3A_1889 = vector.extract %slice3A_1888[0] : f32 from vector<1xf32>
    %mul3A_1890 = vector.broadcast %squeeze3A_1889 : f32 to vector<16xf32>
    %mul3A_1891 = arith.mulf %get3A_1887, %mul3A_1890 : vector<16xf32>
    %add3A_1892 = arith.addf %add3A_1883, %mul3A_1891 : vector<16xf32>
    %get3A_1893 = arith.constant 15 : i32
    %get3A_1894 = arith.index_cast %get3A_1893 : i32 to index
    %get3A_1895 = arith.constant 96 : index
    %get3A_1896 = tpu.vector_load %arg6[%get3A_1894, %get3A_1895] {strides = array<i32>} : memref<32x208xf32, #tpu.memory_space<vmem>>, vector<16xf32>,
    %slice3A_1897 = vector.extract_strided_slice %get3A_5 {offsets = [15], sizes = [1], strides = [1]} : vector<16xf32> to vector<1xf32>
    %squeeze3A_1898 = vector.extract %slice3A_1897[0] : f32 from vector<1xf32>
    %mul3A_1899 = vector.broadcast %squeeze3A_1898 : f32 to vector<16xf32>
    %mul3A_1900 = arith.mulf %get3A_1896, %mul3A_1899 : vector<16xf32>
    %add3A_1901 = arith.addf %add3A_1892, %mul3A_1900 : vector<16xf32>
    %get3A_1902 = arith.constant 16 : i32
    %get3A_1903 = arith.index_cast %get3A_1902 : i32 to index
    %get3A_1904 = arith.constant 96 : index
    %get3A_1905 = tpu.vector_load %arg6[%get3A_1903, %get3A_1904] {strides = array<i32>} : memref<32x208xf32, #tpu.memory_space<vmem>>, vector<16xf32>,
    %slice3A_1906 = vector.extract_strided_slice %get3A_7 {offsets = [0], sizes = [1], strides = [1]} : vector<16xf32> to vector<1xf32>
    %squeeze3A_1907 = vector.extract %slice3A_1906[0] : f32 from vector<1xf32>
    %mul3A_1908 = vector.broadcast %squeeze3A_1907 : f32 to vector<16xf32>
    %mul3A_1909 = arith.mulf %get3A_1905, %mul3A_1908 : vector<16xf32>
    %add3A_1910 = arith.addf %add3A_1901, %mul3A_1909 : vector<16xf32>
    %get3A_1911 = arith.constant 17 : i32
    %get3A_1912 = arith.index_cast %get3A_1911 : i32 to index
    %get3A_1913 = arith.constant 96 : index
    %get3A_1914 = tpu.vector_load %arg6[%get3A_1912, %get3A_1913] {strides = array<i32>} : memref<32x208xf32, #tpu.memory_space<vmem>>, vector<16xf32>,
    %slice3A_1915 = vector.extract_strided_slice %get3A_7 {offsets = [1], sizes = [1], strides = [1]} : vector<16xf32> to vector<1xf32>
    %squeeze3A_1916 = vector.extract %slice3A_1915[0] : f32 from vector<1xf32>
    %mul3A_1917 = vector.broadcast %squeeze3A_1916 : f32 to vector<16xf32>
    %mul3A_1918 = arith.mulf %get3A_1914, %mul3A_1917 : vector<16xf32>
    %add3A_1919 = arith.addf %add3A_1910, %mul3A_1918 : vector<16xf32>
    %get3A_1920 = arith.constant 18 : i32
    %get3A_1921 = arith.index_cast %get3A_1920 : i32 to index
    %get3A_1922 = arith.constant 96 : index
    %get3A_1923 = tpu.vector_load %arg6[%get3A_1921, %get3A_1922] {strides = array<i32>} : memref<32x208xf32, #tpu.memory_space<vmem>>, vector<16xf32>,
    %slice3A_1924 = vector.extract_strided_slice %get3A_7 {offsets = [2], sizes = [1], strides = [1]} : vector<16xf32> to vector<1xf32>
    %squeeze3A_1925 = vector.extract %slice3A_1924[0] : f32 from vector<1xf32>
    %mul3A_1926 = vector.broadcast %squeeze3A_1925 : f32 to vector<16xf32>
    %mul3A_1927 = arith.mulf %get3A_1923, %mul3A_1926 : vector<16xf32>
    %add3A_1928 = arith.addf %add3A_1919, %mul3A_1927 : vector<16xf32>
    %get3A_1929 = arith.constant 19 : i32
    %get3A_1930 = arith.index_cast %get3A_1929 : i32 to index
    %get3A_1931 = arith.constant 96 : index
    %get3A_1932 = tpu.vector_load %arg6[%get3A_1930, %get3A_1931] {strides = array<i32>} : memref<32x208xf32, #tpu.memory_space<vmem>>, vector<16xf32>,
    %slice3A_1933 = vector.extract_strided_slice %get3A_7 {offsets = [3], sizes = [1], strides = [1]} : vector<16xf32> to vector<1xf32>
    %squeeze3A_1934 = vector.extract %slice3A_1933[0] : f32 from vector<1xf32>
    %mul3A_1935 = vector.broadcast %squeeze3A_1934 : f32 to vector<16xf32>
    %mul3A_1936 = arith.mulf %get3A_1932, %mul3A_1935 : vector<16xf32>
    %add3A_1937 = arith.addf %add3A_1928, %mul3A_1936 : vector<16xf32>
    %get3A_1938 = arith.constant 20 : i32
    %get3A_1939 = arith.index_cast %get3A_1938 : i32 to index
    %get3A_1940 = arith.constant 96 : index
    %get3A_1941 = tpu.vector_load %arg6[%get3A_1939, %get3A_1940] {strides = array<i32>} : memref<32x208xf32, #tpu.memory_space<vmem>>, vector<16xf32>,
    %slice3A_1942 = vector.extract_strided_slice %get3A_7 {offsets = [4], sizes = [1], strides = [1]} : vector<16xf32> to vector<1xf32>
    %squeeze3A_1943 = vector.extract %slice3A_1942[0] : f32 from vector<1xf32>
    %mul3A_1944 = vector.broadcast %squeeze3A_1943 : f32 to vector<16xf32>
    %mul3A_1945 = arith.mulf %get3A_1941, %mul3A_1944 : vector<16xf32>
    %add3A_1946 = arith.addf %add3A_1937, %mul3A_1945 : vector<16xf32>
    %get3A_1947 = arith.constant 21 : i32
    %get3A_1948 = arith.index_cast %get3A_1947 : i32 to index
    %get3A_1949 = arith.constant 96 : index
    %get3A_1950 = tpu.vector_load %arg6[%get3A_1948, %get3A_1949] {strides = array<i32>} : memref<32x208xf32, #tpu.memory_space<vmem>>, vector<16xf32>,
    %slice3A_1951 = vector.extract_strided_slice %get3A_7 {offsets = [5], sizes = [1], strides = [1]} : vector<16xf32> to vector<1xf32>
    %squeeze3A_1952 = vector.extract %slice3A_1951[0] : f32 from vector<1xf32>
    %mul3A_1953 = vector.broadcast %squeeze3A_1952 : f32 to vector<16xf32>
    %mul3A_1954 = arith.mulf %get3A_1950, %mul3A_1953 : vector<16xf32>
    %add3A_1955 = arith.addf %add3A_1946, %mul3A_1954 : vector<16xf32>
    %get3A_1956 = arith.constant 22 : i32
    %get3A_1957 = arith.index_cast %get3A_1956 : i32 to index
    %get3A_1958 = arith.constant 96 : index
    %get3A_1959 = tpu.vector_load %arg6[%get3A_1957, %get3A_1958] {strides = array<i32>} : memref<32x208xf32, #tpu.memory_space<vmem>>, vector<16xf32>,
    %slice3A_1960 = vector.extract_strided_slice %get3A_7 {offsets = [6], sizes = [1], strides = [1]} : vector<16xf32> to vector<1xf32>
    %squeeze3A_1961 = vector.extract %slice3A_1960[0] : f32 from vector<1xf32>
    %mul3A_1962 = vector.broadcast %squeeze3A_1961 : f32 to vector<16xf32>
    %mul3A_1963 = arith.mulf %get3A_1959, %mul3A_1962 : vector<16xf32>
    %add3A_1964 = arith.addf %add3A_1955, %mul3A_1963 : vector<16xf32>
    %get3A_1965 = arith.constant 23 : i32
    %get3A_1966 = arith.index_cast %get3A_1965 : i32 to index
    %get3A_1967 = arith.constant 96 : index
    %get3A_1968 = tpu.vector_load %arg6[%get3A_1966, %get3A_1967] {strides = array<i32>} : memref<32x208xf32, #tpu.memory_space<vmem>>, vector<16xf32>,
    %slice3A_1969 = vector.extract_strided_slice %get3A_7 {offsets = [7], sizes = [1], strides = [1]} : vector<16xf32> to vector<1xf32>
    %squeeze3A_1970 = vector.extract %slice3A_1969[0] : f32 from vector<1xf32>
    %mul3A_1971 = vector.broadcast %squeeze3A_1970 : f32 to vector<16xf32>
    %mul3A_1972 = arith.mulf %get3A_1968, %mul3A_1971 : vector<16xf32>
    %add3A_1973 = arith.addf %add3A_1964, %mul3A_1972 : vector<16xf32>
    %get3A_1974 = arith.constant 24 : i32
    %get3A_1975 = arith.index_cast %get3A_1974 : i32 to index
    %get3A_1976 = arith.constant 96 : index
    %get3A_1977 = tpu.vector_load %arg6[%get3A_1975, %get3A_1976] {strides = array<i32>} : memref<32x208xf32, #tpu.memory_space<vmem>>, vector<16xf32>,
    %slice3A_1978 = vector.extract_strided_slice %get3A_7 {offsets = [8], sizes = [1], strides = [1]} : vector<16xf32> to vector<1xf32>
    %squeeze3A_1979 = vector.extract %slice3A_1978[0] : f32 from vector<1xf32>
    %mul3A_1980 = vector.broadcast %squeeze3A_1979 : f32 to vector<16xf32>
    %mul3A_1981 = arith.mulf %get3A_1977, %mul3A_1980 : vector<16xf32>
    %add3A_1982 = arith.addf %add3A_1973, %mul3A_1981 : vector<16xf32>
    %get3A_1983 = arith.constant 25 : i32
    %get3A_1984 = arith.index_cast %get3A_1983 : i32 to index
    %get3A_1985 = arith.constant 96 : index
    %get3A_1986 = tpu.vector_load %arg6[%get3A_1984, %get3A_1985] {strides = array<i32>} : memref<32x208xf32, #tpu.memory_space<vmem>>, vector<16xf32>,
    %slice3A_1987 = vector.extract_strided_slice %get3A_7 {offsets = [9], sizes = [1], strides = [1]} : vector<16xf32> to vector<1xf32>
    %squeeze3A_1988 = vector.extract %slice3A_1987[0] : f32 from vector<1xf32>
    %mul3A_1989 = vector.broadcast %squeeze3A_1988 : f32 to vector<16xf32>
    %mul3A_1990 = arith.mulf %get3A_1986, %mul3A_1989 : vector<16xf32>
    %add3A_1991 = arith.addf %add3A_1982, %mul3A_1990 : vector<16xf32>
    %get3A_1992 = arith.constant 26 : i32
    %get3A_1993 = arith.index_cast %get3A_1992 : i32 to index
    %get3A_1994 = arith.constant 96 : index
    %get3A_1995 = tpu.vector_load %arg6[%get3A_1993, %get3A_1994] {strides = array<i32>} : memref<32x208xf32, #tpu.memory_space<vmem>>, vector<16xf32>,
    %slice3A_1996 = vector.extract_strided_slice %get3A_7 {offsets = [10], sizes = [1], strides = [1]} : vector<16xf32> to vector<1xf32>
    %squeeze3A_1997 = vector.extract %slice3A_1996[0] : f32 from vector<1xf32>
    %mul3A_1998 = vector.broadcast %squeeze3A_1997 : f32 to vector<16xf32>
    %mul3A_1999 = arith.mulf %get3A_1995, %mul3A_1998 : vector<16xf32>
    %add3A_2000 = arith.addf %add3A_1991, %mul3A_1999 : vector<16xf32>
    %get3A_2001 = arith.constant 27 : i32
    %get3A_2002 = arith.index_cast %get3A_2001 : i32 to index
    %get3A_2003 = arith.constant 96 : index
    %get3A_2004 = tpu.vector_load %arg6[%get3A_2002, %get3A_2003] {strides = array<i32>} : memref<32x208xf32, #tpu.memory_space<vmem>>, vector<16xf32>,
    %slice3A_2005 = vector.extract_strided_slice %get3A_7 {offsets = [11], sizes = [1], strides = [1]} : vector<16xf32> to vector<1xf32>
    %squeeze3A_2006 = vector.extract %slice3A_2005[0] : f32 from vector<1xf32>
    %mul3A_2007 = vector.broadcast %squeeze3A_2006 : f32 to vector<16xf32>
    %mul3A_2008 = arith.mulf %get3A_2004, %mul3A_2007 : vector<16xf32>
    %add3A_2009 = arith.addf %add3A_2000, %mul3A_2008 : vector<16xf32>
    %get3A_2010 = arith.constant 28 : i32
    %get3A_2011 = arith.index_cast %get3A_2010 : i32 to index
    %get3A_2012 = arith.constant 96 : index
    %get3A_2013 = tpu.vector_load %arg6[%get3A_2011, %get3A_2012] {strides = array<i32>} : memref<32x208xf32, #tpu.memory_space<vmem>>, vector<16xf32>,
    %slice3A_2014 = vector.extract_strided_slice %get3A_7 {offsets = [12], sizes = [1], strides = [1]} : vector<16xf32> to vector<1xf32>
    %squeeze3A_2015 = vector.extract %slice3A_2014[0] : f32 from vector<1xf32>
    %mul3A_2016 = vector.broadcast %squeeze3A_2015 : f32 to vector<16xf32>
    %mul3A_2017 = arith.mulf %get3A_2013, %mul3A_2016 : vector<16xf32>
    %add3A_2018 = arith.addf %add3A_2009, %mul3A_2017 : vector<16xf32>
    %get3A_2019 = arith.constant 29 : i32
    %get3A_2020 = arith.index_cast %get3A_2019 : i32 to index
    %get3A_2021 = arith.constant 96 : index
    %get3A_2022 = tpu.vector_load %arg6[%get3A_2020, %get3A_2021] {strides = array<i32>} : memref<32x208xf32, #tpu.memory_space<vmem>>, vector<16xf32>,
    %slice3A_2023 = vector.extract_strided_slice %get3A_7 {offsets = [13], sizes = [1], strides = [1]} : vector<16xf32> to vector<1xf32>
    %squeeze3A_2024 = vector.extract %slice3A_2023[0] : f32 from vector<1xf32>
    %mul3A_2025 = vector.broadcast %squeeze3A_2024 : f32 to vector<16xf32>
    %mul3A_2026 = arith.mulf %get3A_2022, %mul3A_2025 : vector<16xf32>
    %add3A_2027 = arith.addf %add3A_2018, %mul3A_2026 : vector<16xf32>
    %get3A_2028 = arith.constant 30 : i32
    %get3A_2029 = arith.index_cast %get3A_2028 : i32 to index
    %get3A_2030 = arith.constant 96 : index
    %get3A_2031 = tpu.vector_load %arg6[%get3A_2029, %get3A_2030] {strides = array<i32>} : memref<32x208xf32, #tpu.memory_space<vmem>>, vector<16xf32>,
    %slice3A_2032 = vector.extract_strided_slice %get3A_7 {offsets = [14], sizes = [1], strides = [1]} : vector<16xf32> to vector<1xf32>
    %squeeze3A_2033 = vector.extract %slice3A_2032[0] : f32 from vector<1xf32>
    %mul3A_2034 = vector.broadcast %squeeze3A_2033 : f32 to vector<16xf32>
    %mul3A_2035 = arith.mulf %get3A_2031, %mul3A_2034 : vector<16xf32>
    %add3A_2036 = arith.addf %add3A_2027, %mul3A_2035 : vector<16xf32>
    %get3A_2037 = arith.constant 31 : i32
    %get3A_2038 = arith.index_cast %get3A_2037 : i32 to index
    %get3A_2039 = arith.constant 96 : index
    %get3A_2040 = tpu.vector_load %arg6[%get3A_2038, %get3A_2039] {strides = array<i32>} : memref<32x208xf32, #tpu.memory_space<vmem>>, vector<16xf32>,
    %slice3A_2041 = vector.extract_strided_slice %get3A_7 {offsets = [15], sizes = [1], strides = [1]} : vector<16xf32> to vector<1xf32>
    %squeeze3A_2042 = vector.extract %slice3A_2041[0] : f32 from vector<1xf32>
    %mul3A_2043 = vector.broadcast %squeeze3A_2042 : f32 to vector<16xf32>
    %mul3A_2044 = arith.mulf %get3A_2040, %mul3A_2043 : vector<16xf32>
    %add3A_2045 = arith.addf %add3A_2036, %mul3A_2044 : vector<16xf32>
    %swap3A_2046 = arith.constant 96 : index
    %swap3A_2047 = tpu.vector_load %arg9[%swap3A_2046] {strides = array<i32>} : memref<208xf32, #tpu.memory_space<vmem>>, vector<16xf32>,
    tpu.vector_store %arg9[%swap3A_2046], %add3A_2045 {strides = array<i32>} : memref<208xf32, #tpu.memory_space<vmem>>, vector<16xf32>,
    %broadcast_in_dim3A_2048 = arith.constant 0.000000e+00 : f32
    %broadcast_in_dim3A_2049 = vector.broadcast %broadcast_in_dim3A_2048 : f32 to vector<16xf32>
    %get3A_2050 = arith.constant 0 : i32
    %get3A_2051 = arith.index_cast %get3A_2050 : i32 to index
    %get3A_2052 = arith.constant 112 : index
    %get3A_2053 = tpu.vector_load %arg6[%get3A_2051, %get3A_2052] {strides = array<i32>} : memref<32x208xf32, #tpu.memory_space<vmem>>, vector<16xf32>,
    %slice3A_2054 = vector.extract_strided_slice %get3A_5 {offsets = [0], sizes = [1], strides = [1]} : vector<16xf32> to vector<1xf32>
    %squeeze3A_2055 = vector.extract %slice3A_2054[0] : f32 from vector<1xf32>
    %mul3A_2056 = vector.broadcast %squeeze3A_2055 : f32 to vector<16xf32>
    %mul3A_2057 = arith.mulf %get3A_2053, %mul3A_2056 : vector<16xf32>
    %add3A_2058 = arith.addf %broadcast_in_dim3A_2049, %mul3A_2057 : vector<16xf32>
    %get3A_2059 = arith.constant 1 : i32
    %get3A_2060 = arith.index_cast %get3A_2059 : i32 to index
    %get3A_2061 = arith.constant 112 : index
    %get3A_2062 = tpu.vector_load %arg6[%get3A_2060, %get3A_2061] {strides = array<i32>} : memref<32x208xf32, #tpu.memory_space<vmem>>, vector<16xf32>,
    %slice3A_2063 = vector.extract_strided_slice %get3A_5 {offsets = [1], sizes = [1], strides = [1]} : vector<16xf32> to vector<1xf32>
    %squeeze3A_2064 = vector.extract %slice3A_2063[0] : f32 from vector<1xf32>
    %mul3A_2065 = vector.broadcast %squeeze3A_2064 : f32 to vector<16xf32>
    %mul3A_2066 = arith.mulf %get3A_2062, %mul3A_2065 : vector<16xf32>
    %add3A_2067 = arith.addf %add3A_2058, %mul3A_2066 : vector<16xf32>
    %get3A_2068 = arith.constant 2 : i32
    %get3A_2069 = arith.index_cast %get3A_2068 : i32 to index
    %get3A_2070 = arith.constant 112 : index
    %get3A_2071 = tpu.vector_load %arg6[%get3A_2069, %get3A_2070] {strides = array<i32>} : memref<32x208xf32, #tpu.memory_space<vmem>>, vector<16xf32>,
    %slice3A_2072 = vector.extract_strided_slice %get3A_5 {offsets = [2], sizes = [1], strides = [1]} : vector<16xf32> to vector<1xf32>
    %squeeze3A_2073 = vector.extract %slice3A_2072[0] : f32 from vector<1xf32>
    %mul3A_2074 = vector.broadcast %squeeze3A_2073 : f32 to vector<16xf32>
    %mul3A_2075 = arith.mulf %get3A_2071, %mul3A_2074 : vector<16xf32>
    %add3A_2076 = arith.addf %add3A_2067, %mul3A_2075 : vector<16xf32>
    %get3A_2077 = arith.constant 3 : i32
    %get3A_2078 = arith.index_cast %get3A_2077 : i32 to index
    %get3A_2079 = arith.constant 112 : index
    %get3A_2080 = tpu.vector_load %arg6[%get3A_2078, %get3A_2079] {strides = array<i32>} : memref<32x208xf32, #tpu.memory_space<vmem>>, vector<16xf32>,
    %slice3A_2081 = vector.extract_strided_slice %get3A_5 {offsets = [3], sizes = [1], strides = [1]} : vector<16xf32> to vector<1xf32>
    %squeeze3A_2082 = vector.extract %slice3A_2081[0] : f32 from vector<1xf32>
    %mul3A_2083 = vector.broadcast %squeeze3A_2082 : f32 to vector<16xf32>
    %mul3A_2084 = arith.mulf %get3A_2080, %mul3A_2083 : vector<16xf32>
    %add3A_2085 = arith.addf %add3A_2076, %mul3A_2084 : vector<16xf32>
    %get3A_2086 = arith.constant 4 : i32
    %get3A_2087 = arith.index_cast %get3A_2086 : i32 to index
    %get3A_2088 = arith.constant 112 : index
    %get3A_2089 = tpu.vector_load %arg6[%get3A_2087, %get3A_2088] {strides = array<i32>} : memref<32x208xf32, #tpu.memory_space<vmem>>, vector<16xf32>,
    %slice3A_2090 = vector.extract_strided_slice %get3A_5 {offsets = [4], sizes = [1], strides = [1]} : vector<16xf32> to vector<1xf32>
    %squeeze3A_2091 = vector.extract %slice3A_2090[0] : f32 from vector<1xf32>
    %mul3A_2092 = vector.broadcast %squeeze3A_2091 : f32 to vector<16xf32>
    %mul3A_2093 = arith.mulf %get3A_2089, %mul3A_2092 : vector<16xf32>
    %add3A_2094 = arith.addf %add3A_2085, %mul3A_2093 : vector<16xf32>
    %get3A_2095 = arith.constant 5 : i32
    %get3A_2096 = arith.index_cast %get3A_2095 : i32 to index
    %get3A_2097 = arith.constant 112 : index
    %get3A_2098 = tpu.vector_load %arg6[%get3A_2096, %get3A_2097] {strides = array<i32>} : memref<32x208xf32, #tpu.memory_space<vmem>>, vector<16xf32>,
    %slice3A_2099 = vector.extract_strided_slice %get3A_5 {offsets = [5], sizes = [1], strides = [1]} : vector<16xf32> to vector<1xf32>
    %squeeze3A_2100 = vector.extract %slice3A_2099[0] : f32 from vector<1xf32>
    %mul3A_2101 = vector.broadcast %squeeze3A_2100 : f32 to vector<16xf32>
    %mul3A_2102 = arith.mulf %get3A_2098, %mul3A_2101 : vector<16xf32>
    %add3A_2103 = arith.addf %add3A_2094, %mul3A_2102 : vector<16xf32>
    %get3A_2104 = arith.constant 6 : i32
    %get3A_2105 = arith.index_cast %get3A_2104 : i32 to index
    %get3A_2106 = arith.constant 112 : index
    %get3A_2107 = tpu.vector_load %arg6[%get3A_2105, %get3A_2106] {strides = array<i32>} : memref<32x208xf32, #tpu.memory_space<vmem>>, vector<16xf32>,
    %slice3A_2108 = vector.extract_strided_slice %get3A_5 {offsets = [6], sizes = [1], strides = [1]} : vector<16xf32> to vector<1xf32>
    %squeeze3A_2109 = vector.extract %slice3A_2108[0] : f32 from vector<1xf32>
    %mul3A_2110 = vector.broadcast %squeeze3A_2109 : f32 to vector<16xf32>
    %mul3A_2111 = arith.mulf %get3A_2107, %mul3A_2110 : vector<16xf32>
    %add3A_2112 = arith.addf %add3A_2103, %mul3A_2111 : vector<16xf32>
    %get3A_2113 = arith.constant 7 : i32
    %get3A_2114 = arith.index_cast %get3A_2113 : i32 to index
    %get3A_2115 = arith.constant 112 : index
    %get3A_2116 = tpu.vector_load %arg6[%get3A_2114, %get3A_2115] {strides = array<i32>} : memref<32x208xf32, #tpu.memory_space<vmem>>, vector<16xf32>,
    %slice3A_2117 = vector.extract_strided_slice %get3A_5 {offsets = [7], sizes = [1], strides = [1]} : vector<16xf32> to vector<1xf32>
    %squeeze3A_2118 = vector.extract %slice3A_2117[0] : f32 from vector<1xf32>
    %mul3A_2119 = vector.broadcast %squeeze3A_2118 : f32 to vector<16xf32>
    %mul3A_2120 = arith.mulf %get3A_2116, %mul3A_2119 : vector<16xf32>
    %add3A_2121 = arith.addf %add3A_2112, %mul3A_2120 : vector<16xf32>
    %get3A_2122 = arith.constant 8 : i32
    %get3A_2123 = arith.index_cast %get3A_2122 : i32 to index
    %get3A_2124 = arith.constant 112 : index
    %get3A_2125 = tpu.vector_load %arg6[%get3A_2123, %get3A_2124] {strides = array<i32>} : memref<32x208xf32, #tpu.memory_space<vmem>>, vector<16xf32>,
    %slice3A_2126 = vector.extract_strided_slice %get3A_5 {offsets = [8], sizes = [1], strides = [1]} : vector<16xf32> to vector<1xf32>
    %squeeze3A_2127 = vector.extract %slice3A_2126[0] : f32 from vector<1xf32>
    %mul3A_2128 = vector.broadcast %squeeze3A_2127 : f32 to vector<16xf32>
    %mul3A_2129 = arith.mulf %get3A_2125, %mul3A_2128 : vector<16xf32>
    %add3A_2130 = arith.addf %add3A_2121, %mul3A_2129 : vector<16xf32>
    %get3A_2131 = arith.constant 9 : i32
    %get3A_2132 = arith.index_cast %get3A_2131 : i32 to index
    %get3A_2133 = arith.constant 112 : index
    %get3A_2134 = tpu.vector_load %arg6[%get3A_2132, %get3A_2133] {strides = array<i32>} : memref<32x208xf32, #tpu.memory_space<vmem>>, vector<16xf32>,
    %slice3A_2135 = vector.extract_strided_slice %get3A_5 {offsets = [9], sizes = [1], strides = [1]} : vector<16xf32> to vector<1xf32>
    %squeeze3A_2136 = vector.extract %slice3A_2135[0] : f32 from vector<1xf32>
    %mul3A_2137 = vector.broadcast %squeeze3A_2136 : f32 to vector<16xf32>
    %mul3A_2138 = arith.mulf %get3A_2134, %mul3A_2137 : vector<16xf32>
    %add3A_2139 = arith.addf %add3A_2130, %mul3A_2138 : vector<16xf32>
    %get3A_2140 = arith.constant 10 : i32
    %get3A_2141 = arith.index_cast %get3A_2140 : i32 to index
    %get3A_2142 = arith.constant 112 : index
    %get3A_2143 = tpu.vector_load %arg6[%get3A_2141, %get3A_2142] {strides = array<i32>} : memref<32x208xf32, #tpu.memory_space<vmem>>, vector<16xf32>,
    %slice3A_2144 = vector.extract_strided_slice %get3A_5 {offsets = [10], sizes = [1], strides = [1]} : vector<16xf32> to vector<1xf32>
    %squeeze3A_2145 = vector.extract %slice3A_2144[0] : f32 from vector<1xf32>
    %mul3A_2146 = vector.broadcast %squeeze3A_2145 : f32 to vector<16xf32>
    %mul3A_2147 = arith.mulf %get3A_2143, %mul3A_2146 : vector<16xf32>
    %add3A_2148 = arith.addf %add3A_2139, %mul3A_2147 : vector<16xf32>
    %get3A_2149 = arith.constant 11 : i32
    %get3A_2150 = arith.index_cast %get3A_2149 : i32 to index
    %get3A_2151 = arith.constant 112 : index
    %get3A_2152 = tpu.vector_load %arg6[%get3A_2150, %get3A_2151] {strides = array<i32>} : memref<32x208xf32, #tpu.memory_space<vmem>>, vector<16xf32>,
    %slice3A_2153 = vector.extract_strided_slice %get3A_5 {offsets = [11], sizes = [1], strides = [1]} : vector<16xf32> to vector<1xf32>
    %squeeze3A_2154 = vector.extract %slice3A_2153[0] : f32 from vector<1xf32>
    %mul3A_2155 = vector.broadcast %squeeze3A_2154 : f32 to vector<16xf32>
    %mul3A_2156 = arith.mulf %get3A_2152, %mul3A_2155 : vector<16xf32>
    %add3A_2157 = arith.addf %add3A_2148, %mul3A_2156 : vector<16xf32>
    %get3A_2158 = arith.constant 12 : i32
    %get3A_2159 = arith.index_cast %get3A_2158 : i32 to index
    %get3A_2160 = arith.constant 112 : index
    %get3A_2161 = tpu.vector_load %arg6[%get3A_2159, %get3A_2160] {strides = array<i32>} : memref<32x208xf32, #tpu.memory_space<vmem>>, vector<16xf32>,
    %slice3A_2162 = vector.extract_strided_slice %get3A_5 {offsets = [12], sizes = [1], strides = [1]} : vector<16xf32> to vector<1xf32>
    %squeeze3A_2163 = vector.extract %slice3A_2162[0] : f32 from vector<1xf32>
    %mul3A_2164 = vector.broadcast %squeeze3A_2163 : f32 to vector<16xf32>
    %mul3A_2165 = arith.mulf %get3A_2161, %mul3A_2164 : vector<16xf32>
    %add3A_2166 = arith.addf %add3A_2157, %mul3A_2165 : vector<16xf32>
    %get3A_2167 = arith.constant 13 : i32
    %get3A_2168 = arith.index_cast %get3A_2167 : i32 to index
    %get3A_2169 = arith.constant 112 : index
    %get3A_2170 = tpu.vector_load %arg6[%get3A_2168, %get3A_2169] {strides = array<i32>} : memref<32x208xf32, #tpu.memory_space<vmem>>, vector<16xf32>,
    %slice3A_2171 = vector.extract_strided_slice %get3A_5 {offsets = [13], sizes = [1], strides = [1]} : vector<16xf32> to vector<1xf32>
    %squeeze3A_2172 = vector.extract %slice3A_2171[0] : f32 from vector<1xf32>
    %mul3A_2173 = vector.broadcast %squeeze3A_2172 : f32 to vector<16xf32>
    %mul3A_2174 = arith.mulf %get3A_2170, %mul3A_2173 : vector<16xf32>
    %add3A_2175 = arith.addf %add3A_2166, %mul3A_2174 : vector<16xf32>
    %get3A_2176 = arith.constant 14 : i32
    %get3A_2177 = arith.index_cast %get3A_2176 : i32 to index
    %get3A_2178 = arith.constant 112 : index
    %get3A_2179 = tpu.vector_load %arg6[%get3A_2177, %get3A_2178] {strides = array<i32>} : memref<32x208xf32, #tpu.memory_space<vmem>>, vector<16xf32>,
    %slice3A_2180 = vector.extract_strided_slice %get3A_5 {offsets = [14], sizes = [1], strides = [1]} : vector<16xf32> to vector<1xf32>
    %squeeze3A_2181 = vector.extract %slice3A_2180[0] : f32 from vector<1xf32>
    %mul3A_2182 = vector.broadcast %squeeze3A_2181 : f32 to vector<16xf32>
    %mul3A_2183 = arith.mulf %get3A_2179, %mul3A_2182 : vector<16xf32>
    %add3A_2184 = arith.addf %add3A_2175, %mul3A_2183 : vector<16xf32>
    %get3A_2185 = arith.constant 15 : i32
    %get3A_2186 = arith.index_cast %get3A_2185 : i32 to index
    %get3A_2187 = arith.constant 112 : index
    %get3A_2188 = tpu.vector_load %arg6[%get3A_2186, %get3A_2187] {strides = array<i32>} : memref<32x208xf32, #tpu.memory_space<vmem>>, vector<16xf32>,
    %slice3A_2189 = vector.extract_strided_slice %get3A_5 {offsets = [15], sizes = [1], strides = [1]} : vector<16xf32> to vector<1xf32>
    %squeeze3A_2190 = vector.extract %slice3A_2189[0] : f32 from vector<1xf32>
    %mul3A_2191 = vector.broadcast %squeeze3A_2190 : f32 to vector<16xf32>
    %mul3A_2192 = arith.mulf %get3A_2188, %mul3A_2191 : vector<16xf32>
    %add3A_2193 = arith.addf %add3A_2184, %mul3A_2192 : vector<16xf32>
    %get3A_2194 = arith.constant 16 : i32
    %get3A_2195 = arith.index_cast %get3A_2194 : i32 to index
    %get3A_2196 = arith.constant 112 : index
    %get3A_2197 = tpu.vector_load %arg6[%get3A_2195, %get3A_2196] {strides = array<i32>} : memref<32x208xf32, #tpu.memory_space<vmem>>, vector<16xf32>,
    %slice3A_2198 = vector.extract_strided_slice %get3A_7 {offsets = [0], sizes = [1], strides = [1]} : vector<16xf32> to vector<1xf32>
    %squeeze3A_2199 = vector.extract %slice3A_2198[0] : f32 from vector<1xf32>
    %mul3A_2200 = vector.broadcast %squeeze3A_2199 : f32 to vector<16xf32>
    %mul3A_2201 = arith.mulf %get3A_2197, %mul3A_2200 : vector<16xf32>
    %add3A_2202 = arith.addf %add3A_2193, %mul3A_2201 : vector<16xf32>
    %get3A_2203 = arith.constant 17 : i32
    %get3A_2204 = arith.index_cast %get3A_2203 : i32 to index
    %get3A_2205 = arith.constant 112 : index
    %get3A_2206 = tpu.vector_load %arg6[%get3A_2204, %get3A_2205] {strides = array<i32>} : memref<32x208xf32, #tpu.memory_space<vmem>>, vector<16xf32>,
    %slice3A_2207 = vector.extract_strided_slice %get3A_7 {offsets = [1], sizes = [1], strides = [1]} : vector<16xf32> to vector<1xf32>
    %squeeze3A_2208 = vector.extract %slice3A_2207[0] : f32 from vector<1xf32>
    %mul3A_2209 = vector.broadcast %squeeze3A_2208 : f32 to vector<16xf32>
    %mul3A_2210 = arith.mulf %get3A_2206, %mul3A_2209 : vector<16xf32>
    %add3A_2211 = arith.addf %add3A_2202, %mul3A_2210 : vector<16xf32>
    %get3A_2212 = arith.constant 18 : i32
    %get3A_2213 = arith.index_cast %get3A_2212 : i32 to index
    %get3A_2214 = arith.constant 112 : index
    %get3A_2215 = tpu.vector_load %arg6[%get3A_2213, %get3A_2214] {strides = array<i32>} : memref<32x208xf32, #tpu.memory_space<vmem>>, vector<16xf32>,
    %slice3A_2216 = vector.extract_strided_slice %get3A_7 {offsets = [2], sizes = [1], strides = [1]} : vector<16xf32> to vector<1xf32>
    %squeeze3A_2217 = vector.extract %slice3A_2216[0] : f32 from vector<1xf32>
    %mul3A_2218 = vector.broadcast %squeeze3A_2217 : f32 to vector<16xf32>
    %mul3A_2219 = arith.mulf %get3A_2215, %mul3A_2218 : vector<16xf32>
    %add3A_2220 = arith.addf %add3A_2211, %mul3A_2219 : vector<16xf32>
    %get3A_2221 = arith.constant 19 : i32
    %get3A_2222 = arith.index_cast %get3A_2221 : i32 to index
    %get3A_2223 = arith.constant 112 : index
    %get3A_2224 = tpu.vector_load %arg6[%get3A_2222, %get3A_2223] {strides = array<i32>} : memref<32x208xf32, #tpu.memory_space<vmem>>, vector<16xf32>,
    %slice3A_2225 = vector.extract_strided_slice %get3A_7 {offsets = [3], sizes = [1], strides = [1]} : vector<16xf32> to vector<1xf32>
    %squeeze3A_2226 = vector.extract %slice3A_2225[0] : f32 from vector<1xf32>
    %mul3A_2227 = vector.broadcast %squeeze3A_2226 : f32 to vector<16xf32>
    %mul3A_2228 = arith.mulf %get3A_2224, %mul3A_2227 : vector<16xf32>
    %add3A_2229 = arith.addf %add3A_2220, %mul3A_2228 : vector<16xf32>
    %get3A_2230 = arith.constant 20 : i32
    %get3A_2231 = arith.index_cast %get3A_2230 : i32 to index
    %get3A_2232 = arith.constant 112 : index
    %get3A_2233 = tpu.vector_load %arg6[%get3A_2231, %get3A_2232] {strides = array<i32>} : memref<32x208xf32, #tpu.memory_space<vmem>>, vector<16xf32>,
    %slice3A_2234 = vector.extract_strided_slice %get3A_7 {offsets = [4], sizes = [1], strides = [1]} : vector<16xf32> to vector<1xf32>
    %squeeze3A_2235 = vector.extract %slice3A_2234[0] : f32 from vector<1xf32>
    %mul3A_2236 = vector.broadcast %squeeze3A_2235 : f32 to vector<16xf32>
    %mul3A_2237 = arith.mulf %get3A_2233, %mul3A_2236 : vector<16xf32>
    %add3A_2238 = arith.addf %add3A_2229, %mul3A_2237 : vector<16xf32>
    %get3A_2239 = arith.constant 21 : i32
    %get3A_2240 = arith.index_cast %get3A_2239 : i32 to index
    %get3A_2241 = arith.constant 112 : index
    %get3A_2242 = tpu.vector_load %arg6[%get3A_2240, %get3A_2241] {strides = array<i32>} : memref<32x208xf32, #tpu.memory_space<vmem>>, vector<16xf32>,
    %slice3A_2243 = vector.extract_strided_slice %get3A_7 {offsets = [5], sizes = [1], strides = [1]} : vector<16xf32> to vector<1xf32>
    %squeeze3A_2244 = vector.extract %slice3A_2243[0] : f32 from vector<1xf32>
    %mul3A_2245 = vector.broadcast %squeeze3A_2244 : f32 to vector<16xf32>
    %mul3A_2246 = arith.mulf %get3A_2242, %mul3A_2245 : vector<16xf32>
    %add3A_2247 = arith.addf %add3A_2238, %mul3A_2246 : vector<16xf32>
    %get3A_2248 = arith.constant 22 : i32
    %get3A_2249 = arith.index_cast %get3A_2248 : i32 to index
    %get3A_2250 = arith.constant 112 : index
    %get3A_2251 = tpu.vector_load %arg6[%get3A_2249, %get3A_2250] {strides = array<i32>} : memref<32x208xf32, #tpu.memory_space<vmem>>, vector<16xf32>,
    %slice3A_2252 = vector.extract_strided_slice %get3A_7 {offsets = [6], sizes = [1], strides = [1]} : vector<16xf32> to vector<1xf32>
    %squeeze3A_2253 = vector.extract %slice3A_2252[0] : f32 from vector<1xf32>
    %mul3A_2254 = vector.broadcast %squeeze3A_2253 : f32 to vector<16xf32>
    %mul3A_2255 = arith.mulf %get3A_2251, %mul3A_2254 : vector<16xf32>
    %add3A_2256 = arith.addf %add3A_2247, %mul3A_2255 : vector<16xf32>
    %get3A_2257 = arith.constant 23 : i32
    %get3A_2258 = arith.index_cast %get3A_2257 : i32 to index
    %get3A_2259 = arith.constant 112 : index
    %get3A_2260 = tpu.vector_load %arg6[%get3A_2258, %get3A_2259] {strides = array<i32>} : memref<32x208xf32, #tpu.memory_space<vmem>>, vector<16xf32>,
    %slice3A_2261 = vector.extract_strided_slice %get3A_7 {offsets = [7], sizes = [1], strides = [1]} : vector<16xf32> to vector<1xf32>
    %squeeze3A_2262 = vector.extract %slice3A_2261[0] : f32 from vector<1xf32>
    %mul3A_2263 = vector.broadcast %squeeze3A_2262 : f32 to vector<16xf32>
    %mul3A_2264 = arith.mulf %get3A_2260, %mul3A_2263 : vector<16xf32>
    %add3A_2265 = arith.addf %add3A_2256, %mul3A_2264 : vector<16xf32>
    %get3A_2266 = arith.constant 24 : i32
    %get3A_2267 = arith.index_cast %get3A_2266 : i32 to index
    %get3A_2268 = arith.constant 112 : index
    %get3A_2269 = tpu.vector_load %arg6[%get3A_2267, %get3A_2268] {strides = array<i32>} : memref<32x208xf32, #tpu.memory_space<vmem>>, vector<16xf32>,
    %slice3A_2270 = vector.extract_strided_slice %get3A_7 {offsets = [8], sizes = [1], strides = [1]} : vector<16xf32> to vector<1xf32>
    %squeeze3A_2271 = vector.extract %slice3A_2270[0] : f32 from vector<1xf32>
    %mul3A_2272 = vector.broadcast %squeeze3A_2271 : f32 to vector<16xf32>
    %mul3A_2273 = arith.mulf %get3A_2269, %mul3A_2272 : vector<16xf32>
    %add3A_2274 = arith.addf %add3A_2265, %mul3A_2273 : vector<16xf32>
    %get3A_2275 = arith.constant 25 : i32
    %get3A_2276 = arith.index_cast %get3A_2275 : i32 to index
    %get3A_2277 = arith.constant 112 : index
    %get3A_2278 = tpu.vector_load %arg6[%get3A_2276, %get3A_2277] {strides = array<i32>} : memref<32x208xf32, #tpu.memory_space<vmem>>, vector<16xf32>,
    %slice3A_2279 = vector.extract_strided_slice %get3A_7 {offsets = [9], sizes = [1], strides = [1]} : vector<16xf32> to vector<1xf32>
    %squeeze3A_2280 = vector.extract %slice3A_2279[0] : f32 from vector<1xf32>
    %mul3A_2281 = vector.broadcast %squeeze3A_2280 : f32 to vector<16xf32>
    %mul3A_2282 = arith.mulf %get3A_2278, %mul3A_2281 : vector<16xf32>
    %add3A_2283 = arith.addf %add3A_2274, %mul3A_2282 : vector<16xf32>
    %get3A_2284 = arith.constant 26 : i32
    %get3A_2285 = arith.index_cast %get3A_2284 : i32 to index
    %get3A_2286 = arith.constant 112 : index
    %get3A_2287 = tpu.vector_load %arg6[%get3A_2285, %get3A_2286] {strides = array<i32>} : memref<32x208xf32, #tpu.memory_space<vmem>>, vector<16xf32>,
    %slice3A_2288 = vector.extract_strided_slice %get3A_7 {offsets = [10], sizes = [1], strides = [1]} : vector<16xf32> to vector<1xf32>
    %squeeze3A_2289 = vector.extract %slice3A_2288[0] : f32 from vector<1xf32>
    %mul3A_2290 = vector.broadcast %squeeze3A_2289 : f32 to vector<16xf32>
    %mul3A_2291 = arith.mulf %get3A_2287, %mul3A_2290 : vector<16xf32>
    %add3A_2292 = arith.addf %add3A_2283, %mul3A_2291 : vector<16xf32>
    %get3A_2293 = arith.constant 27 : i32
    %get3A_2294 = arith.index_cast %get3A_2293 : i32 to index
    %get3A_2295 = arith.constant 112 : index
    %get3A_2296 = tpu.vector_load %arg6[%get3A_2294, %get3A_2295] {strides = array<i32>} : memref<32x208xf32, #tpu.memory_space<vmem>>, vector<16xf32>,
    %slice3A_2297 = vector.extract_strided_slice %get3A_7 {offsets = [11], sizes = [1], strides = [1]} : vector<16xf32> to vector<1xf32>
    %squeeze3A_2298 = vector.extract %slice3A_2297[0] : f32 from vector<1xf32>
    %mul3A_2299 = vector.broadcast %squeeze3A_2298 : f32 to vector<16xf32>
    %mul3A_2300 = arith.mulf %get3A_2296, %mul3A_2299 : vector<16xf32>
    %add3A_2301 = arith.addf %add3A_2292, %mul3A_2300 : vector<16xf32>
    %get3A_2302 = arith.constant 28 : i32
    %get3A_2303 = arith.index_cast %get3A_2302 : i32 to index
    %get3A_2304 = arith.constant 112 : index
    %get3A_2305 = tpu.vector_load %arg6[%get3A_2303, %get3A_2304] {strides = array<i32>} : memref<32x208xf32, #tpu.memory_space<vmem>>, vector<16xf32>,
    %slice3A_2306 = vector.extract_strided_slice %get3A_7 {offsets = [12], sizes = [1], strides = [1]} : vector<16xf32> to vector<1xf32>
    %squeeze3A_2307 = vector.extract %slice3A_2306[0] : f32 from vector<1xf32>
    %mul3A_2308 = vector.broadcast %squeeze3A_2307 : f32 to vector<16xf32>
    %mul3A_2309 = arith.mulf %get3A_2305, %mul3A_2308 : vector<16xf32>
    %add3A_2310 = arith.addf %add3A_2301, %mul3A_2309 : vector<16xf32>
    %get3A_2311 = arith.constant 29 : i32
    %get3A_2312 = arith.index_cast %get3A_2311 : i32 to index
    %get3A_2313 = arith.constant 112 : index
    %get3A_2314 = tpu.vector_load %arg6[%get3A_2312, %get3A_2313] {strides = array<i32>} : memref<32x208xf32, #tpu.memory_space<vmem>>, vector<16xf32>,
    %slice3A_2315 = vector.extract_strided_slice %get3A_7 {offsets = [13], sizes = [1], strides = [1]} : vector<16xf32> to vector<1xf32>
    %squeeze3A_2316 = vector.extract %slice3A_2315[0] : f32 from vector<1xf32>
    %mul3A_2317 = vector.broadcast %squeeze3A_2316 : f32 to vector<16xf32>
    %mul3A_2318 = arith.mulf %get3A_2314, %mul3A_2317 : vector<16xf32>
    %add3A_2319 = arith.addf %add3A_2310, %mul3A_2318 : vector<16xf32>
    %get3A_2320 = arith.constant 30 : i32
    %get3A_2321 = arith.index_cast %get3A_2320 : i32 to index
    %get3A_2322 = arith.constant 112 : index
    %get3A_2323 = tpu.vector_load %arg6[%get3A_2321, %get3A_2322] {strides = array<i32>} : memref<32x208xf32, #tpu.memory_space<vmem>>, vector<16xf32>,
    %slice3A_2324 = vector.extract_strided_slice %get3A_7 {offsets = [14], sizes = [1], strides = [1]} : vector<16xf32> to vector<1xf32>
    %squeeze3A_2325 = vector.extract %slice3A_2324[0] : f32 from vector<1xf32>
    %mul3A_2326 = vector.broadcast %squeeze3A_2325 : f32 to vector<16xf32>
    %mul3A_2327 = arith.mulf %get3A_2323, %mul3A_2326 : vector<16xf32>
    %add3A_2328 = arith.addf %add3A_2319, %mul3A_2327 : vector<16xf32>
    %get3A_2329 = arith.constant 31 : i32
    %get3A_2330 = arith.index_cast %get3A_2329 : i32 to index
    %get3A_2331 = arith.constant 112 : index
    %get3A_2332 = tpu.vector_load %arg6[%get3A_2330, %get3A_2331] {strides = array<i32>} : memref<32x208xf32, #tpu.memory_space<vmem>>, vector<16xf32>,
    %slice3A_2333 = vector.extract_strided_slice %get3A_7 {offsets = [15], sizes = [1], strides = [1]} : vector<16xf32> to vector<1xf32>
    %squeeze3A_2334 = vector.extract %slice3A_2333[0] : f32 from vector<1xf32>
    %mul3A_2335 = vector.broadcast %squeeze3A_2334 : f32 to vector<16xf32>
    %mul3A_2336 = arith.mulf %get3A_2332, %mul3A_2335 : vector<16xf32>
    %add3A_2337 = arith.addf %add3A_2328, %mul3A_2336 : vector<16xf32>
    %swap3A_2338 = arith.constant 112 : index
    %swap3A_2339 = tpu.vector_load %arg9[%swap3A_2338] {strides = array<i32>} : memref<208xf32, #tpu.memory_space<vmem>>, vector<16xf32>,
    tpu.vector_store %arg9[%swap3A_2338], %add3A_2337 {strides = array<i32>} : memref<208xf32, #tpu.memory_space<vmem>>, vector<16xf32>,
    %broadcast_in_dim3A_2340 = arith.constant 0.000000e+00 : f32
    %broadcast_in_dim3A_2341 = vector.broadcast %broadcast_in_dim3A_2340 : f32 to vector<16xf32>
    %get3A_2342 = arith.constant 0 : i32
    %get3A_2343 = arith.index_cast %get3A_2342 : i32 to index
    %get3A_2344 = arith.constant 128 : index
    %get3A_2345 = tpu.vector_load %arg6[%get3A_2343, %get3A_2344] {strides = array<i32>} : memref<32x208xf32, #tpu.memory_space<vmem>>, vector<16xf32>,
    %slice3A_2346 = vector.extract_strided_slice %get3A_5 {offsets = [0], sizes = [1], strides = [1]} : vector<16xf32> to vector<1xf32>
    %squeeze3A_2347 = vector.extract %slice3A_2346[0] : f32 from vector<1xf32>
    %mul3A_2348 = vector.broadcast %squeeze3A_2347 : f32 to vector<16xf32>
    %mul3A_2349 = arith.mulf %get3A_2345, %mul3A_2348 : vector<16xf32>
    %add3A_2350 = arith.addf %broadcast_in_dim3A_2341, %mul3A_2349 : vector<16xf32>
    %get3A_2351 = arith.constant 1 : i32
    %get3A_2352 = arith.index_cast %get3A_2351 : i32 to index
    %get3A_2353 = arith.constant 128 : index
    %get3A_2354 = tpu.vector_load %arg6[%get3A_2352, %get3A_2353] {strides = array<i32>} : memref<32x208xf32, #tpu.memory_space<vmem>>, vector<16xf32>,
    %slice3A_2355 = vector.extract_strided_slice %get3A_5 {offsets = [1], sizes = [1], strides = [1]} : vector<16xf32> to vector<1xf32>
    %squeeze3A_2356 = vector.extract %slice3A_2355[0] : f32 from vector<1xf32>
    %mul3A_2357 = vector.broadcast %squeeze3A_2356 : f32 to vector<16xf32>
    %mul3A_2358 = arith.mulf %get3A_2354, %mul3A_2357 : vector<16xf32>
    %add3A_2359 = arith.addf %add3A_2350, %mul3A_2358 : vector<16xf32>
    %get3A_2360 = arith.constant 2 : i32
    %get3A_2361 = arith.index_cast %get3A_2360 : i32 to index
    %get3A_2362 = arith.constant 128 : index
    %get3A_2363 = tpu.vector_load %arg6[%get3A_2361, %get3A_2362] {strides = array<i32>} : memref<32x208xf32, #tpu.memory_space<vmem>>, vector<16xf32>,
    %slice3A_2364 = vector.extract_strided_slice %get3A_5 {offsets = [2], sizes = [1], strides = [1]} : vector<16xf32> to vector<1xf32>
    %squeeze3A_2365 = vector.extract %slice3A_2364[0] : f32 from vector<1xf32>
    %mul3A_2366 = vector.broadcast %squeeze3A_2365 : f32 to vector<16xf32>
    %mul3A_2367 = arith.mulf %get3A_2363, %mul3A_2366 : vector<16xf32>
    %add3A_2368 = arith.addf %add3A_2359, %mul3A_2367 : vector<16xf32>
    %get3A_2369 = arith.constant 3 : i32
    %get3A_2370 = arith.index_cast %get3A_2369 : i32 to index
    %get3A_2371 = arith.constant 128 : index
    %get3A_2372 = tpu.vector_load %arg6[%get3A_2370, %get3A_2371] {strides = array<i32>} : memref<32x208xf32, #tpu.memory_space<vmem>>, vector<16xf32>,
    %slice3A_2373 = vector.extract_strided_slice %get3A_5 {offsets = [3], sizes = [1], strides = [1]} : vector<16xf32> to vector<1xf32>
    %squeeze3A_2374 = vector.extract %slice3A_2373[0] : f32 from vector<1xf32>
    %mul3A_2375 = vector.broadcast %squeeze3A_2374 : f32 to vector<16xf32>
    %mul3A_2376 = arith.mulf %get3A_2372, %mul3A_2375 : vector<16xf32>
    %add3A_2377 = arith.addf %add3A_2368, %mul3A_2376 : vector<16xf32>
    %get3A_2378 = arith.constant 4 : i32
    %get3A_2379 = arith.index_cast %get3A_2378 : i32 to index
    %get3A_2380 = arith.constant 128 : index
    %get3A_2381 = tpu.vector_load %arg6[%get3A_2379, %get3A_2380] {strides = array<i32>} : memref<32x208xf32, #tpu.memory_space<vmem>>, vector<16xf32>,
    %slice3A_2382 = vector.extract_strided_slice %get3A_5 {offsets = [4], sizes = [1], strides = [1]} : vector<16xf32> to vector<1xf32>
    %squeeze3A_2383 = vector.extract %slice3A_2382[0] : f32 from vector<1xf32>
    %mul3A_2384 = vector.broadcast %squeeze3A_2383 : f32 to vector<16xf32>
    %mul3A_2385 = arith.mulf %get3A_2381, %mul3A_2384 : vector<16xf32>
    %add3A_2386 = arith.addf %add3A_2377, %mul3A_2385 : vector<16xf32>
    %get3A_2387 = arith.constant 5 : i32
    %get3A_2388 = arith.index_cast %get3A_2387 : i32 to index
    %get3A_2389 = arith.constant 128 : index
    %get3A_2390 = tpu.vector_load %arg6[%get3A_2388, %get3A_2389] {strides = array<i32>} : memref<32x208xf32, #tpu.memory_space<vmem>>, vector<16xf32>,
    %slice3A_2391 = vector.extract_strided_slice %get3A_5 {offsets = [5], sizes = [1], strides = [1]} : vector<16xf32> to vector<1xf32>
    %squeeze3A_2392 = vector.extract %slice3A_2391[0] : f32 from vector<1xf32>
    %mul3A_2393 = vector.broadcast %squeeze3A_2392 : f32 to vector<16xf32>
    %mul3A_2394 = arith.mulf %get3A_2390, %mul3A_2393 : vector<16xf32>
    %add3A_2395 = arith.addf %add3A_2386, %mul3A_2394 : vector<16xf32>
    %get3A_2396 = arith.constant 6 : i32
    %get3A_2397 = arith.index_cast %get3A_2396 : i32 to index
    %get3A_2398 = arith.constant 128 : index
    %get3A_2399 = tpu.vector_load %arg6[%get3A_2397, %get3A_2398] {strides = array<i32>} : memref<32x208xf32, #tpu.memory_space<vmem>>, vector<16xf32>,
    %slice3A_2400 = vector.extract_strided_slice %get3A_5 {offsets = [6], sizes = [1], strides = [1]} : vector<16xf32> to vector<1xf32>
    %squeeze3A_2401 = vector.extract %slice3A_2400[0] : f32 from vector<1xf32>
    %mul3A_2402 = vector.broadcast %squeeze3A_2401 : f32 to vector<16xf32>
    %mul3A_2403 = arith.mulf %get3A_2399, %mul3A_2402 : vector<16xf32>
    %add3A_2404 = arith.addf %add3A_2395, %mul3A_2403 : vector<16xf32>
    %get3A_2405 = arith.constant 7 : i32
    %get3A_2406 = arith.index_cast %get3A_2405 : i32 to index
    %get3A_2407 = arith.constant 128 : index
    %get3A_2408 = tpu.vector_load %arg6[%get3A_2406, %get3A_2407] {strides = array<i32>} : memref<32x208xf32, #tpu.memory_space<vmem>>, vector<16xf32>,
    %slice3A_2409 = vector.extract_strided_slice %get3A_5 {offsets = [7], sizes = [1], strides = [1]} : vector<16xf32> to vector<1xf32>
    %squeeze3A_2410 = vector.extract %slice3A_2409[0] : f32 from vector<1xf32>
    %mul3A_2411 = vector.broadcast %squeeze3A_2410 : f32 to vector<16xf32>
    %mul3A_2412 = arith.mulf %get3A_2408, %mul3A_2411 : vector<16xf32>
    %add3A_2413 = arith.addf %add3A_2404, %mul3A_2412 : vector<16xf32>
    %get3A_2414 = arith.constant 8 : i32
    %get3A_2415 = arith.index_cast %get3A_2414 : i32 to index
    %get3A_2416 = arith.constant 128 : index
    %get3A_2417 = tpu.vector_load %arg6[%get3A_2415, %get3A_2416] {strides = array<i32>} : memref<32x208xf32, #tpu.memory_space<vmem>>, vector<16xf32>,
    %slice3A_2418 = vector.extract_strided_slice %get3A_5 {offsets = [8], sizes = [1], strides = [1]} : vector<16xf32> to vector<1xf32>
    %squeeze3A_2419 = vector.extract %slice3A_2418[0] : f32 from vector<1xf32>
    %mul3A_2420 = vector.broadcast %squeeze3A_2419 : f32 to vector<16xf32>
    %mul3A_2421 = arith.mulf %get3A_2417, %mul3A_2420 : vector<16xf32>
    %add3A_2422 = arith.addf %add3A_2413, %mul3A_2421 : vector<16xf32>
    %get3A_2423 = arith.constant 9 : i32
    %get3A_2424 = arith.index_cast %get3A_2423 : i32 to index
    %get3A_2425 = arith.constant 128 : index
    %get3A_2426 = tpu.vector_load %arg6[%get3A_2424, %get3A_2425] {strides = array<i32>} : memref<32x208xf32, #tpu.memory_space<vmem>>, vector<16xf32>,
    %slice3A_2427 = vector.extract_strided_slice %get3A_5 {offsets = [9], sizes = [1], strides = [1]} : vector<16xf32> to vector<1xf32>
    %squeeze3A_2428 = vector.extract %slice3A_2427[0] : f32 from vector<1xf32>
    %mul3A_2429 = vector.broadcast %squeeze3A_2428 : f32 to vector<16xf32>
    %mul3A_2430 = arith.mulf %get3A_2426, %mul3A_2429 : vector<16xf32>
    %add3A_2431 = arith.addf %add3A_2422, %mul3A_2430 : vector<16xf32>
    %get3A_2432 = arith.constant 10 : i32
    %get3A_2433 = arith.index_cast %get3A_2432 : i32 to index
    %get3A_2434 = arith.constant 128 : index
    %get3A_2435 = tpu.vector_load %arg6[%get3A_2433, %get3A_2434] {strides = array<i32>} : memref<32x208xf32, #tpu.memory_space<vmem>>, vector<16xf32>,
    %slice3A_2436 = vector.extract_strided_slice %get3A_5 {offsets = [10], sizes = [1], strides = [1]} : vector<16xf32> to vector<1xf32>
    %squeeze3A_2437 = vector.extract %slice3A_2436[0] : f32 from vector<1xf32>
    %mul3A_2438 = vector.broadcast %squeeze3A_2437 : f32 to vector<16xf32>
    %mul3A_2439 = arith.mulf %get3A_2435, %mul3A_2438 : vector<16xf32>
    %add3A_2440 = arith.addf %add3A_2431, %mul3A_2439 : vector<16xf32>
    %get3A_2441 = arith.constant 11 : i32
    %get3A_2442 = arith.index_cast %get3A_2441 : i32 to index
    %get3A_2443 = arith.constant 128 : index
    %get3A_2444 = tpu.vector_load %arg6[%get3A_2442, %get3A_2443] {strides = array<i32>} : memref<32x208xf32, #tpu.memory_space<vmem>>, vector<16xf32>,
    %slice3A_2445 = vector.extract_strided_slice %get3A_5 {offsets = [11], sizes = [1], strides = [1]} : vector<16xf32> to vector<1xf32>
    %squeeze3A_2446 = vector.extract %slice3A_2445[0] : f32 from vector<1xf32>
    %mul3A_2447 = vector.broadcast %squeeze3A_2446 : f32 to vector<16xf32>
    %mul3A_2448 = arith.mulf %get3A_2444, %mul3A_2447 : vector<16xf32>
    %add3A_2449 = arith.addf %add3A_2440, %mul3A_2448 : vector<16xf32>
    %get3A_2450 = arith.constant 12 : i32
    %get3A_2451 = arith.index_cast %get3A_2450 : i32 to index
    %get3A_2452 = arith.constant 128 : index
    %get3A_2453 = tpu.vector_load %arg6[%get3A_2451, %get3A_2452] {strides = array<i32>} : memref<32x208xf32, #tpu.memory_space<vmem>>, vector<16xf32>,
    %slice3A_2454 = vector.extract_strided_slice %get3A_5 {offsets = [12], sizes = [1], strides = [1]} : vector<16xf32> to vector<1xf32>
    %squeeze3A_2455 = vector.extract %slice3A_2454[0] : f32 from vector<1xf32>
    %mul3A_2456 = vector.broadcast %squeeze3A_2455 : f32 to vector<16xf32>
    %mul3A_2457 = arith.mulf %get3A_2453, %mul3A_2456 : vector<16xf32>
    %add3A_2458 = arith.addf %add3A_2449, %mul3A_2457 : vector<16xf32>
    %get3A_2459 = arith.constant 13 : i32
    %get3A_2460 = arith.index_cast %get3A_2459 : i32 to index
    %get3A_2461 = arith.constant 128 : index
    %get3A_2462 = tpu.vector_load %arg6[%get3A_2460, %get3A_2461] {strides = array<i32>} : memref<32x208xf32, #tpu.memory_space<vmem>>, vector<16xf32>,
    %slice3A_2463 = vector.extract_strided_slice %get3A_5 {offsets = [13], sizes = [1], strides = [1]} : vector<16xf32> to vector<1xf32>
    %squeeze3A_2464 = vector.extract %slice3A_2463[0] : f32 from vector<1xf32>
    %mul3A_2465 = vector.broadcast %squeeze3A_2464 : f32 to vector<16xf32>
    %mul3A_2466 = arith.mulf %get3A_2462, %mul3A_2465 : vector<16xf32>
    %add3A_2467 = arith.addf %add3A_2458, %mul3A_2466 : vector<16xf32>
    %get3A_2468 = arith.constant 14 : i32
    %get3A_2469 = arith.index_cast %get3A_2468 : i32 to index
    %get3A_2470 = arith.constant 128 : index
    %get3A_2471 = tpu.vector_load %arg6[%get3A_2469, %get3A_2470] {strides = array<i32>} : memref<32x208xf32, #tpu.memory_space<vmem>>, vector<16xf32>,
    %slice3A_2472 = vector.extract_strided_slice %get3A_5 {offsets = [14], sizes = [1], strides = [1]} : vector<16xf32> to vector<1xf32>
    %squeeze3A_2473 = vector.extract %slice3A_2472[0] : f32 from vector<1xf32>
    %mul3A_2474 = vector.broadcast %squeeze3A_2473 : f32 to vector<16xf32>
    %mul3A_2475 = arith.mulf %get3A_2471, %mul3A_2474 : vector<16xf32>
    %add3A_2476 = arith.addf %add3A_2467, %mul3A_2475 : vector<16xf32>
    %get3A_2477 = arith.constant 15 : i32
    %get3A_2478 = arith.index_cast %get3A_2477 : i32 to index
    %get3A_2479 = arith.constant 128 : index
    %get3A_2480 = tpu.vector_load %arg6[%get3A_2478, %get3A_2479] {strides = array<i32>} : memref<32x208xf32, #tpu.memory_space<vmem>>, vector<16xf32>,
    %slice3A_2481 = vector.extract_strided_slice %get3A_5 {offsets = [15], sizes = [1], strides = [1]} : vector<16xf32> to vector<1xf32>
    %squeeze3A_2482 = vector.extract %slice3A_2481[0] : f32 from vector<1xf32>
    %mul3A_2483 = vector.broadcast %squeeze3A_2482 : f32 to vector<16xf32>
    %mul3A_2484 = arith.mulf %get3A_2480, %mul3A_2483 : vector<16xf32>
    %add3A_2485 = arith.addf %add3A_2476, %mul3A_2484 : vector<16xf32>
    %get3A_2486 = arith.constant 16 : i32
    %get3A_2487 = arith.index_cast %get3A_2486 : i32 to index
    %get3A_2488 = arith.constant 128 : index
    %get3A_2489 = tpu.vector_load %arg6[%get3A_2487, %get3A_2488] {strides = array<i32>} : memref<32x208xf32, #tpu.memory_space<vmem>>, vector<16xf32>,
    %slice3A_2490 = vector.extract_strided_slice %get3A_7 {offsets = [0], sizes = [1], strides = [1]} : vector<16xf32> to vector<1xf32>
    %squeeze3A_2491 = vector.extract %slice3A_2490[0] : f32 from vector<1xf32>
    %mul3A_2492 = vector.broadcast %squeeze3A_2491 : f32 to vector<16xf32>
    %mul3A_2493 = arith.mulf %get3A_2489, %mul3A_2492 : vector<16xf32>
    %add3A_2494 = arith.addf %add3A_2485, %mul3A_2493 : vector<16xf32>
    %get3A_2495 = arith.constant 17 : i32
    %get3A_2496 = arith.index_cast %get3A_2495 : i32 to index
    %get3A_2497 = arith.constant 128 : index
    %get3A_2498 = tpu.vector_load %arg6[%get3A_2496, %get3A_2497] {strides = array<i32>} : memref<32x208xf32, #tpu.memory_space<vmem>>, vector<16xf32>,
    %slice3A_2499 = vector.extract_strided_slice %get3A_7 {offsets = [1], sizes = [1], strides = [1]} : vector<16xf32> to vector<1xf32>
    %squeeze3A_2500 = vector.extract %slice3A_2499[0] : f32 from vector<1xf32>
    %mul3A_2501 = vector.broadcast %squeeze3A_2500 : f32 to vector<16xf32>
    %mul3A_2502 = arith.mulf %get3A_2498, %mul3A_2501 : vector<16xf32>
    %add3A_2503 = arith.addf %add3A_2494, %mul3A_2502 : vector<16xf32>
    %get3A_2504 = arith.constant 18 : i32
    %get3A_2505 = arith.index_cast %get3A_2504 : i32 to index
    %get3A_2506 = arith.constant 128 : index
    %get3A_2507 = tpu.vector_load %arg6[%get3A_2505, %get3A_2506] {strides = array<i32>} : memref<32x208xf32, #tpu.memory_space<vmem>>, vector<16xf32>,
    %slice3A_2508 = vector.extract_strided_slice %get3A_7 {offsets = [2], sizes = [1], strides = [1]} : vector<16xf32> to vector<1xf32>
    %squeeze3A_2509 = vector.extract %slice3A_2508[0] : f32 from vector<1xf32>
    %mul3A_2510 = vector.broadcast %squeeze3A_2509 : f32 to vector<16xf32>
    %mul3A_2511 = arith.mulf %get3A_2507, %mul3A_2510 : vector<16xf32>
    %add3A_2512 = arith.addf %add3A_2503, %mul3A_2511 : vector<16xf32>
    %get3A_2513 = arith.constant 19 : i32
    %get3A_2514 = arith.index_cast %get3A_2513 : i32 to index
    %get3A_2515 = arith.constant 128 : index
    %get3A_2516 = tpu.vector_load %arg6[%get3A_2514, %get3A_2515] {strides = array<i32>} : memref<32x208xf32, #tpu.memory_space<vmem>>, vector<16xf32>,
    %slice3A_2517 = vector.extract_strided_slice %get3A_7 {offsets = [3], sizes = [1], strides = [1]} : vector<16xf32> to vector<1xf32>
    %squeeze3A_2518 = vector.extract %slice3A_2517[0] : f32 from vector<1xf32>
    %mul3A_2519 = vector.broadcast %squeeze3A_2518 : f32 to vector<16xf32>
    %mul3A_2520 = arith.mulf %get3A_2516, %mul3A_2519 : vector<16xf32>
    %add3A_2521 = arith.addf %add3A_2512, %mul3A_2520 : vector<16xf32>
    %get3A_2522 = arith.constant 20 : i32
    %get3A_2523 = arith.index_cast %get3A_2522 : i32 to index
    %get3A_2524 = arith.constant 128 : index
    %get3A_2525 = tpu.vector_load %arg6[%get3A_2523, %get3A_2524] {strides = array<i32>} : memref<32x208xf32, #tpu.memory_space<vmem>>, vector<16xf32>,
    %slice3A_2526 = vector.extract_strided_slice %get3A_7 {offsets = [4], sizes = [1], strides = [1]} : vector<16xf32> to vector<1xf32>
    %squeeze3A_2527 = vector.extract %slice3A_2526[0] : f32 from vector<1xf32>
    %mul3A_2528 = vector.broadcast %squeeze3A_2527 : f32 to vector<16xf32>
    %mul3A_2529 = arith.mulf %get3A_2525, %mul3A_2528 : vector<16xf32>
    %add3A_2530 = arith.addf %add3A_2521, %mul3A_2529 : vector<16xf32>
    %get3A_2531 = arith.constant 21 : i32
    %get3A_2532 = arith.index_cast %get3A_2531 : i32 to index
    %get3A_2533 = arith.constant 128 : index
    %get3A_2534 = tpu.vector_load %arg6[%get3A_2532, %get3A_2533] {strides = array<i32>} : memref<32x208xf32, #tpu.memory_space<vmem>>, vector<16xf32>,
    %slice3A_2535 = vector.extract_strided_slice %get3A_7 {offsets = [5], sizes = [1], strides = [1]} : vector<16xf32> to vector<1xf32>
    %squeeze3A_2536 = vector.extract %slice3A_2535[0] : f32 from vector<1xf32>
    %mul3A_2537 = vector.broadcast %squeeze3A_2536 : f32 to vector<16xf32>
    %mul3A_2538 = arith.mulf %get3A_2534, %mul3A_2537 : vector<16xf32>
    %add3A_2539 = arith.addf %add3A_2530, %mul3A_2538 : vector<16xf32>
    %get3A_2540 = arith.constant 22 : i32
    %get3A_2541 = arith.index_cast %get3A_2540 : i32 to index
    %get3A_2542 = arith.constant 128 : index
    %get3A_2543 = tpu.vector_load %arg6[%get3A_2541, %get3A_2542] {strides = array<i32>} : memref<32x208xf32, #tpu.memory_space<vmem>>, vector<16xf32>,
    %slice3A_2544 = vector.extract_strided_slice %get3A_7 {offsets = [6], sizes = [1], strides = [1]} : vector<16xf32> to vector<1xf32>
    %squeeze3A_2545 = vector.extract %slice3A_2544[0] : f32 from vector<1xf32>
    %mul3A_2546 = vector.broadcast %squeeze3A_2545 : f32 to vector<16xf32>
    %mul3A_2547 = arith.mulf %get3A_2543, %mul3A_2546 : vector<16xf32>
    %add3A_2548 = arith.addf %add3A_2539, %mul3A_2547 : vector<16xf32>
    %get3A_2549 = arith.constant 23 : i32
    %get3A_2550 = arith.index_cast %get3A_2549 : i32 to index
    %get3A_2551 = arith.constant 128 : index
    %get3A_2552 = tpu.vector_load %arg6[%get3A_2550, %get3A_2551] {strides = array<i32>} : memref<32x208xf32, #tpu.memory_space<vmem>>, vector<16xf32>,
    %slice3A_2553 = vector.extract_strided_slice %get3A_7 {offsets = [7], sizes = [1], strides = [1]} : vector<16xf32> to vector<1xf32>
    %squeeze3A_2554 = vector.extract %slice3A_2553[0] : f32 from vector<1xf32>
    %mul3A_2555 = vector.broadcast %squeeze3A_2554 : f32 to vector<16xf32>
    %mul3A_2556 = arith.mulf %get3A_2552, %mul3A_2555 : vector<16xf32>
    %add3A_2557 = arith.addf %add3A_2548, %mul3A_2556 : vector<16xf32>
    %get3A_2558 = arith.constant 24 : i32
    %get3A_2559 = arith.index_cast %get3A_2558 : i32 to index
    %get3A_2560 = arith.constant 128 : index
    %get3A_2561 = tpu.vector_load %arg6[%get3A_2559, %get3A_2560] {strides = array<i32>} : memref<32x208xf32, #tpu.memory_space<vmem>>, vector<16xf32>,
    %slice3A_2562 = vector.extract_strided_slice %get3A_7 {offsets = [8], sizes = [1], strides = [1]} : vector<16xf32> to vector<1xf32>
    %squeeze3A_2563 = vector.extract %slice3A_2562[0] : f32 from vector<1xf32>
    %mul3A_2564 = vector.broadcast %squeeze3A_2563 : f32 to vector<16xf32>
    %mul3A_2565 = arith.mulf %get3A_2561, %mul3A_2564 : vector<16xf32>
    %add3A_2566 = arith.addf %add3A_2557, %mul3A_2565 : vector<16xf32>
    %get3A_2567 = arith.constant 25 : i32
    %get3A_2568 = arith.index_cast %get3A_2567 : i32 to index
    %get3A_2569 = arith.constant 128 : index
    %get3A_2570 = tpu.vector_load %arg6[%get3A_2568, %get3A_2569] {strides = array<i32>} : memref<32x208xf32, #tpu.memory_space<vmem>>, vector<16xf32>,
    %slice3A_2571 = vector.extract_strided_slice %get3A_7 {offsets = [9], sizes = [1], strides = [1]} : vector<16xf32> to vector<1xf32>
    %squeeze3A_2572 = vector.extract %slice3A_2571[0] : f32 from vector<1xf32>
    %mul3A_2573 = vector.broadcast %squeeze3A_2572 : f32 to vector<16xf32>
    %mul3A_2574 = arith.mulf %get3A_2570, %mul3A_2573 : vector<16xf32>
    %add3A_2575 = arith.addf %add3A_2566, %mul3A_2574 : vector<16xf32>
    %get3A_2576 = arith.constant 26 : i32
    %get3A_2577 = arith.index_cast %get3A_2576 : i32 to index
    %get3A_2578 = arith.constant 128 : index
    %get3A_2579 = tpu.vector_load %arg6[%get3A_2577, %get3A_2578] {strides = array<i32>} : memref<32x208xf32, #tpu.memory_space<vmem>>, vector<16xf32>,
    %slice3A_2580 = vector.extract_strided_slice %get3A_7 {offsets = [10], sizes = [1], strides = [1]} : vector<16xf32> to vector<1xf32>
    %squeeze3A_2581 = vector.extract %slice3A_2580[0] : f32 from vector<1xf32>
    %mul3A_2582 = vector.broadcast %squeeze3A_2581 : f32 to vector<16xf32>
    %mul3A_2583 = arith.mulf %get3A_2579, %mul3A_2582 : vector<16xf32>
    %add3A_2584 = arith.addf %add3A_2575, %mul3A_2583 : vector<16xf32>
    %get3A_2585 = arith.constant 27 : i32
    %get3A_2586 = arith.index_cast %get3A_2585 : i32 to index
    %get3A_2587 = arith.constant 128 : index
    %get3A_2588 = tpu.vector_load %arg6[%get3A_2586, %get3A_2587] {strides = array<i32>} : memref<32x208xf32, #tpu.memory_space<vmem>>, vector<16xf32>,
    %slice3A_2589 = vector.extract_strided_slice %get3A_7 {offsets = [11], sizes = [1], strides = [1]} : vector<16xf32> to vector<1xf32>
    %squeeze3A_2590 = vector.extract %slice3A_2589[0] : f32 from vector<1xf32>
    %mul3A_2591 = vector.broadcast %squeeze3A_2590 : f32 to vector<16xf32>
    %mul3A_2592 = arith.mulf %get3A_2588, %mul3A_2591 : vector<16xf32>
    %add3A_2593 = arith.addf %add3A_2584, %mul3A_2592 : vector<16xf32>
    %get3A_2594 = arith.constant 28 : i32
    %get3A_2595 = arith.index_cast %get3A_2594 : i32 to index
    %get3A_2596 = arith.constant 128 : index
    %get3A_2597 = tpu.vector_load %arg6[%get3A_2595, %get3A_2596] {strides = array<i32>} : memref<32x208xf32, #tpu.memory_space<vmem>>, vector<16xf32>,
    %slice3A_2598 = vector.extract_strided_slice %get3A_7 {offsets = [12], sizes = [1], strides = [1]} : vector<16xf32> to vector<1xf32>
    %squeeze3A_2599 = vector.extract %slice3A_2598[0] : f32 from vector<1xf32>
    %mul3A_2600 = vector.broadcast %squeeze3A_2599 : f32 to vector<16xf32>
    %mul3A_2601 = arith.mulf %get3A_2597, %mul3A_2600 : vector<16xf32>
    %add3A_2602 = arith.addf %add3A_2593, %mul3A_2601 : vector<16xf32>
    %get3A_2603 = arith.constant 29 : i32
    %get3A_2604 = arith.index_cast %get3A_2603 : i32 to index
    %get3A_2605 = arith.constant 128 : index
    %get3A_2606 = tpu.vector_load %arg6[%get3A_2604, %get3A_2605] {strides = array<i32>} : memref<32x208xf32, #tpu.memory_space<vmem>>, vector<16xf32>,
    %slice3A_2607 = vector.extract_strided_slice %get3A_7 {offsets = [13], sizes = [1], strides = [1]} : vector<16xf32> to vector<1xf32>
    %squeeze3A_2608 = vector.extract %slice3A_2607[0] : f32 from vector<1xf32>
    %mul3A_2609 = vector.broadcast %squeeze3A_2608 : f32 to vector<16xf32>
    %mul3A_2610 = arith.mulf %get3A_2606, %mul3A_2609 : vector<16xf32>
    %add3A_2611 = arith.addf %add3A_2602, %mul3A_2610 : vector<16xf32>
    %get3A_2612 = arith.constant 30 : i32
    %get3A_2613 = arith.index_cast %get3A_2612 : i32 to index
    %get3A_2614 = arith.constant 128 : index
    %get3A_2615 = tpu.vector_load %arg6[%get3A_2613, %get3A_2614] {strides = array<i32>} : memref<32x208xf32, #tpu.memory_space<vmem>>, vector<16xf32>,
    %slice3A_2616 = vector.extract_strided_slice %get3A_7 {offsets = [14], sizes = [1], strides = [1]} : vector<16xf32> to vector<1xf32>
    %squeeze3A_2617 = vector.extract %slice3A_2616[0] : f32 from vector<1xf32>
    %mul3A_2618 = vector.broadcast %squeeze3A_2617 : f32 to vector<16xf32>
    %mul3A_2619 = arith.mulf %get3A_2615, %mul3A_2618 : vector<16xf32>
    %add3A_2620 = arith.addf %add3A_2611, %mul3A_2619 : vector<16xf32>
    %get3A_2621 = arith.constant 31 : i32
    %get3A_2622 = arith.index_cast %get3A_2621 : i32 to index
    %get3A_2623 = arith.constant 128 : index
    %get3A_2624 = tpu.vector_load %arg6[%get3A_2622, %get3A_2623] {strides = array<i32>} : memref<32x208xf32, #tpu.memory_space<vmem>>, vector<16xf32>,
    %slice3A_2625 = vector.extract_strided_slice %get3A_7 {offsets = [15], sizes = [1], strides = [1]} : vector<16xf32> to vector<1xf32>
    %squeeze3A_2626 = vector.extract %slice3A_2625[0] : f32 from vector<1xf32>
    %mul3A_2627 = vector.broadcast %squeeze3A_2626 : f32 to vector<16xf32>
    %mul3A_2628 = arith.mulf %get3A_2624, %mul3A_2627 : vector<16xf32>
    %add3A_2629 = arith.addf %add3A_2620, %mul3A_2628 : vector<16xf32>
    %swap3A_2630 = arith.constant 128 : index
    %swap3A_2631 = tpu.vector_load %arg9[%swap3A_2630] {strides = array<i32>} : memref<208xf32, #tpu.memory_space<vmem>>, vector<16xf32>,
    tpu.vector_store %arg9[%swap3A_2630], %add3A_2629 {strides = array<i32>} : memref<208xf32, #tpu.memory_space<vmem>>, vector<16xf32>,
    %broadcast_in_dim3A_2632 = arith.constant 0.000000e+00 : f32
    %broadcast_in_dim3A_2633 = vector.broadcast %broadcast_in_dim3A_2632 : f32 to vector<16xf32>
    %get3A_2634 = arith.constant 0 : i32
    %get3A_2635 = arith.index_cast %get3A_2634 : i32 to index
    %get3A_2636 = arith.constant 144 : index
    %get3A_2637 = tpu.vector_load %arg6[%get3A_2635, %get3A_2636] {strides = array<i32>} : memref<32x208xf32, #tpu.memory_space<vmem>>, vector<16xf32>,
    %slice3A_2638 = vector.extract_strided_slice %get3A_5 {offsets = [0], sizes = [1], strides = [1]} : vector<16xf32> to vector<1xf32>
    %squeeze3A_2639 = vector.extract %slice3A_2638[0] : f32 from vector<1xf32>
    %mul3A_2640 = vector.broadcast %squeeze3A_2639 : f32 to vector<16xf32>
    %mul3A_2641 = arith.mulf %get3A_2637, %mul3A_2640 : vector<16xf32>
    %add3A_2642 = arith.addf %broadcast_in_dim3A_2633, %mul3A_2641 : vector<16xf32>
    %get3A_2643 = arith.constant 1 : i32
    %get3A_2644 = arith.index_cast %get3A_2643 : i32 to index
    %get3A_2645 = arith.constant 144 : index
    %get3A_2646 = tpu.vector_load %arg6[%get3A_2644, %get3A_2645] {strides = array<i32>} : memref<32x208xf32, #tpu.memory_space<vmem>>, vector<16xf32>,
    %slice3A_2647 = vector.extract_strided_slice %get3A_5 {offsets = [1], sizes = [1], strides = [1]} : vector<16xf32> to vector<1xf32>
    %squeeze3A_2648 = vector.extract %slice3A_2647[0] : f32 from vector<1xf32>
    %mul3A_2649 = vector.broadcast %squeeze3A_2648 : f32 to vector<16xf32>
    %mul3A_2650 = arith.mulf %get3A_2646, %mul3A_2649 : vector<16xf32>
    %add3A_2651 = arith.addf %add3A_2642, %mul3A_2650 : vector<16xf32>
    %get3A_2652 = arith.constant 2 : i32
    %get3A_2653 = arith.index_cast %get3A_2652 : i32 to index
    %get3A_2654 = arith.constant 144 : index
    %get3A_2655 = tpu.vector_load %arg6[%get3A_2653, %get3A_2654] {strides = array<i32>} : memref<32x208xf32, #tpu.memory_space<vmem>>, vector<16xf32>,
    %slice3A_2656 = vector.extract_strided_slice %get3A_5 {offsets = [2], sizes = [1], strides = [1]} : vector<16xf32> to vector<1xf32>
    %squeeze3A_2657 = vector.extract %slice3A_2656[0] : f32 from vector<1xf32>
    %mul3A_2658 = vector.broadcast %squeeze3A_2657 : f32 to vector<16xf32>
    %mul3A_2659 = arith.mulf %get3A_2655, %mul3A_2658 : vector<16xf32>
    %add3A_2660 = arith.addf %add3A_2651, %mul3A_2659 : vector<16xf32>
    %get3A_2661 = arith.constant 3 : i32
    %get3A_2662 = arith.index_cast %get3A_2661 : i32 to index
    %get3A_2663 = arith.constant 144 : index
    %get3A_2664 = tpu.vector_load %arg6[%get3A_2662, %get3A_2663] {strides = array<i32>} : memref<32x208xf32, #tpu.memory_space<vmem>>, vector<16xf32>,
    %slice3A_2665 = vector.extract_strided_slice %get3A_5 {offsets = [3], sizes = [1], strides = [1]} : vector<16xf32> to vector<1xf32>
    %squeeze3A_2666 = vector.extract %slice3A_2665[0] : f32 from vector<1xf32>
    %mul3A_2667 = vector.broadcast %squeeze3A_2666 : f32 to vector<16xf32>
    %mul3A_2668 = arith.mulf %get3A_2664, %mul3A_2667 : vector<16xf32>
    %add3A_2669 = arith.addf %add3A_2660, %mul3A_2668 : vector<16xf32>
    %get3A_2670 = arith.constant 4 : i32
    %get3A_2671 = arith.index_cast %get3A_2670 : i32 to index
    %get3A_2672 = arith.constant 144 : index
    %get3A_2673 = tpu.vector_load %arg6[%get3A_2671, %get3A_2672] {strides = array<i32>} : memref<32x208xf32, #tpu.memory_space<vmem>>, vector<16xf32>,
    %slice3A_2674 = vector.extract_strided_slice %get3A_5 {offsets = [4], sizes = [1], strides = [1]} : vector<16xf32> to vector<1xf32>
    %squeeze3A_2675 = vector.extract %slice3A_2674[0] : f32 from vector<1xf32>
    %mul3A_2676 = vector.broadcast %squeeze3A_2675 : f32 to vector<16xf32>
    %mul3A_2677 = arith.mulf %get3A_2673, %mul3A_2676 : vector<16xf32>
    %add3A_2678 = arith.addf %add3A_2669, %mul3A_2677 : vector<16xf32>
    %get3A_2679 = arith.constant 5 : i32
    %get3A_2680 = arith.index_cast %get3A_2679 : i32 to index
    %get3A_2681 = arith.constant 144 : index
    %get3A_2682 = tpu.vector_load %arg6[%get3A_2680, %get3A_2681] {strides = array<i32>} : memref<32x208xf32, #tpu.memory_space<vmem>>, vector<16xf32>,
    %slice3A_2683 = vector.extract_strided_slice %get3A_5 {offsets = [5], sizes = [1], strides = [1]} : vector<16xf32> to vector<1xf32>
    %squeeze3A_2684 = vector.extract %slice3A_2683[0] : f32 from vector<1xf32>
    %mul3A_2685 = vector.broadcast %squeeze3A_2684 : f32 to vector<16xf32>
    %mul3A_2686 = arith.mulf %get3A_2682, %mul3A_2685 : vector<16xf32>
    %add3A_2687 = arith.addf %add3A_2678, %mul3A_2686 : vector<16xf32>
    %get3A_2688 = arith.constant 6 : i32
    %get3A_2689 = arith.index_cast %get3A_2688 : i32 to index
    %get3A_2690 = arith.constant 144 : index
    %get3A_2691 = tpu.vector_load %arg6[%get3A_2689, %get3A_2690] {strides = array<i32>} : memref<32x208xf32, #tpu.memory_space<vmem>>, vector<16xf32>,
    %slice3A_2692 = vector.extract_strided_slice %get3A_5 {offsets = [6], sizes = [1], strides = [1]} : vector<16xf32> to vector<1xf32>
    %squeeze3A_2693 = vector.extract %slice3A_2692[0] : f32 from vector<1xf32>
    %mul3A_2694 = vector.broadcast %squeeze3A_2693 : f32 to vector<16xf32>
    %mul3A_2695 = arith.mulf %get3A_2691, %mul3A_2694 : vector<16xf32>
    %add3A_2696 = arith.addf %add3A_2687, %mul3A_2695 : vector<16xf32>
    %get3A_2697 = arith.constant 7 : i32
    %get3A_2698 = arith.index_cast %get3A_2697 : i32 to index
    %get3A_2699 = arith.constant 144 : index
    %get3A_2700 = tpu.vector_load %arg6[%get3A_2698, %get3A_2699] {strides = array<i32>} : memref<32x208xf32, #tpu.memory_space<vmem>>, vector<16xf32>,
    %slice3A_2701 = vector.extract_strided_slice %get3A_5 {offsets = [7], sizes = [1], strides = [1]} : vector<16xf32> to vector<1xf32>
    %squeeze3A_2702 = vector.extract %slice3A_2701[0] : f32 from vector<1xf32>
    %mul3A_2703 = vector.broadcast %squeeze3A_2702 : f32 to vector<16xf32>
    %mul3A_2704 = arith.mulf %get3A_2700, %mul3A_2703 : vector<16xf32>
    %add3A_2705 = arith.addf %add3A_2696, %mul3A_2704 : vector<16xf32>
    %get3A_2706 = arith.constant 8 : i32
    %get3A_2707 = arith.index_cast %get3A_2706 : i32 to index
    %get3A_2708 = arith.constant 144 : index
    %get3A_2709 = tpu.vector_load %arg6[%get3A_2707, %get3A_2708] {strides = array<i32>} : memref<32x208xf32, #tpu.memory_space<vmem>>, vector<16xf32>,
    %slice3A_2710 = vector.extract_strided_slice %get3A_5 {offsets = [8], sizes = [1], strides = [1]} : vector<16xf32> to vector<1xf32>
    %squeeze3A_2711 = vector.extract %slice3A_2710[0] : f32 from vector<1xf32>
    %mul3A_2712 = vector.broadcast %squeeze3A_2711 : f32 to vector<16xf32>
    %mul3A_2713 = arith.mulf %get3A_2709, %mul3A_2712 : vector<16xf32>
    %add3A_2714 = arith.addf %add3A_2705, %mul3A_2713 : vector<16xf32>
    %get3A_2715 = arith.constant 9 : i32
    %get3A_2716 = arith.index_cast %get3A_2715 : i32 to index
    %get3A_2717 = arith.constant 144 : index
    %get3A_2718 = tpu.vector_load %arg6[%get3A_2716, %get3A_2717] {strides = array<i32>} : memref<32x208xf32, #tpu.memory_space<vmem>>, vector<16xf32>,
    %slice3A_2719 = vector.extract_strided_slice %get3A_5 {offsets = [9], sizes = [1], strides = [1]} : vector<16xf32> to vector<1xf32>
    %squeeze3A_2720 = vector.extract %slice3A_2719[0] : f32 from vector<1xf32>
    %mul3A_2721 = vector.broadcast %squeeze3A_2720 : f32 to vector<16xf32>
    %mul3A_2722 = arith.mulf %get3A_2718, %mul3A_2721 : vector<16xf32>
    %add3A_2723 = arith.addf %add3A_2714, %mul3A_2722 : vector<16xf32>
    %get3A_2724 = arith.constant 10 : i32
    %get3A_2725 = arith.index_cast %get3A_2724 : i32 to index
    %get3A_2726 = arith.constant 144 : index
    %get3A_2727 = tpu.vector_load %arg6[%get3A_2725, %get3A_2726] {strides = array<i32>} : memref<32x208xf32, #tpu.memory_space<vmem>>, vector<16xf32>,
    %slice3A_2728 = vector.extract_strided_slice %get3A_5 {offsets = [10], sizes = [1], strides = [1]} : vector<16xf32> to vector<1xf32>
    %squeeze3A_2729 = vector.extract %slice3A_2728[0] : f32 from vector<1xf32>
    %mul3A_2730 = vector.broadcast %squeeze3A_2729 : f32 to vector<16xf32>
    %mul3A_2731 = arith.mulf %get3A_2727, %mul3A_2730 : vector<16xf32>
    %add3A_2732 = arith.addf %add3A_2723, %mul3A_2731 : vector<16xf32>
    %get3A_2733 = arith.constant 11 : i32
    %get3A_2734 = arith.index_cast %get3A_2733 : i32 to index
    %get3A_2735 = arith.constant 144 : index
    %get3A_2736 = tpu.vector_load %arg6[%get3A_2734, %get3A_2735] {strides = array<i32>} : memref<32x208xf32, #tpu.memory_space<vmem>>, vector<16xf32>,
    %slice3A_2737 = vector.extract_strided_slice %get3A_5 {offsets = [11], sizes = [1], strides = [1]} : vector<16xf32> to vector<1xf32>
    %squeeze3A_2738 = vector.extract %slice3A_2737[0] : f32 from vector<1xf32>
    %mul3A_2739 = vector.broadcast %squeeze3A_2738 : f32 to vector<16xf32>
    %mul3A_2740 = arith.mulf %get3A_2736, %mul3A_2739 : vector<16xf32>
    %add3A_2741 = arith.addf %add3A_2732, %mul3A_2740 : vector<16xf32>
    %get3A_2742 = arith.constant 12 : i32
    %get3A_2743 = arith.index_cast %get3A_2742 : i32 to index
    %get3A_2744 = arith.constant 144 : index
    %get3A_2745 = tpu.vector_load %arg6[%get3A_2743, %get3A_2744] {strides = array<i32>} : memref<32x208xf32, #tpu.memory_space<vmem>>, vector<16xf32>,
    %slice3A_2746 = vector.extract_strided_slice %get3A_5 {offsets = [12], sizes = [1], strides = [1]} : vector<16xf32> to vector<1xf32>
    %squeeze3A_2747 = vector.extract %slice3A_2746[0] : f32 from vector<1xf32>
    %mul3A_2748 = vector.broadcast %squeeze3A_2747 : f32 to vector<16xf32>
    %mul3A_2749 = arith.mulf %get3A_2745, %mul3A_2748 : vector<16xf32>
    %add3A_2750 = arith.addf %add3A_2741, %mul3A_2749 : vector<16xf32>
    %get3A_2751 = arith.constant 13 : i32
    %get3A_2752 = arith.index_cast %get3A_2751 : i32 to index
    %get3A_2753 = arith.constant 144 : index
    %get3A_2754 = tpu.vector_load %arg6[%get3A_2752, %get3A_2753] {strides = array<i32>} : memref<32x208xf32, #tpu.memory_space<vmem>>, vector<16xf32>,
    %slice3A_2755 = vector.extract_strided_slice %get3A_5 {offsets = [13], sizes = [1], strides = [1]} : vector<16xf32> to vector<1xf32>
    %squeeze3A_2756 = vector.extract %slice3A_2755[0] : f32 from vector<1xf32>
    %mul3A_2757 = vector.broadcast %squeeze3A_2756 : f32 to vector<16xf32>
    %mul3A_2758 = arith.mulf %get3A_2754, %mul3A_2757 : vector<16xf32>
    %add3A_2759 = arith.addf %add3A_2750, %mul3A_2758 : vector<16xf32>
    %get3A_2760 = arith.constant 14 : i32
    %get3A_2761 = arith.index_cast %get3A_2760 : i32 to index
    %get3A_2762 = arith.constant 144 : index
    %get3A_2763 = tpu.vector_load %arg6[%get3A_2761, %get3A_2762] {strides = array<i32>} : memref<32x208xf32, #tpu.memory_space<vmem>>, vector<16xf32>,
    %slice3A_2764 = vector.extract_strided_slice %get3A_5 {offsets = [14], sizes = [1], strides = [1]} : vector<16xf32> to vector<1xf32>
    %squeeze3A_2765 = vector.extract %slice3A_2764[0] : f32 from vector<1xf32>
    %mul3A_2766 = vector.broadcast %squeeze3A_2765 : f32 to vector<16xf32>
    %mul3A_2767 = arith.mulf %get3A_2763, %mul3A_2766 : vector<16xf32>
    %add3A_2768 = arith.addf %add3A_2759, %mul3A_2767 : vector<16xf32>
    %get3A_2769 = arith.constant 15 : i32
    %get3A_2770 = arith.index_cast %get3A_2769 : i32 to index
    %get3A_2771 = arith.constant 144 : index
    %get3A_2772 = tpu.vector_load %arg6[%get3A_2770, %get3A_2771] {strides = array<i32>} : memref<32x208xf32, #tpu.memory_space<vmem>>, vector<16xf32>,
    %slice3A_2773 = vector.extract_strided_slice %get3A_5 {offsets = [15], sizes = [1], strides = [1]} : vector<16xf32> to vector<1xf32>
    %squeeze3A_2774 = vector.extract %slice3A_2773[0] : f32 from vector<1xf32>
    %mul3A_2775 = vector.broadcast %squeeze3A_2774 : f32 to vector<16xf32>
    %mul3A_2776 = arith.mulf %get3A_2772, %mul3A_2775 : vector<16xf32>
    %add3A_2777 = arith.addf %add3A_2768, %mul3A_2776 : vector<16xf32>
    %get3A_2778 = arith.constant 16 : i32
    %get3A_2779 = arith.index_cast %get3A_2778 : i32 to index
    %get3A_2780 = arith.constant 144 : index
    %get3A_2781 = tpu.vector_load %arg6[%get3A_2779, %get3A_2780] {strides = array<i32>} : memref<32x208xf32, #tpu.memory_space<vmem>>, vector<16xf32>,
    %slice3A_2782 = vector.extract_strided_slice %get3A_7 {offsets = [0], sizes = [1], strides = [1]} : vector<16xf32> to vector<1xf32>
    %squeeze3A_2783 = vector.extract %slice3A_2782[0] : f32 from vector<1xf32>
    %mul3A_2784 = vector.broadcast %squeeze3A_2783 : f32 to vector<16xf32>
    %mul3A_2785 = arith.mulf %get3A_2781, %mul3A_2784 : vector<16xf32>
    %add3A_2786 = arith.addf %add3A_2777, %mul3A_2785 : vector<16xf32>
    %get3A_2787 = arith.constant 17 : i32
    %get3A_2788 = arith.index_cast %get3A_2787 : i32 to index
    %get3A_2789 = arith.constant 144 : index
    %get3A_2790 = tpu.vector_load %arg6[%get3A_2788, %get3A_2789] {strides = array<i32>} : memref<32x208xf32, #tpu.memory_space<vmem>>, vector<16xf32>,
    %slice3A_2791 = vector.extract_strided_slice %get3A_7 {offsets = [1], sizes = [1], strides = [1]} : vector<16xf32> to vector<1xf32>
    %squeeze3A_2792 = vector.extract %slice3A_2791[0] : f32 from vector<1xf32>
    %mul3A_2793 = vector.broadcast %squeeze3A_2792 : f32 to vector<16xf32>
    %mul3A_2794 = arith.mulf %get3A_2790, %mul3A_2793 : vector<16xf32>
    %add3A_2795 = arith.addf %add3A_2786, %mul3A_2794 : vector<16xf32>
    %get3A_2796 = arith.constant 18 : i32
    %get3A_2797 = arith.index_cast %get3A_2796 : i32 to index
    %get3A_2798 = arith.constant 144 : index
    %get3A_2799 = tpu.vector_load %arg6[%get3A_2797, %get3A_2798] {strides = array<i32>} : memref<32x208xf32, #tpu.memory_space<vmem>>, vector<16xf32>,
    %slice3A_2800 = vector.extract_strided_slice %get3A_7 {offsets = [2], sizes = [1], strides = [1]} : vector<16xf32> to vector<1xf32>
    %squeeze3A_2801 = vector.extract %slice3A_2800[0] : f32 from vector<1xf32>
    %mul3A_2802 = vector.broadcast %squeeze3A_2801 : f32 to vector<16xf32>
    %mul3A_2803 = arith.mulf %get3A_2799, %mul3A_2802 : vector<16xf32>
    %add3A_2804 = arith.addf %add3A_2795, %mul3A_2803 : vector<16xf32>
    %get3A_2805 = arith.constant 19 : i32
    %get3A_2806 = arith.index_cast %get3A_2805 : i32 to index
    %get3A_2807 = arith.constant 144 : index
    %get3A_2808 = tpu.vector_load %arg6[%get3A_2806, %get3A_2807] {strides = array<i32>} : memref<32x208xf32, #tpu.memory_space<vmem>>, vector<16xf32>,
    %slice3A_2809 = vector.extract_strided_slice %get3A_7 {offsets = [3], sizes = [1], strides = [1]} : vector<16xf32> to vector<1xf32>
    %squeeze3A_2810 = vector.extract %slice3A_2809[0] : f32 from vector<1xf32>
    %mul3A_2811 = vector.broadcast %squeeze3A_2810 : f32 to vector<16xf32>
    %mul3A_2812 = arith.mulf %get3A_2808, %mul3A_2811 : vector<16xf32>
    %add3A_2813 = arith.addf %add3A_2804, %mul3A_2812 : vector<16xf32>
    %get3A_2814 = arith.constant 20 : i32
    %get3A_2815 = arith.index_cast %get3A_2814 : i32 to index
    %get3A_2816 = arith.constant 144 : index
    %get3A_2817 = tpu.vector_load %arg6[%get3A_2815, %get3A_2816] {strides = array<i32>} : memref<32x208xf32, #tpu.memory_space<vmem>>, vector<16xf32>,
    %slice3A_2818 = vector.extract_strided_slice %get3A_7 {offsets = [4], sizes = [1], strides = [1]} : vector<16xf32> to vector<1xf32>
    %squeeze3A_2819 = vector.extract %slice3A_2818[0] : f32 from vector<1xf32>
    %mul3A_2820 = vector.broadcast %squeeze3A_2819 : f32 to vector<16xf32>
    %mul3A_2821 = arith.mulf %get3A_2817, %mul3A_2820 : vector<16xf32>
    %add3A_2822 = arith.addf %add3A_2813, %mul3A_2821 : vector<16xf32>
    %get3A_2823 = arith.constant 21 : i32
    %get3A_2824 = arith.index_cast %get3A_2823 : i32 to index
    %get3A_2825 = arith.constant 144 : index
    %get3A_2826 = tpu.vector_load %arg6[%get3A_2824, %get3A_2825] {strides = array<i32>} : memref<32x208xf32, #tpu.memory_space<vmem>>, vector<16xf32>,
    %slice3A_2827 = vector.extract_strided_slice %get3A_7 {offsets = [5], sizes = [1], strides = [1]} : vector<16xf32> to vector<1xf32>
    %squeeze3A_2828 = vector.extract %slice3A_2827[0] : f32 from vector<1xf32>
    %mul3A_2829 = vector.broadcast %squeeze3A_2828 : f32 to vector<16xf32>
    %mul3A_2830 = arith.mulf %get3A_2826, %mul3A_2829 : vector<16xf32>
    %add3A_2831 = arith.addf %add3A_2822, %mul3A_2830 : vector<16xf32>
    %get3A_2832 = arith.constant 22 : i32
    %get3A_2833 = arith.index_cast %get3A_2832 : i32 to index
    %get3A_2834 = arith.constant 144 : index
    %get3A_2835 = tpu.vector_load %arg6[%get3A_2833, %get3A_2834] {strides = array<i32>} : memref<32x208xf32, #tpu.memory_space<vmem>>, vector<16xf32>,
    %slice3A_2836 = vector.extract_strided_slice %get3A_7 {offsets = [6], sizes = [1], strides = [1]} : vector<16xf32> to vector<1xf32>
    %squeeze3A_2837 = vector.extract %slice3A_2836[0] : f32 from vector<1xf32>
    %mul3A_2838 = vector.broadcast %squeeze3A_2837 : f32 to vector<16xf32>
    %mul3A_2839 = arith.mulf %get3A_2835, %mul3A_2838 : vector<16xf32>
    %add3A_2840 = arith.addf %add3A_2831, %mul3A_2839 : vector<16xf32>
    %get3A_2841 = arith.constant 23 : i32
    %get3A_2842 = arith.index_cast %get3A_2841 : i32 to index
    %get3A_2843 = arith.constant 144 : index
    %get3A_2844 = tpu.vector_load %arg6[%get3A_2842, %get3A_2843] {strides = array<i32>} : memref<32x208xf32, #tpu.memory_space<vmem>>, vector<16xf32>,
    %slice3A_2845 = vector.extract_strided_slice %get3A_7 {offsets = [7], sizes = [1], strides = [1]} : vector<16xf32> to vector<1xf32>
    %squeeze3A_2846 = vector.extract %slice3A_2845[0] : f32 from vector<1xf32>
    %mul3A_2847 = vector.broadcast %squeeze3A_2846 : f32 to vector<16xf32>
    %mul3A_2848 = arith.mulf %get3A_2844, %mul3A_2847 : vector<16xf32>
    %add3A_2849 = arith.addf %add3A_2840, %mul3A_2848 : vector<16xf32>
    %get3A_2850 = arith.constant 24 : i32
    %get3A_2851 = arith.index_cast %get3A_2850 : i32 to index
    %get3A_2852 = arith.constant 144 : index
    %get3A_2853 = tpu.vector_load %arg6[%get3A_2851, %get3A_2852] {strides = array<i32>} : memref<32x208xf32, #tpu.memory_space<vmem>>, vector<16xf32>,
    %slice3A_2854 = vector.extract_strided_slice %get3A_7 {offsets = [8], sizes = [1], strides = [1]} : vector<16xf32> to vector<1xf32>
    %squeeze3A_2855 = vector.extract %slice3A_2854[0] : f32 from vector<1xf32>
    %mul3A_2856 = vector.broadcast %squeeze3A_2855 : f32 to vector<16xf32>
    %mul3A_2857 = arith.mulf %get3A_2853, %mul3A_2856 : vector<16xf32>
    %add3A_2858 = arith.addf %add3A_2849, %mul3A_2857 : vector<16xf32>
    %get3A_2859 = arith.constant 25 : i32
    %get3A_2860 = arith.index_cast %get3A_2859 : i32 to index
    %get3A_2861 = arith.constant 144 : index
    %get3A_2862 = tpu.vector_load %arg6[%get3A_2860, %get3A_2861] {strides = array<i32>} : memref<32x208xf32, #tpu.memory_space<vmem>>, vector<16xf32>,
    %slice3A_2863 = vector.extract_strided_slice %get3A_7 {offsets = [9], sizes = [1], strides = [1]} : vector<16xf32> to vector<1xf32>
    %squeeze3A_2864 = vector.extract %slice3A_2863[0] : f32 from vector<1xf32>
    %mul3A_2865 = vector.broadcast %squeeze3A_2864 : f32 to vector<16xf32>
    %mul3A_2866 = arith.mulf %get3A_2862, %mul3A_2865 : vector<16xf32>
    %add3A_2867 = arith.addf %add3A_2858, %mul3A_2866 : vector<16xf32>
    %get3A_2868 = arith.constant 26 : i32
    %get3A_2869 = arith.index_cast %get3A_2868 : i32 to index
    %get3A_2870 = arith.constant 144 : index
    %get3A_2871 = tpu.vector_load %arg6[%get3A_2869, %get3A_2870] {strides = array<i32>} : memref<32x208xf32, #tpu.memory_space<vmem>>, vector<16xf32>,
    %slice3A_2872 = vector.extract_strided_slice %get3A_7 {offsets = [10], sizes = [1], strides = [1]} : vector<16xf32> to vector<1xf32>
    %squeeze3A_2873 = vector.extract %slice3A_2872[0] : f32 from vector<1xf32>
    %mul3A_2874 = vector.broadcast %squeeze3A_2873 : f32 to vector<16xf32>
    %mul3A_2875 = arith.mulf %get3A_2871, %mul3A_2874 : vector<16xf32>
    %add3A_2876 = arith.addf %add3A_2867, %mul3A_2875 : vector<16xf32>
    %get3A_2877 = arith.constant 27 : i32
    %get3A_2878 = arith.index_cast %get3A_2877 : i32 to index
    %get3A_2879 = arith.constant 144 : index
    %get3A_2880 = tpu.vector_load %arg6[%get3A_2878, %get3A_2879] {strides = array<i32>} : memref<32x208xf32, #tpu.memory_space<vmem>>, vector<16xf32>,
    %slice3A_2881 = vector.extract_strided_slice %get3A_7 {offsets = [11], sizes = [1], strides = [1]} : vector<16xf32> to vector<1xf32>
    %squeeze3A_2882 = vector.extract %slice3A_2881[0] : f32 from vector<1xf32>
    %mul3A_2883 = vector.broadcast %squeeze3A_2882 : f32 to vector<16xf32>
    %mul3A_2884 = arith.mulf %get3A_2880, %mul3A_2883 : vector<16xf32>
    %add3A_2885 = arith.addf %add3A_2876, %mul3A_2884 : vector<16xf32>
    %get3A_2886 = arith.constant 28 : i32
    %get3A_2887 = arith.index_cast %get3A_2886 : i32 to index
    %get3A_2888 = arith.constant 144 : index
    %get3A_2889 = tpu.vector_load %arg6[%get3A_2887, %get3A_2888] {strides = array<i32>} : memref<32x208xf32, #tpu.memory_space<vmem>>, vector<16xf32>,
    %slice3A_2890 = vector.extract_strided_slice %get3A_7 {offsets = [12], sizes = [1], strides = [1]} : vector<16xf32> to vector<1xf32>
    %squeeze3A_2891 = vector.extract %slice3A_2890[0] : f32 from vector<1xf32>
    %mul3A_2892 = vector.broadcast %squeeze3A_2891 : f32 to vector<16xf32>
    %mul3A_2893 = arith.mulf %get3A_2889, %mul3A_2892 : vector<16xf32>
    %add3A_2894 = arith.addf %add3A_2885, %mul3A_2893 : vector<16xf32>
    %get3A_2895 = arith.constant 29 : i32
    %get3A_2896 = arith.index_cast %get3A_2895 : i32 to index
    %get3A_2897 = arith.constant 144 : index
    %get3A_2898 = tpu.vector_load %arg6[%get3A_2896, %get3A_2897] {strides = array<i32>} : memref<32x208xf32, #tpu.memory_space<vmem>>, vector<16xf32>,
    %slice3A_2899 = vector.extract_strided_slice %get3A_7 {offsets = [13], sizes = [1], strides = [1]} : vector<16xf32> to vector<1xf32>
    %squeeze3A_2900 = vector.extract %slice3A_2899[0] : f32 from vector<1xf32>
    %mul3A_2901 = vector.broadcast %squeeze3A_2900 : f32 to vector<16xf32>
    %mul3A_2902 = arith.mulf %get3A_2898, %mul3A_2901 : vector<16xf32>
    %add3A_2903 = arith.addf %add3A_2894, %mul3A_2902 : vector<16xf32>
    %get3A_2904 = arith.constant 30 : i32
    %get3A_2905 = arith.index_cast %get3A_2904 : i32 to index
    %get3A_2906 = arith.constant 144 : index
    %get3A_2907 = tpu.vector_load %arg6[%get3A_2905, %get3A_2906] {strides = array<i32>} : memref<32x208xf32, #tpu.memory_space<vmem>>, vector<16xf32>,
    %slice3A_2908 = vector.extract_strided_slice %get3A_7 {offsets = [14], sizes = [1], strides = [1]} : vector<16xf32> to vector<1xf32>
    %squeeze3A_2909 = vector.extract %slice3A_2908[0] : f32 from vector<1xf32>
    %mul3A_2910 = vector.broadcast %squeeze3A_2909 : f32 to vector<16xf32>
    %mul3A_2911 = arith.mulf %get3A_2907, %mul3A_2910 : vector<16xf32>
    %add3A_2912 = arith.addf %add3A_2903, %mul3A_2911 : vector<16xf32>
    %get3A_2913 = arith.constant 31 : i32
    %get3A_2914 = arith.index_cast %get3A_2913 : i32 to index
    %get3A_2915 = arith.constant 144 : index
    %get3A_2916 = tpu.vector_load %arg6[%get3A_2914, %get3A_2915] {strides = array<i32>} : memref<32x208xf32, #tpu.memory_space<vmem>>, vector<16xf32>,
    %slice3A_2917 = vector.extract_strided_slice %get3A_7 {offsets = [15], sizes = [1], strides = [1]} : vector<16xf32> to vector<1xf32>
    %squeeze3A_2918 = vector.extract %slice3A_2917[0] : f32 from vector<1xf32>
    %mul3A_2919 = vector.broadcast %squeeze3A_2918 : f32 to vector<16xf32>
    %mul3A_2920 = arith.mulf %get3A_2916, %mul3A_2919 : vector<16xf32>
    %add3A_2921 = arith.addf %add3A_2912, %mul3A_2920 : vector<16xf32>
    %swap3A_2922 = arith.constant 144 : index
    %swap3A_2923 = tpu.vector_load %arg9[%swap3A_2922] {strides = array<i32>} : memref<208xf32, #tpu.memory_space<vmem>>, vector<16xf32>,
    tpu.vector_store %arg9[%swap3A_2922], %add3A_2921 {strides = array<i32>} : memref<208xf32, #tpu.memory_space<vmem>>, vector<16xf32>,
    %broadcast_in_dim3A_2924 = arith.constant 0.000000e+00 : f32
    %broadcast_in_dim3A_2925 = vector.broadcast %broadcast_in_dim3A_2924 : f32 to vector<16xf32>
    %get3A_2926 = arith.constant 0 : i32
    %get3A_2927 = arith.index_cast %get3A_2926 : i32 to index
    %get3A_2928 = arith.constant 160 : index
    %get3A_2929 = tpu.vector_load %arg6[%get3A_2927, %get3A_2928] {strides = array<i32>} : memref<32x208xf32, #tpu.memory_space<vmem>>, vector<16xf32>,
    %slice3A_2930 = vector.extract_strided_slice %get3A_5 {offsets = [0], sizes = [1], strides = [1]} : vector<16xf32> to vector<1xf32>
    %squeeze3A_2931 = vector.extract %slice3A_2930[0] : f32 from vector<1xf32>
    %mul3A_2932 = vector.broadcast %squeeze3A_2931 : f32 to vector<16xf32>
    %mul3A_2933 = arith.mulf %get3A_2929, %mul3A_2932 : vector<16xf32>
    %add3A_2934 = arith.addf %broadcast_in_dim3A_2925, %mul3A_2933 : vector<16xf32>
    %get3A_2935 = arith.constant 1 : i32
    %get3A_2936 = arith.index_cast %get3A_2935 : i32 to index
    %get3A_2937 = arith.constant 160 : index
    %get3A_2938 = tpu.vector_load %arg6[%get3A_2936, %get3A_2937] {strides = array<i32>} : memref<32x208xf32, #tpu.memory_space<vmem>>, vector<16xf32>,
    %slice3A_2939 = vector.extract_strided_slice %get3A_5 {offsets = [1], sizes = [1], strides = [1]} : vector<16xf32> to vector<1xf32>
    %squeeze3A_2940 = vector.extract %slice3A_2939[0] : f32 from vector<1xf32>
    %mul3A_2941 = vector.broadcast %squeeze3A_2940 : f32 to vector<16xf32>
    %mul3A_2942 = arith.mulf %get3A_2938, %mul3A_2941 : vector<16xf32>
    %add3A_2943 = arith.addf %add3A_2934, %mul3A_2942 : vector<16xf32>
    %get3A_2944 = arith.constant 2 : i32
    %get3A_2945 = arith.index_cast %get3A_2944 : i32 to index
    %get3A_2946 = arith.constant 160 : index
    %get3A_2947 = tpu.vector_load %arg6[%get3A_2945, %get3A_2946] {strides = array<i32>} : memref<32x208xf32, #tpu.memory_space<vmem>>, vector<16xf32>,
    %slice3A_2948 = vector.extract_strided_slice %get3A_5 {offsets = [2], sizes = [1], strides = [1]} : vector<16xf32> to vector<1xf32>
    %squeeze3A_2949 = vector.extract %slice3A_2948[0] : f32 from vector<1xf32>
    %mul3A_2950 = vector.broadcast %squeeze3A_2949 : f32 to vector<16xf32>
    %mul3A_2951 = arith.mulf %get3A_2947, %mul3A_2950 : vector<16xf32>
    %add3A_2952 = arith.addf %add3A_2943, %mul3A_2951 : vector<16xf32>
    %get3A_2953 = arith.constant 3 : i32
    %get3A_2954 = arith.index_cast %get3A_2953 : i32 to index
    %get3A_2955 = arith.constant 160 : index
    %get3A_2956 = tpu.vector_load %arg6[%get3A_2954, %get3A_2955] {strides = array<i32>} : memref<32x208xf32, #tpu.memory_space<vmem>>, vector<16xf32>,
    %slice3A_2957 = vector.extract_strided_slice %get3A_5 {offsets = [3], sizes = [1], strides = [1]} : vector<16xf32> to vector<1xf32>
    %squeeze3A_2958 = vector.extract %slice3A_2957[0] : f32 from vector<1xf32>
    %mul3A_2959 = vector.broadcast %squeeze3A_2958 : f32 to vector<16xf32>
    %mul3A_2960 = arith.mulf %get3A_2956, %mul3A_2959 : vector<16xf32>
    %add3A_2961 = arith.addf %add3A_2952, %mul3A_2960 : vector<16xf32>
    %get3A_2962 = arith.constant 4 : i32
    %get3A_2963 = arith.index_cast %get3A_2962 : i32 to index
    %get3A_2964 = arith.constant 160 : index
    %get3A_2965 = tpu.vector_load %arg6[%get3A_2963, %get3A_2964] {strides = array<i32>} : memref<32x208xf32, #tpu.memory_space<vmem>>, vector<16xf32>,
    %slice3A_2966 = vector.extract_strided_slice %get3A_5 {offsets = [4], sizes = [1], strides = [1]} : vector<16xf32> to vector<1xf32>
    %squeeze3A_2967 = vector.extract %slice3A_2966[0] : f32 from vector<1xf32>
    %mul3A_2968 = vector.broadcast %squeeze3A_2967 : f32 to vector<16xf32>
    %mul3A_2969 = arith.mulf %get3A_2965, %mul3A_2968 : vector<16xf32>
    %add3A_2970 = arith.addf %add3A_2961, %mul3A_2969 : vector<16xf32>
    %get3A_2971 = arith.constant 5 : i32
    %get3A_2972 = arith.index_cast %get3A_2971 : i32 to index
    %get3A_2973 = arith.constant 160 : index
    %get3A_2974 = tpu.vector_load %arg6[%get3A_2972, %get3A_2973] {strides = array<i32>} : memref<32x208xf32, #tpu.memory_space<vmem>>, vector<16xf32>,
    %slice3A_2975 = vector.extract_strided_slice %get3A_5 {offsets = [5], sizes = [1], strides = [1]} : vector<16xf32> to vector<1xf32>
    %squeeze3A_2976 = vector.extract %slice3A_2975[0] : f32 from vector<1xf32>
    %mul3A_2977 = vector.broadcast %squeeze3A_2976 : f32 to vector<16xf32>
    %mul3A_2978 = arith.mulf %get3A_2974, %mul3A_2977 : vector<16xf32>
    %add3A_2979 = arith.addf %add3A_2970, %mul3A_2978 : vector<16xf32>
    %get3A_2980 = arith.constant 6 : i32
    %get3A_2981 = arith.index_cast %get3A_2980 : i32 to index
    %get3A_2982 = arith.constant 160 : index
    %get3A_2983 = tpu.vector_load %arg6[%get3A_2981, %get3A_2982] {strides = array<i32>} : memref<32x208xf32, #tpu.memory_space<vmem>>, vector<16xf32>,
    %slice3A_2984 = vector.extract_strided_slice %get3A_5 {offsets = [6], sizes = [1], strides = [1]} : vector<16xf32> to vector<1xf32>
    %squeeze3A_2985 = vector.extract %slice3A_2984[0] : f32 from vector<1xf32>
    %mul3A_2986 = vector.broadcast %squeeze3A_2985 : f32 to vector<16xf32>
    %mul3A_2987 = arith.mulf %get3A_2983, %mul3A_2986 : vector<16xf32>
    %add3A_2988 = arith.addf %add3A_2979, %mul3A_2987 : vector<16xf32>
    %get3A_2989 = arith.constant 7 : i32
    %get3A_2990 = arith.index_cast %get3A_2989 : i32 to index
    %get3A_2991 = arith.constant 160 : index
    %get3A_2992 = tpu.vector_load %arg6[%get3A_2990, %get3A_2991] {strides = array<i32>} : memref<32x208xf32, #tpu.memory_space<vmem>>, vector<16xf32>,
    %slice3A_2993 = vector.extract_strided_slice %get3A_5 {offsets = [7], sizes = [1], strides = [1]} : vector<16xf32> to vector<1xf32>
    %squeeze3A_2994 = vector.extract %slice3A_2993[0] : f32 from vector<1xf32>
    %mul3A_2995 = vector.broadcast %squeeze3A_2994 : f32 to vector<16xf32>
    %mul3A_2996 = arith.mulf %get3A_2992, %mul3A_2995 : vector<16xf32>
    %add3A_2997 = arith.addf %add3A_2988, %mul3A_2996 : vector<16xf32>
    %get3A_2998 = arith.constant 8 : i32
    %get3A_2999 = arith.index_cast %get3A_2998 : i32 to index
    %get3A_3000 = arith.constant 160 : index
    %get3A_3001 = tpu.vector_load %arg6[%get3A_2999, %get3A_3000] {strides = array<i32>} : memref<32x208xf32, #tpu.memory_space<vmem>>, vector<16xf32>,
    %slice3A_3002 = vector.extract_strided_slice %get3A_5 {offsets = [8], sizes = [1], strides = [1]} : vector<16xf32> to vector<1xf32>
    %squeeze3A_3003 = vector.extract %slice3A_3002[0] : f32 from vector<1xf32>
    %mul3A_3004 = vector.broadcast %squeeze3A_3003 : f32 to vector<16xf32>
    %mul3A_3005 = arith.mulf %get3A_3001, %mul3A_3004 : vector<16xf32>
    %add3A_3006 = arith.addf %add3A_2997, %mul3A_3005 : vector<16xf32>
    %get3A_3007 = arith.constant 9 : i32
    %get3A_3008 = arith.index_cast %get3A_3007 : i32 to index
    %get3A_3009 = arith.constant 160 : index
    %get3A_3010 = tpu.vector_load %arg6[%get3A_3008, %get3A_3009] {strides = array<i32>} : memref<32x208xf32, #tpu.memory_space<vmem>>, vector<16xf32>,
    %slice3A_3011 = vector.extract_strided_slice %get3A_5 {offsets = [9], sizes = [1], strides = [1]} : vector<16xf32> to vector<1xf32>
    %squeeze3A_3012 = vector.extract %slice3A_3011[0] : f32 from vector<1xf32>
    %mul3A_3013 = vector.broadcast %squeeze3A_3012 : f32 to vector<16xf32>
    %mul3A_3014 = arith.mulf %get3A_3010, %mul3A_3013 : vector<16xf32>
    %add3A_3015 = arith.addf %add3A_3006, %mul3A_3014 : vector<16xf32>
    %get3A_3016 = arith.constant 10 : i32
    %get3A_3017 = arith.index_cast %get3A_3016 : i32 to index
    %get3A_3018 = arith.constant 160 : index
    %get3A_3019 = tpu.vector_load %arg6[%get3A_3017, %get3A_3018] {strides = array<i32>} : memref<32x208xf32, #tpu.memory_space<vmem>>, vector<16xf32>,
    %slice3A_3020 = vector.extract_strided_slice %get3A_5 {offsets = [10], sizes = [1], strides = [1]} : vector<16xf32> to vector<1xf32>
    %squeeze3A_3021 = vector.extract %slice3A_3020[0] : f32 from vector<1xf32>
    %mul3A_3022 = vector.broadcast %squeeze3A_3021 : f32 to vector<16xf32>
    %mul3A_3023 = arith.mulf %get3A_3019, %mul3A_3022 : vector<16xf32>
    %add3A_3024 = arith.addf %add3A_3015, %mul3A_3023 : vector<16xf32>
    %get3A_3025 = arith.constant 11 : i32
    %get3A_3026 = arith.index_cast %get3A_3025 : i32 to index
    %get3A_3027 = arith.constant 160 : index
    %get3A_3028 = tpu.vector_load %arg6[%get3A_3026, %get3A_3027] {strides = array<i32>} : memref<32x208xf32, #tpu.memory_space<vmem>>, vector<16xf32>,
    %slice3A_3029 = vector.extract_strided_slice %get3A_5 {offsets = [11], sizes = [1], strides = [1]} : vector<16xf32> to vector<1xf32>
    %squeeze3A_3030 = vector.extract %slice3A_3029[0] : f32 from vector<1xf32>
    %mul3A_3031 = vector.broadcast %squeeze3A_3030 : f32 to vector<16xf32>
    %mul3A_3032 = arith.mulf %get3A_3028, %mul3A_3031 : vector<16xf32>
    %add3A_3033 = arith.addf %add3A_3024, %mul3A_3032 : vector<16xf32>
    %get3A_3034 = arith.constant 12 : i32
    %get3A_3035 = arith.index_cast %get3A_3034 : i32 to index
    %get3A_3036 = arith.constant 160 : index
    %get3A_3037 = tpu.vector_load %arg6[%get3A_3035, %get3A_3036] {strides = array<i32>} : memref<32x208xf32, #tpu.memory_space<vmem>>, vector<16xf32>,
    %slice3A_3038 = vector.extract_strided_slice %get3A_5 {offsets = [12], sizes = [1], strides = [1]} : vector<16xf32> to vector<1xf32>
    %squeeze3A_3039 = vector.extract %slice3A_3038[0] : f32 from vector<1xf32>
    %mul3A_3040 = vector.broadcast %squeeze3A_3039 : f32 to vector<16xf32>
    %mul3A_3041 = arith.mulf %get3A_3037, %mul3A_3040 : vector<16xf32>
    %add3A_3042 = arith.addf %add3A_3033, %mul3A_3041 : vector<16xf32>
    %get3A_3043 = arith.constant 13 : i32
    %get3A_3044 = arith.index_cast %get3A_3043 : i32 to index
    %get3A_3045 = arith.constant 160 : index
    %get3A_3046 = tpu.vector_load %arg6[%get3A_3044, %get3A_3045] {strides = array<i32>} : memref<32x208xf32, #tpu.memory_space<vmem>>, vector<16xf32>,
    %slice3A_3047 = vector.extract_strided_slice %get3A_5 {offsets = [13], sizes = [1], strides = [1]} : vector<16xf32> to vector<1xf32>
    %squeeze3A_3048 = vector.extract %slice3A_3047[0] : f32 from vector<1xf32>
    %mul3A_3049 = vector.broadcast %squeeze3A_3048 : f32 to vector<16xf32>
    %mul3A_3050 = arith.mulf %get3A_3046, %mul3A_3049 : vector<16xf32>
    %add3A_3051 = arith.addf %add3A_3042, %mul3A_3050 : vector<16xf32>
    %get3A_3052 = arith.constant 14 : i32
    %get3A_3053 = arith.index_cast %get3A_3052 : i32 to index
    %get3A_3054 = arith.constant 160 : index
    %get3A_3055 = tpu.vector_load %arg6[%get3A_3053, %get3A_3054] {strides = array<i32>} : memref<32x208xf32, #tpu.memory_space<vmem>>, vector<16xf32>,
    %slice3A_3056 = vector.extract_strided_slice %get3A_5 {offsets = [14], sizes = [1], strides = [1]} : vector<16xf32> to vector<1xf32>
    %squeeze3A_3057 = vector.extract %slice3A_3056[0] : f32 from vector<1xf32>
    %mul3A_3058 = vector.broadcast %squeeze3A_3057 : f32 to vector<16xf32>
    %mul3A_3059 = arith.mulf %get3A_3055, %mul3A_3058 : vector<16xf32>
    %add3A_3060 = arith.addf %add3A_3051, %mul3A_3059 : vector<16xf32>
    %get3A_3061 = arith.constant 15 : i32
    %get3A_3062 = arith.index_cast %get3A_3061 : i32 to index
    %get3A_3063 = arith.constant 160 : index
    %get3A_3064 = tpu.vector_load %arg6[%get3A_3062, %get3A_3063] {strides = array<i32>} : memref<32x208xf32, #tpu.memory_space<vmem>>, vector<16xf32>,
    %slice3A_3065 = vector.extract_strided_slice %get3A_5 {offsets = [15], sizes = [1], strides = [1]} : vector<16xf32> to vector<1xf32>
    %squeeze3A_3066 = vector.extract %slice3A_3065[0] : f32 from vector<1xf32>
    %mul3A_3067 = vector.broadcast %squeeze3A_3066 : f32 to vector<16xf32>
    %mul3A_3068 = arith.mulf %get3A_3064, %mul3A_3067 : vector<16xf32>
    %add3A_3069 = arith.addf %add3A_3060, %mul3A_3068 : vector<16xf32>
    %get3A_3070 = arith.constant 16 : i32
    %get3A_3071 = arith.index_cast %get3A_3070 : i32 to index
    %get3A_3072 = arith.constant 160 : index
    %get3A_3073 = tpu.vector_load %arg6[%get3A_3071, %get3A_3072] {strides = array<i32>} : memref<32x208xf32, #tpu.memory_space<vmem>>, vector<16xf32>,
    %slice3A_3074 = vector.extract_strided_slice %get3A_7 {offsets = [0], sizes = [1], strides = [1]} : vector<16xf32> to vector<1xf32>
    %squeeze3A_3075 = vector.extract %slice3A_3074[0] : f32 from vector<1xf32>
    %mul3A_3076 = vector.broadcast %squeeze3A_3075 : f32 to vector<16xf32>
    %mul3A_3077 = arith.mulf %get3A_3073, %mul3A_3076 : vector<16xf32>
    %add3A_3078 = arith.addf %add3A_3069, %mul3A_3077 : vector<16xf32>
    %get3A_3079 = arith.constant 17 : i32
    %get3A_3080 = arith.index_cast %get3A_3079 : i32 to index
    %get3A_3081 = arith.constant 160 : index
    %get3A_3082 = tpu.vector_load %arg6[%get3A_3080, %get3A_3081] {strides = array<i32>} : memref<32x208xf32, #tpu.memory_space<vmem>>, vector<16xf32>,
    %slice3A_3083 = vector.extract_strided_slice %get3A_7 {offsets = [1], sizes = [1], strides = [1]} : vector<16xf32> to vector<1xf32>
    %squeeze3A_3084 = vector.extract %slice3A_3083[0] : f32 from vector<1xf32>
    %mul3A_3085 = vector.broadcast %squeeze3A_3084 : f32 to vector<16xf32>
    %mul3A_3086 = arith.mulf %get3A_3082, %mul3A_3085 : vector<16xf32>
    %add3A_3087 = arith.addf %add3A_3078, %mul3A_3086 : vector<16xf32>
    %get3A_3088 = arith.constant 18 : i32
    %get3A_3089 = arith.index_cast %get3A_3088 : i32 to index
    %get3A_3090 = arith.constant 160 : index
    %get3A_3091 = tpu.vector_load %arg6[%get3A_3089, %get3A_3090] {strides = array<i32>} : memref<32x208xf32, #tpu.memory_space<vmem>>, vector<16xf32>,
    %slice3A_3092 = vector.extract_strided_slice %get3A_7 {offsets = [2], sizes = [1], strides = [1]} : vector<16xf32> to vector<1xf32>
    %squeeze3A_3093 = vector.extract %slice3A_3092[0] : f32 from vector<1xf32>
    %mul3A_3094 = vector.broadcast %squeeze3A_3093 : f32 to vector<16xf32>
    %mul3A_3095 = arith.mulf %get3A_3091, %mul3A_3094 : vector<16xf32>
    %add3A_3096 = arith.addf %add3A_3087, %mul3A_3095 : vector<16xf32>
    %get3A_3097 = arith.constant 19 : i32
    %get3A_3098 = arith.index_cast %get3A_3097 : i32 to index
    %get3A_3099 = arith.constant 160 : index
    %get3A_3100 = tpu.vector_load %arg6[%get3A_3098, %get3A_3099] {strides = array<i32>} : memref<32x208xf32, #tpu.memory_space<vmem>>, vector<16xf32>,
    %slice3A_3101 = vector.extract_strided_slice %get3A_7 {offsets = [3], sizes = [1], strides = [1]} : vector<16xf32> to vector<1xf32>
    %squeeze3A_3102 = vector.extract %slice3A_3101[0] : f32 from vector<1xf32>
    %mul3A_3103 = vector.broadcast %squeeze3A_3102 : f32 to vector<16xf32>
    %mul3A_3104 = arith.mulf %get3A_3100, %mul3A_3103 : vector<16xf32>
    %add3A_3105 = arith.addf %add3A_3096, %mul3A_3104 : vector<16xf32>
    %get3A_3106 = arith.constant 20 : i32
    %get3A_3107 = arith.index_cast %get3A_3106 : i32 to index
    %get3A_3108 = arith.constant 160 : index
    %get3A_3109 = tpu.vector_load %arg6[%get3A_3107, %get3A_3108] {strides = array<i32>} : memref<32x208xf32, #tpu.memory_space<vmem>>, vector<16xf32>,
    %slice3A_3110 = vector.extract_strided_slice %get3A_7 {offsets = [4], sizes = [1], strides = [1]} : vector<16xf32> to vector<1xf32>
    %squeeze3A_3111 = vector.extract %slice3A_3110[0] : f32 from vector<1xf32>
    %mul3A_3112 = vector.broadcast %squeeze3A_3111 : f32 to vector<16xf32>
    %mul3A_3113 = arith.mulf %get3A_3109, %mul3A_3112 : vector<16xf32>
    %add3A_3114 = arith.addf %add3A_3105, %mul3A_3113 : vector<16xf32>
    %get3A_3115 = arith.constant 21 : i32
    %get3A_3116 = arith.index_cast %get3A_3115 : i32 to index
    %get3A_3117 = arith.constant 160 : index
    %get3A_3118 = tpu.vector_load %arg6[%get3A_3116, %get3A_3117] {strides = array<i32>} : memref<32x208xf32, #tpu.memory_space<vmem>>, vector<16xf32>,
    %slice3A_3119 = vector.extract_strided_slice %get3A_7 {offsets = [5], sizes = [1], strides = [1]} : vector<16xf32> to vector<1xf32>
    %squeeze3A_3120 = vector.extract %slice3A_3119[0] : f32 from vector<1xf32>
    %mul3A_3121 = vector.broadcast %squeeze3A_3120 : f32 to vector<16xf32>
    %mul3A_3122 = arith.mulf %get3A_3118, %mul3A_3121 : vector<16xf32>
    %add3A_3123 = arith.addf %add3A_3114, %mul3A_3122 : vector<16xf32>
    %get3A_3124 = arith.constant 22 : i32
    %get3A_3125 = arith.index_cast %get3A_3124 : i32 to index
    %get3A_3126 = arith.constant 160 : index
    %get3A_3127 = tpu.vector_load %arg6[%get3A_3125, %get3A_3126] {strides = array<i32>} : memref<32x208xf32, #tpu.memory_space<vmem>>, vector<16xf32>,
    %slice3A_3128 = vector.extract_strided_slice %get3A_7 {offsets = [6], sizes = [1], strides = [1]} : vector<16xf32> to vector<1xf32>
    %squeeze3A_3129 = vector.extract %slice3A_3128[0] : f32 from vector<1xf32>
    %mul3A_3130 = vector.broadcast %squeeze3A_3129 : f32 to vector<16xf32>
    %mul3A_3131 = arith.mulf %get3A_3127, %mul3A_3130 : vector<16xf32>
    %add3A_3132 = arith.addf %add3A_3123, %mul3A_3131 : vector<16xf32>
    %get3A_3133 = arith.constant 23 : i32
    %get3A_3134 = arith.index_cast %get3A_3133 : i32 to index
    %get3A_3135 = arith.constant 160 : index
    %get3A_3136 = tpu.vector_load %arg6[%get3A_3134, %get3A_3135] {strides = array<i32>} : memref<32x208xf32, #tpu.memory_space<vmem>>, vector<16xf32>,
    %slice3A_3137 = vector.extract_strided_slice %get3A_7 {offsets = [7], sizes = [1], strides = [1]} : vector<16xf32> to vector<1xf32>
    %squeeze3A_3138 = vector.extract %slice3A_3137[0] : f32 from vector<1xf32>
    %mul3A_3139 = vector.broadcast %squeeze3A_3138 : f32 to vector<16xf32>
    %mul3A_3140 = arith.mulf %get3A_3136, %mul3A_3139 : vector<16xf32>
    %add3A_3141 = arith.addf %add3A_3132, %mul3A_3140 : vector<16xf32>
    %get3A_3142 = arith.constant 24 : i32
    %get3A_3143 = arith.index_cast %get3A_3142 : i32 to index
    %get3A_3144 = arith.constant 160 : index
    %get3A_3145 = tpu.vector_load %arg6[%get3A_3143, %get3A_3144] {strides = array<i32>} : memref<32x208xf32, #tpu.memory_space<vmem>>, vector<16xf32>,
    %slice3A_3146 = vector.extract_strided_slice %get3A_7 {offsets = [8], sizes = [1], strides = [1]} : vector<16xf32> to vector<1xf32>
    %squeeze3A_3147 = vector.extract %slice3A_3146[0] : f32 from vector<1xf32>
    %mul3A_3148 = vector.broadcast %squeeze3A_3147 : f32 to vector<16xf32>
    %mul3A_3149 = arith.mulf %get3A_3145, %mul3A_3148 : vector<16xf32>
    %add3A_3150 = arith.addf %add3A_3141, %mul3A_3149 : vector<16xf32>
    %get3A_3151 = arith.constant 25 : i32
    %get3A_3152 = arith.index_cast %get3A_3151 : i32 to index
    %get3A_3153 = arith.constant 160 : index
    %get3A_3154 = tpu.vector_load %arg6[%get3A_3152, %get3A_3153] {strides = array<i32>} : memref<32x208xf32, #tpu.memory_space<vmem>>, vector<16xf32>,
    %slice3A_3155 = vector.extract_strided_slice %get3A_7 {offsets = [9], sizes = [1], strides = [1]} : vector<16xf32> to vector<1xf32>
    %squeeze3A_3156 = vector.extract %slice3A_3155[0] : f32 from vector<1xf32>
    %mul3A_3157 = vector.broadcast %squeeze3A_3156 : f32 to vector<16xf32>
    %mul3A_3158 = arith.mulf %get3A_3154, %mul3A_3157 : vector<16xf32>
    %add3A_3159 = arith.addf %add3A_3150, %mul3A_3158 : vector<16xf32>
    %get3A_3160 = arith.constant 26 : i32
    %get3A_3161 = arith.index_cast %get3A_3160 : i32 to index
    %get3A_3162 = arith.constant 160 : index
    %get3A_3163 = tpu.vector_load %arg6[%get3A_3161, %get3A_3162] {strides = array<i32>} : memref<32x208xf32, #tpu.memory_space<vmem>>, vector<16xf32>,
    %slice3A_3164 = vector.extract_strided_slice %get3A_7 {offsets = [10], sizes = [1], strides = [1]} : vector<16xf32> to vector<1xf32>
    %squeeze3A_3165 = vector.extract %slice3A_3164[0] : f32 from vector<1xf32>
    %mul3A_3166 = vector.broadcast %squeeze3A_3165 : f32 to vector<16xf32>
    %mul3A_3167 = arith.mulf %get3A_3163, %mul3A_3166 : vector<16xf32>
    %add3A_3168 = arith.addf %add3A_3159, %mul3A_3167 : vector<16xf32>
    %get3A_3169 = arith.constant 27 : i32
    %get3A_3170 = arith.index_cast %get3A_3169 : i32 to index
    %get3A_3171 = arith.constant 160 : index
    %get3A_3172 = tpu.vector_load %arg6[%get3A_3170, %get3A_3171] {strides = array<i32>} : memref<32x208xf32, #tpu.memory_space<vmem>>, vector<16xf32>,
    %slice3A_3173 = vector.extract_strided_slice %get3A_7 {offsets = [11], sizes = [1], strides = [1]} : vector<16xf32> to vector<1xf32>
    %squeeze3A_3174 = vector.extract %slice3A_3173[0] : f32 from vector<1xf32>
    %mul3A_3175 = vector.broadcast %squeeze3A_3174 : f32 to vector<16xf32>
    %mul3A_3176 = arith.mulf %get3A_3172, %mul3A_3175 : vector<16xf32>
    %add3A_3177 = arith.addf %add3A_3168, %mul3A_3176 : vector<16xf32>
    %get3A_3178 = arith.constant 28 : i32
    %get3A_3179 = arith.index_cast %get3A_3178 : i32 to index
    %get3A_3180 = arith.constant 160 : index
    %get3A_3181 = tpu.vector_load %arg6[%get3A_3179, %get3A_3180] {strides = array<i32>} : memref<32x208xf32, #tpu.memory_space<vmem>>, vector<16xf32>,
    %slice3A_3182 = vector.extract_strided_slice %get3A_7 {offsets = [12], sizes = [1], strides = [1]} : vector<16xf32> to vector<1xf32>
    %squeeze3A_3183 = vector.extract %slice3A_3182[0] : f32 from vector<1xf32>
    %mul3A_3184 = vector.broadcast %squeeze3A_3183 : f32 to vector<16xf32>
    %mul3A_3185 = arith.mulf %get3A_3181, %mul3A_3184 : vector<16xf32>
    %add3A_3186 = arith.addf %add3A_3177, %mul3A_3185 : vector<16xf32>
    %get3A_3187 = arith.constant 29 : i32
    %get3A_3188 = arith.index_cast %get3A_3187 : i32 to index
    %get3A_3189 = arith.constant 160 : index
    %get3A_3190 = tpu.vector_load %arg6[%get3A_3188, %get3A_3189] {strides = array<i32>} : memref<32x208xf32, #tpu.memory_space<vmem>>, vector<16xf32>,
    %slice3A_3191 = vector.extract_strided_slice %get3A_7 {offsets = [13], sizes = [1], strides = [1]} : vector<16xf32> to vector<1xf32>
    %squeeze3A_3192 = vector.extract %slice3A_3191[0] : f32 from vector<1xf32>
    %mul3A_3193 = vector.broadcast %squeeze3A_3192 : f32 to vector<16xf32>
    %mul3A_3194 = arith.mulf %get3A_3190, %mul3A_3193 : vector<16xf32>
    %add3A_3195 = arith.addf %add3A_3186, %mul3A_3194 : vector<16xf32>
    %get3A_3196 = arith.constant 30 : i32
    %get3A_3197 = arith.index_cast %get3A_3196 : i32 to index
    %get3A_3198 = arith.constant 160 : index
    %get3A_3199 = tpu.vector_load %arg6[%get3A_3197, %get3A_3198] {strides = array<i32>} : memref<32x208xf32, #tpu.memory_space<vmem>>, vector<16xf32>,
    %slice3A_3200 = vector.extract_strided_slice %get3A_7 {offsets = [14], sizes = [1], strides = [1]} : vector<16xf32> to vector<1xf32>
    %squeeze3A_3201 = vector.extract %slice3A_3200[0] : f32 from vector<1xf32>
    %mul3A_3202 = vector.broadcast %squeeze3A_3201 : f32 to vector<16xf32>
    %mul3A_3203 = arith.mulf %get3A_3199, %mul3A_3202 : vector<16xf32>
    %add3A_3204 = arith.addf %add3A_3195, %mul3A_3203 : vector<16xf32>
    %get3A_3205 = arith.constant 31 : i32
    %get3A_3206 = arith.index_cast %get3A_3205 : i32 to index
    %get3A_3207 = arith.constant 160 : index
    %get3A_3208 = tpu.vector_load %arg6[%get3A_3206, %get3A_3207] {strides = array<i32>} : memref<32x208xf32, #tpu.memory_space<vmem>>, vector<16xf32>,
    %slice3A_3209 = vector.extract_strided_slice %get3A_7 {offsets = [15], sizes = [1], strides = [1]} : vector<16xf32> to vector<1xf32>
    %squeeze3A_3210 = vector.extract %slice3A_3209[0] : f32 from vector<1xf32>
    %mul3A_3211 = vector.broadcast %squeeze3A_3210 : f32 to vector<16xf32>
    %mul3A_3212 = arith.mulf %get3A_3208, %mul3A_3211 : vector<16xf32>
    %add3A_3213 = arith.addf %add3A_3204, %mul3A_3212 : vector<16xf32>
    %swap3A_3214 = arith.constant 160 : index
    %swap3A_3215 = tpu.vector_load %arg9[%swap3A_3214] {strides = array<i32>} : memref<208xf32, #tpu.memory_space<vmem>>, vector<16xf32>,
    tpu.vector_store %arg9[%swap3A_3214], %add3A_3213 {strides = array<i32>} : memref<208xf32, #tpu.memory_space<vmem>>, vector<16xf32>,
    %broadcast_in_dim3A_3216 = arith.constant 0.000000e+00 : f32
    %broadcast_in_dim3A_3217 = vector.broadcast %broadcast_in_dim3A_3216 : f32 to vector<16xf32>
    %get3A_3218 = arith.constant 0 : i32
    %get3A_3219 = arith.index_cast %get3A_3218 : i32 to index
    %get3A_3220 = arith.constant 176 : index
    %get3A_3221 = tpu.vector_load %arg6[%get3A_3219, %get3A_3220] {strides = array<i32>} : memref<32x208xf32, #tpu.memory_space<vmem>>, vector<16xf32>,
    %slice3A_3222 = vector.extract_strided_slice %get3A_5 {offsets = [0], sizes = [1], strides = [1]} : vector<16xf32> to vector<1xf32>
    %squeeze3A_3223 = vector.extract %slice3A_3222[0] : f32 from vector<1xf32>
    %mul3A_3224 = vector.broadcast %squeeze3A_3223 : f32 to vector<16xf32>
    %mul3A_3225 = arith.mulf %get3A_3221, %mul3A_3224 : vector<16xf32>
    %add3A_3226 = arith.addf %broadcast_in_dim3A_3217, %mul3A_3225 : vector<16xf32>
    %get3A_3227 = arith.constant 1 : i32
    %get3A_3228 = arith.index_cast %get3A_3227 : i32 to index
    %get3A_3229 = arith.constant 176 : index
    %get3A_3230 = tpu.vector_load %arg6[%get3A_3228, %get3A_3229] {strides = array<i32>} : memref<32x208xf32, #tpu.memory_space<vmem>>, vector<16xf32>,
    %slice3A_3231 = vector.extract_strided_slice %get3A_5 {offsets = [1], sizes = [1], strides = [1]} : vector<16xf32> to vector<1xf32>
    %squeeze3A_3232 = vector.extract %slice3A_3231[0] : f32 from vector<1xf32>
    %mul3A_3233 = vector.broadcast %squeeze3A_3232 : f32 to vector<16xf32>
    %mul3A_3234 = arith.mulf %get3A_3230, %mul3A_3233 : vector<16xf32>
    %add3A_3235 = arith.addf %add3A_3226, %mul3A_3234 : vector<16xf32>
    %get3A_3236 = arith.constant 2 : i32
    %get3A_3237 = arith.index_cast %get3A_3236 : i32 to index
    %get3A_3238 = arith.constant 176 : index
    %get3A_3239 = tpu.vector_load %arg6[%get3A_3237, %get3A_3238] {strides = array<i32>} : memref<32x208xf32, #tpu.memory_space<vmem>>, vector<16xf32>,
    %slice3A_3240 = vector.extract_strided_slice %get3A_5 {offsets = [2], sizes = [1], strides = [1]} : vector<16xf32> to vector<1xf32>
    %squeeze3A_3241 = vector.extract %slice3A_3240[0] : f32 from vector<1xf32>
    %mul3A_3242 = vector.broadcast %squeeze3A_3241 : f32 to vector<16xf32>
    %mul3A_3243 = arith.mulf %get3A_3239, %mul3A_3242 : vector<16xf32>
    %add3A_3244 = arith.addf %add3A_3235, %mul3A_3243 : vector<16xf32>
    %get3A_3245 = arith.constant 3 : i32
    %get3A_3246 = arith.index_cast %get3A_3245 : i32 to index
    %get3A_3247 = arith.constant 176 : index
    %get3A_3248 = tpu.vector_load %arg6[%get3A_3246, %get3A_3247] {strides = array<i32>} : memref<32x208xf32, #tpu.memory_space<vmem>>, vector<16xf32>,
    %slice3A_3249 = vector.extract_strided_slice %get3A_5 {offsets = [3], sizes = [1], strides = [1]} : vector<16xf32> to vector<1xf32>
    %squeeze3A_3250 = vector.extract %slice3A_3249[0] : f32 from vector<1xf32>
    %mul3A_3251 = vector.broadcast %squeeze3A_3250 : f32 to vector<16xf32>
    %mul3A_3252 = arith.mulf %get3A_3248, %mul3A_3251 : vector<16xf32>
    %add3A_3253 = arith.addf %add3A_3244, %mul3A_3252 : vector<16xf32>
    %get3A_3254 = arith.constant 4 : i32
    %get3A_3255 = arith.index_cast %get3A_3254 : i32 to index
    %get3A_3256 = arith.constant 176 : index
    %get3A_3257 = tpu.vector_load %arg6[%get3A_3255, %get3A_3256] {strides = array<i32>} : memref<32x208xf32, #tpu.memory_space<vmem>>, vector<16xf32>,
    %slice3A_3258 = vector.extract_strided_slice %get3A_5 {offsets = [4], sizes = [1], strides = [1]} : vector<16xf32> to vector<1xf32>
    %squeeze3A_3259 = vector.extract %slice3A_3258[0] : f32 from vector<1xf32>
    %mul3A_3260 = vector.broadcast %squeeze3A_3259 : f32 to vector<16xf32>
    %mul3A_3261 = arith.mulf %get3A_3257, %mul3A_3260 : vector<16xf32>
    %add3A_3262 = arith.addf %add3A_3253, %mul3A_3261 : vector<16xf32>
    %get3A_3263 = arith.constant 5 : i32
    %get3A_3264 = arith.index_cast %get3A_3263 : i32 to index
    %get3A_3265 = arith.constant 176 : index
    %get3A_3266 = tpu.vector_load %arg6[%get3A_3264, %get3A_3265] {strides = array<i32>} : memref<32x208xf32, #tpu.memory_space<vmem>>, vector<16xf32>,
    %slice3A_3267 = vector.extract_strided_slice %get3A_5 {offsets = [5], sizes = [1], strides = [1]} : vector<16xf32> to vector<1xf32>
    %squeeze3A_3268 = vector.extract %slice3A_3267[0] : f32 from vector<1xf32>
    %mul3A_3269 = vector.broadcast %squeeze3A_3268 : f32 to vector<16xf32>
    %mul3A_3270 = arith.mulf %get3A_3266, %mul3A_3269 : vector<16xf32>
    %add3A_3271 = arith.addf %add3A_3262, %mul3A_3270 : vector<16xf32>
    %get3A_3272 = arith.constant 6 : i32
    %get3A_3273 = arith.index_cast %get3A_3272 : i32 to index
    %get3A_3274 = arith.constant 176 : index
    %get3A_3275 = tpu.vector_load %arg6[%get3A_3273, %get3A_3274] {strides = array<i32>} : memref<32x208xf32, #tpu.memory_space<vmem>>, vector<16xf32>,
    %slice3A_3276 = vector.extract_strided_slice %get3A_5 {offsets = [6], sizes = [1], strides = [1]} : vector<16xf32> to vector<1xf32>
    %squeeze3A_3277 = vector.extract %slice3A_3276[0] : f32 from vector<1xf32>
    %mul3A_3278 = vector.broadcast %squeeze3A_3277 : f32 to vector<16xf32>
    %mul3A_3279 = arith.mulf %get3A_3275, %mul3A_3278 : vector<16xf32>
    %add3A_3280 = arith.addf %add3A_3271, %mul3A_3279 : vector<16xf32>
    %get3A_3281 = arith.constant 7 : i32
    %get3A_3282 = arith.index_cast %get3A_3281 : i32 to index
    %get3A_3283 = arith.constant 176 : index
    %get3A_3284 = tpu.vector_load %arg6[%get3A_3282, %get3A_3283] {strides = array<i32>} : memref<32x208xf32, #tpu.memory_space<vmem>>, vector<16xf32>,
    %slice3A_3285 = vector.extract_strided_slice %get3A_5 {offsets = [7], sizes = [1], strides = [1]} : vector<16xf32> to vector<1xf32>
    %squeeze3A_3286 = vector.extract %slice3A_3285[0] : f32 from vector<1xf32>
    %mul3A_3287 = vector.broadcast %squeeze3A_3286 : f32 to vector<16xf32>
    %mul3A_3288 = arith.mulf %get3A_3284, %mul3A_3287 : vector<16xf32>
    %add3A_3289 = arith.addf %add3A_3280, %mul3A_3288 : vector<16xf32>
    %get3A_3290 = arith.constant 8 : i32
    %get3A_3291 = arith.index_cast %get3A_3290 : i32 to index
    %get3A_3292 = arith.constant 176 : index
    %get3A_3293 = tpu.vector_load %arg6[%get3A_3291, %get3A_3292] {strides = array<i32>} : memref<32x208xf32, #tpu.memory_space<vmem>>, vector<16xf32>,
    %slice3A_3294 = vector.extract_strided_slice %get3A_5 {offsets = [8], sizes = [1], strides = [1]} : vector<16xf32> to vector<1xf32>
    %squeeze3A_3295 = vector.extract %slice3A_3294[0] : f32 from vector<1xf32>
    %mul3A_3296 = vector.broadcast %squeeze3A_3295 : f32 to vector<16xf32>
    %mul3A_3297 = arith.mulf %get3A_3293, %mul3A_3296 : vector<16xf32>
    %add3A_3298 = arith.addf %add3A_3289, %mul3A_3297 : vector<16xf32>
    %get3A_3299 = arith.constant 9 : i32
    %get3A_3300 = arith.index_cast %get3A_3299 : i32 to index
    %get3A_3301 = arith.constant 176 : index
    %get3A_3302 = tpu.vector_load %arg6[%get3A_3300, %get3A_3301] {strides = array<i32>} : memref<32x208xf32, #tpu.memory_space<vmem>>, vector<16xf32>,
    %slice3A_3303 = vector.extract_strided_slice %get3A_5 {offsets = [9], sizes = [1], strides = [1]} : vector<16xf32> to vector<1xf32>
    %squeeze3A_3304 = vector.extract %slice3A_3303[0] : f32 from vector<1xf32>
    %mul3A_3305 = vector.broadcast %squeeze3A_3304 : f32 to vector<16xf32>
    %mul3A_3306 = arith.mulf %get3A_3302, %mul3A_3305 : vector<16xf32>
    %add3A_3307 = arith.addf %add3A_3298, %mul3A_3306 : vector<16xf32>
    %get3A_3308 = arith.constant 10 : i32
    %get3A_3309 = arith.index_cast %get3A_3308 : i32 to index
    %get3A_3310 = arith.constant 176 : index
    %get3A_3311 = tpu.vector_load %arg6[%get3A_3309, %get3A_3310] {strides = array<i32>} : memref<32x208xf32, #tpu.memory_space<vmem>>, vector<16xf32>,
    %slice3A_3312 = vector.extract_strided_slice %get3A_5 {offsets = [10], sizes = [1], strides = [1]} : vector<16xf32> to vector<1xf32>
    %squeeze3A_3313 = vector.extract %slice3A_3312[0] : f32 from vector<1xf32>
    %mul3A_3314 = vector.broadcast %squeeze3A_3313 : f32 to vector<16xf32>
    %mul3A_3315 = arith.mulf %get3A_3311, %mul3A_3314 : vector<16xf32>
    %add3A_3316 = arith.addf %add3A_3307, %mul3A_3315 : vector<16xf32>
    %get3A_3317 = arith.constant 11 : i32
    %get3A_3318 = arith.index_cast %get3A_3317 : i32 to index
    %get3A_3319 = arith.constant 176 : index
    %get3A_3320 = tpu.vector_load %arg6[%get3A_3318, %get3A_3319] {strides = array<i32>} : memref<32x208xf32, #tpu.memory_space<vmem>>, vector<16xf32>,
    %slice3A_3321 = vector.extract_strided_slice %get3A_5 {offsets = [11], sizes = [1], strides = [1]} : vector<16xf32> to vector<1xf32>
    %squeeze3A_3322 = vector.extract %slice3A_3321[0] : f32 from vector<1xf32>
    %mul3A_3323 = vector.broadcast %squeeze3A_3322 : f32 to vector<16xf32>
    %mul3A_3324 = arith.mulf %get3A_3320, %mul3A_3323 : vector<16xf32>
    %add3A_3325 = arith.addf %add3A_3316, %mul3A_3324 : vector<16xf32>
    %get3A_3326 = arith.constant 12 : i32
    %get3A_3327 = arith.index_cast %get3A_3326 : i32 to index
    %get3A_3328 = arith.constant 176 : index
    %get3A_3329 = tpu.vector_load %arg6[%get3A_3327, %get3A_3328] {strides = array<i32>} : memref<32x208xf32, #tpu.memory_space<vmem>>, vector<16xf32>,
    %slice3A_3330 = vector.extract_strided_slice %get3A_5 {offsets = [12], sizes = [1], strides = [1]} : vector<16xf32> to vector<1xf32>
    %squeeze3A_3331 = vector.extract %slice3A_3330[0] : f32 from vector<1xf32>
    %mul3A_3332 = vector.broadcast %squeeze3A_3331 : f32 to vector<16xf32>
    %mul3A_3333 = arith.mulf %get3A_3329, %mul3A_3332 : vector<16xf32>
    %add3A_3334 = arith.addf %add3A_3325, %mul3A_3333 : vector<16xf32>
    %get3A_3335 = arith.constant 13 : i32
    %get3A_3336 = arith.index_cast %get3A_3335 : i32 to index
    %get3A_3337 = arith.constant 176 : index
    %get3A_3338 = tpu.vector_load %arg6[%get3A_3336, %get3A_3337] {strides = array<i32>} : memref<32x208xf32, #tpu.memory_space<vmem>>, vector<16xf32>,
    %slice3A_3339 = vector.extract_strided_slice %get3A_5 {offsets = [13], sizes = [1], strides = [1]} : vector<16xf32> to vector<1xf32>
    %squeeze3A_3340 = vector.extract %slice3A_3339[0] : f32 from vector<1xf32>
    %mul3A_3341 = vector.broadcast %squeeze3A_3340 : f32 to vector<16xf32>
    %mul3A_3342 = arith.mulf %get3A_3338, %mul3A_3341 : vector<16xf32>
    %add3A_3343 = arith.addf %add3A_3334, %mul3A_3342 : vector<16xf32>
    %get3A_3344 = arith.constant 14 : i32
    %get3A_3345 = arith.index_cast %get3A_3344 : i32 to index
    %get3A_3346 = arith.constant 176 : index
    %get3A_3347 = tpu.vector_load %arg6[%get3A_3345, %get3A_3346] {strides = array<i32>} : memref<32x208xf32, #tpu.memory_space<vmem>>, vector<16xf32>,
    %slice3A_3348 = vector.extract_strided_slice %get3A_5 {offsets = [14], sizes = [1], strides = [1]} : vector<16xf32> to vector<1xf32>
    %squeeze3A_3349 = vector.extract %slice3A_3348[0] : f32 from vector<1xf32>
    %mul3A_3350 = vector.broadcast %squeeze3A_3349 : f32 to vector<16xf32>
    %mul3A_3351 = arith.mulf %get3A_3347, %mul3A_3350 : vector<16xf32>
    %add3A_3352 = arith.addf %add3A_3343, %mul3A_3351 : vector<16xf32>
    %get3A_3353 = arith.constant 15 : i32
    %get3A_3354 = arith.index_cast %get3A_3353 : i32 to index
    %get3A_3355 = arith.constant 176 : index
    %get3A_3356 = tpu.vector_load %arg6[%get3A_3354, %get3A_3355] {strides = array<i32>} : memref<32x208xf32, #tpu.memory_space<vmem>>, vector<16xf32>,
    %slice3A_3357 = vector.extract_strided_slice %get3A_5 {offsets = [15], sizes = [1], strides = [1]} : vector<16xf32> to vector<1xf32>
    %squeeze3A_3358 = vector.extract %slice3A_3357[0] : f32 from vector<1xf32>
    %mul3A_3359 = vector.broadcast %squeeze3A_3358 : f32 to vector<16xf32>
    %mul3A_3360 = arith.mulf %get3A_3356, %mul3A_3359 : vector<16xf32>
    %add3A_3361 = arith.addf %add3A_3352, %mul3A_3360 : vector<16xf32>
    %get3A_3362 = arith.constant 16 : i32
    %get3A_3363 = arith.index_cast %get3A_3362 : i32 to index
    %get3A_3364 = arith.constant 176 : index
    %get3A_3365 = tpu.vector_load %arg6[%get3A_3363, %get3A_3364] {strides = array<i32>} : memref<32x208xf32, #tpu.memory_space<vmem>>, vector<16xf32>,
    %slice3A_3366 = vector.extract_strided_slice %get3A_7 {offsets = [0], sizes = [1], strides = [1]} : vector<16xf32> to vector<1xf32>
    %squeeze3A_3367 = vector.extract %slice3A_3366[0] : f32 from vector<1xf32>
    %mul3A_3368 = vector.broadcast %squeeze3A_3367 : f32 to vector<16xf32>
    %mul3A_3369 = arith.mulf %get3A_3365, %mul3A_3368 : vector<16xf32>
    %add3A_3370 = arith.addf %add3A_3361, %mul3A_3369 : vector<16xf32>
    %get3A_3371 = arith.constant 17 : i32
    %get3A_3372 = arith.index_cast %get3A_3371 : i32 to index
    %get3A_3373 = arith.constant 176 : index
    %get3A_3374 = tpu.vector_load %arg6[%get3A_3372, %get3A_3373] {strides = array<i32>} : memref<32x208xf32, #tpu.memory_space<vmem>>, vector<16xf32>,
    %slice3A_3375 = vector.extract_strided_slice %get3A_7 {offsets = [1], sizes = [1], strides = [1]} : vector<16xf32> to vector<1xf32>
    %squeeze3A_3376 = vector.extract %slice3A_3375[0] : f32 from vector<1xf32>
    %mul3A_3377 = vector.broadcast %squeeze3A_3376 : f32 to vector<16xf32>
    %mul3A_3378 = arith.mulf %get3A_3374, %mul3A_3377 : vector<16xf32>
    %add3A_3379 = arith.addf %add3A_3370, %mul3A_3378 : vector<16xf32>
    %get3A_3380 = arith.constant 18 : i32
    %get3A_3381 = arith.index_cast %get3A_3380 : i32 to index
    %get3A_3382 = arith.constant 176 : index
    %get3A_3383 = tpu.vector_load %arg6[%get3A_3381, %get3A_3382] {strides = array<i32>} : memref<32x208xf32, #tpu.memory_space<vmem>>, vector<16xf32>,
    %slice3A_3384 = vector.extract_strided_slice %get3A_7 {offsets = [2], sizes = [1], strides = [1]} : vector<16xf32> to vector<1xf32>
    %squeeze3A_3385 = vector.extract %slice3A_3384[0] : f32 from vector<1xf32>
    %mul3A_3386 = vector.broadcast %squeeze3A_3385 : f32 to vector<16xf32>
    %mul3A_3387 = arith.mulf %get3A_3383, %mul3A_3386 : vector<16xf32>
    %add3A_3388 = arith.addf %add3A_3379, %mul3A_3387 : vector<16xf32>
    %get3A_3389 = arith.constant 19 : i32
    %get3A_3390 = arith.index_cast %get3A_3389 : i32 to index
    %get3A_3391 = arith.constant 176 : index
    %get3A_3392 = tpu.vector_load %arg6[%get3A_3390, %get3A_3391] {strides = array<i32>} : memref<32x208xf32, #tpu.memory_space<vmem>>, vector<16xf32>,
    %slice3A_3393 = vector.extract_strided_slice %get3A_7 {offsets = [3], sizes = [1], strides = [1]} : vector<16xf32> to vector<1xf32>
    %squeeze3A_3394 = vector.extract %slice3A_3393[0] : f32 from vector<1xf32>
    %mul3A_3395 = vector.broadcast %squeeze3A_3394 : f32 to vector<16xf32>
    %mul3A_3396 = arith.mulf %get3A_3392, %mul3A_3395 : vector<16xf32>
    %add3A_3397 = arith.addf %add3A_3388, %mul3A_3396 : vector<16xf32>
    %get3A_3398 = arith.constant 20 : i32
    %get3A_3399 = arith.index_cast %get3A_3398 : i32 to index
    %get3A_3400 = arith.constant 176 : index
    %get3A_3401 = tpu.vector_load %arg6[%get3A_3399, %get3A_3400] {strides = array<i32>} : memref<32x208xf32, #tpu.memory_space<vmem>>, vector<16xf32>,
    %slice3A_3402 = vector.extract_strided_slice %get3A_7 {offsets = [4], sizes = [1], strides = [1]} : vector<16xf32> to vector<1xf32>
    %squeeze3A_3403 = vector.extract %slice3A_3402[0] : f32 from vector<1xf32>
    %mul3A_3404 = vector.broadcast %squeeze3A_3403 : f32 to vector<16xf32>
    %mul3A_3405 = arith.mulf %get3A_3401, %mul3A_3404 : vector<16xf32>
    %add3A_3406 = arith.addf %add3A_3397, %mul3A_3405 : vector<16xf32>
    %get3A_3407 = arith.constant 21 : i32
    %get3A_3408 = arith.index_cast %get3A_3407 : i32 to index
    %get3A_3409 = arith.constant 176 : index
    %get3A_3410 = tpu.vector_load %arg6[%get3A_3408, %get3A_3409] {strides = array<i32>} : memref<32x208xf32, #tpu.memory_space<vmem>>, vector<16xf32>,
    %slice3A_3411 = vector.extract_strided_slice %get3A_7 {offsets = [5], sizes = [1], strides = [1]} : vector<16xf32> to vector<1xf32>
    %squeeze3A_3412 = vector.extract %slice3A_3411[0] : f32 from vector<1xf32>
    %mul3A_3413 = vector.broadcast %squeeze3A_3412 : f32 to vector<16xf32>
    %mul3A_3414 = arith.mulf %get3A_3410, %mul3A_3413 : vector<16xf32>
    %add3A_3415 = arith.addf %add3A_3406, %mul3A_3414 : vector<16xf32>
    %get3A_3416 = arith.constant 22 : i32
    %get3A_3417 = arith.index_cast %get3A_3416 : i32 to index
    %get3A_3418 = arith.constant 176 : index
    %get3A_3419 = tpu.vector_load %arg6[%get3A_3417, %get3A_3418] {strides = array<i32>} : memref<32x208xf32, #tpu.memory_space<vmem>>, vector<16xf32>,
    %slice3A_3420 = vector.extract_strided_slice %get3A_7 {offsets = [6], sizes = [1], strides = [1]} : vector<16xf32> to vector<1xf32>
    %squeeze3A_3421 = vector.extract %slice3A_3420[0] : f32 from vector<1xf32>
    %mul3A_3422 = vector.broadcast %squeeze3A_3421 : f32 to vector<16xf32>
    %mul3A_3423 = arith.mulf %get3A_3419, %mul3A_3422 : vector<16xf32>
    %add3A_3424 = arith.addf %add3A_3415, %mul3A_3423 : vector<16xf32>
    %get3A_3425 = arith.constant 23 : i32
    %get3A_3426 = arith.index_cast %get3A_3425 : i32 to index
    %get3A_3427 = arith.constant 176 : index
    %get3A_3428 = tpu.vector_load %arg6[%get3A_3426, %get3A_3427] {strides = array<i32>} : memref<32x208xf32, #tpu.memory_space<vmem>>, vector<16xf32>,
    %slice3A_3429 = vector.extract_strided_slice %get3A_7 {offsets = [7], sizes = [1], strides = [1]} : vector<16xf32> to vector<1xf32>
    %squeeze3A_3430 = vector.extract %slice3A_3429[0] : f32 from vector<1xf32>
    %mul3A_3431 = vector.broadcast %squeeze3A_3430 : f32 to vector<16xf32>
    %mul3A_3432 = arith.mulf %get3A_3428, %mul3A_3431 : vector<16xf32>
    %add3A_3433 = arith.addf %add3A_3424, %mul3A_3432 : vector<16xf32>
    %get3A_3434 = arith.constant 24 : i32
    %get3A_3435 = arith.index_cast %get3A_3434 : i32 to index
    %get3A_3436 = arith.constant 176 : index
    %get3A_3437 = tpu.vector_load %arg6[%get3A_3435, %get3A_3436] {strides = array<i32>} : memref<32x208xf32, #tpu.memory_space<vmem>>, vector<16xf32>,
    %slice3A_3438 = vector.extract_strided_slice %get3A_7 {offsets = [8], sizes = [1], strides = [1]} : vector<16xf32> to vector<1xf32>
    %squeeze3A_3439 = vector.extract %slice3A_3438[0] : f32 from vector<1xf32>
    %mul3A_3440 = vector.broadcast %squeeze3A_3439 : f32 to vector<16xf32>
    %mul3A_3441 = arith.mulf %get3A_3437, %mul3A_3440 : vector<16xf32>
    %add3A_3442 = arith.addf %add3A_3433, %mul3A_3441 : vector<16xf32>
    %get3A_3443 = arith.constant 25 : i32
    %get3A_3444 = arith.index_cast %get3A_3443 : i32 to index
    %get3A_3445 = arith.constant 176 : index
    %get3A_3446 = tpu.vector_load %arg6[%get3A_3444, %get3A_3445] {strides = array<i32>} : memref<32x208xf32, #tpu.memory_space<vmem>>, vector<16xf32>,
    %slice3A_3447 = vector.extract_strided_slice %get3A_7 {offsets = [9], sizes = [1], strides = [1]} : vector<16xf32> to vector<1xf32>
    %squeeze3A_3448 = vector.extract %slice3A_3447[0] : f32 from vector<1xf32>
    %mul3A_3449 = vector.broadcast %squeeze3A_3448 : f32 to vector<16xf32>
    %mul3A_3450 = arith.mulf %get3A_3446, %mul3A_3449 : vector<16xf32>
    %add3A_3451 = arith.addf %add3A_3442, %mul3A_3450 : vector<16xf32>
    %get3A_3452 = arith.constant 26 : i32
    %get3A_3453 = arith.index_cast %get3A_3452 : i32 to index
    %get3A_3454 = arith.constant 176 : index
    %get3A_3455 = tpu.vector_load %arg6[%get3A_3453, %get3A_3454] {strides = array<i32>} : memref<32x208xf32, #tpu.memory_space<vmem>>, vector<16xf32>,
    %slice3A_3456 = vector.extract_strided_slice %get3A_7 {offsets = [10], sizes = [1], strides = [1]} : vector<16xf32> to vector<1xf32>
    %squeeze3A_3457 = vector.extract %slice3A_3456[0] : f32 from vector<1xf32>
    %mul3A_3458 = vector.broadcast %squeeze3A_3457 : f32 to vector<16xf32>
    %mul3A_3459 = arith.mulf %get3A_3455, %mul3A_3458 : vector<16xf32>
    %add3A_3460 = arith.addf %add3A_3451, %mul3A_3459 : vector<16xf32>
    %get3A_3461 = arith.constant 27 : i32
    %get3A_3462 = arith.index_cast %get3A_3461 : i32 to index
    %get3A_3463 = arith.constant 176 : index
    %get3A_3464 = tpu.vector_load %arg6[%get3A_3462, %get3A_3463] {strides = array<i32>} : memref<32x208xf32, #tpu.memory_space<vmem>>, vector<16xf32>,
    %slice3A_3465 = vector.extract_strided_slice %get3A_7 {offsets = [11], sizes = [1], strides = [1]} : vector<16xf32> to vector<1xf32>
    %squeeze3A_3466 = vector.extract %slice3A_3465[0] : f32 from vector<1xf32>
    %mul3A_3467 = vector.broadcast %squeeze3A_3466 : f32 to vector<16xf32>
    %mul3A_3468 = arith.mulf %get3A_3464, %mul3A_3467 : vector<16xf32>
    %add3A_3469 = arith.addf %add3A_3460, %mul3A_3468 : vector<16xf32>
    %get3A_3470 = arith.constant 28 : i32
    %get3A_3471 = arith.index_cast %get3A_3470 : i32 to index
    %get3A_3472 = arith.constant 176 : index
    %get3A_3473 = tpu.vector_load %arg6[%get3A_3471, %get3A_3472] {strides = array<i32>} : memref<32x208xf32, #tpu.memory_space<vmem>>, vector<16xf32>,
    %slice3A_3474 = vector.extract_strided_slice %get3A_7 {offsets = [12], sizes = [1], strides = [1]} : vector<16xf32> to vector<1xf32>
    %squeeze3A_3475 = vector.extract %slice3A_3474[0] : f32 from vector<1xf32>
    %mul3A_3476 = vector.broadcast %squeeze3A_3475 : f32 to vector<16xf32>
    %mul3A_3477 = arith.mulf %get3A_3473, %mul3A_3476 : vector<16xf32>
    %add3A_3478 = arith.addf %add3A_3469, %mul3A_3477 : vector<16xf32>
    %get3A_3479 = arith.constant 29 : i32
    %get3A_3480 = arith.index_cast %get3A_3479 : i32 to index
    %get3A_3481 = arith.constant 176 : index
    %get3A_3482 = tpu.vector_load %arg6[%get3A_3480, %get3A_3481] {strides = array<i32>} : memref<32x208xf32, #tpu.memory_space<vmem>>, vector<16xf32>,
    %slice3A_3483 = vector.extract_strided_slice %get3A_7 {offsets = [13], sizes = [1], strides = [1]} : vector<16xf32> to vector<1xf32>
    %squeeze3A_3484 = vector.extract %slice3A_3483[0] : f32 from vector<1xf32>
    %mul3A_3485 = vector.broadcast %squeeze3A_3484 : f32 to vector<16xf32>
    %mul3A_3486 = arith.mulf %get3A_3482, %mul3A_3485 : vector<16xf32>
    %add3A_3487 = arith.addf %add3A_3478, %mul3A_3486 : vector<16xf32>
    %get3A_3488 = arith.constant 30 : i32
    %get3A_3489 = arith.index_cast %get3A_3488 : i32 to index
    %get3A_3490 = arith.constant 176 : index
    %get3A_3491 = tpu.vector_load %arg6[%get3A_3489, %get3A_3490] {strides = array<i32>} : memref<32x208xf32, #tpu.memory_space<vmem>>, vector<16xf32>,
    %slice3A_3492 = vector.extract_strided_slice %get3A_7 {offsets = [14], sizes = [1], strides = [1]} : vector<16xf32> to vector<1xf32>
    %squeeze3A_3493 = vector.extract %slice3A_3492[0] : f32 from vector<1xf32>
    %mul3A_3494 = vector.broadcast %squeeze3A_3493 : f32 to vector<16xf32>
    %mul3A_3495 = arith.mulf %get3A_3491, %mul3A_3494 : vector<16xf32>
    %add3A_3496 = arith.addf %add3A_3487, %mul3A_3495 : vector<16xf32>
    %get3A_3497 = arith.constant 31 : i32
    %get3A_3498 = arith.index_cast %get3A_3497 : i32 to index
    %get3A_3499 = arith.constant 176 : index
    %get3A_3500 = tpu.vector_load %arg6[%get3A_3498, %get3A_3499] {strides = array<i32>} : memref<32x208xf32, #tpu.memory_space<vmem>>, vector<16xf32>,
    %slice3A_3501 = vector.extract_strided_slice %get3A_7 {offsets = [15], sizes = [1], strides = [1]} : vector<16xf32> to vector<1xf32>
    %squeeze3A_3502 = vector.extract %slice3A_3501[0] : f32 from vector<1xf32>
    %mul3A_3503 = vector.broadcast %squeeze3A_3502 : f32 to vector<16xf32>
    %mul3A_3504 = arith.mulf %get3A_3500, %mul3A_3503 : vector<16xf32>
    %add3A_3505 = arith.addf %add3A_3496, %mul3A_3504 : vector<16xf32>
    %swap3A_3506 = arith.constant 176 : index
    %swap3A_3507 = tpu.vector_load %arg9[%swap3A_3506] {strides = array<i32>} : memref<208xf32, #tpu.memory_space<vmem>>, vector<16xf32>,
    tpu.vector_store %arg9[%swap3A_3506], %add3A_3505 {strides = array<i32>} : memref<208xf32, #tpu.memory_space<vmem>>, vector<16xf32>,
    %broadcast_in_dim3A_3508 = arith.constant 0.000000e+00 : f32
    %broadcast_in_dim3A_3509 = vector.broadcast %broadcast_in_dim3A_3508 : f32 to vector<16xf32>
    %get3A_3510 = arith.constant 0 : i32
    %get3A_3511 = arith.index_cast %get3A_3510 : i32 to index
    %get3A_3512 = arith.constant 192 : index
    %get3A_3513 = tpu.vector_load %arg6[%get3A_3511, %get3A_3512] {strides = array<i32>} : memref<32x208xf32, #tpu.memory_space<vmem>>, vector<16xf32>,
    %slice3A_3514 = vector.extract_strided_slice %get3A_5 {offsets = [0], sizes = [1], strides = [1]} : vector<16xf32> to vector<1xf32>
    %squeeze3A_3515 = vector.extract %slice3A_3514[0] : f32 from vector<1xf32>
    %mul3A_3516 = vector.broadcast %squeeze3A_3515 : f32 to vector<16xf32>
    %mul3A_3517 = arith.mulf %get3A_3513, %mul3A_3516 : vector<16xf32>
    %add3A_3518 = arith.addf %broadcast_in_dim3A_3509, %mul3A_3517 : vector<16xf32>
    %get3A_3519 = arith.constant 1 : i32
    %get3A_3520 = arith.index_cast %get3A_3519 : i32 to index
    %get3A_3521 = arith.constant 192 : index
    %get3A_3522 = tpu.vector_load %arg6[%get3A_3520, %get3A_3521] {strides = array<i32>} : memref<32x208xf32, #tpu.memory_space<vmem>>, vector<16xf32>,
    %slice3A_3523 = vector.extract_strided_slice %get3A_5 {offsets = [1], sizes = [1], strides = [1]} : vector<16xf32> to vector<1xf32>
    %squeeze3A_3524 = vector.extract %slice3A_3523[0] : f32 from vector<1xf32>
    %mul3A_3525 = vector.broadcast %squeeze3A_3524 : f32 to vector<16xf32>
    %mul3A_3526 = arith.mulf %get3A_3522, %mul3A_3525 : vector<16xf32>
    %add3A_3527 = arith.addf %add3A_3518, %mul3A_3526 : vector<16xf32>
    %get3A_3528 = arith.constant 2 : i32
    %get3A_3529 = arith.index_cast %get3A_3528 : i32 to index
    %get3A_3530 = arith.constant 192 : index
    %get3A_3531 = tpu.vector_load %arg6[%get3A_3529, %get3A_3530] {strides = array<i32>} : memref<32x208xf32, #tpu.memory_space<vmem>>, vector<16xf32>,
    %slice3A_3532 = vector.extract_strided_slice %get3A_5 {offsets = [2], sizes = [1], strides = [1]} : vector<16xf32> to vector<1xf32>
    %squeeze3A_3533 = vector.extract %slice3A_3532[0] : f32 from vector<1xf32>
    %mul3A_3534 = vector.broadcast %squeeze3A_3533 : f32 to vector<16xf32>
    %mul3A_3535 = arith.mulf %get3A_3531, %mul3A_3534 : vector<16xf32>
    %add3A_3536 = arith.addf %add3A_3527, %mul3A_3535 : vector<16xf32>
    %get3A_3537 = arith.constant 3 : i32
    %get3A_3538 = arith.index_cast %get3A_3537 : i32 to index
    %get3A_3539 = arith.constant 192 : index
    %get3A_3540 = tpu.vector_load %arg6[%get3A_3538, %get3A_3539] {strides = array<i32>} : memref<32x208xf32, #tpu.memory_space<vmem>>, vector<16xf32>,
    %slice3A_3541 = vector.extract_strided_slice %get3A_5 {offsets = [3], sizes = [1], strides = [1]} : vector<16xf32> to vector<1xf32>
    %squeeze3A_3542 = vector.extract %slice3A_3541[0] : f32 from vector<1xf32>
    %mul3A_3543 = vector.broadcast %squeeze3A_3542 : f32 to vector<16xf32>
    %mul3A_3544 = arith.mulf %get3A_3540, %mul3A_3543 : vector<16xf32>
    %add3A_3545 = arith.addf %add3A_3536, %mul3A_3544 : vector<16xf32>
    %get3A_3546 = arith.constant 4 : i32
    %get3A_3547 = arith.index_cast %get3A_3546 : i32 to index
    %get3A_3548 = arith.constant 192 : index
    %get3A_3549 = tpu.vector_load %arg6[%get3A_3547, %get3A_3548] {strides = array<i32>} : memref<32x208xf32, #tpu.memory_space<vmem>>, vector<16xf32>,
    %slice3A_3550 = vector.extract_strided_slice %get3A_5 {offsets = [4], sizes = [1], strides = [1]} : vector<16xf32> to vector<1xf32>
    %squeeze3A_3551 = vector.extract %slice3A_3550[0] : f32 from vector<1xf32>
    %mul3A_3552 = vector.broadcast %squeeze3A_3551 : f32 to vector<16xf32>
    %mul3A_3553 = arith.mulf %get3A_3549, %mul3A_3552 : vector<16xf32>
    %add3A_3554 = arith.addf %add3A_3545, %mul3A_3553 : vector<16xf32>
    %get3A_3555 = arith.constant 5 : i32
    %get3A_3556 = arith.index_cast %get3A_3555 : i32 to index
    %get3A_3557 = arith.constant 192 : index
    %get3A_3558 = tpu.vector_load %arg6[%get3A_3556, %get3A_3557] {strides = array<i32>} : memref<32x208xf32, #tpu.memory_space<vmem>>, vector<16xf32>,
    %slice3A_3559 = vector.extract_strided_slice %get3A_5 {offsets = [5], sizes = [1], strides = [1]} : vector<16xf32> to vector<1xf32>
    %squeeze3A_3560 = vector.extract %slice3A_3559[0] : f32 from vector<1xf32>
    %mul3A_3561 = vector.broadcast %squeeze3A_3560 : f32 to vector<16xf32>
    %mul3A_3562 = arith.mulf %get3A_3558, %mul3A_3561 : vector<16xf32>
    %add3A_3563 = arith.addf %add3A_3554, %mul3A_3562 : vector<16xf32>
    %get3A_3564 = arith.constant 6 : i32
    %get3A_3565 = arith.index_cast %get3A_3564 : i32 to index
    %get3A_3566 = arith.constant 192 : index
    %get3A_3567 = tpu.vector_load %arg6[%get3A_3565, %get3A_3566] {strides = array<i32>} : memref<32x208xf32, #tpu.memory_space<vmem>>, vector<16xf32>,
    %slice3A_3568 = vector.extract_strided_slice %get3A_5 {offsets = [6], sizes = [1], strides = [1]} : vector<16xf32> to vector<1xf32>
    %squeeze3A_3569 = vector.extract %slice3A_3568[0] : f32 from vector<1xf32>
    %mul3A_3570 = vector.broadcast %squeeze3A_3569 : f32 to vector<16xf32>
    %mul3A_3571 = arith.mulf %get3A_3567, %mul3A_3570 : vector<16xf32>
    %add3A_3572 = arith.addf %add3A_3563, %mul3A_3571 : vector<16xf32>
    %get3A_3573 = arith.constant 7 : i32
    %get3A_3574 = arith.index_cast %get3A_3573 : i32 to index
    %get3A_3575 = arith.constant 192 : index
    %get3A_3576 = tpu.vector_load %arg6[%get3A_3574, %get3A_3575] {strides = array<i32>} : memref<32x208xf32, #tpu.memory_space<vmem>>, vector<16xf32>,
    %slice3A_3577 = vector.extract_strided_slice %get3A_5 {offsets = [7], sizes = [1], strides = [1]} : vector<16xf32> to vector<1xf32>
    %squeeze3A_3578 = vector.extract %slice3A_3577[0] : f32 from vector<1xf32>
    %mul3A_3579 = vector.broadcast %squeeze3A_3578 : f32 to vector<16xf32>
    %mul3A_3580 = arith.mulf %get3A_3576, %mul3A_3579 : vector<16xf32>
    %add3A_3581 = arith.addf %add3A_3572, %mul3A_3580 : vector<16xf32>
    %get3A_3582 = arith.constant 8 : i32
    %get3A_3583 = arith.index_cast %get3A_3582 : i32 to index
    %get3A_3584 = arith.constant 192 : index
    %get3A_3585 = tpu.vector_load %arg6[%get3A_3583, %get3A_3584] {strides = array<i32>} : memref<32x208xf32, #tpu.memory_space<vmem>>, vector<16xf32>,
    %slice3A_3586 = vector.extract_strided_slice %get3A_5 {offsets = [8], sizes = [1], strides = [1]} : vector<16xf32> to vector<1xf32>
    %squeeze3A_3587 = vector.extract %slice3A_3586[0] : f32 from vector<1xf32>
    %mul3A_3588 = vector.broadcast %squeeze3A_3587 : f32 to vector<16xf32>
    %mul3A_3589 = arith.mulf %get3A_3585, %mul3A_3588 : vector<16xf32>
    %add3A_3590 = arith.addf %add3A_3581, %mul3A_3589 : vector<16xf32>
    %get3A_3591 = arith.constant 9 : i32
    %get3A_3592 = arith.index_cast %get3A_3591 : i32 to index
    %get3A_3593 = arith.constant 192 : index
    %get3A_3594 = tpu.vector_load %arg6[%get3A_3592, %get3A_3593] {strides = array<i32>} : memref<32x208xf32, #tpu.memory_space<vmem>>, vector<16xf32>,
    %slice3A_3595 = vector.extract_strided_slice %get3A_5 {offsets = [9], sizes = [1], strides = [1]} : vector<16xf32> to vector<1xf32>
    %squeeze3A_3596 = vector.extract %slice3A_3595[0] : f32 from vector<1xf32>
    %mul3A_3597 = vector.broadcast %squeeze3A_3596 : f32 to vector<16xf32>
    %mul3A_3598 = arith.mulf %get3A_3594, %mul3A_3597 : vector<16xf32>
    %add3A_3599 = arith.addf %add3A_3590, %mul3A_3598 : vector<16xf32>
    %get3A_3600 = arith.constant 10 : i32
    %get3A_3601 = arith.index_cast %get3A_3600 : i32 to index
    %get3A_3602 = arith.constant 192 : index
    %get3A_3603 = tpu.vector_load %arg6[%get3A_3601, %get3A_3602] {strides = array<i32>} : memref<32x208xf32, #tpu.memory_space<vmem>>, vector<16xf32>,
    %slice3A_3604 = vector.extract_strided_slice %get3A_5 {offsets = [10], sizes = [1], strides = [1]} : vector<16xf32> to vector<1xf32>
    %squeeze3A_3605 = vector.extract %slice3A_3604[0] : f32 from vector<1xf32>
    %mul3A_3606 = vector.broadcast %squeeze3A_3605 : f32 to vector<16xf32>
    %mul3A_3607 = arith.mulf %get3A_3603, %mul3A_3606 : vector<16xf32>
    %add3A_3608 = arith.addf %add3A_3599, %mul3A_3607 : vector<16xf32>
    %get3A_3609 = arith.constant 11 : i32
    %get3A_3610 = arith.index_cast %get3A_3609 : i32 to index
    %get3A_3611 = arith.constant 192 : index
    %get3A_3612 = tpu.vector_load %arg6[%get3A_3610, %get3A_3611] {strides = array<i32>} : memref<32x208xf32, #tpu.memory_space<vmem>>, vector<16xf32>,
    %slice3A_3613 = vector.extract_strided_slice %get3A_5 {offsets = [11], sizes = [1], strides = [1]} : vector<16xf32> to vector<1xf32>
    %squeeze3A_3614 = vector.extract %slice3A_3613[0] : f32 from vector<1xf32>
    %mul3A_3615 = vector.broadcast %squeeze3A_3614 : f32 to vector<16xf32>
    %mul3A_3616 = arith.mulf %get3A_3612, %mul3A_3615 : vector<16xf32>
    %add3A_3617 = arith.addf %add3A_3608, %mul3A_3616 : vector<16xf32>
    %get3A_3618 = arith.constant 12 : i32
    %get3A_3619 = arith.index_cast %get3A_3618 : i32 to index
    %get3A_3620 = arith.constant 192 : index
    %get3A_3621 = tpu.vector_load %arg6[%get3A_3619, %get3A_3620] {strides = array<i32>} : memref<32x208xf32, #tpu.memory_space<vmem>>, vector<16xf32>,
    %slice3A_3622 = vector.extract_strided_slice %get3A_5 {offsets = [12], sizes = [1], strides = [1]} : vector<16xf32> to vector<1xf32>
    %squeeze3A_3623 = vector.extract %slice3A_3622[0] : f32 from vector<1xf32>
    %mul3A_3624 = vector.broadcast %squeeze3A_3623 : f32 to vector<16xf32>
    %mul3A_3625 = arith.mulf %get3A_3621, %mul3A_3624 : vector<16xf32>
    %add3A_3626 = arith.addf %add3A_3617, %mul3A_3625 : vector<16xf32>
    %get3A_3627 = arith.constant 13 : i32
    %get3A_3628 = arith.index_cast %get3A_3627 : i32 to index
    %get3A_3629 = arith.constant 192 : index
    %get3A_3630 = tpu.vector_load %arg6[%get3A_3628, %get3A_3629] {strides = array<i32>} : memref<32x208xf32, #tpu.memory_space<vmem>>, vector<16xf32>,
    %slice3A_3631 = vector.extract_strided_slice %get3A_5 {offsets = [13], sizes = [1], strides = [1]} : vector<16xf32> to vector<1xf32>
    %squeeze3A_3632 = vector.extract %slice3A_3631[0] : f32 from vector<1xf32>
    %mul3A_3633 = vector.broadcast %squeeze3A_3632 : f32 to vector<16xf32>
    %mul3A_3634 = arith.mulf %get3A_3630, %mul3A_3633 : vector<16xf32>
    %add3A_3635 = arith.addf %add3A_3626, %mul3A_3634 : vector<16xf32>
    %get3A_3636 = arith.constant 14 : i32
    %get3A_3637 = arith.index_cast %get3A_3636 : i32 to index
    %get3A_3638 = arith.constant 192 : index
    %get3A_3639 = tpu.vector_load %arg6[%get3A_3637, %get3A_3638] {strides = array<i32>} : memref<32x208xf32, #tpu.memory_space<vmem>>, vector<16xf32>,
    %slice3A_3640 = vector.extract_strided_slice %get3A_5 {offsets = [14], sizes = [1], strides = [1]} : vector<16xf32> to vector<1xf32>
    %squeeze3A_3641 = vector.extract %slice3A_3640[0] : f32 from vector<1xf32>
    %mul3A_3642 = vector.broadcast %squeeze3A_3641 : f32 to vector<16xf32>
    %mul3A_3643 = arith.mulf %get3A_3639, %mul3A_3642 : vector<16xf32>
    %add3A_3644 = arith.addf %add3A_3635, %mul3A_3643 : vector<16xf32>
    %get3A_3645 = arith.constant 15 : i32
    %get3A_3646 = arith.index_cast %get3A_3645 : i32 to index
    %get3A_3647 = arith.constant 192 : index
    %get3A_3648 = tpu.vector_load %arg6[%get3A_3646, %get3A_3647] {strides = array<i32>} : memref<32x208xf32, #tpu.memory_space<vmem>>, vector<16xf32>,
    %slice3A_3649 = vector.extract_strided_slice %get3A_5 {offsets = [15], sizes = [1], strides = [1]} : vector<16xf32> to vector<1xf32>
    %squeeze3A_3650 = vector.extract %slice3A_3649[0] : f32 from vector<1xf32>
    %mul3A_3651 = vector.broadcast %squeeze3A_3650 : f32 to vector<16xf32>
    %mul3A_3652 = arith.mulf %get3A_3648, %mul3A_3651 : vector<16xf32>
    %add3A_3653 = arith.addf %add3A_3644, %mul3A_3652 : vector<16xf32>
    %get3A_3654 = arith.constant 16 : i32
    %get3A_3655 = arith.index_cast %get3A_3654 : i32 to index
    %get3A_3656 = arith.constant 192 : index
    %get3A_3657 = tpu.vector_load %arg6[%get3A_3655, %get3A_3656] {strides = array<i32>} : memref<32x208xf32, #tpu.memory_space<vmem>>, vector<16xf32>,
    %slice3A_3658 = vector.extract_strided_slice %get3A_7 {offsets = [0], sizes = [1], strides = [1]} : vector<16xf32> to vector<1xf32>
    %squeeze3A_3659 = vector.extract %slice3A_3658[0] : f32 from vector<1xf32>
    %mul3A_3660 = vector.broadcast %squeeze3A_3659 : f32 to vector<16xf32>
    %mul3A_3661 = arith.mulf %get3A_3657, %mul3A_3660 : vector<16xf32>
    %add3A_3662 = arith.addf %add3A_3653, %mul3A_3661 : vector<16xf32>
    %get3A_3663 = arith.constant 17 : i32
    %get3A_3664 = arith.index_cast %get3A_3663 : i32 to index
    %get3A_3665 = arith.constant 192 : index
    %get3A_3666 = tpu.vector_load %arg6[%get3A_3664, %get3A_3665] {strides = array<i32>} : memref<32x208xf32, #tpu.memory_space<vmem>>, vector<16xf32>,
    %slice3A_3667 = vector.extract_strided_slice %get3A_7 {offsets = [1], sizes = [1], strides = [1]} : vector<16xf32> to vector<1xf32>
    %squeeze3A_3668 = vector.extract %slice3A_3667[0] : f32 from vector<1xf32>
    %mul3A_3669 = vector.broadcast %squeeze3A_3668 : f32 to vector<16xf32>
    %mul3A_3670 = arith.mulf %get3A_3666, %mul3A_3669 : vector<16xf32>
    %add3A_3671 = arith.addf %add3A_3662, %mul3A_3670 : vector<16xf32>
    %get3A_3672 = arith.constant 18 : i32
    %get3A_3673 = arith.index_cast %get3A_3672 : i32 to index
    %get3A_3674 = arith.constant 192 : index
    %get3A_3675 = tpu.vector_load %arg6[%get3A_3673, %get3A_3674] {strides = array<i32>} : memref<32x208xf32, #tpu.memory_space<vmem>>, vector<16xf32>,
    %slice3A_3676 = vector.extract_strided_slice %get3A_7 {offsets = [2], sizes = [1], strides = [1]} : vector<16xf32> to vector<1xf32>
    %squeeze3A_3677 = vector.extract %slice3A_3676[0] : f32 from vector<1xf32>
    %mul3A_3678 = vector.broadcast %squeeze3A_3677 : f32 to vector<16xf32>
    %mul3A_3679 = arith.mulf %get3A_3675, %mul3A_3678 : vector<16xf32>
    %add3A_3680 = arith.addf %add3A_3671, %mul3A_3679 : vector<16xf32>
    %get3A_3681 = arith.constant 19 : i32
    %get3A_3682 = arith.index_cast %get3A_3681 : i32 to index
    %get3A_3683 = arith.constant 192 : index
    %get3A_3684 = tpu.vector_load %arg6[%get3A_3682, %get3A_3683] {strides = array<i32>} : memref<32x208xf32, #tpu.memory_space<vmem>>, vector<16xf32>,
    %slice3A_3685 = vector.extract_strided_slice %get3A_7 {offsets = [3], sizes = [1], strides = [1]} : vector<16xf32> to vector<1xf32>
    %squeeze3A_3686 = vector.extract %slice3A_3685[0] : f32 from vector<1xf32>
    %mul3A_3687 = vector.broadcast %squeeze3A_3686 : f32 to vector<16xf32>
    %mul3A_3688 = arith.mulf %get3A_3684, %mul3A_3687 : vector<16xf32>
    %add3A_3689 = arith.addf %add3A_3680, %mul3A_3688 : vector<16xf32>
    %get3A_3690 = arith.constant 20 : i32
    %get3A_3691 = arith.index_cast %get3A_3690 : i32 to index
    %get3A_3692 = arith.constant 192 : index
    %get3A_3693 = tpu.vector_load %arg6[%get3A_3691, %get3A_3692] {strides = array<i32>} : memref<32x208xf32, #tpu.memory_space<vmem>>, vector<16xf32>,
    %slice3A_3694 = vector.extract_strided_slice %get3A_7 {offsets = [4], sizes = [1], strides = [1]} : vector<16xf32> to vector<1xf32>
    %squeeze3A_3695 = vector.extract %slice3A_3694[0] : f32 from vector<1xf32>
    %mul3A_3696 = vector.broadcast %squeeze3A_3695 : f32 to vector<16xf32>
    %mul3A_3697 = arith.mulf %get3A_3693, %mul3A_3696 : vector<16xf32>
    %add3A_3698 = arith.addf %add3A_3689, %mul3A_3697 : vector<16xf32>
    %get3A_3699 = arith.constant 21 : i32
    %get3A_3700 = arith.index_cast %get3A_3699 : i32 to index
    %get3A_3701 = arith.constant 192 : index
    %get3A_3702 = tpu.vector_load %arg6[%get3A_3700, %get3A_3701] {strides = array<i32>} : memref<32x208xf32, #tpu.memory_space<vmem>>, vector<16xf32>,
    %slice3A_3703 = vector.extract_strided_slice %get3A_7 {offsets = [5], sizes = [1], strides = [1]} : vector<16xf32> to vector<1xf32>
    %squeeze3A_3704 = vector.extract %slice3A_3703[0] : f32 from vector<1xf32>
    %mul3A_3705 = vector.broadcast %squeeze3A_3704 : f32 to vector<16xf32>
    %mul3A_3706 = arith.mulf %get3A_3702, %mul3A_3705 : vector<16xf32>
    %add3A_3707 = arith.addf %add3A_3698, %mul3A_3706 : vector<16xf32>
    %get3A_3708 = arith.constant 22 : i32
    %get3A_3709 = arith.index_cast %get3A_3708 : i32 to index
    %get3A_3710 = arith.constant 192 : index
    %get3A_3711 = tpu.vector_load %arg6[%get3A_3709, %get3A_3710] {strides = array<i32>} : memref<32x208xf32, #tpu.memory_space<vmem>>, vector<16xf32>,
    %slice3A_3712 = vector.extract_strided_slice %get3A_7 {offsets = [6], sizes = [1], strides = [1]} : vector<16xf32> to vector<1xf32>
    %squeeze3A_3713 = vector.extract %slice3A_3712[0] : f32 from vector<1xf32>
    %mul3A_3714 = vector.broadcast %squeeze3A_3713 : f32 to vector<16xf32>
    %mul3A_3715 = arith.mulf %get3A_3711, %mul3A_3714 : vector<16xf32>
    %add3A_3716 = arith.addf %add3A_3707, %mul3A_3715 : vector<16xf32>
    %get3A_3717 = arith.constant 23 : i32
    %get3A_3718 = arith.index_cast %get3A_3717 : i32 to index
    %get3A_3719 = arith.constant 192 : index
    %get3A_3720 = tpu.vector_load %arg6[%get3A_3718, %get3A_3719] {strides = array<i32>} : memref<32x208xf32, #tpu.memory_space<vmem>>, vector<16xf32>,
    %slice3A_3721 = vector.extract_strided_slice %get3A_7 {offsets = [7], sizes = [1], strides = [1]} : vector<16xf32> to vector<1xf32>
    %squeeze3A_3722 = vector.extract %slice3A_3721[0] : f32 from vector<1xf32>
    %mul3A_3723 = vector.broadcast %squeeze3A_3722 : f32 to vector<16xf32>
    %mul3A_3724 = arith.mulf %get3A_3720, %mul3A_3723 : vector<16xf32>
    %add3A_3725 = arith.addf %add3A_3716, %mul3A_3724 : vector<16xf32>
    %get3A_3726 = arith.constant 24 : i32
    %get3A_3727 = arith.index_cast %get3A_3726 : i32 to index
    %get3A_3728 = arith.constant 192 : index
    %get3A_3729 = tpu.vector_load %arg6[%get3A_3727, %get3A_3728] {strides = array<i32>} : memref<32x208xf32, #tpu.memory_space<vmem>>, vector<16xf32>,
    %slice3A_3730 = vector.extract_strided_slice %get3A_7 {offsets = [8], sizes = [1], strides = [1]} : vector<16xf32> to vector<1xf32>
    %squeeze3A_3731 = vector.extract %slice3A_3730[0] : f32 from vector<1xf32>
    %mul3A_3732 = vector.broadcast %squeeze3A_3731 : f32 to vector<16xf32>
    %mul3A_3733 = arith.mulf %get3A_3729, %mul3A_3732 : vector<16xf32>
    %add3A_3734 = arith.addf %add3A_3725, %mul3A_3733 : vector<16xf32>
    %get3A_3735 = arith.constant 25 : i32
    %get3A_3736 = arith.index_cast %get3A_3735 : i32 to index
    %get3A_3737 = arith.constant 192 : index
    %get3A_3738 = tpu.vector_load %arg6[%get3A_3736, %get3A_3737] {strides = array<i32>} : memref<32x208xf32, #tpu.memory_space<vmem>>, vector<16xf32>,
    %slice3A_3739 = vector.extract_strided_slice %get3A_7 {offsets = [9], sizes = [1], strides = [1]} : vector<16xf32> to vector<1xf32>
    %squeeze3A_3740 = vector.extract %slice3A_3739[0] : f32 from vector<1xf32>
    %mul3A_3741 = vector.broadcast %squeeze3A_3740 : f32 to vector<16xf32>
    %mul3A_3742 = arith.mulf %get3A_3738, %mul3A_3741 : vector<16xf32>
    %add3A_3743 = arith.addf %add3A_3734, %mul3A_3742 : vector<16xf32>
    %get3A_3744 = arith.constant 26 : i32
    %get3A_3745 = arith.index_cast %get3A_3744 : i32 to index
    %get3A_3746 = arith.constant 192 : index
    %get3A_3747 = tpu.vector_load %arg6[%get3A_3745, %get3A_3746] {strides = array<i32>} : memref<32x208xf32, #tpu.memory_space<vmem>>, vector<16xf32>,
    %slice3A_3748 = vector.extract_strided_slice %get3A_7 {offsets = [10], sizes = [1], strides = [1]} : vector<16xf32> to vector<1xf32>
    %squeeze3A_3749 = vector.extract %slice3A_3748[0] : f32 from vector<1xf32>
    %mul3A_3750 = vector.broadcast %squeeze3A_3749 : f32 to vector<16xf32>
    %mul3A_3751 = arith.mulf %get3A_3747, %mul3A_3750 : vector<16xf32>
    %add3A_3752 = arith.addf %add3A_3743, %mul3A_3751 : vector<16xf32>
    %get3A_3753 = arith.constant 27 : i32
    %get3A_3754 = arith.index_cast %get3A_3753 : i32 to index
    %get3A_3755 = arith.constant 192 : index
    %get3A_3756 = tpu.vector_load %arg6[%get3A_3754, %get3A_3755] {strides = array<i32>} : memref<32x208xf32, #tpu.memory_space<vmem>>, vector<16xf32>,
    %slice3A_3757 = vector.extract_strided_slice %get3A_7 {offsets = [11], sizes = [1], strides = [1]} : vector<16xf32> to vector<1xf32>
    %squeeze3A_3758 = vector.extract %slice3A_3757[0] : f32 from vector<1xf32>
    %mul3A_3759 = vector.broadcast %squeeze3A_3758 : f32 to vector<16xf32>
    %mul3A_3760 = arith.mulf %get3A_3756, %mul3A_3759 : vector<16xf32>
    %add3A_3761 = arith.addf %add3A_3752, %mul3A_3760 : vector<16xf32>
    %get3A_3762 = arith.constant 28 : i32
    %get3A_3763 = arith.index_cast %get3A_3762 : i32 to index
    %get3A_3764 = arith.constant 192 : index
    %get3A_3765 = tpu.vector_load %arg6[%get3A_3763, %get3A_3764] {strides = array<i32>} : memref<32x208xf32, #tpu.memory_space<vmem>>, vector<16xf32>,
    %slice3A_3766 = vector.extract_strided_slice %get3A_7 {offsets = [12], sizes = [1], strides = [1]} : vector<16xf32> to vector<1xf32>
    %squeeze3A_3767 = vector.extract %slice3A_3766[0] : f32 from vector<1xf32>
    %mul3A_3768 = vector.broadcast %squeeze3A_3767 : f32 to vector<16xf32>
    %mul3A_3769 = arith.mulf %get3A_3765, %mul3A_3768 : vector<16xf32>
    %add3A_3770 = arith.addf %add3A_3761, %mul3A_3769 : vector<16xf32>
    %get3A_3771 = arith.constant 29 : i32
    %get3A_3772 = arith.index_cast %get3A_3771 : i32 to index
    %get3A_3773 = arith.constant 192 : index
    %get3A_3774 = tpu.vector_load %arg6[%get3A_3772, %get3A_3773] {strides = array<i32>} : memref<32x208xf32, #tpu.memory_space<vmem>>, vector<16xf32>,
    %slice3A_3775 = vector.extract_strided_slice %get3A_7 {offsets = [13], sizes = [1], strides = [1]} : vector<16xf32> to vector<1xf32>
    %squeeze3A_3776 = vector.extract %slice3A_3775[0] : f32 from vector<1xf32>
    %mul3A_3777 = vector.broadcast %squeeze3A_3776 : f32 to vector<16xf32>
    %mul3A_3778 = arith.mulf %get3A_3774, %mul3A_3777 : vector<16xf32>
    %add3A_3779 = arith.addf %add3A_3770, %mul3A_3778 : vector<16xf32>
    %get3A_3780 = arith.constant 30 : i32
    %get3A_3781 = arith.index_cast %get3A_3780 : i32 to index
    %get3A_3782 = arith.constant 192 : index
    %get3A_3783 = tpu.vector_load %arg6[%get3A_3781, %get3A_3782] {strides = array<i32>} : memref<32x208xf32, #tpu.memory_space<vmem>>, vector<16xf32>,
    %slice3A_3784 = vector.extract_strided_slice %get3A_7 {offsets = [14], sizes = [1], strides = [1]} : vector<16xf32> to vector<1xf32>
    %squeeze3A_3785 = vector.extract %slice3A_3784[0] : f32 from vector<1xf32>
    %mul3A_3786 = vector.broadcast %squeeze3A_3785 : f32 to vector<16xf32>
    %mul3A_3787 = arith.mulf %get3A_3783, %mul3A_3786 : vector<16xf32>
    %add3A_3788 = arith.addf %add3A_3779, %mul3A_3787 : vector<16xf32>
    %get3A_3789 = arith.constant 31 : i32
    %get3A_3790 = arith.index_cast %get3A_3789 : i32 to index
    %get3A_3791 = arith.constant 192 : index
    %get3A_3792 = tpu.vector_load %arg6[%get3A_3790, %get3A_3791] {strides = array<i32>} : memref<32x208xf32, #tpu.memory_space<vmem>>, vector<16xf32>,
    %slice3A_3793 = vector.extract_strided_slice %get3A_7 {offsets = [15], sizes = [1], strides = [1]} : vector<16xf32> to vector<1xf32>
    %squeeze3A_3794 = vector.extract %slice3A_3793[0] : f32 from vector<1xf32>
    %mul3A_3795 = vector.broadcast %squeeze3A_3794 : f32 to vector<16xf32>
    %mul3A_3796 = arith.mulf %get3A_3792, %mul3A_3795 : vector<16xf32>
    %add3A_3797 = arith.addf %add3A_3788, %mul3A_3796 : vector<16xf32>
    %swap3A_3798 = arith.constant 192 : index
    %swap3A_3799 = tpu.vector_load %arg9[%swap3A_3798] {strides = array<i32>} : memref<208xf32, #tpu.memory_space<vmem>>, vector<16xf32>,
    tpu.vector_store %arg9[%swap3A_3798], %add3A_3797 {strides = array<i32>} : memref<208xf32, #tpu.memory_space<vmem>>, vector<16xf32>,
    %get3A_3800 = arith.constant 0 : index
    %get3A_3801 = tpu.vector_load %arg8[%get3A_3800] {strides = array<i32>} : memref<64xi32, #tpu.memory_space<vmem>>, vector<16xi32>,
    %gather3A = tpu.vector_load_idx %arg9[%get3A_3801] : memref<208xf32, #tpu.memory_space<vmem>>[vector<16xi32>], vector<16xf32>,
    %swap3A_3802 = arith.constant 0 : index
    %swap3A_3803 = tpu.vector_load %arg10[%swap3A_3802] {strides = array<i32>} : memref<64xf32, #tpu.memory_space<vmem>>, vector<16xf32>,
    tpu.vector_store %arg10[%swap3A_3802], %gather3A {strides = array<i32>} : memref<64xf32, #tpu.memory_space<vmem>>, vector<16xf32>,
    %get3A_3804 = arith.constant 16 : index
    %get3A_3805 = tpu.vector_load %arg8[%get3A_3804] {strides = array<i32>} : memref<64xi32, #tpu.memory_space<vmem>>, vector<16xi32>,
    %gather3A_3806 = tpu.vector_load_idx %arg9[%get3A_3805] : memref<208xf32, #tpu.memory_space<vmem>>[vector<16xi32>], vector<16xf32>,
    %swap3A_3807 = arith.constant 16 : index
    %swap3A_3808 = tpu.vector_load %arg10[%swap3A_3807] {strides = array<i32>} : memref<64xf32, #tpu.memory_space<vmem>>, vector<16xf32>,
    tpu.vector_store %arg10[%swap3A_3807], %gather3A_3806 {strides = array<i32>} : memref<64xf32, #tpu.memory_space<vmem>>, vector<16xf32>,
    %get3A_3809 = arith.constant 32 : index
    %get3A_3810 = tpu.vector_load %arg8[%get3A_3809] {strides = array<i32>} : memref<64xi32, #tpu.memory_space<vmem>>, vector<16xi32>,
    %gather3A_3811 = tpu.vector_load_idx %arg9[%get3A_3810] : memref<208xf32, #tpu.memory_space<vmem>>[vector<16xi32>], vector<16xf32>,
    %swap3A_3812 = arith.constant 32 : index
    %swap3A_3813 = tpu.vector_load %arg10[%swap3A_3812] {strides = array<i32>} : memref<64xf32, #tpu.memory_space<vmem>>, vector<16xf32>,
    tpu.vector_store %arg10[%swap3A_3812], %gather3A_3811 {strides = array<i32>} : memref<64xf32, #tpu.memory_space<vmem>>, vector<16xf32>,
    %get3A_3814 = arith.constant 48 : index
    %get3A_3815 = tpu.vector_load %arg8[%get3A_3814] {strides = array<i32>} : memref<64xi32, #tpu.memory_space<vmem>>, vector<16xi32>,
    %gather3A_3816 = tpu.vector_load_idx %arg9[%get3A_3815] : memref<208xf32, #tpu.memory_space<vmem>>[vector<16xi32>], vector<16xf32>,
    %swap3A_3817 = arith.constant 48 : index
    %swap3A_3818 = tpu.vector_load %arg10[%swap3A_3817] {strides = array<i32>} : memref<64xf32, #tpu.memory_space<vmem>>, vector<16xf32>,
    tpu.vector_store %arg10[%swap3A_3817], %gather3A_3816 {strides = array<i32>} : memref<64xf32, #tpu.memory_space<vmem>>, vector<16xf32>,
    %mul3A_3819 = arith.constant 64 : i32
    %mul3A_3820 = arith.muli %add3A, %mul3A_3819 : i32
    %dma_start3A_3821 = tpu.memref_slice %arg5[%mul3A_3820] : memref<2048xf32, #tpu.memory_space<hbm>> -> memref<64xf32, #tpu.memory_space<hbm>>
    %dma_start3A_3822 = tpu.memref_slice %arg5[%mul3A_3820] : memref<2048xf32, #tpu.memory_space<hbm>> -> memref<64xf32, #tpu.memory_space<hbm>>
    tpu.enqueue_dma source(%arg10 : memref<64xf32, #tpu.memory_space<vmem>>) target(%dma_start3A_3822 : memref<64xf32, #tpu.memory_space<hbm>>) target_semaphore(%arg11 : memref<!tpu.dma_semaphore, #tpu.memory_space<semaphore_mem>>)
    %dma_wait3A_3823 = tpu.memref_slice %arg5[%mul3A_3820] : memref<2048xf32, #tpu.memory_space<hbm>> -> memref<64xf32, #tpu.memory_space<hbm>>
    %dma_wait3A_3824 = tpu.memref_slice %arg5[%mul3A_3820] : memref<2048xf32, #tpu.memory_space<hbm>> -> memref<64xf32, #tpu.memory_space<hbm>>
    tpu.wait_dma2 semaphore(%arg11 : memref<!tpu.dma_semaphore, #tpu.memory_space<semaphore_mem>>) src(%arg10 : memref<64xf32, #tpu.memory_space<vmem>>) dst(%dma_wait3A_3824 : memref<64xf32, #tpu.memory_space<hbm>>)
    return
  }
}

module attributes {stable_mosaic.version = 14 : i64} {
  func.func @_body(%arg0: i32, %arg1: memref<5000x96xf32, #tpu.memory_space<vmem>>, %arg2: memref<5000x9xf32, #tpu.memory_space<vmem>>, %arg3: memref<200x32xf32, #tpu.memory_space<vmem>>, %arg4: memref<96x32xbf16, #tpu.memory_space<vmem>>, %arg5: memref<96x20xbf16, #tpu.memory_space<vmem>>, %arg6: memref<9x20xbf16, #tpu.memory_space<vmem>>, %arg7: memref<32x32xf32, #tpu.memory_space<vmem>>, %arg8: memref<1x32xf32, #tpu.memory_space<vmem>>, %arg9: memref<32x20xbf16, #tpu.memory_space<vmem>>, %arg10: memref<1x20xf32, #tpu.memory_space<vmem>>, %arg11: memref<1x20xf32, #tpu.memory_space<vmem>>, %arg12: memref<1x20xf32, #tpu.memory_space<vmem>>, %arg13: memref<100x5000xbf16, #tpu.memory_space<vmem>>, %arg14: memref<1x1xf32, #tpu.memory_space<vmem>>, %arg15: memref<1x100x1xf32, #tpu.memory_space<vmem>>) attributes {dimension_semantics = [#tpu.dimension_semantics<parallel>], iteration_bounds = array<i64: 20>, scalar_prefetch = 0 : i64, scratch_operands = 0 : i64, tpu.core_type = #tpu.core_type<tc>, window_params = [{transform_indices = @transform_0, window_bounds = array<i64: 5000, 96>}, {transform_indices = @transform_1, window_bounds = array<i64: 5000, 9>}, {pipeline_mode = #tpu.pipeline_mode<synchronous>, transform_indices = @transform_2, window_bounds = array<i64: 200, 32>}, {pipeline_mode = #tpu.pipeline_mode<synchronous>, transform_indices = @transform_3, window_bounds = array<i64: 96, 32>}, {pipeline_mode = #tpu.pipeline_mode<synchronous>, transform_indices = @transform_4, window_bounds = array<i64: 96, 20>}, {pipeline_mode = #tpu.pipeline_mode<synchronous>, transform_indices = @transform_5, window_bounds = array<i64: 9, 20>}, {pipeline_mode = #tpu.pipeline_mode<synchronous>, transform_indices = @transform_6, window_bounds = array<i64: 32, 32>}, {pipeline_mode = #tpu.pipeline_mode<synchronous>, transform_indices = @transform_7, window_bounds = array<i64: 1, 32>}, {pipeline_mode = #tpu.pipeline_mode<synchronous>, transform_indices = @transform_8, window_bounds = array<i64: 32, 20>}, {pipeline_mode = #tpu.pipeline_mode<synchronous>, transform_indices = @transform_9, window_bounds = array<i64: 1, 20>}, {pipeline_mode = #tpu.pipeline_mode<synchronous>, transform_indices = @transform_10, window_bounds = array<i64: 1, 20>}, {pipeline_mode = #tpu.pipeline_mode<synchronous>, transform_indices = @transform_11, window_bounds = array<i64: 1, 20>}, {pipeline_mode = #tpu.pipeline_mode<synchronous>, transform_indices = @transform_12, window_bounds = array<i64: 100, 5000>}, {pipeline_mode = #tpu.pipeline_mode<synchronous>, transform_indices = @transform_13, window_bounds = array<i64: 1, 1>}, {transform_indices = @transform_14, window_bounds = array<i64: 1, 100, 1>}]} {
    %get3A = arith.constant 0 : index
    %get3A_0 = arith.constant 0 : index
    %get3A_1 = vector.load %arg1[%get3A, %get3A_0] : memref<5000x96xf32, #tpu.memory_space<vmem>>, vector<5000x96xf32>
    %get3A_2 = arith.constant 0 : index
    %get3A_3 = arith.constant 0 : index
    %get3A_4 = vector.load %arg2[%get3A_2, %get3A_3] : memref<5000x9xf32, #tpu.memory_space<vmem>>, vector<5000x9xf32>
    %slice3A = vector.extract_strided_slice %get3A_4 {offsets = [0, 6], sizes = [5000, 1], strides = [1, 1]} : vector<5000x9xf32> to vector<5000x1xf32>
    %get3A_5 = arith.constant 0 : index
    %get3A_6 = arith.constant 0 : index
    %get3A_7 = vector.load %arg3[%get3A_5, %get3A_6] : memref<200x32xf32, #tpu.memory_space<vmem>>, vector<200x32xf32>
    %convert_element_type3A = arith.truncf %get3A_1 : vector<5000x96xf32> to vector<5000x96xbf16>
    %get3A_8 = arith.constant 0 : index
    %get3A_9 = arith.constant 0 : index
    %get3A_10 = vector.load %arg4[%get3A_8, %get3A_9] : memref<96x32xbf16, #tpu.memory_space<vmem>>, vector<96x32xbf16>
    %dot_general3A = arith.constant dense<0.000000e+00> : vector<5000x32xf32>
    %dot_general3A_11 = tpu.matmul %convert_element_type3A, %get3A_10, %dot_general3A {dimension_numbers = #tpu.dot_dimension_numbers<[1], [0], [0], [1], [0, 0, 1, 1], [], []>, transpose_lhs_hint = false} : vector<5000x96xbf16>, vector<96x32xbf16>, vector<5000x32xf32> -> vector<5000x32xf32>
    %get3A_12 = arith.constant 0 : index
    %get3A_13 = arith.constant 0 : index
    %get3A_14 = vector.load %arg5[%get3A_12, %get3A_13] : memref<96x20xbf16, #tpu.memory_space<vmem>>, vector<96x20xbf16>
    %dot_general3A_15 = arith.constant dense<0.000000e+00> : vector<5000x20xf32>
    %dot_general3A_16 = tpu.matmul %convert_element_type3A, %get3A_14, %dot_general3A_15 {dimension_numbers = #tpu.dot_dimension_numbers<[1], [0], [0], [1], [0, 0, 1, 1], [], []>, transpose_lhs_hint = false} : vector<5000x96xbf16>, vector<96x20xbf16>, vector<5000x20xf32> -> vector<5000x20xf32>
    %convert_element_type3A_17 = arith.fptosi %slice3A : vector<5000x1xf32> to vector<5000x1xi32>
    %iota3A = tpu.iota {dimensions = array<i32: 1>} : vector<5000x200xi32>
    %eq3A = vector.broadcast %convert_element_type3A_17 : vector<5000x1xi32> to vector<5000x200xi32>
    %eq3A_18 = arith.cmpi eq, %eq3A, %iota3A : vector<5000x200xi32>
    %convert_element_type3A_19 = arith.extui %eq3A_18 : vector<5000x200xi1> to vector<5000x200xi32>
    %convert_element_type3A_20 = arith.sitofp %convert_element_type3A_19 : vector<5000x200xi32> to vector<5000x200xf32>
    %convert_element_type3A_21 = arith.truncf %convert_element_type3A_20 : vector<5000x200xf32> to vector<5000x200xbf16>
    %get3A_22 = arith.constant 0 : index
    %get3A_23 = arith.constant 0 : index
    %get3A_24 = vector.load %arg7[%get3A_22, %get3A_23] : memref<32x32xf32, #tpu.memory_space<vmem>>, vector<32x32xf32>
    %dot_general3A_25 = arith.constant dense<0.000000e+00> : vector<200x32xf32>
    %dot_general3A_26 = tpu.matmul %get3A_7, %get3A_24, %dot_general3A_25 {dimension_numbers = #tpu.dot_dimension_numbers<[1], [0], [0], [1], [0, 0, 1, 1], [], []>, precision = #tpu.contract_precision<fp32>, transpose_lhs_hint = false} : vector<200x32xf32>, vector<32x32xf32>, vector<200x32xf32> -> vector<200x32xf32>
    %convert_element_type3A_27 = arith.truncf %dot_general3A_26 : vector<200x32xf32> to vector<200x32xbf16>
    %dot_general3A_28 = arith.constant dense<0.000000e+00> : vector<5000x32xf32>
    %dot_general3A_29 = tpu.matmul %convert_element_type3A_21, %convert_element_type3A_27, %dot_general3A_28 {dimension_numbers = #tpu.dot_dimension_numbers<[1], [0], [0], [1], [0, 0, 1, 1], [], []>, transpose_lhs_hint = false} : vector<5000x200xbf16>, vector<200x32xbf16>, vector<5000x32xf32> -> vector<5000x32xf32>
    %add3A = arith.addf %dot_general3A_11, %dot_general3A_29 : vector<5000x32xf32>
    %get3A_30 = arith.constant 0 : index
    %get3A_31 = arith.constant 0 : index
    %get3A_32 = vector.load %arg8[%get3A_30, %get3A_31] : memref<1x32xf32, #tpu.memory_space<vmem>>, vector<1x32xf32>
    %add3A_33 = vector.broadcast %get3A_32 : vector<1x32xf32> to vector<5000x32xf32>
    %add3A_34 = arith.addf %add3A, %add3A_33 : vector<5000x32xf32>
    %max3A = arith.constant 0.000000e+00 : f32
    %max3A_35 = vector.broadcast %max3A : f32 to vector<5000x32xf32>
    %max3A_36 = arith.maximumf %add3A_34, %max3A_35 : vector<5000x32xf32>
    %convert_element_type3A_37 = arith.truncf %max3A_36 : vector<5000x32xf32> to vector<5000x32xbf16>
    %get3A_38 = arith.constant 0 : index
    %get3A_39 = arith.constant 0 : index
    %get3A_40 = vector.load %arg9[%get3A_38, %get3A_39] : memref<32x20xbf16, #tpu.memory_space<vmem>>, vector<32x20xbf16>
    %dot_general3A_41 = arith.constant dense<0.000000e+00> : vector<5000x20xf32>
    %dot_general3A_42 = tpu.matmul %convert_element_type3A_37, %get3A_40, %dot_general3A_41 {dimension_numbers = #tpu.dot_dimension_numbers<[1], [0], [0], [1], [0, 0, 1, 1], [], []>, transpose_lhs_hint = false} : vector<5000x32xbf16>, vector<32x20xbf16>, vector<5000x20xf32> -> vector<5000x20xf32>
    %get3A_43 = arith.constant 0 : index
    %get3A_44 = arith.constant 0 : index
    %get3A_45 = vector.load %arg10[%get3A_43, %get3A_44] : memref<1x20xf32, #tpu.memory_space<vmem>>, vector<1x20xf32>
    %add3A_46 = vector.broadcast %get3A_45 : vector<1x20xf32> to vector<5000x20xf32>
    %add3A_47 = arith.addf %dot_general3A_42, %add3A_46 : vector<5000x20xf32>
    %logistic3A = arith.negf %add3A_47 : vector<5000x20xf32>
    %logistic3A_48 = math.exp %logistic3A : vector<5000x20xf32>
    %logistic3A_49 = arith.constant 1.000000e+00 : f32
    %logistic3A_50 = vector.broadcast %logistic3A_49 : f32 to vector<5000x20xf32>
    %logistic3A_51 = arith.addf %logistic3A_50, %logistic3A_48 : vector<5000x20xf32>
    %logistic3A_52 = arith.divf %logistic3A_50, %logistic3A_51 : vector<5000x20xf32>
    %convert_element_type3A_53 = arith.truncf %get3A_4 : vector<5000x9xf32> to vector<5000x9xbf16>
    %get3A_54 = arith.constant 0 : index
    %get3A_55 = arith.constant 0 : index
    %get3A_56 = vector.load %arg6[%get3A_54, %get3A_55] : memref<9x20xbf16, #tpu.memory_space<vmem>>, vector<9x20xbf16>
    %dot_general3A_57 = arith.constant dense<0.000000e+00> : vector<5000x20xf32>
    %dot_general3A_58 = tpu.matmul %convert_element_type3A_53, %get3A_56, %dot_general3A_57 {dimension_numbers = #tpu.dot_dimension_numbers<[1], [0], [0], [1], [0, 0, 1, 1], [], []>, transpose_lhs_hint = false} : vector<5000x9xbf16>, vector<9x20xbf16>, vector<5000x20xf32> -> vector<5000x20xf32>
    %get3A_59 = arith.constant 0 : index
    %get3A_60 = arith.constant 0 : index
    %get3A_61 = vector.load %arg12[%get3A_59, %get3A_60] : memref<1x20xf32, #tpu.memory_space<vmem>>, vector<1x20xf32>
    %gt3A = arith.constant 5.000000e-01 : f32
    %gt3A_62 = vector.broadcast %gt3A : f32 to vector<1x20xf32>
    %gt3A_63 = arith.cmpf ogt, %get3A_61, %gt3A_62 : vector<1x20xf32>
    %broadcast_in_dim3A = vector.shape_cast %gt3A_63 : vector<1x20xi1> to vector<1x20xi1>
    %broadcast_in_dim3A_64 = vector.broadcast %broadcast_in_dim3A : vector<1x20xi1> to vector<5000x20xi1>
    %select_n3A = arith.select %broadcast_in_dim3A_64, %dot_general3A_58, %logistic3A_52 : vector<5000x20xi1>, vector<5000x20xf32>
    %get3A_65 = arith.constant 0 : index
    %get3A_66 = arith.constant 0 : index
    %get3A_67 = vector.load %arg11[%get3A_65, %get3A_66] : memref<1x20xf32, #tpu.memory_space<vmem>>, vector<1x20xf32>
    %add3A_68 = vector.broadcast %get3A_67 : vector<1x20xf32> to vector<5000x20xf32>
    %add3A_69 = arith.addf %dot_general3A_16, %add3A_68 : vector<5000x20xf32>
    %mul3A = arith.mulf %select_n3A, %add3A_69 : vector<5000x20xf32>
    %convert_element_type3A_70 = arith.truncf %mul3A : vector<5000x20xf32> to vector<5000x20xbf16>
    %get3A_71 = arith.constant 0 : index
    %get3A_72 = arith.constant 0 : index
    %get3A_73 = vector.load %arg13[%get3A_71, %get3A_72] : memref<100x5000xbf16, #tpu.memory_space<vmem>>, vector<100x5000xbf16>
    %dot_general3A_74 = arith.constant dense<0.000000e+00> : vector<100x20xf32>
    %dot_general3A_75 = tpu.matmul %get3A_73, %convert_element_type3A_70, %dot_general3A_74 {dimension_numbers = #tpu.dot_dimension_numbers<[1], [0], [0], [1], [0, 0, 1, 1], [], []>, transpose_lhs_hint = false} : vector<100x5000xbf16>, vector<5000x20xbf16>, vector<100x20xf32> -> vector<100x20xf32>
    %slice3A_76 = vector.extract_strided_slice %dot_general3A_75 {offsets = [0, 0], sizes = [100, 3], strides = [1, 1]} : vector<100x20xf32> to vector<100x3xf32>
    %slice3A_77 = vector.extract_strided_slice %dot_general3A_75 {offsets = [0, 3], sizes = [100, 3], strides = [1, 1]} : vector<100x20xf32> to vector<100x3xf32>
    %div3A = arith.divf %slice3A_76, %slice3A_77 : vector<100x3xf32>
    %reduce_sum3A = arith.constant dense<0.000000e+00> : vector<100xf32>
    %reduce_sum3A_78 = vector.multi_reduction <add>, %div3A, %reduce_sum3A [1] : vector<100x3xf32> to vector<100xf32>
    %broadcast_in_dim3A_79 = vector.shape_cast %reduce_sum3A_78 : vector<100xf32> to vector<100x1xf32>
    %slice3A_80 = vector.extract_strided_slice %dot_general3A_75 {offsets = [0, 6], sizes = [100, 3], strides = [1, 1]} : vector<100x20xf32> to vector<100x3xf32>
    %slice3A_81 = vector.extract_strided_slice %dot_general3A_75 {offsets = [0, 9], sizes = [100, 3], strides = [1, 1]} : vector<100x20xf32> to vector<100x3xf32>
    %div3A_82 = arith.divf %slice3A_80, %slice3A_81 : vector<100x3xf32>
    %reduce_sum3A_83 = arith.constant dense<0.000000e+00> : vector<100xf32>
    %reduce_sum3A_84 = vector.multi_reduction <add>, %div3A_82, %reduce_sum3A_83 [1] : vector<100x3xf32> to vector<100xf32>
    %broadcast_in_dim3A_85 = vector.shape_cast %reduce_sum3A_84 : vector<100xf32> to vector<100x1xf32>
    %slice3A_86 = vector.extract_strided_slice %dot_general3A_75 {offsets = [0, 12], sizes = [100, 3], strides = [1, 1]} : vector<100x20xf32> to vector<100x3xf32>
    %slice3A_87 = vector.extract_strided_slice %dot_general3A_75 {offsets = [0, 15], sizes = [100, 3], strides = [1, 1]} : vector<100x20xf32> to vector<100x3xf32>
    %div3A_88 = arith.divf %slice3A_86, %slice3A_87 : vector<100x3xf32>
    %reduce_sum3A_89 = arith.constant dense<0.000000e+00> : vector<100xf32>
    %reduce_sum3A_90 = vector.multi_reduction <add>, %div3A_88, %reduce_sum3A_89 [1] : vector<100x3xf32> to vector<100xf32>
    %broadcast_in_dim3A_91 = vector.shape_cast %reduce_sum3A_90 : vector<100xf32> to vector<100x1xf32>
    %slice3A_92 = vector.extract_strided_slice %dot_general3A_75 {offsets = [0, 18], sizes = [100, 1], strides = [1, 1]} : vector<100x20xf32> to vector<100x1xf32>
    %slice3A_93 = vector.extract_strided_slice %dot_general3A_75 {offsets = [0, 19], sizes = [100, 1], strides = [1, 1]} : vector<100x20xf32> to vector<100x1xf32>
    %add3A_94 = arith.addf %slice3A_92, %slice3A_93 : vector<100x1xf32>
    %add3A_95 = arith.addf %broadcast_in_dim3A_79, %broadcast_in_dim3A_85 : vector<100x1xf32>
    %add3A_96 = arith.addf %add3A_95, %broadcast_in_dim3A_91 : vector<100x1xf32>
    %add3A_97 = arith.addf %add3A_96, %add3A_94 : vector<100x1xf32>
    %get3A_98 = arith.constant 0 : index
    %get3A_99 = arith.constant 0 : index
    %get3A_100 = vector.load %arg14[%get3A_98, %get3A_99] : memref<1x1xf32, #tpu.memory_space<vmem>>, vector<1x1xf32>
    %add3A_101 = vector.broadcast %get3A_100 : vector<1x1xf32> to vector<100x1xf32>
    %add3A_102 = arith.addf %add3A_97, %add3A_101 : vector<100x1xf32>
    %swap3A = arith.constant 0 : index
    %swap3A_103 = arith.constant 0 : index
    %swap3A_104 = arith.constant 0 : index
    %swap3A_105 = vector.load %arg15[%swap3A, %swap3A_103, %swap3A_104] : memref<1x100x1xf32, #tpu.memory_space<vmem>>, vector<1x100x1xf32>
    %swap3A_106 = vector.shape_cast %swap3A_105 : vector<1x100x1xf32> to vector<100x1xf32>
    %swap3A_107 = vector.shape_cast %add3A_102 : vector<100x1xf32> to vector<1x100x1xf32>
    tpu.vector_store %arg15[%swap3A, %swap3A_103, %swap3A_104], %swap3A_107 {strides = array<i32>} : memref<1x100x1xf32, #tpu.memory_space<vmem>>, vector<1x100x1xf32>,
    return
  }
  func.func @transform_0(%arg0: i32) -> (i32, i32) {
    %c0_i32 = arith.constant 0 : i32
    %c0_i32_0 = arith.constant 0 : i32
    return %arg0, %c0_i32 : i32, i32
  }
  func.func @transform_1(%arg0: i32) -> (i32, i32) {
    %c0_i32 = arith.constant 0 : i32
    %c0_i32_0 = arith.constant 0 : i32
    return %arg0, %c0_i32 : i32, i32
  }
  func.func @transform_2(%arg0: i32) -> (i32, i32) {
    %c0_i32 = arith.constant 0 : i32
    %c0_i32_0 = arith.constant 0 : i32
    %c0_i32_1 = arith.constant 0 : i32
    return %c0_i32, %c0_i32_0 : i32, i32
  }
  func.func @transform_3(%arg0: i32) -> (i32, i32) {
    %c0_i32 = arith.constant 0 : i32
    %c0_i32_0 = arith.constant 0 : i32
    %c0_i32_1 = arith.constant 0 : i32
    return %c0_i32, %c0_i32_0 : i32, i32
  }
  func.func @transform_4(%arg0: i32) -> (i32, i32) {
    %c0_i32 = arith.constant 0 : i32
    %c0_i32_0 = arith.constant 0 : i32
    %c0_i32_1 = arith.constant 0 : i32
    return %c0_i32, %c0_i32_0 : i32, i32
  }
  func.func @transform_5(%arg0: i32) -> (i32, i32) {
    %c0_i32 = arith.constant 0 : i32
    %c0_i32_0 = arith.constant 0 : i32
    %c0_i32_1 = arith.constant 0 : i32
    return %c0_i32, %c0_i32_0 : i32, i32
  }
  func.func @transform_6(%arg0: i32) -> (i32, i32) {
    %c0_i32 = arith.constant 0 : i32
    %c0_i32_0 = arith.constant 0 : i32
    %c0_i32_1 = arith.constant 0 : i32
    return %c0_i32, %c0_i32_0 : i32, i32
  }
  func.func @transform_7(%arg0: i32) -> (i32, i32) {
    %c0_i32 = arith.constant 0 : i32
    %c0_i32_0 = arith.constant 0 : i32
    %c0_i32_1 = arith.constant 0 : i32
    return %c0_i32, %c0_i32_0 : i32, i32
  }
  func.func @transform_8(%arg0: i32) -> (i32, i32) {
    %c0_i32 = arith.constant 0 : i32
    %c0_i32_0 = arith.constant 0 : i32
    %c0_i32_1 = arith.constant 0 : i32
    return %c0_i32, %c0_i32_0 : i32, i32
  }
  func.func @transform_9(%arg0: i32) -> (i32, i32) {
    %c0_i32 = arith.constant 0 : i32
    %c0_i32_0 = arith.constant 0 : i32
    %c0_i32_1 = arith.constant 0 : i32
    return %c0_i32, %c0_i32_0 : i32, i32
  }
  func.func @transform_10(%arg0: i32) -> (i32, i32) {
    %c0_i32 = arith.constant 0 : i32
    %c0_i32_0 = arith.constant 0 : i32
    %c0_i32_1 = arith.constant 0 : i32
    return %c0_i32, %c0_i32_0 : i32, i32
  }
  func.func @transform_11(%arg0: i32) -> (i32, i32) {
    %c0_i32 = arith.constant 0 : i32
    %c0_i32_0 = arith.constant 0 : i32
    %c0_i32_1 = arith.constant 0 : i32
    return %c0_i32, %c0_i32_0 : i32, i32
  }
  func.func @transform_12(%arg0: i32) -> (i32, i32) {
    %c0_i32 = arith.constant 0 : i32
    %c0_i32_0 = arith.constant 0 : i32
    %c0_i32_1 = arith.constant 0 : i32
    return %c0_i32, %c0_i32_0 : i32, i32
  }
  func.func @transform_13(%arg0: i32) -> (i32, i32) {
    %c0_i32 = arith.constant 0 : i32
    %c0_i32_0 = arith.constant 0 : i32
    %c0_i32_1 = arith.constant 0 : i32
    return %c0_i32, %c0_i32_0 : i32, i32
  }
  func.func @transform_14(%arg0: i32) -> (i32, i32, i32) {
    %c0_i32 = arith.constant 0 : i32
    %c0_i32_0 = arith.constant 0 : i32
    %c0_i32_1 = arith.constant 0 : i32
    return %arg0, %c0_i32, %c0_i32_0 : i32, i32, i32
  }
}

</mosaic_0001>

<sc_bundles>
// kernel: kernel.4.cloned.1.call-start
scs
__scs_entry_jumppad:
0x0: {  	(pc) =	sbr.rel $0x88, $3  }
0x1: {  	(tag) =	ssettag $0x0;
	lr =	simm.s32 $0x1  }
0x2: {  	[smem:$0x3F95] =	sst lr;
	_ =	strace $0xD0000000  }
0x3: {  	_ = 	snop  }
0x4: {  	_ = 	snop  }
0x5: {  	_ = 	snop  }
0x6: {  	_ = 	snop  }
0x7: {  	_ = 	snop  }
__scs_overlays_trampoline_lowered:
0x8: {  	[smem:$0x3FA4] =	sst s0  }
0x9: {  	[smem:$0x3FA5] =	sst s1  }
0xa: {  	[smem:$0x3FA6] =	sst s2  }
0xb: {  	[smem:$0x3FA7] =	sst s3  }
0xc: {  	[smem:$0x3FA8] =	sst s4  }
0xd: {  	[smem:$0x3FA9] =	sst s5  }
0xe: {  	[smem:$0x3FAA] =	sst s6  }
0xf: {  	[smem:$0x3FAB] =	sst s7  }
0x10: {  	[smem:$0x3FAC] =	sst s8  }
0x11: {  	[smem:$0x3FAD] =	sst s9;
	s0 =	simm.s32 @!p0 $0x0  }
0x12: {  	s1 =	sld [smem:$0x3F93];
	s0 =	simm.s32 @p0 $0x1  }
0x13: {  	[smem:$0x3FAE] =	sst s0;
	s0 =	simm.s32 @!p1 $0x0  }
0x14: {  	s2 =	sld [smem:$0x3F92];
	s0 =	simm.s32 @p1 $0x1  }
0x15: {  	[smem:$0x3FAF] =	sst s0;
	s0 =	simm.s32 @!p2 $0x0  }
0x16: {  	s3 =	sld [smem:$0x3FDB];
	s0 =	simm.s32 @p2 $0x1  }
0x17: {  	s4 =	simm.s32 $0x1BF5;
	[smem:$0x3FB1] =	sst s0  }
0x18: {  	s0 =	sld [smem:$0x3F94];
	_ =	swait.ge [sflag:s4], $0x0  }
0x19: {  	s7 =	sld [smem:$0x3F95]  }
0x1a: {  	s8 =	sadd.s32 $0xFFFFE003, lr  }
0x1b: {  	s9 =	sadd.s32 $0xFFFFFEF7, lr;
	s5 =	simm.s32 $0xFFFFFFFF;
	p2 =	slt.u32 s8, $0xFFFFF086  }
0x1c: {  	p1 =	slt.u32 s9, $0xF7A;
	s5 =	simm.s32 @!p2 $0x0  }
0x1d: {  	s5 =	simm.s32 @p1 $0x1;
	p0 =	seq.s32 s7, s2  }
0x1e: {  	s7 =	smul.u32 @!p0 $0xF7A, s2;
	p2 =	seq.s32 @!p0 s5, $0x0  }
0x1f: {  	s9 =	smul.u32 $0xF7A, s1;
	s8 =	simm.s32 @!p0 $0x1BF5;
	p2 =	por !p2, p0  }
0x20: {  	[sflag:s8] =	ssyncset.s32 @!p0 $0xFFFFF086;
	s6 =	sadd.s32 @!p0 s3, s7;
	s7 =	simm.s32 @!p0 $0x108  }
0x21: {  	s3 =	sadd.s32 s3, s9;
	s6 =	sadd.s32 @!p0 $0x88, s6;
	s7 =	simm.s32 @p2 $0x1082  }
0x22: {  	[simem:s7], [sflag:s8] =	dma.local @!p0 [hbm:s6], $0xF7A  }
0x23: {  	s9 =	sor.u32 $0xD0000000, s2;
	s6 =	simm.s32 $0x108;
	_ =	swait.ge @!p0 [sflag:s8], $0x0  }
0x24: {  	s3 =	sadd.s32 $0x88, s3;
	s6 =	simm.s32 @!p1 $0x1082;
	[sflag:s4] =	ssyncset.s32 $0xFFFFF086  }
0x25: {  	[simem:s6], [sflag:s4] =	dma.local [hbm:s3], $0xF7A  }
0x26: {  	[smem:$0x3F95] =	sst s1;
	(tag) =	ssettag s2;
	_ =	strace s9  }
0x27: {  	s1 =	sld [smem:$0x3FA5]  }
0x28: {  	s2 =	sld [smem:$0x3FA6]  }
0x29: {  	s4 =	sld [smem:$0x3FA8]  }
0x2a: {  	p0 =	seq.s32 s5, $0x0;
	s5 =	sld [smem:$0x3FA9]  }
0x2b: {  	s6 =	sld [smem:$0x3FAA]  }
0x2c: {  	s7 =	sld [smem:$0x3FAB]  }
0x2d: {  	s3 =	simm.s32 $0x108;
	s8 =	sld [smem:$0x3FAC]  }
0x2e: {  	s3 =	simm.s32 @!p0 $0x1082;
	s9 =	sld [smem:$0x3FAD]  }
0x2f: {  	lr =	sadd.s32 s0, s3;
	s0 =	sld [smem:$0x3FA4]  }
0x30: {  	s3 =	sld [smem:$0x3FA7]  }
0x31: {  	[smem:$0x3FB0] =	sst s10  }
0x32: {  	s10 =	sld [smem:$0x3FAE];
	_ =	sdelay $0x3  }
0x33: {  	p0 =	seq.s32 s10, $0x1;
	s10 =	sld [smem:$0x3FB0];
	_ =	sdelay $0x3  }
0x34: {  	[smem:$0x3FB0] =	sst s10  }
0x35: {  	s10 =	sld [smem:$0x3FAF];
	_ =	sdelay $0x3  }
0x36: {  	p1 =	seq.s32 s10, $0x1;
	s10 =	sld [smem:$0x3FB0];
	_ =	sdelay $0x3  }
0x37: {  	[smem:$0x3FB0] =	sst s10  }
0x38: {  	s10 =	sld [smem:$0x3FB1]  }
0x39: {  	_ = 	snop;
	(pc) =	sbr.ind lr, $3  }
0x3a: {  	_ = 	snop  }
0x3b: {  	_ = 	snop  }
0x3c: {  	p2 =	seq.s32 s10, $0x1;
	s10 =	sld [smem:$0x3FB0]  }
0x3d: {  	_ =	shalt  }
0x3e: {  	_ =	shalt  }
0x3f: {  	_ =	shalt  }
0x40: {  	_ =	shalt  }
0x41: {  	_ =	shalt  }
0x42: {  	_ =	shalt  }
0x43: {  	_ =	shalt  }
0x44: {  	_ =	shalt  }
0x45: {  	_ =	shalt  }
0x46: {  	_ =	shalt  }
0x47: {  	_ =	shalt  }
0x48: {  	_ =	shalt  }
0x49: {  	_ =	shalt  }
0x4a: {  	_ =	shalt  }
0x4b: {  	_ =	shalt  }
0x4c: {  	_ =	shalt  }
0x4d: {  	_ =	shalt  }
0x4e: {  	_ =	shalt  }
0x4f: {  	_ =	shalt  }
0x50: {  	_ =	shalt  }
0x51: {  	_ =	shalt  }
0x52: {  	_ =	shalt  }
0x53: {  	_ =	shalt  }
0x54: {  	_ =	shalt  }
0x55: {  	_ =	shalt  }
0x56: {  	_ =	shalt  }
0x57: {  	_ =	shalt  }
0x58: {  	_ =	shalt  }
0x59: {  	_ =	shalt  }
0x5a: {  	_ =	shalt  }
0x5b: {  	_ =	shalt  }
0x5c: {  	_ =	shalt  }
0x5d: {  	_ =	shalt  }
0x5e: {  	_ =	shalt  }
0x5f: {  	_ =	shalt  }
0x60: {  	_ =	shalt  }
0x61: {  	_ =	shalt  }
0x62: {  	_ =	shalt  }
0x63: {  	_ =	shalt  }
0x64: {  	_ =	shalt  }
0x65: {  	_ =	shalt  }
0x66: {  	_ =	shalt  }
0x67: {  	_ =	shalt  }
0x68: {  	_ =	shalt  }
0x69: {  	_ =	shalt  }
0x6a: {  	_ =	shalt  }
0x6b: {  	_ =	shalt  }
0x6c: {  	_ =	shalt  }
0x6d: {  	_ =	shalt  }
0x6e: {  	_ =	shalt  }
0x6f: {  	_ =	shalt  }
0x70: {  	_ =	shalt  }
0x71: {  	_ =	shalt  }
0x72: {  	_ =	shalt  }
0x73: {  	_ =	shalt  }
0x74: {  	_ =	shalt  }
0x75: {  	_ =	shalt  }
0x76: {  	_ =	shalt  }
0x77: {  	_ =	shalt  }
0x78: {  	_ =	shalt  }
0x79: {  	_ =	shalt  }
0x7a: {  	_ =	shalt  }
0x7b: {  	_ =	shalt  }
0x7c: {  	_ =	shalt  }
0x7d: {  	_ =	shalt  }
0x7e: {  	_ =	shalt  }
0x7f: {  	_ =	shalt  }
0x80: {  	_ =	shalt  }
0x81: {  	_ =	shalt  }
0x82: {  	_ =	shalt  }
0x83: {  	_ =	shalt  }
0x84: {  	_ =	shalt  }
0x85: {  	_ =	shalt  }
0x86: {  	_ =	shalt  }
0x87: {  	_ =	shalt  }
.Lfunc_end0:
.L_simem_size_0:
called_computation_lowered:
.L_overlay_start_0:
0x88: {  	s2 =	sld [smem:$0x3FD9]  }
0x89: {  	s3 =	sld [smem:$0x3FFE];
	_ =	sdelay $0x1  }
0x8a: {  	s1 =	srdreg.scid  }
0x8b: {  	s0 =	sand.u32 $0x1, s1  }
0x8c: {  	s17 =	sshll.u32 s0, $0xA;
	s2 =	sadd.s32 s3, s2  }
0x8d: {  	s2 =	sadd.s32 s2, s17  }
0x8e: {  	[smem:$0x3FBC] =	sst s2  }
0x8f: {  	_ = 	snop  }
0x90: {  	s2 =	sld [smem:$0x3FD0];
	(tm) =	ssettm $0x1  }
0x91: {  	s18 =	sld [smem:$0x3FFB];
	_ =	sdelay $0x3  }
0x92: {  	_ =	strace s18  }
0x93: {  	s3 =	sld [smem:$0x3FFC];
	_ =	sdelay $0x3  }
0x94: {  	_ =	strace s3  }
0x95: {  	s3 =	sld [smem:$0x3FFD];
	_ =	sdelay $0x3  }
0x96: {  	_ =	strace s3  }
0x97: {  	_ =	strace $0x8FFFFFFF  }
0x98: {  	s19 =	sld [smem:$0x3FDB];
	_ =	sdelay $0x1  }
0x99: {  	s4 =	simm.s32 $_scs_section_size  }
0x9a: {  	s5 =	simm.s32 $_size__tile_overlayer_lowered;
	s6 =	simm.s32 $_tile_overlayer_lowered  }
0x9b: {  	s22 =	simm.s32 $0x1BFF;
	s21 =	sshll.u32 s6, $0x1;
	s3 =	sadd.s32 s4, s19  }
0x9c: {  	s7 =	simm.s32 $0x0;
	s20 =	sshll.u32 s5, $0x1;
	s5 =	sadd.s32 s21, s3  }
0x9d: {  	[timem:s7], [sflag:s22] =	dma.local [hbm:s5], s20  }
0x9e: {  	_ =	swait.ge [sflag:s22], s20  }
0x9f: {  	s4 =	ssub.s32 $0x0, s20;
	[sflag:s22] =	ssyncset.done $0x0  }
0xa0: {  	[sflag:s22] =	ssyncadd.s32 s4;
	_ =	sdelay $0x1  }
0xa1: {  	s23 =	simm.s32 $0x1B8B  }
0xa2: {  	_ =	swait.ge [sflag:s23], $0x1  }
0xa3: {  	[sflag:s23] =	ssyncset.done $0x0  }
0xa4: {  	s25 =	simm.s32 $0x1B8E;
	s24 =	sld [smem:$0x3FFE];
	[sflag:s23] =	ssyncadd.s32 $0xFFFFFFFF  }
0xa5: {  	s26 =	simm.s32 $execute0_lowered;
	[smem:$0x3FD2] =	sst s25  }
0xa6: {  	s5 =	sshll.u32 s26, $0x1;
	_ =	strace $0x80000046;
	[dreg:$0x1] =	wrdreg $0xFFFFFFFF  }
0xa7: {  	s28 =	simm.s32 $_size_execute0_lowered;
	s3 =	sadd.s32 s3, s5;
	[dreg:$0x0] =	wrdreg $0x0  }
0xa8: {  	s5 =	sshll.u32 s28, $0x1;
	[dreg:$0x2] =	wrdreg s3  }
0xa9: {  	[dreg:$0x3] =	wrdreg s5  }
0xaa: {  	[dreg:$0x4] =	wrdreg $0xC0  }
0xab: {  	_ =	task [dreg:s7], $0x5FFFF  }
0xac: {  	[dreg:$0x1] =	wrdreg $0xFFFFFFFF  }
0xad: {  	[dreg:$0x0] =	wrdreg $0x60  }
0xae: {  	[dreg:$0x2] =	wrdreg s24  }
0xaf: {  	[dreg:$0x3] =	wrdreg s2  }
0xb0: {  	[dreg:$0x4] =	wrdreg $0x9  }
0xb1: {  	_ =	task.clear_ibuf [dreg:s7], $0x5FFFF;
	_ =	strace $0x90000046  }
0xb2: {  	s29 =	simm.s32 $0x9;
	_ =	strace $0x80000048  }
0xb3: {  	_ =	swait.ge [sflag:s29], $0x1  }
0xb4: {  	[sflag:s29] =	ssyncadd.s32 $0xFFFFFFFF  }
0xb5: {  	_ =	strace $0x90000048  }
0xb6: {  	_ =	sfence  }
0xb7: {  	s30 =	sld [smem:$0x0];
	_ =	sdelay $0x2  }
0xb8: {  	s31 =	sshll.u32 s1, $0xD;
	s1 =	sshrl.u32 s1, $0x2  }
0xb9: {  	s3 =	sand.u32 $0x4000, s31;
	s1 =	sadd.s32 s1, s30  }
0xba: {  	s0 =	sor.u32 s3, s0;
	s1 =	sshll.u32 s1, $0x11  }
0xbb: {  	s0 =	sor.u32 s1, s0  }
0xbc: {  	s0 =	sadd.s32 $0x8F2B, s0  }
0xbd: {  	[sflag:s0] =	ssyncadd.remote.s32 $0x1  }
0xbe: {  	_ =	sfence.sel $0xFFFF  }
0xbf: {  	[dreg:$0x0] =	wrdreg $0xFFFFFFFF;
	(pc) =	sbr.abs _section_cstart, $3  }
0xc0: {  	[dreg:$0x1] =	wrdreg $0xFFFFFFFF  }
0xc1: {  	_ =	task.clear_ibuf [dreg:s7], $0x2FFFF;
	_ =	strace $0x9FFFFFFF  }
0xc2: {  	(tm) =	ssettm $0x7FFFFFFF  }
0xc3: {  	_ =	shalt  }
tec
execute0_lowered:
.L_overlay_start_1:
0x0: {  	(tag) =	ssettag $0x1  }
0x1: {  	s1 =	rddreg [dreg:$0x0]  }
0x2: {  	s5 =	rddreg [dreg:$0x1]  }
0x3: {  	s0 =	rddreg [dreg:$0x2];
	s4 =	srdreg.scid  }
0x4: {  	s3 =	simm.s32 $0x0;
	s2 =	stileid.u32;
	s10 =	simm.s32 $0x1  }
0x5: {  	s11 =	simm.s32 $0x2100;
	s12 =	simm.s32 $0x2200;
	s4 =	sand.u32 $0x1, s4  }
0x6: {  	[smem:$0x7FF] =	sst s3;
	s7 =	sshll.u32 s2, $0x3;
	s6 =	sshll.u32 s4, $0x7  }
0x7: {  	_ =	strace $0x80000047;
	s31 =	ssub.s32 $0x2, s4;
	s6 =	sor.u32 s7, s6  }
0x8: {  	s4 =	sadd.s32 $0x200, s1;
	s9 =	sshrl.u32 s31, $0x1;
	s8 =	sadd.s32 s6, s1  }
0x9: {  	s7 =	ssub.s32 s31, s9;
	s5 =	sadd.s32 s5, s6;
	s9 =	simm.s32 $0x2080  }
0xa: {  	s6 =	sadd.s32 $0x600, s8;
	s7 =	smax.u32 s7, $0x1;
	s8 =	simm.s32 $0x2000  }
.LBB2_1:
0xb: {  	[tilespmem:s3], [sflag:$0x1] =	stream.linear.gather [hbm4b:s4+s3], $0x2000, $0x38;
	[tilespmem:$0x2280] =	vst v63  }
0xc: {  	_ = 	snop  }
0xd: {  	[tilespmem:s8], [sflag:$0x1] =	stream.linear.gather [hbm4b:s1+s3], $0x80, $0x38;
	[tilespmem:$0x2280] =	vst v63  }
0xe: {  	_ = 	snop  }
0xf: {  	[tilespmem:s9], [sflag:$0x1] =	stream.linear.gather [hbm4b:s5+s3], $0x40, $0x38;
	[tilespmem:$0x2280] =	vst v63  }
0x10: {  	_ =	swait.ge [sflag:s10], $0x2000  }
0x11: {  	[sflag:s10] =	ssyncset.done $0x0  }
0x12: {  	[sflag:s10] =	ssyncadd.s32 $0xFFFFE000  }
0x13: {  	_ =	swait.ge [sflag:s10], $0x80  }
0x14: {  	[sflag:s10] =	ssyncset.done $0x0  }
0x15: {  	[sflag:s10] =	ssyncadd.s32 $0xFFFFFF80  }
0x16: {  	_ =	swait.ge [sflag:s10], $0x40  }
0x17: {  	[sflag:s10] =	ssyncset.done $0x0  }
0x18: {  	[sflag:s10] =	ssyncadd.s32 $0xFFFFFFC0  }
0x19: {  	v0 =	vld [tilespmem:$0x2000]  }
0x1a: {  	v26 =	vld [tilespmem:$0x2010]  }
0x1b: {  	v27 =	vld [tilespmem:$0x0]  }
0x1c: {  	v28 =	vld [tilespmem:$0x80]  }
0x1d: {  	v47 =	vld [tilespmem:$0x100]  }
0x1e: {  	v56 =	vld [tilespmem:$0x180]  }
0x1f: {  	v25 =	vld [tilespmem:$0x200]  }
0x20: {  	v24 =	vld [tilespmem:$0x280]  }
0x21: {  	v21 =	vld [tilespmem:$0x300]  }
0x22: {  	v20 =	vld [tilespmem:$0x380]  }
0x23: {  	v17 =	vld [tilespmem:$0x800]  }
0x24: {  	v15 =	vld [tilespmem:$0x880]  }
0x25: {  	v13 =	vld [tilespmem:$0x900]  }
0x26: {  	v11 =	vld [tilespmem:$0x980]  }
0x27: {  	v10 =	vld [tilespmem:$0xA00]  }
0x28: {  	v8 =	vld [tilespmem:$0xA80]  }
0x29: {  	v6 =	vld [tilespmem:$0xB00]  }
0x2a: {  	v4 =	vld [tilespmem:$0xB80]  }
0x2b: {  	v3 =	vld [tilespmem:$0x1000]  }
0x2c: {  	v19 =	vld [tilespmem:$0x1080]  }
0x2d: {  	v32 =	vld [tilespmem:$0x1100]  }
0x2e: {  	v35 =	vld [tilespmem:$0x1180]  }
0x2f: {  	v38 =	vld [tilespmem:$0x1200]  }
0x30: {  	v42 =	vld [tilespmem:$0x1280]  }
0x31: {  	v50 =	vld [tilespmem:$0x1300]  }
0x32: {  	v63 =	vld [tilespmem:$0x1380]  }
0x33: {  	v1 =	vld [tilespmem:$0x1800]  }
0x34: {  	v58 =	vld [tilespmem:$0x1880]  }
0x35: {  	v59 =	vld [tilespmem:$0x1900]  }
0x36: {  	v54 =	vld [tilespmem:$0x1980]  }
0x37: {  	v60 =	vld [tilespmem:$0x1A00]  }
0x38: {  	v61 =	vld [tilespmem:$0x1A80]  }
0x39: {  	v62 =	vld [tilespmem:$0x1B00]  }
0x3a: {  	v5 =	vld [tilespmem:$0x1B80]  }
0x3b: {  	v12 =	vld [tilespmem:$0x10]  }
0x3c: {  	v16 =	vld [tilespmem:$0x90]  }
0x3d: {  	v18 =	vld [tilespmem:$0x110]  }
0x3e: {  	v23 =	vld [tilespmem:$0x190]  }
0x3f: {  	v49 =	vld [tilespmem:$0x210]  }
0x40: {  	v36 =	vld [tilespmem:$0x290]  }
0x41: {  	v39 =	vld [tilespmem:$0x310]  }
0x42: {  	v41 =	vld [tilespmem:$0x390]  }
0x43: {  	v44 =	vld [tilespmem:$0x810]  }
0x44: {  	v51 =	vld [tilespmem:$0x890]  }
0x45: {  	v52 =	vld [tilespmem:$0x910]  }
0x46: {  	v7 =	vld [tilespmem:$0x990]  }
0x47: {  	v9 =	vld [tilespmem:$0xA10]  }
0x48: {  	v14 =	vld [tilespmem:$0xA90]  }
0x49: {  	v22 =	vld [tilespmem:$0xB10]  }
0x4a: {  	v29 =	vld [tilespmem:$0xB90]  }
0x4b: {  	v30 =	vld [tilespmem:$0x1010]  }
0x4c: {  	v31 =	vld [tilespmem:$0x1090]  }
0x4d: {  	v33 =	vld [tilespmem:$0x1110]  }
0x4e: {  	v34 =	vld [tilespmem:$0x1190];
	[tilespmem:$0x1F200] =	vst v58  }
0x4f: {  	v37 =	vld [tilespmem:$0x1210];
	[tilespmem:$0x1F230] =	vst v59  }
0x50: {  	v40 =	vld [tilespmem:$0x1290];
	[tilespmem:$0x1F270] =	vst v60  }
0x51: {  	v43 =	vld [tilespmem:$0x1310];
	[tilespmem:$0x1F2B0] =	vst v61  }
0x52: {  	v45 =	vld [tilespmem:$0x1390];
	[tilespmem:$0x1F2F0] =	vst v62  }
0x53: {  	v46 =	vld [tilespmem:$0x1810];
	[tilespmem:$0x1F330] =	vst v5  }
0x54: {  	v48 =	vld [tilespmem:$0x1890];
	[tilespmem:$0x1F210] =	vst v7  }
0x55: {  	v53 =	vld [tilespmem:$0x1910];
	[tilespmem:$0x1F220] =	vst v9  }
0x56: {  	v55 =	vld [tilespmem:$0x1990];
	[tilespmem:$0x1F240] =	vst v14  }
0x57: {  	v57 =	vld [tilespmem:$0x1A10];
	[tilespmem:$0x1F250] =	vst v22  }
0x58: {  	[tilespmem:$0x1F260] =	vst v29;
	v58 =	vld [tilespmem:$0x1A90]  }
0x59: {  	[tilespmem:$0x1F290] =	vst v30;
	v59 =	vld [tilespmem:$0x1B10]  }
0x5a: {  	[tilespmem:$0x1F2C0] =	vst v31;
	v60 =	vld [tilespmem:$0x1B90]  }
0x5b: {  	[tilespmem:$0x1F2E0] =	vst v33;
	v5 =	vld [tilespmem:$0x20]  }
0x5c: {  	[tilespmem:$0x1F310] =	vst v34;
	v7 =	vld [tilespmem:$0xA0]  }
0x5d: {  	[tilespmem:$0x1F450] =	vst v46;
	v9 =	vld [tilespmem:$0x120]  }
0x5e: {  	[tilespmem:$0x1F570] =	vst v55;
	v61 =	vld [tilespmem:$0xAA0]  }
0x5f: {  	[tilespmem:$0x1F5D0] =	vst v57;
	v62 =	vld [tilespmem:$0xB20]  }
0x60: {  	v29 =	vld [tilespmem:$0xBA0];
	[tilespmem:$0x1F630] =	vst v58  }
0x61: {  	v30 =	vld [tilespmem:$0x1020];
	[tilespmem:$0x1F690] =	vst v59  }
0x62: {  	v31 =	vld [tilespmem:$0x10A0];
	[tilespmem:$0x1F6F0] =	vst v60  }
0x63: {  	v46 =	vld [tilespmem:$0x1120];
	[tilespmem:$0x1F280] =	vst v61  }
0x64: {  	v55 =	vld [tilespmem:$0x11A0];
	[tilespmem:$0x1F2A0] =	vst v62  }
0x65: {  	v57 =	vld [tilespmem:$0x1220];
	[tilespmem:$0x1F2D0] =	vst v29  }
0x66: {  	[tilespmem:$0x1F300] =	vst v30;
	v58 =	vld [tilespmem:$0x12A0]  }
0x67: {  	[tilespmem:$0x1F320] =	vst v31;
	v59 =	vld [tilespmem:$0x1320]  }
0x68: {  	[tilespmem:$0x1F350] =	vst v46;
	v60 =	vld [tilespmem:$0x13A0]  }
0x69: {  	[tilespmem:$0x1F370] =	vst v55;
	v61 =	vld [tilespmem:$0x1820]  }
0x6a: {  	[tilespmem:$0x1F3A0] =	vst v57;
	v62 =	vld [tilespmem:$0x18A0]  }
0x6b: {  	v29 =	vld [tilespmem:$0x1920];
	[tilespmem:$0x1F3E0] =	vst v58  }
0x6c: {  	v30 =	vld [tilespmem:$0x19A0];
	[tilespmem:$0x1F430] =	vst v59  }
0x6d: {  	v31 =	vld [tilespmem:$0x1A20];
	[tilespmem:$0x1F470] =	vst v60  }
0x6e: {  	v46 =	vld [tilespmem:$0x1AA0];
	[tilespmem:$0x1F4D0] =	vst v61  }
0x6f: {  	v55 =	vld [tilespmem:$0x1B20];
	[tilespmem:$0x1F530] =	vst v62  }
0x70: {  	v57 =	vld [tilespmem:$0x1BA0];
	[tilespmem:$0x1F590] =	vst v29  }
0x71: {  	[tilespmem:$0x1F5F0] =	vst v30;
	v58 =	vld [tilespmem:$0x30]  }
0x72: {  	[tilespmem:$0x1F650] =	vst v31;
	v59 =	vld [tilespmem:$0xB0]  }
0x73: {  	[tilespmem:$0x1F6B0] =	vst v46;
	v60 =	vld [tilespmem:$0x130]  }
0x74: {  	[tilespmem:$0x1F700] =	vst v55;
	v61 =	vld [tilespmem:$0x1B0]  }
0x75: {  	[tilespmem:$0x1F750] =	vst v57;
	v62 =	vld [tilespmem:$0x230]  }
0x76: {  	v29 =	vld [tilespmem:$0x2B0];
	[tilespmem:$0x1F360] =	vst v58  }
0x77: {  	v30 =	vld [tilespmem:$0x330];
	[tilespmem:$0x1F390] =	vst v59  }
0x78: {  	v31 =	vld [tilespmem:$0x3B0];
	[tilespmem:$0x1F3B0] =	vst v60  }
0x79: {  	v46 =	vld [tilespmem:$0x830];
	[tilespmem:$0x1F3D0] =	vst v61  }
0x7a: {  	v55 =	vld [tilespmem:$0x8B0];
	[tilespmem:$0x1F3F0] =	vst v62  }
0x7b: {  	v57 =	vld [tilespmem:$0x930];
	[tilespmem:$0x1F420] =	vst v29  }
0x7c: {  	[tilespmem:$0x1F440] =	vst v30;
	v58 =	vld [tilespmem:$0x9B0]  }
0x7d: {  	[tilespmem:$0x1F460] =	vst v31;
	v30 =	vld [tilespmem:$0x10B0]  }
0x7e: {  	[tilespmem:$0x1F490] =	vst v46;
	v59 =	vld [tilespmem:$0xA30]  }
0x7f: {  	[tilespmem:$0x1F4C0] =	vst v55;
	v29 =	vld [tilespmem:$0x1030]  }
0x80: {  	[tilespmem:$0x1F4F0] =	vst v57;
	v60 =	vld [tilespmem:$0xAB0];
	v31 =	vbroadcast v0, $0x0  }
0x81: {  	v62 =	vld [tilespmem:$0xBB0];
	[tilespmem:$0x1F520] =	vst v58  }
0x82: {  	v61 =	vld [tilespmem:$0xB30];
	v27 =	vmul.f32 v27, v31;
	[tilespmem:$0x1F640] =	vst v30;
	v30 =	vbroadcast v0, $0x1  }
0x83: {  	v46 =	vld [tilespmem:$0x1130];
	[tilespmem:$0x1F550] =	vst v59  }
0x84: {  	v27 =	vadd.f32 $0.0e+00, v27;
	[tilespmem:$0x1F610] =	vst v29;
	v29 =	vbroadcast v0, $0x2;
	v58 =	vld [tilespmem:$0x12B0];
	v28 =	vmul.f32 v28, v30  }
0x85: {  	[tilespmem:$0x1F580] =	vst v60;
	v59 =	vld [tilespmem:$0x1330]  }
0x86: {  	[tilespmem:$0x1F5E0] =	vst v62;
	v62 =	vld [tilespmem:$0x18B0];
	v47 =	vmul.f32 v47, v29;
	v27 =	vadd.f32 v28, v27;
	v28 =	vbroadcast v0, $0x3  }
0x87: {  	[tilespmem:$0x1F5B0] =	vst v61;
	v60 =	vld [tilespmem:$0x13B0]  }
0x88: {  	[tilespmem:$0x1F670] =	vst v46;
	v61 =	vld [tilespmem:$0x1830];
	v47 =	vadd.f32 v47, v27;
	v56 =	vmul.f32 v56, v28;
	v27 =	vbroadcast v0, $0x4  }
0x89: {  	v57 =	vld [tilespmem:$0x1230];
	[tilespmem:$0x1F710] =	vst v58  }
0x8a: {  	[tilespmem:$0x1F770] =	vst v59;
	v58 =	vld [tilespmem:$0x1930];
	v47 =	vadd.f32 v56, v47;
	v46 =	vmul.f32 v25, v27;
	v25 =	vbroadcast v0, $0x5  }
0x8b: {  	[tilespmem:$0x1F820] =	vst v62;
	v62 =	vld [tilespmem:$0x1AB0]  }
0x8c: {  	[tilespmem:$0x1F7A0] =	vst v60;
	v59 =	vld [tilespmem:$0x19B0];
	v47 =	vadd.f32 v46, v47;
	v60 =	vmul.f32 v24, v25  }
0x8d: {  	[tilespmem:$0x1F7E0] =	vst v61;
	v61 =	vld [tilespmem:$0x1A30];
	v24 =	vbroadcast v0, $0x6  }
0x8e: {  	[tilespmem:$0x1F6D0] =	vst v57;
	v47 =	vadd.f32 v60, v47;
	v60 =	vld [tilespmem:$0x1B30]  }
0x8f: {  	v55 =	vld [tilespmem:$0x11B0];
	[tilespmem:$0x1F860] =	vst v58;
	v46 =	vmul.f32 v21, v24;
	v21 =	vbroadcast v0, $0x7  }
0x90: {  	[tilespmem:$0x1F960] =	vst v62;
	v62 =	vld [tilespmem:$0x1C0]  }
0x91: {  	v14 =	vld [tilespmem:$0x1A0];
	[tilespmem:$0x1F8B0] =	vst v59;
	v57 =	vadd.f32 v46, v47;
	v58 =	vmul.f32 v20, v21;
	v20 =	vbroadcast v0, $0x8  }
0x92: {  	[tilespmem:$0x1F910] =	vst v61;
	v61 =	vld [tilespmem:$0x1BB0]  }
0x93: {  	v22 =	vld [tilespmem:$0x220];
	v59 =	vadd.f32 v58, v57;
	[tilespmem:$0x1F9B0] =	vst v60;
	v60 =	vmul.f32 v17, v20;
	v17 =	vbroadcast v0, $0x9  }
0x94: {  	v33 =	vld [tilespmem:$0x2A0];
	[tilespmem:$0x1F6A0] =	vst v55  }
0x95: {  	v34 =	vld [tilespmem:$0x320];
	[tilespmem:$0x1F400] =	vst v62;
	v62 =	vadd.f32 v60, v59;
	v55 =	vmul.f32 v15, v17;
	v15 =	vbroadcast v0, $0xA  }
0x96: {  	[tilespmem:$0x1F340] =	vst v37;
	v37 =	vld [tilespmem:$0x3A0]  }
0x97: {  	[tilespmem:$0x1FA00] =	vst v61;
	v2 =	vadd.f32 v55, v62;
	v61 =	vmul.f32 v13, v15;
	v55 =	vld [tilespmem:$0x340]  }
0x98: {  	[tilespmem:$0x1F1F0] =	vst v1;
	v62 =	vld [tilespmem:$0x3C0]  }
0x99: {  	[tilespmem:$0x1F380] =	vst v40;
	v1 =	vadd.f32 v61, v2;
	v61 =	vld [tilespmem:$0x840]  }
0x9a: {  	[tilespmem:$0x1F3C0] =	vst v43;
	v40 =	vld [tilespmem:$0x820];
	v13 =	vbroadcast v0, $0xB  }
0x9b: {  	[tilespmem:$0x1F410] =	vst v45;
	v43 =	vld [tilespmem:$0x8A0]  }
0x9c: {  	v45 =	vld [tilespmem:$0x920];
	v57 =	vmul.f32 v11, v13;
	[tilespmem:$0x1F480] =	vst v55;
	v55 =	vbroadcast v0, $0xC  }
0x9d: {  	[tilespmem:$0x1F4A0] =	vst v62;
	v62 =	vld [tilespmem:$0x8C0]  }
0x9e: {  	v1 =	vadd.f32 v57, v1;
	v57 =	vld [tilespmem:$0x940];
	[tilespmem:$0x1F4E0] =	vst v61;
	v56 =	vmul.f32 v10, v55;
	v61 =	vbroadcast v0, $0xD  }
0x9f: {  	[tilespmem:$0x1F510] =	vst v53;
	v53 =	vld [tilespmem:$0x9A0]  }
0xa0: {  	[tilespmem:$0x1F4B0] =	vst v48;
	v48 =	vld [tilespmem:$0xA20];
	v11 =	vbroadcast v0, $0xE;
	v1 =	vadd.f32 v56, v1;
	v56 =	vmul.f32 v8, v61  }
0xa1: {  	v46 =	vld [tilespmem:$0x40]  }
0xa2: {  	[tilespmem:$0x1F500] =	vst v62;
	v62 =	vld [tilespmem:$0x9C0];
	v1 =	vadd.f32 v56, v1;
	v56 =	vmul.f32 v6, v11;
	v6 =	vbroadcast v0, $0xF  }
0xa3: {  	[tilespmem:$0x1F540] =	vst v57;
	v57 =	vld [tilespmem:$0xA40]  }
0xa4: {  	v47 =	vld [tilespmem:$0xC0];
	v8 =	vadd.f32 v56, v1;
	v10 =	vmul.f32 v4, v6  }
0xa5: {  	v56 =	vld [tilespmem:$0x1040]  }
0xa6: {  	v0 =	vadd.f32 v10, v8;
	v10 =	vld [tilespmem:$0x11C0]  }
0xa7: {  	[tilespmem:$0x1F560] =	vst v62;
	v62 =	vld [tilespmem:$0xAC0]  }
0xa8: {  	[tilespmem:$0x1F5A0] =	vst v57;
	v57 =	vld [tilespmem:$0xB40]  }
0xa9: {  	v8 =	vld [tilespmem:$0x1140]  }
0xaa: {  	[tilespmem:$0x1F660] =	vst v56;
	v56 =	vld [tilespmem:$0x1240]  }
0xab: {  	[tilespmem:$0x1F6E0] =	vst v10;
	v10 =	vld [tilespmem:$0x1340]  }
0xac: {  	[tilespmem:$0x1F5C0] =	vst v62;
	v62 =	vld [tilespmem:$0xBC0]  }
0xad: {  	[tilespmem:$0x1F600] =	vst v57;
	v57 =	vld [tilespmem:$0x10C0]  }
0xae: {  	v58 =	vld [tilespmem:$0x140];
	[tilespmem:$0x1F6C0] =	vst v8  }
0xaf: {  	v4 =	vbroadcast v26, $0x0;
	[tilespmem:$0x1F720] =	vst v56;
	v56 =	vld [tilespmem:$0x1840]  }
0xb0: {  	v12 =	vmul.f32 v12, v31;
	[tilespmem:$0x1F780] =	vst v10;
	v10 =	vld [tilespmem:$0x1940]  }
0xb1: {  	v59 =	vld [tilespmem:$0x240];
	[tilespmem:$0x1F620] =	vst v62;
	v62 =	vmul.f32 v3, v4;
	v3 =	vbroadcast v26, $0x1  }
0xb2: {  	v5 =	vmul.f32 v5, v31;
	v8 =	vbroadcast v26, $0x2;
	[tilespmem:$0x1F680] =	vst v57;
	v57 =	vld [tilespmem:$0x12C0]  }
0xb3: {  	v12 =	vadd.f32 $0.0e+00, v12;
	v60 =	vld [tilespmem:$0x2C0];
	v1 =	vadd.f32 v62, v0;
	v19 =	vmul.f32 v19, v3  }
0xb4: {  	v7 =	vmul.f32 v7, v30;
	v62 =	vmul.f32 v32, v8;
	v32 =	vld [tilespmem:$0x13C0];
	[tilespmem:$0x1F800] =	vst v56;
	v56 =	vadd.f32 $0.0e+00, v5  }
0xb5: {  	v16 =	vmul.f32 v16, v30;
	v2 =	vadd.f32 v19, v1;
	v1 =	vbroadcast v26, $0x3;
	[tilespmem:$0x1F880] =	vst v10;
	v10 =	vld [tilespmem:$0x1AC0]  }
0xb6: {  	v18 =	vmul.f32 v18, v29;
	v7 =	vadd.f32 v7, v56;
	v56 =	vld [tilespmem:$0x1D0]  }
0xb7: {  	v12 =	vadd.f32 v16, v12;
	[tilespmem:$0x1F740] =	vst v57;
	v19 =	vadd.f32 v62, v2;
	v57 =	vmul.f32 v35, v1;
	v62 =	vld [tilespmem:$0x18C0]  }
0xb8: {  	v2 =	vbroadcast v26, $0x4;
	v35 =	vld [tilespmem:$0x19C0]  }
0xb9: {  	v12 =	vadd.f32 v18, v12;
	[tilespmem:$0x1F7C0] =	vst v32;
	v32 =	vmul.f32 v23, v28;
	v16 =	vadd.f32 v57, v19;
	v57 =	vld [tilespmem:$0x1A40]  }
0xba: {  	v38 =	vmul.f32 v38, v2;
	v19 =	vld [tilespmem:$0x1B40]  }
0xbb: {  	v12 =	vadd.f32 v32, v12;
	v32 =	vmul.f32 v36, v25;
	v36 =	vld [tilespmem:$0x50]  }
0xbc: {  	v9 =	vmul.f32 v9, v29;
	v16 =	vadd.f32 v38, v16;
	v38 =	vmul.f32 v39, v24;
	v39 =	vld [tilespmem:$0xD0];
	[tilespmem:$0x1F7B0] =	vst v56  }
0xbd: {  	v56 =	vld [tilespmem:$0x950];
	[tilespmem:$0x1F840] =	vst v62  }
0xbe: {  	v14 =	vmul.f32 v14, v28;
	v9 =	vadd.f32 v9, v7;
	[tilespmem:$0x1F8D0] =	vst v35;
	v62 =	vmul.f32 v49, v27;
	v35 =	vld [tilespmem:$0x1BC0]  }
0xbf: {  	v49 =	vld [tilespmem:$0x150]  }
0xc0: {  	v22 =	vmul.f32 v22, v27;
	v14 =	vadd.f32 v14, v9;
	v12 =	vadd.f32 v62, v12;
	v62 =	vld [tilespmem:$0x250]  }
0xc1: {  	v5 =	vbroadcast v26, $0x5;
	[tilespmem:$0x1F930] =	vst v57;
	v57 =	vmul.f32 v33, v25;
	v33 =	vld [tilespmem:$0x2D0]  }
0xc2: {  	v14 =	vadd.f32 v22, v14;
	[tilespmem:$0x1F760] =	vst v39;
	v39 =	vld [tilespmem:$0x1F1F0]  }
0xc3: {  	v23 =	vmul.f32 v42, v5;
	v12 =	vadd.f32 v32, v12;
	v32 =	vmul.f32 v44, v20;
	v44 =	vld [tilespmem:$0x850]  }
0xc4: {  	[tilespmem:$0x1F980] =	vst v10;
	v10 =	vbroadcast v26, $0x6;
	v14 =	vadd.f32 v57, v14;
	v57 =	vld [tilespmem:$0x1F200]  }
0xc5: {  	v34 =	vmul.f32 v34, v24;
	v16 =	vadd.f32 v23, v16;
	[tilespmem:$0x1FA10] =	vst v35;
	v35 =	vld [tilespmem:$0x350]  }
0xc6: {  	v42 =	vmul.f32 v50, v10;
	v50 =	vmul.f32 v41, v21;
	v12 =	vadd.f32 v38, v12;
	v38 =	vld [tilespmem:$0x3D0]  }
0xc7: {  	v7 =	vbroadcast v26, $0x7;
	[tilespmem:$0x1F9D0] =	vst v19;
	v19 =	vadd.f32 v34, v14;
	v34 =	vld [tilespmem:$0x160]  }
0xc8: {  	v16 =	vadd.f32 v42, v16;
	v42 =	vmul.f32 v37, v21;
	v18 =	vadd.f32 v50, v12;
	v50 =	vld [tilespmem:$0x8D0]  }
0xc9: {  	v9 =	vmul.f32 v63, v7;
	v63 =	vbroadcast v26, $0x8;
	[tilespmem:$0x1F730] =	vst v36;
	v12 =	vld [tilespmem:$0x1F210]  }
0xca: {  	v36 =	vmul.f32 v51, v17;
	[tilespmem:$0x1F790] =	vst v49;
	v49 =	vmul.f32 v52, v15;
	v51 =	vadd.f32 v42, v19;
	v42 =	vld [tilespmem:$0x1F230]  }
0xcb: {  	v52 =	vmul.f32 v40, v20;
	v41 =	vmul.f32 v39, v63;
	v39 =	vld [tilespmem:$0x1F220]  }
0xcc: {  	[tilespmem:$0x1F850] =	vst v44;
	v44 =	vmul.f32 v45, v15;
	v45 =	vld [tilespmem:$0xB50]  }
0xcd: {  	v19 =	vadd.f32 v52, v51;
	v51 =	vld [tilespmem:$0xBD0]  }
0xce: {  	v16 =	vadd.f32 v9, v16;
	v52 =	vmul.f32 v53, v13;
	v53 =	vld [tilespmem:$0x1050]  }
0xcf: {  	[tilespmem:$0x1F830] =	vst v38;
	v38 =	vld [tilespmem:$0xA50]  }
0xd0: {  	v18 =	vadd.f32 v32, v18;
	v23 =	vadd.f32 v41, v16;
	v41 =	vld [tilespmem:$0xAD0]  }
0xd1: {  	v37 =	vmul.f32 v43, v17;
	[tilespmem:$0x1F7D0] =	vst v62;
	v62 =	vbroadcast v26, $0x9;
	v16 =	vld [tilespmem:$0x10D0]  }
0xd2: {  	v18 =	vadd.f32 v36, v18;
	v36 =	vld [tilespmem:$0x9D0]  }
0xd3: {  	v9 =	vmul.f32 v57, v62;
	v57 =	vbroadcast v26, $0xA;
	v19 =	vadd.f32 v37, v19;
	v37 =	vld [tilespmem:$0x1F260]  }
0xd4: {  	v14 =	vmul.f32 v12, v13;
	v12 =	vld [tilespmem:$0x1F250]  }
0xd5: {  	v43 =	vmul.f32 v42, v57;
	v42 =	vld [tilespmem:$0x1F280]  }
0xd6: {  	v18 =	vadd.f32 v49, v18;
	v49 =	vld [tilespmem:$0x1F240]  }
0xd7: {  	v40 =	vmul.f32 v39, v55;
	v39 =	vld [tilespmem:$0x11D0]  }
0xd8: {  	[tilespmem:$0x1F890] =	vst v56;
	v19 =	vadd.f32 v44, v19;
	v44 =	vld [tilespmem:$0x1250]  }
0xd9: {  	v56 =	vbroadcast v26, $0xB;
	v22 =	vadd.f32 v9, v23;
	[tilespmem:$0x1F950] =	vst v45;
	v45 =	vld [tilespmem:$0x1F290]  }
0xda: {  	[tilespmem:$0x1F9A0] =	vst v53;
	v53 =	vld [tilespmem:$0x1350]  }
0xdb: {  	v9 =	vmul.f32 v54, v56;
	v22 =	vadd.f32 v43, v22;
	v32 =	vadd.f32 v52, v19;
	v19 =	vld [tilespmem:$0x1150]  }
0xdc: {  	v18 =	vadd.f32 v14, v18;
	[tilespmem:$0x1F9C0] =	vst v16;
	v16 =	vld [tilespmem:$0x1F2C0]  }
0xdd: {  	[tilespmem:$0x1F7F0] =	vst v33;
	v33 =	vadd.f32 v9, v22;
	v22 =	vld [tilespmem:$0x1F2D0]  }
0xde: {  	v23 =	vadd.f32 v40, v18;
	v40 =	vld [tilespmem:$0x1F270]  }
0xdf: {  	v14 =	vmul.f32 v12, v11;
	v12 =	vld [tilespmem:$0x1F2B0]  }
0xe0: {  	[tilespmem:$0x1F870] =	vst v50;
	v50 =	vmul.f32 v49, v61;
	v49 =	vld [tilespmem:$0x12D0]  }
0xe1: {  	v18 =	vmul.f32 v48, v55;
	[tilespmem:$0x1FA50] =	vst v44;
	v44 =	vld [tilespmem:$0x1F2F0]  }
0xe2: {  	[tilespmem:$0x1FAD0] =	vst v53;
	v53 =	vld [tilespmem:$0x1F300]  }
0xe3: {  	v43 =	vmul.f32 v42, v61;
	v32 =	vadd.f32 v18, v32;
	v23 =	vadd.f32 v50, v23;
	v50 =	vld [tilespmem:$0x1F2A0]  }
0xe4: {  	v54 =	vbroadcast v26, $0xC;
	[tilespmem:$0x1F9F0] =	vst v19;
	v19 =	vld [tilespmem:$0x13D0]  }
0xe5: {  	[tilespmem:$0x1F8F0] =	vst v38;
	v52 =	vbroadcast v26, $0xD;
	v32 =	vadd.f32 v43, v32;
	v43 =	vld [tilespmem:$0x18D0]  }
0xe6: {  	[tilespmem:$0x1F920] =	vst v41;
	v41 =	vmul.f32 v40, v54;
	v40 =	vld [tilespmem:$0x1850]  }
0xe7: {  	[tilespmem:$0x1F8C0] =	vst v36;
	v38 =	vmul.f32 v37, v6;
	v36 =	vadd.f32 v14, v23;
	v14 =	vmul.f32 v12, v52;
	v12 =	vld [tilespmem:$0x1950]  }
0xe8: {  	v33 =	vadd.f32 v41, v33;
	v41 =	vld [tilespmem:$0x1F2E0]  }
0xe9: {  	v23 =	vadd.f32 v38, v36;
	v36 =	vld [tilespmem:$0x1E0]  }
0xea: {  	[tilespmem:$0x1F970] =	vst v51;
	v38 =	vld [tilespmem:$0x260]  }
0xeb: {  	[tilespmem:$0x1FB00] =	vst v19;
	v19 =	vld [tilespmem:$0x1F320]  }
0xec: {  	v48 =	vmul.f32 v45, v4;
	[tilespmem:$0x1FA90] =	vst v49;
	v33 =	vadd.f32 v14, v33;
	v14 =	vld [tilespmem:$0x1F310]  }
0xed: {  	v49 =	vbroadcast v26, $0xE;
	v51 =	vmul.f32 v50, v11;
	[tilespmem:$0x1FB80] =	vst v43;
	v43 =	vld [tilespmem:$0x1F340]  }
0xee: {  	v18 =	vmul.f32 v16, v3;
	v9 =	vadd.f32 v48, v23;
	[tilespmem:$0x1FB40] =	vst v40;
	v40 =	vld [tilespmem:$0x1F330]  }
0xef: {  	v45 =	vmul.f32 v44, v49;
	v32 =	vadd.f32 v51, v32;
	v51 =	vld [tilespmem:$0x1B50]  }
0xf0: {  	[tilespmem:$0x1F810] =	vst v35;
	v23 =	vmul.f32 v22, v6;
	v35 =	vadd.f32 v18, v9;
	v18 =	vld [tilespmem:$0x19D0]  }
0xf1: {  	v33 =	vadd.f32 v45, v33;
	v45 =	vld [tilespmem:$0x1F350]  }
0xf2: {  	v42 =	vmul.f32 v41, v8;
	v32 =	vadd.f32 v23, v32;
	v23 =	vld [tilespmem:$0x1A50]  }
0xf3: {  	v9 =	vmul.f32 v53, v4;
	v22 =	vmul.f32 v19, v3;
	v19 =	vld [tilespmem:$0x1F370]  }
0xf4: {  	v35 =	vadd.f32 v42, v35;
	v42 =	vld [tilespmem:$0x1AD0]  }
0xf5: {  	v48 =	vbroadcast v26, $0xF;
	v32 =	vadd.f32 v9, v32;
	v9 =	vld [tilespmem:$0x1F360]  }
0xf6: {  	v16 =	vmul.f32 v14, v1;
	v14 =	vld [tilespmem:$0x1BD0]  }
0xf7: {  	v41 =	vmul.f32 v40, v48;
	v40 =	vld [tilespmem:$0x2E0]  }
0xf8: {  	v32 =	vadd.f32 v22, v32;
	v50 =	vmul.f32 v45, v8;
	[tilespmem:$0x1FC40] =	vst v23;
	v23 =	vld [tilespmem:$0x1F380]  }
0xf9: {  	v53 =	vadd.f32 v41, v33;
	v33 =	vld [tilespmem:$0xE0]  }
0xfa: {  	[tilespmem:$0x1FC00] =	vst v18;
	v18 =	vadd.f32 v50, v32;
	v32 =	vld [tilespmem:$0x60]  }
0xfb: {  	[tilespmem:$0x1FBC0] =	vst v12;
	v22 =	vmul.f32 v19, v1;
	v50 =	vld [tilespmem:$0x1F390]  }
0xfc: {  	[tilespmem:$0x1FF70] =	vst v53;
	v12 =	vmul.f32 v9, v31;
	v9 =	vld [tilespmem:$0x1F3A0]  }
0xfd: {  	[tilespmem:$0x1FD10] =	vst v14;
	v14 =	vmul.f32 v46, v31;
	v53 =	vadd.f32 v22, v18;
	v18 =	vld [tilespmem:$0x1F3B0]  }
0xfe: {  	v44 =	vmul.f32 v43, v2;
	v26 =	vadd.f32 v16, v35;
	v22 =	vmul.f32 v47, v30;
	v47 =	vld [tilespmem:$0x1F3D0]  }
0xff: {  	[tilespmem:$0x1FC80] =	vst v42;
	v42 =	vadd.f32 $0.0e+00, v14;
	v14 =	vld [tilespmem:$0x1F3F0]  }
0x100: {  	v16 =	vadd.f32 v44, v26;
	v26 =	vmul.f32 v23, v5;
	v23 =	vld [tilespmem:$0x1F3C0]  }
0x101: {  	v43 =	vadd.f32 v22, v42;
	v42 =	vld [tilespmem:$0x360]  }
0x102: {  	[tilespmem:$0x1FCC0] =	vst v51;
	v45 =	vadd.f32 $0.0e+00, v12;
	v51 =	vmul.f32 v50, v30;
	v22 =	vld [tilespmem:$0x860]  }
0x103: {  	v12 =	vmul.f32 v9, v2;
	v9 =	vmul.f32 v58, v29;
	v58 =	vld [tilespmem:$0x8E0]  }
0x104: {  	v35 =	vadd.f32 v26, v16;
	v16 =	vadd.f32 v51, v45;
	v51 =	vld [tilespmem:$0x1F3E0]  }
0x105: {  	v19 =	vmul.f32 v18, v29;
	v18 =	vld [tilespmem:$0x1F400]  }
0x106: {  	v41 =	vadd.f32 v12, v53;
	v12 =	vld [tilespmem:$0x3E0]  }
0x107: {  	v43 =	vadd.f32 v9, v43;
	v9 =	vld [tilespmem:$0x1F430]  }
0x108: {  	v50 =	vmul.f32 v47, v28;
	v37 =	vadd.f32 v19, v16;
	v26 =	vmul.f32 v23, v10;
	v23 =	vld [tilespmem:$0x1F410]  }
0x109: {  	v53 =	vmul.f32 v51, v5;
	v51 =	vld [tilespmem:$0x1F420]  }
0x10a: {  	v16 =	vmul.f32 v14, v27;
	v37 =	vadd.f32 v50, v37;
	v50 =	vld [tilespmem:$0xA60]  }
0x10b: {  	v19 =	vmul.f32 v18, v28;
	v18 =	vld [tilespmem:$0x960]  }
0x10c: {  	v37 =	vadd.f32 v16, v37;
	v16 =	vmul.f32 v59, v27;
	v59 =	vld [tilespmem:$0x1F460]  }
0x10d: {  	v35 =	vadd.f32 v26, v35;
	v43 =	vadd.f32 v19, v43;
	v19 =	vld [tilespmem:$0x1F440]  }
0x10e: {  	v41 =	vadd.f32 v53, v41;
	v26 =	vmul.f32 v23, v7;
	v23 =	vld [tilespmem:$0x9E0];
	v53 =	vmul.f32 v51, v25  }
0x10f: {  	[tilespmem:$0x1FA20] =	vst v39;
	v14 =	vmul.f32 v9, v10;
	v9 =	vld [tilespmem:$0xAE0]  }
0x110: {  	[tilespmem:$0x1F8A0] =	vst v22;
	v37 =	vadd.f32 v53, v37;
	v53 =	vld [tilespmem:$0x1F450]  }
0x111: {  	[tilespmem:$0x1F8E0] =	vst v58;
	v41 =	vadd.f32 v14, v41;
	v14 =	vld [tilespmem:$0x1F470]  }
0x112: {  	[tilespmem:$0x1F900] =	vst v18;
	v18 =	vld [tilespmem:$0x1F480];
	v22 =	vmul.f32 v19, v24  }
0x113: {  	[tilespmem:$0x1F940] =	vst v23;
	v23 =	vld [tilespmem:$0xB60]  }
0x114: {  	v35 =	vadd.f32 v26, v35;
	v26 =	vmul.f32 v60, v25;
	[tilespmem:$0x1F990] =	vst v9;
	v37 =	vadd.f32 v22, v37;
	v22 =	vld [tilespmem:$0x1F490]  }
0x115: {  	v60 =	vmul.f32 v59, v21;
	v58 =	vmul.f32 v53, v63;
	v53 =	vld [tilespmem:$0xBE0]  }
0x116: {  	v43 =	vadd.f32 v16, v43;
	v46 =	vld [tilespmem:$0x1060]  }
0x117: {  	v37 =	vadd.f32 v60, v37;
	v60 =	vld [tilespmem:$0x1F4B0]  }
0x118: {  	v43 =	vadd.f32 v26, v43;
	v16 =	vmul.f32 v14, v7;
	v19 =	vmul.f32 v18, v24;
	v14 =	vld [tilespmem:$0x1F4C0]  }
0x119: {  	v18 =	vld [tilespmem:$0x10E0]  }
0x11a: {  	v43 =	vadd.f32 v19, v43;
	v19 =	vld [tilespmem:$0x1F4D0]  }
0x11b: {  	v35 =	vadd.f32 v58, v35;
	v26 =	vmul.f32 v22, v20;
	v58 =	vld [tilespmem:$0x1F4A0]  }
0x11c: {  	v45 =	vld [tilespmem:$0x1160]  }
0x11d: {  	v37 =	vadd.f32 v26, v37;
	v26 =	vld [tilespmem:$0x1F4E0]  }
0x11e: {  	v9 =	vmul.f32 v60, v62;
	v60 =	vld [tilespmem:$0x11E0]  }
0x11f: {  	[tilespmem:$0x1FA30] =	vst v18;
	v18 =	vld [tilespmem:$0x1F510]  }
0x120: {  	v59 =	vmul.f32 v58, v21;
	v58 =	vld [tilespmem:$0x1F4F0]  }
0x121: {  	v35 =	vadd.f32 v9, v35;
	v9 =	vld [tilespmem:$0x1F500]  }
0x122: {  	v41 =	vadd.f32 v16, v41;
	v16 =	vmul.f32 v14, v17;
	[tilespmem:$0x1FA40] =	vst v45;
	v45 =	vld [tilespmem:$0x12E0]  }
0x123: {  	[tilespmem:$0x1F9E0] =	vst v53;
	v22 =	vmul.f32 v19, v63;
	v53 =	vld [tilespmem:$0x1F530]  }
0x124: {  	v37 =	vadd.f32 v16, v37;
	v16 =	vld [tilespmem:$0x1260]  }
0x125: {  	v41 =	vadd.f32 v22, v41;
	v22 =	vld [tilespmem:$0x1F520];
	v43 =	vadd.f32 v59, v43;
	v44 =	vmul.f32 v26, v20  }
0x126: {  	v59 =	vmul.f32 v58, v15;
	v14 =	vmul.f32 v9, v17;
	v9 =	vld [tilespmem:$0x1360]  }
0x127: {  	v19 =	vmul.f32 v18, v57;
	v18 =	vld [tilespmem:$0x13E0];
	v43 =	vadd.f32 v44, v43  }
0x128: {  	v37 =	vadd.f32 v59, v37;
	v59 =	vld [tilespmem:$0x1F540]  }
0x129: {  	v43 =	vadd.f32 v14, v43;
	v14 =	vld [tilespmem:$0x1F550]  }
0x12a: {  	v44 =	vld [tilespmem:$0x1B60]  }
0x12b: {  	[tilespmem:$0x1FB20] =	vst v9;
	v9 =	vld [tilespmem:$0x1F580]  }
0x12c: {  	v26 =	vmul.f32 v22, v13;
	v35 =	vadd.f32 v19, v35;
	v19 =	vld [tilespmem:$0x1F560]  }
0x12d: {  	[tilespmem:$0x1FA70] =	vst v60;
	v58 =	vmul.f32 v53, v62;
	v60 =	vmul.f32 v59, v15;
	v59 =	vld [tilespmem:$0x1F570]  }
0x12e: {  	[tilespmem:$0x1FAB0] =	vst v16;
	v53 =	vld [tilespmem:$0x1F5A0];
	v37 =	vadd.f32 v26, v37;
	v16 =	vmul.f32 v14, v55  }
0x12f: {  	v41 =	vadd.f32 v58, v41;
	v58 =	vld [tilespmem:$0x1860]  }
0x130: {  	v37 =	vadd.f32 v16, v37;
	v16 =	vld [tilespmem:$0x18E0];
	v14 =	vmul.f32 v9, v61  }
0x131: {  	[tilespmem:$0x1FB60] =	vst v18;
	v18 =	vld [tilespmem:$0x1F590];
	v26 =	vmul.f32 v19, v13  }
0x132: {  	v43 =	vadd.f32 v60, v43;
	v60 =	vmul.f32 v59, v56;
	v37 =	vadd.f32 v14, v37;
	v14 =	vld [tilespmem:$0x19E0]  }
0x133: {  	v59 =	vld [tilespmem:$0x1960]  }
0x134: {  	[tilespmem:$0x1FBA0] =	vst v58;
	v58 =	vmul.f32 v53, v55;
	v43 =	vadd.f32 v26, v43;
	v35 =	vadd.f32 v60, v35;
	v60 =	vld [tilespmem:$0x1F5B0]  }
0x135: {  	[tilespmem:$0x1FBE0] =	vst v16;
	v16 =	vld [tilespmem:$0x1F5C0]  }
0x136: {  	v43 =	vadd.f32 v58, v43;
	v58 =	vld [tilespmem:$0x1F5E0]  }
0x137: {  	[tilespmem:$0x1FC60] =	vst v14;
	v14 =	vld [tilespmem:$0x1F600]  }
0x138: {  	v22 =	vmov v55;
	v55 =	vld [tilespmem:$0x1F5D0];
	v26 =	vmul.f32 v18, v57  }
0x139: {  	[tilespmem:$0x1FAF0] =	vst v45;
	v45 =	vld [tilespmem:$0x1F610];
	v9 =	vmul.f32 v60, v11  }
0x13a: {  	[tilespmem:$0x1FD20] =	vst v44;
	v44 =	vld [tilespmem:$0x2F0];
	v41 =	vadd.f32 v26, v41;
	v26 =	vmul.f32 v16, v61  }
0x13b: {  	[tilespmem:$0x1FC20] =	vst v59;
	v59 =	vmul.f32 v58, v6;
	v60 =	vld [tilespmem:$0x1AE0];
	v37 =	vadd.f32 v9, v37  }
0x13c: {  	v18 =	vmov v11;
	v43 =	vadd.f32 v26, v43;
	v26 =	vmul.f32 v14, v11;
	v11 =	vld [tilespmem:$0x1F640]  }
0x13d: {  	v39 =	vmul.f32 v55, v54;
	v37 =	vadd.f32 v59, v37;
	v59 =	vld [tilespmem:$0x1F620]  }
0x13e: {  	v51 =	vmul.f32 v45, v4;
	v19 =	vmov v61;
	v61 =	vld [tilespmem:$0x1F5F0]  }
0x13f: {  	v55 =	vadd.f32 v39, v35;
	v35 =	vld [tilespmem:$0xF0]  }
0x140: {  	v0 =	vmov v3;
	v51 =	vadd.f32 v51, v37;
	v37 =	vld [tilespmem:$0x1F650]  }
0x141: {  	v43 =	vadd.f32 v26, v43;
	v26 =	vmul.f32 v11, v0;
	v11 =	vld [tilespmem:$0x1F670]  }
0x142: {  	v58 =	vld [tilespmem:$0x1BE0];
	[tilespmem:$0x1FCE0] =	vst v60;
	v60 =	vmul.f32 v59, v6  }
0x143: {  	v9 =	vmul.f32 v61, v56;
	v61 =	vld [tilespmem:$0x1F630]  }
0x144: {  	v43 =	vadd.f32 v60, v43;
	v60 =	vld [tilespmem:$0x1F660]  }
0x145: {  	v53 =	vld [tilespmem:$0x1A60];
	v41 =	vadd.f32 v9, v41;
	v39 =	vmul.f32 v37, v54  }
0x146: {  	[tilespmem:$0x1FA60] =	vst v35;
	v51 =	vadd.f32 v26, v51;
	v35 =	vmul.f32 v11, v8;
	v11 =	vld [tilespmem:$0x270]  }
0x147: {  	[tilespmem:$0x1FD50] =	vst v58;
	v58 =	vadd.f32 v39, v41;
	v41 =	vld [tilespmem:$0x1F6A0]  }
0x148: {  	v16 =	vmov v6;
	v6 =	vmul.f32 v61, v52;
	v51 =	vadd.f32 v35, v51;
	v35 =	vld [tilespmem:$0x1F690]  }
0x149: {  	v9 =	vld [tilespmem:$0x170];
	v61 =	vmul.f32 v60, v4  }
0x14a: {  	[tilespmem:$0x1FCA0] =	vst v53;
	v53 =	vadd.f32 v6, v55;
	v55 =	vld [tilespmem:$0x1F720]  }
0x14b: {  	v47 =	vadd.f32 v61, v43;
	v61 =	vld [tilespmem:$0x1F680]  }
0x14c: {  	[tilespmem:$0x1FAC0] =	vst v11;
	v43 =	vmul.f32 v41, v1;
	v11 =	vld [tilespmem:$0x1F6C0]  }
0x14d: {  	v60 =	vld [tilespmem:$0x1F0];
	v37 =	vmul.f32 v35, v49  }
0x14e: {  	v35 =	vadd.f32 v43, v51;
	v51 =	vld [tilespmem:$0x3F0]  }
0x14f: {  	v53 =	vadd.f32 v37, v53;
	v37 =	vld [tilespmem:$0x1F6D0]  }
0x150: {  	[tilespmem:$0x1FA80] =	vst v9;
	v9 =	vmul.f32 v61, v0;
	v61 =	vld [tilespmem:$0x1F6E0]  }
0x151: {  	v6 =	vmov v1;
	v43 =	vmov v2;
	v1 =	vmul.f32 v11, v8;
	v11 =	vld [tilespmem:$0x1F6F0]  }
0x152: {  	v2 =	vmul.f32 v55, v43;
	v55 =	vld [tilespmem:$0xA70]  }
0x153: {  	v47 =	vadd.f32 v9, v47;
	v9 =	vld [tilespmem:$0x1F6B0]  }
0x154: {  	[tilespmem:$0x1FB10] =	vst v51;
	v51 =	vld [tilespmem:$0x1F710];
	v41 =	vmul.f32 v37, v43  }
0x155: {  	v37 =	vld [tilespmem:$0x1F700]  }
0x156: {  	v26 =	vmov v8;
	v8 =	vmul.f32 v61, v6;
	v61 =	vadd.f32 v41, v35;
	v41 =	vld [tilespmem:$0x8F0]  }
0x157: {  	v1 =	vadd.f32 v1, v47;
	v35 =	vmul.f32 v11, v48;
	v11 =	vld [tilespmem:$0x1F730]  }
0x158: {  	v39 =	vmov v0;
	v0 =	vmul.f32 v9, v52;
	v9 =	vld [tilespmem:$0x870]  }
0x159: {  	[tilespmem:$0x1FAE0] =	vst v44;
	v44 =	vadd.f32 v8, v1;
	v1 =	vmul.f32 v51, v5;
	v51 =	vld [tilespmem:$0x1F790]  }
0x15a: {  	v8 =	vadd.f32 v35, v53;
	v53 =	vld [tilespmem:$0xBF0]  }
0x15b: {  	v14 =	vmov v4;
	v4 =	vadd.f32 v0, v58;
	v58 =	vld [tilespmem:$0x970]  }
0x15c: {  	v0 =	vmul.f32 v37, v49;
	v37 =	vld [tilespmem:$0x9F0]  }
0x15d: {  	[tilespmem:$0x1FF80] =	vst v8;
	v8 =	vld [tilespmem:$0x1F760]  }
0x15e: {  	[tilespmem:$0x1FB50] =	vst v41;
	v41 =	vld [tilespmem:$0x1F740]  }
0x15f: {  	v35 =	vmul.f32 v11, v31;
	v11 =	vld [tilespmem:$0x1F770]  }
0x160: {  	[tilespmem:$0x1FC10] =	vst v53;
	v53 =	vmul.f32 v34, v29;
	v34 =	vld [tilespmem:$0x1F850]  }
0x161: {  	[tilespmem:$0x1FB70] =	vst v58;
	v58 =	vld [tilespmem:$0x1F750]  }
0x162: {  	v47 =	vmov v6;
	v6 =	vadd.f32 v1, v61;
	[tilespmem:$0x1FB90] =	vst v37;
	v37 =	vld [tilespmem:$0x1F780]  }
0x163: {  	[tilespmem:$0x1FB30] =	vst v9;
	v9 =	vmovc v5;
	v5 =	vadd.f32 v0, v4;
	v4 =	vadd.f32 $0.0e+00, v35;
	v0 =	vmul.f32 v8, v30;
	v8 =	vld [tilespmem:$0x1F7B0]  }
0x164: {  	v2 =	vadd.f32 v2, v44;
	v61 =	vmovc v9;
	v44 =	vmul.f32 v41, v9;
	v9 =	vld [tilespmem:$0xAF0];
	v35 =	vmul.f32 v11, v10  }
0x165: {  	v0 =	vadd.f32 v0, v4;
	v4 =	vmul.f32 v51, v29;
	v51 =	vld [tilespmem:$0x11F0]  }
0x166: {  	v3 =	vadd.f32 v35, v6;
	v35 =	vld [tilespmem:$0x1170]  }
0x167: {  	[tilespmem:$0x1FAA0] =	vst v60;
	v60 =	vmul.f32 v58, v48;
	v58 =	vld [tilespmem:$0x1070]  }
0x168: {  	v1 =	vmul.f32 v37, v10;
	v37 =	vld [tilespmem:$0x1F7D0]  }
0x169: {  	v2 =	vadd.f32 v44, v2;
	v44 =	vmov v10;
	v10 =	vld [tilespmem:$0x1F7C0]  }
0x16a: {  	[tilespmem:$0x1FBB0] =	vst v55;
	v55 =	vmul.f32 v32, v31;
	v5 =	vadd.f32 v60, v5;
	v60 =	vld [tilespmem:$0x1F7A0]  }
0x16b: {  	[tilespmem:$0x1FBD0] =	vst v9;
	v9 =	vld [tilespmem:$0x10F0]  }
0x16c: {  	v11 =	vmul.f32 v33, v30;
	v1 =	vadd.f32 v1, v2;
	v2 =	vadd.f32 $0.0e+00, v55;
	v55 =	vld [tilespmem:$0x1270]  }
0x16d: {  	[tilespmem:$0x1FC90] =	vst v51;
	v51 =	vld [tilespmem:$0x13F0]  }
0x16e: {  	v2 =	vadd.f32 v11, v2;
	v11 =	vmul.f32 v36, v28;
	v36 =	vld [tilespmem:$0x1370]  }
0x16f: {  	[tilespmem:$0x1FC70] =	vst v35;
	v35 =	vld [tilespmem:$0x19F0]  }
0x170: {  	[tilespmem:$0x1FC30] =	vst v58;
	v58 =	vld [tilespmem:$0x1F7E0]  }
0x171: {  	v6 =	vmul.f32 v10, v7;
	v10 =	vld [tilespmem:$0x1F800]  }
0x172: {  	v2 =	vadd.f32 v53, v2;
	v53 =	vmul.f32 v38, v27;
	v38 =	vld [tilespmem:$0x1F860]  }
0x173: {  	v0 =	vadd.f32 v4, v0;
	v4 =	vmul.f32 v60, v7;
	v60 =	vld [tilespmem:$0x1F7F0]  }
0x174: {  	[tilespmem:$0x1FC50] =	vst v9;
	v9 =	vld [tilespmem:$0x12F0]  }
0x175: {  	[tilespmem:$0x1FCB0] =	vst v55;
	v55 =	vld [tilespmem:$0x1870]  }
0x176: {  	[tilespmem:$0x1FF90] =	vst v5;
	v2 =	vadd.f32 v11, v2;
	v11 =	vmul.f32 v40, v25;
	v40 =	vld [tilespmem:$0x1F870]  }
0x177: {  	v5 =	vmul.f32 v8, v28;
	[tilespmem:$0x1FD30] =	vst v51;
	v51 =	vld [tilespmem:$0x1F880]  }
0x178: {  	v3 =	vadd.f32 v4, v3;
	v4 =	vmul.f32 v37, v27;
	v37 =	vld [tilespmem:$0x1F810]  }
0x179: {  	v0 =	vadd.f32 v5, v0;
	[tilespmem:$0x1FCF0] =	vst v36;
	v36 =	vmul.f32 v42, v24;
	v42 =	vld [tilespmem:$0x1AF0]  }
0x17a: {  	[tilespmem:$0x1FDB0] =	vst v35;
	v35 =	vld [tilespmem:$0x1F8D0]  }
0x17b: {  	v0 =	vadd.f32 v4, v0;
	v4 =	vmul.f32 v58, v63;
	v58 =	vld [tilespmem:$0x1F820]  }
0x17c: {  	v5 =	vmul.f32 v10, v63;
	v10 =	vld [tilespmem:$0x1F840]  }
0x17d: {  	v1 =	vadd.f32 v6, v1;
	v6 =	vmul.f32 v60, v25;
	v60 =	vld [tilespmem:$0x1F830]  }
0x17e: {  	v2 =	vadd.f32 v53, v2;
	[tilespmem:$0x1FCD0] =	vst v9;
	v9 =	vld [tilespmem:$0x18F0]  }
0x17f: {  	[tilespmem:$0x1FD60] =	vst v55;
	v55 =	vld [tilespmem:$0x1B70]  }
0x180: {  	v2 =	vadd.f32 v11, v2;
	v11 =	vld [tilespmem:$0x1F8C0]  }
0x181: {  	v3 =	vadd.f32 v4, v3;
	v4 =	vmul.f32 v37, v24;
	v37 =	vld [tilespmem:$0x1A70]  }
0x182: {  	v0 =	vadd.f32 v6, v0;
	v2 =	vadd.f32 v36, v2;
	v36 =	vld [tilespmem:$0x1F8E0]  }
0x183: {  	[tilespmem:$0x1FE10] =	vst v42;
	v42 =	vld [tilespmem:$0x1F910]  }
0x184: {  	v0 =	vadd.f32 v4, v0;
	v4 =	vmul.f32 v58, v62;
	v6 =	vmul.f32 v60, v21;
	[tilespmem:$0x1FD70] =	vst v9;
	v9 =	vld [tilespmem:$0x1F8A0]  }
0x185: {  	v1 =	vadd.f32 v5, v1;
	v5 =	vmul.f32 v10, v62;
	v58 =	vld [tilespmem:$0x1F890]  }
0x186: {  	v10 =	vld [tilespmem:$0x1F8B0];
	v3 =	vadd.f32 v4, v3;
	v4 =	vmul.f32 v34, v20;
	v0 =	vadd.f32 v6, v0  }
0x187: {  	v53 =	vmul.f32 v12, v21;
	v60 =	vld [tilespmem:$0x1BF0];
	v1 =	vadd.f32 v5, v1;
	v5 =	vmul.f32 v51, v57  }
0x188: {  	v6 =	vmul.f32 v40, v17;
	v40 =	vld [tilespmem:$0x1F900];
	v0 =	vadd.f32 v4, v0;
	v4 =	vmul.f32 v38, v57  }
0x189: {  	v2 =	vadd.f32 v53, v2;
	v1 =	vadd.f32 v5, v1;
	v38 =	vld [tilespmem:$0x1F8F0];
	v5 =	vmul.f32 v9, v20  }
0x18a: {  	[tilespmem:$0x1FE50] =	vst v55;
	v55 =	vld [tilespmem:$0x1F930];
	v3 =	vadd.f32 v4, v3;
	v0 =	vadd.f32 v6, v0;
	v4 =	vmul.f32 v58, v15  }
0x18b: {  	v51 =	vld [tilespmem:$0x1F920];
	[tilespmem:$0x1FDE0] =	vst v37;
	v37 =	vmul.f32 v36, v17;
	v2 =	vadd.f32 v5, v2;
	v5 =	vmul.f32 v35, v56  }
0x18c: {  	v12 =	vmul.f32 v11, v13;
	v58 =	vld [tilespmem:$0x1F940];
	v0 =	vadd.f32 v4, v0;
	v4 =	vmul.f32 v10, v56  }
0x18d: {  	v35 =	vld [tilespmem:$0x1F950];
	v1 =	vadd.f32 v5, v1;
	v2 =	vadd.f32 v37, v2;
	v5 =	vmul.f32 v40, v15  }
0x18e: {  	v3 =	vadd.f32 v4, v3;
	v0 =	vadd.f32 v12, v0;
	v4 =	vmul.f32 v38, v22;
	v38 =	vld [tilespmem:$0x1F970]  }
0x18f: {  	v2 =	vadd.f32 v5, v2;
	v5 =	vmul.f32 v55, v54;
	v55 =	vld [tilespmem:$0x1F9A0]  }
0x190: {  	v53 =	vmul.f32 v51, v19;
	v0 =	vadd.f32 v4, v0;
	v4 =	vmul.f32 v42, v54;
	v42 =	vld [tilespmem:$0x1F990]  }
0x191: {  	v45 =	vld [tilespmem:$0x70];
	[tilespmem:$0x1FE80] =	vst v60;
	v60 =	vmul.f32 v58, v13  }
0x192: {  	v59 =	vld [tilespmem:$0x370];
	v3 =	vadd.f32 v4, v3;
	v0 =	vadd.f32 v53, v0;
	v4 =	vmul.f32 v35, v18  }
0x193: {  	v33 =	vld [tilespmem:$0x1970];
	v36 =	vmul.f32 v50, v22;
	v2 =	vadd.f32 v60, v2  }
0x194: {  	v37 =	vld [tilespmem:$0x1F960];
	v32 =	vmul.f32 v38, v16;
	v0 =	vadd.f32 v4, v0  }
0x195: {  	v2 =	vadd.f32 v36, v2;
	v58 =	vmul.f32 v55, v14;
	v55 =	vld [tilespmem:$0x1F9D0];
	v51 =	vmul.f32 v42, v19  }
0x196: {  	v40 =	vld [tilespmem:$0x1F980];
	v53 =	vadd.f32 v32, v0  }
0x197: {  	v2 =	vadd.f32 v51, v2;
	v51 =	vld [tilespmem:$0x1F9B0]  }
0x198: {  	v36 =	vadd.f32 v58, v53;
	v53 =	vld [tilespmem:$0x1F9C0]  }
0x199: {  	v58 =	vld [tilespmem:$0x1F9E0]  }
0x19a: {  	v42 =	vmul.f32 v55, v49;
	v55 =	vld [tilespmem:$0x1FA00]  }
0x19b: {  	v41 =	vld [tilespmem:$0xB70];
	v4 =	vmul.f32 v37, v52  }
0x19c: {  	[tilespmem:$0x1FD90] =	vst v33;
	v33 =	vld [tilespmem:$0xC80];
	v1 =	vadd.f32 v5, v1;
	v60 =	vmul.f32 v23, v18;
	v5 =	vmul.f32 v40, v52  }
0x19d: {  	v8 =	vld [tilespmem:$0x580];
	v3 =	vadd.f32 v4, v3;
	v38 =	vmul.f32 v51, v49  }
0x19e: {  	v1 =	vadd.f32 v5, v1;
	v2 =	vadd.f32 v60, v2;
	v60 =	vmul.f32 v58, v16;
	v58 =	vld [tilespmem:$0x1FA10]  }
0x19f: {  	v40 =	vmul.f32 v53, v39;
	v4 =	vadd.f32 v38, v3;
	v38 =	vld [tilespmem:$0x1F9F0];
	v53 =	vmul.f32 v55, v48  }
0x1a0: {  	[tilespmem:$0x1FBF0] =	vst v41;
	v41 =	vmov v7;
	v7 =	vld [tilespmem:$0x500];
	v3 =	vadd.f32 v42, v1  }
0x1a1: {  	v42 =	vmul.f32 v46, v14;
	v2 =	vadd.f32 v60, v2;
	v4 =	vadd.f32 v53, v4;
	v53 =	vld [tilespmem:$0x1FA40]  }
0x1a2: {  	v55 =	vld [tilespmem:$0x1FA50];
	v40 =	vadd.f32 v40, v36  }
0x1a3: {  	v2 =	vadd.f32 v42, v2;
	v42 =	vld [tilespmem:$0x1FA20];
	v60 =	vmul.f32 v58, v48  }
0x1a4: {  	v58 =	vld [tilespmem:$0x1FA30];
	v51 =	vmul.f32 v38, v26  }
0x1a5: {  	v11 =	vld [tilespmem:$0x700];
	[tilespmem:$0x1FFA0] =	vst v4;
	v3 =	vadd.f32 v60, v3  }
0x1a6: {  	v60 =	vmul.f32 v45, v31;
	v46 =	vadd.f32 v51, v40;
	v4 =	vmul.f32 v53, v26;
	v40 =	vmovc v26;
	v26 =	vld [tilespmem:$0x1680]  }
0x1a7: {  	v53 =	vmul.f32 v55, v43;
	v55 =	vld [tilespmem:$0x1FA70]  }
0x1a8: {  	v23 =	vmov v39;
	v0 =	vmul.f32 v42, v47;
	[tilespmem:$0x1FFB0] =	vst v3;
	v3 =	vadd.f32 $0.0e+00, v60;
	v60 =	vld [tilespmem:$0x1FA60]  }
0x1a9: {  	v34 =	vld [tilespmem:$0x480];
	v1 =	vmul.f32 v58, v23  }
0x1aa: {  	v50 =	vld [tilespmem:$0xC00];
	v0 =	vadd.f32 v0, v46  }
0x1ab: {  	v1 =	vadd.f32 v1, v2;
	[tilespmem:$0x1FD00] =	vst v26;
	v26 =	vld [tilespmem:$0x1700]  }
0x1ac: {  	v6 =	vld [tilespmem:$0x400];
	v2 =	vadd.f32 v53, v0  }
0x1ad: {  	v53 =	vld [tilespmem:$0x1FA80];
	v45 =	vmul.f32 v60, v30;
	v1 =	vadd.f32 v4, v1;
	v60 =	vmul.f32 v55, v47  }
0x1ae: {  	v9 =	vld [tilespmem:$0x600]  }
0x1af: {  	v45 =	vadd.f32 v45, v3;
	v3 =	vadd.f32 v60, v1;
	v60 =	vld [tilespmem:$0x1FA90]  }
0x1b0: {  	[tilespmem:$0x1FD40] =	vst v26;
	v26 =	vld [tilespmem:$0x1C80]  }
0x1b1: {  	v10 =	vld [tilespmem:$0x680];
	v6 =	vmul.f32 v6, v31  }
0x1b2: {  	v12 =	vld [tilespmem:$0x780];
	v0 =	vmul.f32 v53, v29  }
0x1b3: {  	v4 =	vadd.f32 $0.0e+00, v6;
	v6 =	vld [tilespmem:$0x1FAA0]  }
0x1b4: {  	v1 =	vadd.f32 v0, v45;
	v45 =	vmul.f32 v60, v61;
	v60 =	vld [tilespmem:$0x1FAB0]  }
0x1b5: {  	[tilespmem:$0x1FD80] =	vst v26;
	v26 =	vld [tilespmem:$0x1D00]  }
0x1b6: {  	v2 =	vadd.f32 v45, v2;
	v45 =	vld [tilespmem:$0x1FAC0]  }
0x1b7: {  	v34 =	vmul.f32 v34, v30;
	v35 =	vld [tilespmem:$0xD00]  }
0x1b8: {  	v37 =	vld [tilespmem:$0xE00]  }
0x1b9: {  	v4 =	vadd.f32 v34, v4;
	v0 =	vmul.f32 v6, v28;
	v34 =	vmul.f32 v60, v43;
	v60 =	vld [tilespmem:$0x1D80]  }
0x1ba: {  	[tilespmem:$0x1FDA0] =	vst v26;
	v26 =	vld [tilespmem:$0x1E00]  }
0x1bb: {  	v0 =	vadd.f32 v0, v1;
	v1 =	vmul.f32 v45, v27;
	v45 =	vld [tilespmem:$0x1FAE0]  }
0x1bc: {  	v3 =	vadd.f32 v34, v3;
	v34 =	vld [tilespmem:$0x1FAD0]  }
0x1bd: {  	v7 =	vmul.f32 v7, v29;
	v5 =	vld [tilespmem:$0xF00]  }
0x1be: {  	[tilespmem:$0x1FDC0] =	vst v60;
	v60 =	vld [tilespmem:$0x1E80]  }
0x1bf: {  	v4 =	vadd.f32 v7, v4;
	v7 =	vmul.f32 v8, v28;
	[tilespmem:$0x1FDF0] =	vst v26;
	v26 =	vld [tilespmem:$0x1FAF0]  }
0x1c0: {  	v0 =	vadd.f32 v1, v0;
	v8 =	vmul.f32 v45, v25;
	v45 =	vld [tilespmem:$0x1F00]  }
0x1c1: {  	v9 =	vmul.f32 v9, v27;
	v32 =	vld [tilespmem:$0xD80];
	v4 =	vadd.f32 v7, v4;
	v1 =	vmul.f32 v34, v44  }
0x1c2: {  	v59 =	vmul.f32 v59, v24;
	v39 =	vld [tilespmem:$0xE80];
	v0 =	vadd.f32 v8, v0  }
0x1c3: {  	v4 =	vadd.f32 v9, v4;
	v1 =	vadd.f32 v1, v2;
	[tilespmem:$0x1FE30] =	vst v60;
	v60 =	vld [tilespmem:$0x1F80]  }
0x1c4: {  	v2 =	vadd.f32 v59, v0;
	v59 =	vld [tilespmem:$0x1FB10];
	v34 =	vmul.f32 v26, v61;
	v26 =	vmul.f32 v10, v25  }
0x1c5: {  	[tilespmem:$0x1FE70] =	vst v45;
	v45 =	vld [tilespmem:$0x1FB00]  }
0x1c6: {  	v4 =	vadd.f32 v26, v4;
	v26 =	vld [tilespmem:$0x1FB20]  }
0x1c7: {  	v36 =	vld [tilespmem:$0xF80]  }
0x1c8: {  	v38 =	vld [tilespmem:$0x1400]  }
0x1c9: {  	v7 =	vmul.f32 v12, v21;
	v12 =	vld [tilespmem:$0x1FB40]  }
0x1ca: {  	[tilespmem:$0x1FEA0] =	vst v60;
	v60 =	vmul.f32 v59, v21;
	v59 =	vld [tilespmem:$0x1FB30]  }
0x1cb: {  	v8 =	vmul.f32 v45, v41;
	v45 =	vmul.f32 v26, v44;
	v26 =	vld [tilespmem:$0x1FB50]  }
0x1cc: {  	v51 =	vld [tilespmem:$0x1480]  }
0x1cd: {  	v42 =	vld [tilespmem:$0x1500]  }
0x1ce: {  	v1 =	vadd.f32 v8, v1;
	v8 =	vmul.f32 v12, v63;
	v12 =	vld [tilespmem:$0x1FB60]  }
0x1cf: {  	v11 =	vmul.f32 v11, v24;
	v58 =	vld [tilespmem:$0x1580]  }
0x1d0: {  	v2 =	vadd.f32 v60, v2;
	v60 =	vmul.f32 v59, v20;
	v59 =	vmul.f32 v26, v17;
	v26 =	vld [tilespmem:$0x1FB70]  }
0x1d1: {  	v46 =	vld [tilespmem:$0x1600];
	v4 =	vadd.f32 v11, v4  }
0x1d2: {  	v55 =	vld [tilespmem:$0x1C00];
	v2 =	vadd.f32 v60, v2  }
0x1d3: {  	v53 =	vld [tilespmem:$0x1780];
	v4 =	vadd.f32 v7, v4;
	v7 =	vmul.f32 v12, v41;
	v12 =	vmul.f32 v50, v20  }
0x1d4: {  	v6 =	vld [tilespmem:$0x510];
	v2 =	vadd.f32 v59, v2  }
0x1d5: {  	v9 =	vld [tilespmem:$0x490];
	v4 =	vadd.f32 v12, v4;
	v59 =	vmul.f32 v26, v15;
	v26 =	vmul.f32 v33, v17  }
0x1d6: {  	v10 =	vld [tilespmem:$0x590]  }
0x1d7: {  	v4 =	vadd.f32 v26, v4;
	v26 =	vld [tilespmem:$0x1FBA0]  }
0x1d8: {  	v3 =	vadd.f32 v34, v3;
	v2 =	vadd.f32 v59, v2;
	v59 =	vld [tilespmem:$0x1FB80]  }
0x1d9: {  	v11 =	vld [tilespmem:$0x1FB90]  }
0x1da: {  	v3 =	vadd.f32 v45, v3;
	v33 =	vld [tilespmem:$0xC10]  }
0x1db: {  	v34 =	vld [tilespmem:$0x410]  }
0x1dc: {  	v35 =	vmul.f32 v35, v15;
	v3 =	vadd.f32 v7, v3;
	v7 =	vmul.f32 v26, v63;
	v26 =	vld [tilespmem:$0x1FBB0]  }
0x1dd: {  	v12 =	vmul.f32 v59, v62;
	v59 =	vld [tilespmem:$0xD10]  }
0x1de: {  	v7 =	vadd.f32 v7, v3;
	v3 =	vadd.f32 v35, v4;
	v35 =	vld [tilespmem:$0x1FBD0]  }
0x1df: {  	v45 =	vld [tilespmem:$0x610];
	v8 =	vadd.f32 v8, v1;
	[tilespmem:$0x1FDD0] =	vst v33;
	v33 =	vmul.f32 v11, v13  }
0x1e0: {  	v1 =	vld [tilespmem:$0x790]  }
0x1e1: {  	v60 =	vld [tilespmem:$0x690];
	v2 =	vadd.f32 v33, v2;
	v12 =	vadd.f32 v12, v8;
	v8 =	vmul.f32 v26, v22  }
0x1e2: {  	v4 =	vmul.f32 v32, v13;
	v32 =	vld [tilespmem:$0x1FBC0]  }
0x1e3: {  	[tilespmem:$0x1FE00] =	vst v59;
	v59 =	vld [tilespmem:$0xD90];
	v2 =	vadd.f32 v8, v2;
	v35 =	vmul.f32 v35, v19  }
0x1e4: {  	v37 =	vmul.f32 v37, v22;
	v50 =	vld [tilespmem:$0x710];
	v4 =	vadd.f32 v4, v3  }
0x1e5: {  	v2 =	vadd.f32 v35, v2;
	v35 =	vld [tilespmem:$0x1FBF0]  }
0x1e6: {  	v4 =	vadd.f32 v37, v4;
	v37 =	vmul.f32 v39, v19;
	v39 =	vld [tilespmem:$0x1FC10]  }
0x1e7: {  	v8 =	vld [tilespmem:$0x1FBE0]  }
0x1e8: {  	v32 =	vmul.f32 v32, v57;
	[tilespmem:$0x1FE20] =	vst v59;
	v59 =	vld [tilespmem:$0xE90]  }
0x1e9: {  	v11 =	vld [tilespmem:$0xC90]  }
0x1ea: {  	v3 =	vld [tilespmem:$0xF10];
	v12 =	vadd.f32 v32, v12;
	v32 =	vmul.f32 v35, v18  }
0x1eb: {  	v26 =	vld [tilespmem:$0xE10]  }
0x1ec: {  	v37 =	vadd.f32 v37, v4;
	v4 =	vld [tilespmem:$0x1510];
	v39 =	vmul.f32 v39, v16;
	v2 =	vadd.f32 v32, v2  }
0x1ed: {  	[tilespmem:$0x1FE60] =	vst v59;
	v59 =	vmul.f32 v8, v62;
	v8 =	vld [tilespmem:$0xF90]  }
0x1ee: {  	v2 =	vadd.f32 v39, v2;
	v39 =	vld [tilespmem:$0x1FC30]  }
0x1ef: {  	v5 =	vmul.f32 v5, v18;
	v35 =	vadd.f32 v59, v7;
	v59 =	vld [tilespmem:$0x1490]  }
0x1f0: {  	v32 =	vld [tilespmem:$0x1FC00]  }
0x1f1: {  	v5 =	vadd.f32 v5, v37;
	v37 =	vld [tilespmem:$0x1FC50]  }
0x1f2: {  	[tilespmem:$0x1FE40] =	vst v26;
	v7 =	vld [tilespmem:$0x1410]  }
0x1f3: {  	[tilespmem:$0x1FE90] =	vst v8;
	v8 =	vld [tilespmem:$0x1FC20];
	v39 =	vmul.f32 v39, v14  }
0x1f4: {  	v26 =	vmov v19;
	v19 =	vmov v16;
	[tilespmem:$0x1FEB0] =	vst v59;
	v59 =	vmul.f32 v36, v16;
	v16 =	vld [tilespmem:$0x1610]  }
0x1f5: {  	v32 =	vmul.f32 v32, v56;
	v2 =	vadd.f32 v39, v2;
	v39 =	vld [tilespmem:$0x1690]  }
0x1f6: {  	v36 =	vld [tilespmem:$0x1FC40]  }
0x1f7: {  	v32 =	vadd.f32 v32, v12;
	v12 =	vld [tilespmem:$0x1590]  }
0x1f8: {  	v38 =	vmul.f32 v38, v14;
	v5 =	vadd.f32 v59, v5;
	v59 =	vld [tilespmem:$0x1FC60]  }
0x1f9: {  	v33 =	vmovc v22;
	v22 =	vmov v18;
	v18 =	vmov v14;
	v14 =	vmul.f32 v42, v40;
	v42 =	vld [tilespmem:$0x1D10]  }
0x1fa: {  	v0 =	vmul.f32 v8, v57;
	v8 =	vmul.f32 v51, v23;
	v5 =	vadd.f32 v38, v5;
	[tilespmem:$0x1FED0] =	vst v39;
	v39 =	vld [tilespmem:$0x1FC70]  }
0x1fb: {  	v38 =	vld [tilespmem:$0x1FC80]  }
0x1fc: {  	v5 =	vadd.f32 v8, v5;
	v8 =	vld [tilespmem:$0x1FCA0]  }
0x1fd: {  	v0 =	vadd.f32 v0, v35;
	v36 =	vmul.f32 v36, v54;
	v35 =	vmul.f32 v59, v56;
	v59 =	vld [tilespmem:$0x1790]  }
0x1fe: {  	v37 =	vmul.f32 v37, v23;
	[tilespmem:$0x1FEC0] =	vst v16;
	v16 =	vld [tilespmem:$0x1710]  }
0x1ff: {  	v32 =	vadd.f32 v36, v32;
	v36 =	vmul.f32 v39, v40;
	v39 =	vld [tilespmem:$0x1FC90]  }
0x200: {  	v2 =	vadd.f32 v37, v2;
	v37 =	vld [tilespmem:$0x1C10];
	[tilespmem:$0x1FF20] =	vst v42;
	v5 =	vadd.f32 v14, v5  }
0x201: {  	v42 =	vld [tilespmem:$0x1E10];
	v0 =	vadd.f32 v35, v0;
	v35 =	vmul.f32 v8, v54;
	v8 =	vmovc v40;
	v40 =	vmul.f32 v58, v47  }
0x202: {  	[tilespmem:$0x1FEF0] =	vst v59;
	v59 =	vld [tilespmem:$0x1C90]  }
0x203: {  	v5 =	vadd.f32 v40, v5;
	v40 =	vld [tilespmem:$0x1FCE0]  }
0x204: {  	v2 =	vadd.f32 v36, v2;
	v51 =	vmul.f32 v39, v47;
	v39 =	vld [tilespmem:$0x1D90]  }
0x205: {  	v14 =	vmov v47;
	v47 =	vld [tilespmem:$0x1FCC0]  }
0x206: {  	v2 =	vadd.f32 v51, v2;
	v51 =	vld [tilespmem:$0x1FCB0]  }
0x207: {  	[tilespmem:$0x1FF00] =	vst v37;
	v37 =	vld [tilespmem:$0x420]  }
0x208: {  	v46 =	vmul.f32 v46, v43;
	[tilespmem:$0x1FF40] =	vst v42;
	v58 =	vld [tilespmem:$0x1FCD0];
	v36 =	vmul.f32 v38, v52  }
0x209: {  	v0 =	vadd.f32 v35, v0;
	v42 =	vmul.f32 v40, v52;
	[tilespmem:$0x1FF30] =	vst v39;
	v39 =	vld [tilespmem:$0x1E90]  }
0x20a: {  	v32 =	vadd.f32 v36, v32;
	v5 =	vadd.f32 v46, v5;
	v46 =	vld [tilespmem:$0x1FD40]  }
0x20b: {  	[tilespmem:$0x1FF10] =	vst v59;
	v0 =	vadd.f32 v42, v0;
	v42 =	vld [tilespmem:$0x1FD20];
	v59 =	vmul.f32 v51, v43;
	v51 =	vmul.f32 v47, v49  }
0x20c: {  	v47 =	vld [tilespmem:$0x1F10]  }
0x20d: {  	v32 =	vadd.f32 v51, v32;
	v51 =	vld [tilespmem:$0x1FCF0]  }
0x20e: {  	[tilespmem:$0x1FF50] =	vst v39;
	v39 =	vld [tilespmem:$0x1FD00]  }
0x20f: {  	v2 =	vadd.f32 v59, v2;
	v59 =	vmul.f32 v58, v61;
	v58 =	vld [tilespmem:$0x1F90]  }
0x210: {  	v40 =	vld [tilespmem:$0x1FD10]  }
0x211: {  	[tilespmem:$0x1FEE0] =	vst v16;
	v16 =	vmov v23;
	v23 =	vmov v43;
	v43 =	vld [tilespmem:$0x1FD30]  }
0x212: {  	v38 =	vmul.f32 v42, v49;
	v42 =	vld [tilespmem:$0x520];
	v2 =	vadd.f32 v59, v2;
	v36 =	vmul.f32 v51, v44  }
0x213: {  	[tilespmem:$0x1FF60] =	vst v47;
	v51 =	vmul.f32 v53, v41;
	v53 =	vld [tilespmem:$0x1FD50];
	v35 =	vmul.f32 v39, v61  }
0x214: {  	v6 =	vmul.f32 v6, v29;
	v47 =	vmul.f32 v34, v31;
	[tilespmem:$0x1FFC0] =	vst v58;
	v58 =	vld [tilespmem:$0x1FD60];
	v36 =	vadd.f32 v36, v2  }
0x215: {  	v39 =	vld [tilespmem:$0x4A0];
	v2 =	vmul.f32 v40, v48;
	v40 =	vmul.f32 v46, v44;
	v5 =	vadd.f32 v35, v5  }
0x216: {  	v0 =	vadd.f32 v38, v0;
	v35 =	vmul.f32 v43, v41;
	v43 =	vmul.f32 v55, v63;
	v55 =	vld [tilespmem:$0x1FD70]  }
0x217: {  	v9 =	vmul.f32 v9, v30;
	v38 =	vld [tilespmem:$0x5A0];
	v2 =	vadd.f32 v2, v32;
	v5 =	vadd.f32 v40, v5  }
0x218: {  	v59 =	vmovc v44;
	v44 =	vld [tilespmem:$0x6A0];
	v32 =	vadd.f32 $0.0e+00, v47;
	v35 =	vadd.f32 v35, v36;
	v40 =	vmul.f32 v53, v48  }
0x219: {  	v46 =	vld [tilespmem:$0xCA0];
	v34 =	vmul.f32 v58, v63;
	v5 =	vadd.f32 v51, v5;
	v51 =	vmul.f32 v37, v31  }
0x21a: {  	v36 =	vld [tilespmem:$0x620];
	v47 =	vadd.f32 v9, v32;
	v39 =	vmul.f32 v39, v30;
	v0 =	vadd.f32 v40, v0  }
0x21b: {  	v53 =	vld [tilespmem:$0x720];
	v32 =	vadd.f32 v34, v35;
	v58 =	vmul.f32 v55, v62;
	v35 =	vadd.f32 $0.0e+00, v51  }
0x21c: {  	v9 =	vld [tilespmem:$0x7A0];
	[tilespmem:$0x1FFE0] =	vst v0;
	v0 =	vadd.f32 v6, v47  }
0x21d: {  	v37 =	vld [tilespmem:$0x1FD80];
	v51 =	vmul.f32 v42, v29;
	v6 =	vadd.f32 v58, v32;
	v32 =	vadd.f32 v39, v35  }
0x21e: {  	[tilespmem:$0x1FFD0] =	vst v2;
	v2 =	vld [tilespmem:$0x15A0]  }
0x21f: {  	v10 =	vmul.f32 v10, v28;
	v32 =	vadd.f32 v51, v32;
	v51 =	vld [tilespmem:$0x1FDA0]  }
0x220: {  	v40 =	vld [tilespmem:$0xC20]  }
0x221: {  	v34 =	vmul.f32 v44, v25;
	v44 =	vld [tilespmem:$0x1520];
	v47 =	vmul.f32 v45, v27;
	v0 =	vadd.f32 v10, v0  }
0x222: {  	v55 =	vld [tilespmem:$0xD20];
	v5 =	vadd.f32 v43, v5;
	v43 =	vmul.f32 v37, v62  }
0x223: {  	v37 =	vmul.f32 v50, v24;
	v50 =	vld [tilespmem:$0x1FDC0];
	v0 =	vadd.f32 v47, v0;
	v47 =	vmul.f32 v60, v25  }
0x224: {  	v38 =	vmul.f32 v38, v28;
	v5 =	vadd.f32 v43, v5;
	v43 =	vld [tilespmem:$0x1FD90];
	v60 =	vmul.f32 v51, v57  }
0x225: {  	v42 =	vld [tilespmem:$0xEA0];
	v0 =	vadd.f32 v47, v0  }
0x226: {  	v32 =	vadd.f32 v38, v32;
	v47 =	vld [tilespmem:$0x1FDB0];
	v5 =	vadd.f32 v60, v5;
	v60 =	vmul.f32 v36, v27  }
0x227: {  	v58 =	vld [tilespmem:$0xDA0]  }
0x228: {  	v39 =	vld [tilespmem:$0xE20];
	v32 =	vadd.f32 v60, v32;
	v60 =	vmul.f32 v50, v56  }
0x229: {  	v45 =	vmul.f32 v43, v57;
	v50 =	vld [tilespmem:$0x1FDD0]  }
0x22a: {  	v5 =	vadd.f32 v60, v5;
	v60 =	vmul.f32 v53, v24;
	v53 =	vld [tilespmem:$0x1FDF0]  }
0x22b: {  	v38 =	vld [tilespmem:$0x1C20];
	v10 =	vmul.f32 v47, v56;
	v6 =	vadd.f32 v45, v6  }
0x22c: {  	v0 =	vadd.f32 v37, v0;
	v37 =	vld [tilespmem:$0x1620];
	v36 =	vmul.f32 v1, v21  }
0x22d: {  	v6 =	vadd.f32 v10, v6;
	v10 =	vadd.f32 v34, v32;
	v34 =	vld [tilespmem:$0x1FE00]  }
0x22e: {  	v51 =	vld [tilespmem:$0x1420];
	v0 =	vadd.f32 v36, v0;
	v1 =	vmul.f32 v50, v20  }
0x22f: {  	v10 =	vadd.f32 v60, v10;
	v60 =	vmul.f32 v53, v54;
	v53 =	vld [tilespmem:$0x1FE20]  }
0x230: {  	v35 =	vmul.f32 v11, v17;
	v43 =	vld [tilespmem:$0xF20];
	v0 =	vadd.f32 v1, v0  }
0x231: {  	v9 =	vmul.f32 v9, v21;
	v47 =	vld [tilespmem:$0x14A0]  }
0x232: {  	v45 =	vld [tilespmem:$0xFA0];
	v0 =	vadd.f32 v35, v0;
	v35 =	vmul.f32 v34, v15  }
0x233: {  	v50 =	vld [tilespmem:$0x1FDE0];
	v9 =	vadd.f32 v9, v10;
	v10 =	vmul.f32 v40, v20  }
0x234: {  	v40 =	vld [tilespmem:$0x1FE10];
	v5 =	vadd.f32 v60, v5;
	v11 =	vadd.f32 v35, v0;
	v60 =	vmul.f32 v53, v13  }
0x235: {  	v53 =	vld [tilespmem:$0x1FE30]  }
0x236: {  	v46 =	vmul.f32 v46, v17;
	v10 =	vadd.f32 v10, v9;
	v11 =	vadd.f32 v60, v11;
	v60 =	vld [tilespmem:$0x1FE40]  }
0x237: {  	v36 =	vld [tilespmem:$0x16A0]  }
0x238: {  	v1 =	vmul.f32 v50, v54;
	v10 =	vadd.f32 v46, v10;
	v46 =	vmul.f32 v55, v15;
	v55 =	vld [tilespmem:$0x1FE60]  }
0x239: {  	v32 =	vld [tilespmem:$0x1720]  }
0x23a: {  	v9 =	vld [tilespmem:$0x1DA0];
	v35 =	vmul.f32 v40, v52;
	v50 =	vadd.f32 v1, v6  }
0x23b: {  	v0 =	vld [tilespmem:$0x1D20];
	v53 =	vmul.f32 v53, v52;
	v34 =	vmul.f32 v60, v33  }
0x23c: {  	v40 =	vld [tilespmem:$0x1EA0];
	v35 =	vadd.f32 v35, v50  }
0x23d: {  	v50 =	vadd.f32 v53, v5;
	v53 =	vld [tilespmem:$0x1FE50];
	v60 =	vmul.f32 v55, v26;
	v11 =	vadd.f32 v34, v11  }
0x23e: {  	v10 =	vadd.f32 v46, v10;
	v46 =	vld [tilespmem:$0x1FE70]  }
0x23f: {  	v58 =	vmul.f32 v58, v13;
	v11 =	vadd.f32 v60, v11;
	v60 =	vld [tilespmem:$0x1FA0]  }
0x240: {  	v1 =	vld [tilespmem:$0x17A0]  }
0x241: {  	v39 =	vmul.f32 v39, v33;
	v10 =	vadd.f32 v58, v10;
	v55 =	vld [tilespmem:$0x1FE80]  }
0x242: {  	v6 =	vld [tilespmem:$0x1CA0];
	v53 =	vmul.f32 v53, v49  }
0x243: {  	v42 =	vmul.f32 v42, v26;
	v58 =	vld [tilespmem:$0x1FE90];
	v10 =	vadd.f32 v39, v10  }
0x244: {  	v46 =	vmul.f32 v46, v49;
	v35 =	vadd.f32 v53, v35;
	v53 =	vmul.f32 v3, v22;
	[tilespmem:$0x1FFF0] =	vst v60;
	v60 =	vld [tilespmem:$0x1FEA0]  }
0x245: {  	v10 =	vadd.f32 v42, v10;
	v42 =	vmul.f32 v45, v19;
	v45 =	vld [tilespmem:$0x5B0]  }
0x246: {  	v46 =	vadd.f32 v46, v50;
	v50 =	vld [tilespmem:$0x430];
	v11 =	vadd.f32 v53, v11;
	v53 =	vmul.f32 v55, v48  }
0x247: {  	v55 =	vld [tilespmem:$0x440]  }
0x248: {  	v39 =	vadd.f32 v53, v35;
	v53 =	vld [tilespmem:$0x4C0]  }
0x249: {  	v3 =	vmul.f32 v58, v19;
	v58 =	vmul.f32 v60, v48;
	v60 =	vld [tilespmem:$0x4B0]  }
0x24a: {  	v5 =	vld [tilespmem:$0x1E20]  }
0x24b: {  	v34 =	vld [tilespmem:$0x1F20];
	v35 =	vadd.f32 v58, v46;
	v58 =	vmul.f32 v43, v22  }
0x24c: {  	v50 =	vmul.f32 v50, v31;
	v46 =	vld [tilespmem:$0x1FEB0]  }
0x24d: {  	v7 =	vmul.f32 v7, v18;
	v31 =	vmul.f32 v55, v31;
	v43 =	vld [tilespmem:$0x530];
	v10 =	vadd.f32 v58, v10  }
0x24e: {  	v58 =	vadd.f32 $0.0e+00, v50;
	v50 =	vld [tilespmem:$0x5C0];
	v55 =	vmul.f32 v60, v30;
	v30 =	vmul.f32 v53, v30  }
0x24f: {  	v3 =	vadd.f32 v3, v11;
	v53 =	vmul.f32 v45, v28;
	v45 =	vmul.f32 v47, v16;
	v47 =	vld [tilespmem:$0x7B0]  }
0x250: {  	v31 =	vadd.f32 $0.0e+00, v31;
	v60 =	vmul.f32 v51, v18;
	v10 =	vadd.f32 v42, v10;
	v42 =	vld [tilespmem:$0x630]  }
0x251: {  	v3 =	vadd.f32 v7, v3;
	v7 =	vmul.f32 v46, v16;
	v46 =	vld [tilespmem:$0x540]  }
0x252: {  	v30 =	vadd.f32 v30, v31;
	v31 =	vld [tilespmem:$0x740];
	v10 =	vadd.f32 v60, v10  }
0x253: {  	v3 =	vadd.f32 v7, v3;
	v7 =	vadd.f32 v55, v58;
	v58 =	vmul.f32 v43, v29;
	v43 =	vld [tilespmem:$0x640]  }
0x254: {  	v4 =	vmul.f32 v4, v8;
	v55 =	vld [tilespmem:$0x6C0]  }
0x255: {  	v10 =	vadd.f32 v45, v10;
	v45 =	vmul.f32 v47, v21;
	v47 =	vld [tilespmem:$0xD30];
	v51 =	vadd.f32 v58, v7  }
0x256: {  	v29 =	vmul.f32 v46, v29;
	v46 =	vld [tilespmem:$0x6B0]  }
0x257: {  	v3 =	vadd.f32 v4, v3;
	v4 =	vadd.f32 v53, v51;
	v51 =	vld [tilespmem:$0x7C0]  }
0x258: {  	v53 =	vld [tilespmem:$0xC30]  }
0x259: {  	v29 =	vadd.f32 v29, v30;
	v30 =	vld [tilespmem:$0x730]  }
0x25a: {  	v60 =	vmul.f32 v42, v27;
	v11 =	vmul.f32 v55, v25;
	v55 =	vld [tilespmem:$0x1FEC0]  }
0x25b: {  	v27 =	vmul.f32 v43, v27;
	v43 =	vmul.f32 v44, v8;
	v44 =	vld [tilespmem:$0xCB0]  }
0x25c: {  	v4 =	vadd.f32 v60, v4;
	v60 =	vld [tilespmem:$0xC40]  }
0x25d: {  	v28 =	vmul.f32 v50, v28;
	v10 =	vadd.f32 v43, v10;
	v43 =	vld [tilespmem:$0xE30]  }
0x25e: {  	v58 =	vmul.f32 v12, v14;
	v50 =	vmul.f32 v46, v25;
	v46 =	vld [tilespmem:$0xCC0]  }
0x25f: {  	v12 =	vmul.f32 v51, v21;
	v51 =	vmul.f32 v53, v20;
	v53 =	vld [tilespmem:$0xD40]  }
0x260: {  	v28 =	vadd.f32 v28, v29;
	v4 =	vadd.f32 v50, v4;
	v50 =	vld [tilespmem:$0x1FED0]  }
0x261: {  	v3 =	vadd.f32 v58, v3;
	v58 =	vmul.f32 v30, v24;
	v24 =	vmul.f32 v31, v24;
	v31 =	vld [tilespmem:$0xDC0]  }
0x262: {  	v27 =	vadd.f32 v27, v28;
	v30 =	vmul.f32 v44, v17;
	v44 =	vld [tilespmem:$0x1FEE0]  }
0x263: {  	v7 =	vmul.f32 v55, v23;
	v55 =	vmul.f32 v60, v20;
	v60 =	vld [tilespmem:$0xDB0]  }
0x264: {  	v11 =	vadd.f32 v11, v27;
	v27 =	vld [tilespmem:$0x1FEF0];
	v4 =	vadd.f32 v58, v4;
	v58 =	vmul.f32 v2, v14  }
0x265: {  	v42 =	vmul.f32 v46, v17;
	v46 =	vmul.f32 v47, v15;
	v47 =	vld [tilespmem:$0xE40]  }
0x266: {  	v11 =	vadd.f32 v24, v11;
	v24 =	vld [tilespmem:$0x1530];
	v4 =	vadd.f32 v45, v4  }
0x267: {  	v10 =	vadd.f32 v58, v10;
	v58 =	vmul.f32 v31, v13;
	v31 =	vmul.f32 v36, v61;
	v36 =	vld [tilespmem:$0xFB0]  }
0x268: {  	v3 =	vadd.f32 v7, v3;
	v15 =	vmul.f32 v53, v15;
	v45 =	vmul.f32 v44, v59;
	v44 =	vld [tilespmem:$0x1430]  }
0x269: {  	v7 =	vmul.f32 v50, v61;
	v11 =	vadd.f32 v12, v11;
	v4 =	vadd.f32 v51, v4;
	v51 =	vld [tilespmem:$0xEB0]  }
0x26a: {  	v50 =	vmul.f32 v37, v23;
	v53 =	vmul.f32 v60, v13;
	v60 =	vld [tilespmem:$0xF30]  }
0x26b: {  	v11 =	vadd.f32 v55, v11;
	v55 =	vld [tilespmem:$0xEC0]  }
0x26c: {  	v10 =	vadd.f32 v50, v10;
	v50 =	vld [tilespmem:$0x1440]  }
0x26d: {  	v4 =	vadd.f32 v30, v4;
	v30 =	vld [tilespmem:$0xF40]  }
0x26e: {  	v29 =	vmul.f32 v43, v33;
	v3 =	vadd.f32 v7, v3;
	v21 =	vmul.f32 v47, v33;
	v33 =	vld [tilespmem:$0x15C0]  }
0x26f: {  	v11 =	vadd.f32 v42, v11;
	v42 =	vld [tilespmem:$0xFC0]  }
0x270: {  	v3 =	vadd.f32 v45, v3;
	v45 =	vld [tilespmem:$0x1FF00];
	v4 =	vadd.f32 v46, v4  }
0x271: {  	v10 =	vadd.f32 v31, v10;
	v31 =	vld [tilespmem:$0x15B0]  }
0x272: {  	v11 =	vadd.f32 v15, v11;
	v4 =	vadd.f32 v53, v4;
	v53 =	vld [tilespmem:$0x14B0]  }
0x273: {  	v37 =	vmul.f32 v51, v26;
	v43 =	vmul.f32 v55, v26;
	v26 =	vld [tilespmem:$0x1FF10]  }
0x274: {  	v11 =	vadd.f32 v58, v11;
	v58 =	vld [tilespmem:$0x14C0]  }
0x275: {  	v17 =	vmul.f32 v30, v22;
	v30 =	vmul.f32 v50, v18;
	v50 =	vld [tilespmem:$0x16B0]  }
0x276: {  	v28 =	vmul.f32 v27, v41;
	v4 =	vadd.f32 v29, v4;
	v29 =	vld [tilespmem:$0x1540]  }
0x277: {  	v47 =	vmul.f32 v60, v22;
	v60 =	vmul.f32 v42, v19;
	v42 =	vld [tilespmem:$0x1630]  }
0x278: {  	v3 =	vadd.f32 v28, v3;
	v55 =	vmul.f32 v36, v19;
	v46 =	vmul.f32 v45, v63;
	v19 =	vld [tilespmem:$0x1DC0]  }
0x279: {  	v45 =	vmul.f32 v24, v8;
	v24 =	vld [tilespmem:$0x1FF60];
	v11 =	vadd.f32 v21, v11  }
0x27a: {  	v3 =	vadd.f32 v46, v3;
	v46 =	vld [tilespmem:$0x1640]  }
0x27b: {  	v11 =	vadd.f32 v43, v11;
	v43 =	vld [tilespmem:$0x1FF20]  }
0x27c: {  	v51 =	vmul.f32 v32, v59;
	v4 =	vadd.f32 v37, v4;
	v32 =	vmul.f32 v53, v16;
	v53 =	vld [tilespmem:$0x16C0]  }
0x27d: {  	v27 =	vmul.f32 v26, v62;
	v26 =	vld [tilespmem:$0x1740]  }
0x27e: {  	v4 =	vadd.f32 v47, v4;
	v37 =	vmul.f32 v58, v16;
	v58 =	vld [tilespmem:$0x1730]  }
0x27f: {  	v11 =	vadd.f32 v17, v11;
	v25 =	vmul.f32 v42, v23;
	v42 =	vld [tilespmem:$0x1C40]  }
0x280: {  	v4 =	vadd.f32 v55, v4;
	v55 =	vmul.f32 v33, v14;
	v33 =	vld [tilespmem:$0x1C30]  }
0x281: {  	v28 =	vmul.f32 v44, v18;
	v11 =	vadd.f32 v60, v11;
	v60 =	vld [tilespmem:$0x1FF30]  }
0x282: {  	v3 =	vadd.f32 v27, v3;
	v27 =	vmul.f32 v46, v23;
	v46 =	vld [tilespmem:$0x1CC0]  }
0x283: {  	v1 =	vmul.f32 v1, v41;
	v23 =	vld [tilespmem:$0x1E40];
	v4 =	vadd.f32 v28, v4  }
0x284: {  	v10 =	vadd.f32 v51, v10;
	v51 =	vmul.f32 v31, v14;
	v28 =	vld [tilespmem:$0x17B0];
	v36 =	vadd.f32 v30, v11  }
0x285: {  	v44 =	vmul.f32 v43, v57;
	v43 =	vmul.f32 v26, v59;
	v26 =	vld [tilespmem:$0x1EB0];
	v4 =	vadd.f32 v32, v4  }
0x286: {  	v1 =	vadd.f32 v1, v10;
	v20 =	vmul.f32 v29, v8;
	v30 =	vld [tilespmem:$0x17C0];
	v10 =	vadd.f32 v37, v36  }
0x287: {  	v47 =	vmul.f32 v38, v63;
	v38 =	vmul.f32 v58, v59;
	v59 =	vld [tilespmem:$0x1D40];
	v4 =	vadd.f32 v45, v4  }
0x288: {  	v3 =	vadd.f32 v44, v3;
	v44 =	vld [tilespmem:$0x1CB0];
	v10 =	vadd.f32 v20, v10  }
0x289: {  	v32 =	vmul.f32 v53, v61;
	v53 =	vld [tilespmem:$0x1FF50];
	v4 =	vadd.f32 v51, v4  }
0x28a: {  	v6 =	vmul.f32 v6, v62;
	v29 =	vmul.f32 v50, v61;
	v36 =	vld [tilespmem:$0x1FF40];
	v10 =	vadd.f32 v55, v10  }
0x28b: {  	v61 =	vmul.f32 v42, v63;
	v58 =	vmul.f32 v33, v63;
	v63 =	vld [tilespmem:$0x1DB0];
	v4 =	vadd.f32 v25, v4  }
0x28c: {  	v1 =	vadd.f32 v47, v1;
	v21 =	vmul.f32 v46, v62;
	v46 =	vld [tilespmem:$0x1FC0];
	v31 =	vadd.f32 v27, v10  }
0x28d: {  	v0 =	vmul.f32 v0, v57;
	v20 =	vld [tilespmem:$0x1E30];
	v4 =	vadd.f32 v29, v4  }
0x28e: {  	v5 =	vmul.f32 v5, v54;
	v1 =	vadd.f32 v6, v1;
	v51 =	vld [tilespmem:$0x1D30];
	v6 =	vadd.f32 v32, v31  }
0x28f: {  	v45 =	vmul.f32 v28, v41;
	v50 =	vmul.f32 v30, v41;
	v30 =	vld [tilespmem:$0x1FF70];
	v4 =	vadd.f32 v38, v4  }
0x290: {  	v0 =	vadd.f32 v0, v1;
	v33 =	vmul.f32 v19, v56;
	v41 =	vld [tilespmem:$0x1FB0];
	v47 =	vadd.f32 v43, v6  }
0x291: {  	v2 =	vmul.f32 v60, v56;
	v37 =	vmul.f32 v36, v54;
	v36 =	vld [tilespmem:$0x1FF80];
	v4 =	vadd.f32 v45, v4  }
0x292: {  	v60 =	vmul.f32 v9, v56;
	v28 =	vmul.f32 v63, v56;
	v56 =	vld [tilespmem:$0x1FFE0];
	v1 =	vadd.f32 v50, v47  }
0x293: {  	v3 =	vadd.f32 v2, v3;
	v18 =	vmul.f32 v44, v62;
	v29 =	vld [tilespmem:$0x1EC0];
	v4 =	vadd.f32 v58, v4  }
0x294: {  	v0 =	vadd.f32 v60, v0;
	v55 =	vmul.f32 v53, v52;
	v32 =	vld [tilespmem:$0x1F30];
	v1 =	vadd.f32 v61, v1  }
0x295: {  	v22 =	vmul.f32 v51, v57;
	v31 =	vmul.f32 v40, v52;
	v40 =	vld [tilespmem:$0x1FF90];
	v4 =	vadd.f32 v18, v4  }
0x296: {  	v27 =	vmul.f32 v59, v57;
	v3 =	vadd.f32 v37, v3;
	v57 =	vld [tilespmem:$0x1FFF0];
	v1 =	vadd.f32 v21, v1  }
0x297: {  	v42 =	vmul.f32 v23, v54;
	v0 =	vadd.f32 v5, v0;
	v38 =	vld [tilespmem:$0x1F40];
	v4 =	vadd.f32 v22, v4  }
0x298: {  	[tilespmem:$0x2170] =	vst v39;
	v25 =	vmul.f32 v24, v49;
	v3 =	vadd.f32 v55, v3;
	v43 =	vld [tilespmem:$0x1FFA0];
	v1 =	vadd.f32 v27, v1  }
0x299: {  	[tilespmem:$0x2180] =	vst v35;
	v37 =	vmul.f32 v20, v54;
	v0 =	vadd.f32 v31, v0;
	v50 =	vld [tilespmem:$0x1FFC0];
	v4 =	vadd.f32 v28, v4  }
0x29a: {  	v44 =	vmul.f32 v34, v49;
	[tilespmem:$0x2100] =	vst v30;
	v3 =	vadd.f32 v25, v3;
	v47 =	vld [tilespmem:$0x1FFB0];
	v1 =	vadd.f32 v33, v1  }
0x29b: {  	[tilespmem:$0x2110] =	vst v36;
	v45 =	vmul.f32 v26, v52;
	v7 =	vmul.f32 v29, v52;
	v52 =	vld [tilespmem:$0x1FFD0];
	v4 =	vadd.f32 v37, v4  }
0x29c: {  	[tilespmem:$0x2160] =	vst v56;
	v0 =	vadd.f32 v44, v0;
	v1 =	vadd.f32 v42, v1  }
0x29d: {  	v55 =	vld [tilespmem:$0x2080];
	[tilespmem:$0x2120] =	vst v40;
	v54 =	vmul.f32 v32, v49;
	v8 =	vmul.f32 v57, v48;
	v53 =	vadd.f32 v45, v4  }
0x29e: {  	v6 =	vmul.f32 v38, v49;
	[tilespmem:$0x2130] =	vst v43;
	v51 =	vmul.f32 v50, v48;
	v1 =	vadd.f32 v7, v1  }
0x29f: {  	v58 =	vmul.f32 v41, v48;
	v0 =	vadd.f32 v8, v0;
	[tilespmem:$0x2140] =	vst v47;
	v2 =	vadd.f32 v54, v53  }
0x2a0: {  	v59 =	vmul.f32 v46, v48;
	[tilespmem:$0x2150] =	vst v52;
	v3 =	vadd.f32 v51, v3;
	v1 =	vadd.f32 v6, v1  }
0x2a1: {  	[tilespmem:$0x21A0] =	vst v0;
	v2 =	vadd.f32 v58, v2  }
0x2a2: {  	[tilespmem:$0x2190] =	vst v3;
	v60 =	vadd.f32 v59, v1  }
0x2a3: {  	v61 =	vld [tilespmem:$0x2090];
	[tilespmem:$0x21B0] =	vst v2  }
0x2a4: {  	[tilespmem:$0x21C0] =	vst v60  }
0x2a5: {  	v0 =	vld.idx.msk [tilespmem:v55+s11+$0x0], $0xffff;
	_ =	sdelay $0x3  }
0x2a6: {  	v62 =	vld [tilespmem:$0x20A0]  }
0x2a7: {  	[tilespmem:$0x2200] =	vst v0  }
0x2a8: {  	v0 =	vld.idx.msk [tilespmem:v61+s11+$0x0], $0xffff;
	_ =	sdelay $0x3  }
0x2a9: {  	v63 =	vld [tilespmem:$0x20B0]  }
0x2aa: {  	[tilespmem:$0x2210] =	vst v0  }
0x2ab: {  	v0 =	vld.idx.msk [tilespmem:v62+s11+$0x0], $0xffff;
	_ =	sdelay $0x4  }
0x2ac: {  	[tilespmem:$0x2220] =	vst v0  }
0x2ad: {  	v0 =	vld.idx.msk [tilespmem:v63+s11+$0x0], $0xffff;
	_ =	sdelay $0x3  }
0x2ae: {  	p0 =	sne.s32 s7, $0x1  }
.Ltmp0:
0x2af: {  	[tilespmem:$0x2230] =	vst v0;
	(pc) =	sbr.rel @p0 .LBB2_1-.Ltmp0, $4  }
0x2b0: {  	[hbm4b:s6+s3] =	stream.linear.scatter [tilespmem:s12], [sflag:$0x1], $0x40, $0x38;
	[tilespmem:$0x2280] =	vst v63  }
0x2b1: {  	_ =	swait.ge [sflag:s10], $0x40  }
0x2b2: {  	[sflag:s10] =	ssyncset.done $0x0  }
0x2b3: {  	s7 =	sadd.s32 $0xFFFFFFFF, s7;
	[sflag:s10] =	ssyncadd.s32 $0xFFFFFFC0  }
0x2b4: {  	_ =	sfence.sel $0x180000  }
0x2b5: {  	[bflag:$0x0] =	sbarrier.arrive $0xFFFF  }
0x2b6: {  	p0 =	sne.s32 s2, $0x0;
	_ =	strace $0x90000047  }
0x2b7: {  	s0 =	sadd.s32 @!p0 $0x100000, s0;
	[bflag:$0x2] =	sbarrier.arrive $0xFFFF  }
0x2b8: {  	[sflag:s0] =	ssyncadd.tile.s32 @!p0 $0x1;
	_ =	shalt  }
.Lfunc_end2:
_tile_overlayer_lowered:
.L_overlay_start_2:
0x2b9: {  	(tag) =	ssettag $0x2  }
0x2ba: {  	s0 =	rddreg [dreg:$0x0];
	s2 =	stileid.u32  }
0x2bb: {  	s1 =	rddreg [dreg:$0x1];
	p0 =	sne.s32 s2, $0x0  }
0x2bc: {  	s3 =	rddreg [dreg:$0x2];
	[bflag:$0x3] =	sbarrier.arrive $0xFFFF;
	s2 =	simm.s32 @!p0 $0x1C02  }
0x2bd: {  	[timem:s3], [sflag:s2] =	dma.local @!p0 [hbm:s0], s1  }
0x2be: {  	s0 =	simm.s32 @!p0 $0x2  }
0x2bf: {  	_ =	swait.ge @!p0 [sflag:s0], s1  }
0x2c0: {  	s1 =	ssub.s32 @!p0 $0x0, s1;
	[sflag:s0] =	ssyncset.done @!p0 $0x0  }
0x2c1: {  	[sflag:s0] =	ssyncadd.s32 @!p0 s1  }
0x2c2: {  	[bflag:$0x3] =	sbarrier.arrive $0xFFFF  }
0x2c3: {  	_ =	shalt  }

</sc_bundles>
